<compile_context>
chip_gen: v7x
topology: tpu7x:2x2x1
jax: 0.10.2.dev20260603
libtpu: 0.0.44.dev20260713+nightly
codegen_flags: <defaults>
</compile_context>

<pallas_src>
import functools

import jax
import jax.numpy as jnp
from jax import lax
from jax.experimental import pallas as pl
from jax.experimental.pallas import tpu as pltpu
from jax.experimental.pallas import tpu_sc as plsc

NC = 2
NS = 16
NW = NC * NS
LANES = 16
BE = 128
NBUF = 8
PADR = 512
PACK = 128



@functools.lru_cache(maxsize=None)
def _make_deg(n_nodes, nctot):
    nch = nctot // NW
    njb = nch // NBUF
    rps = n_nodes // NS
    mesh = plsc.VectorSubcoreMesh(core_axis_name="c", subcore_axis_name="s")

    @functools.partial(
        pl.kernel,
        mesh=mesh,
        compiler_params=pltpu.CompilerParams(use_tc_tiling_on_sc=False),
        out_type=jax.ShapeDtypeStruct((NC, n_nodes, LANES), jnp.float32),
        scratch_types=[
            pltpu.VMEM((nch, BE), jnp.int32),
            pltpu.VMEM((BE, LANES), jnp.float32),
            pltpu.VMEM_SHARED((n_nodes + PADR, LANES), jnp.float32),
            pltpu.SemaphoreType.DMA((NBUF,)),
        ],
    )
    def deg_kernel(eidx_hbm, zeros_hbm, ones_hbm, out_hbm,
                   dst_v, ones_v, acc, dsem):
        c = lax.axis_index("c")
        s = lax.axis_index("s")
        wid = s * NC + c
        pltpu.sync_copy(zeros_hbm.at[pl.ds(s * rps, rps)],
                        acc.at[pl.ds(s * rps, rps)])
        pltpu.sync_copy(ones_hbm, ones_v)
        pltpu.sync_copy(eidx_hbm.at[1, pl.ds(wid * nch, nch)], dst_v)
        plsc.subcore_barrier()

        def scat(i, b):
            pltpu.async_copy(ones_v, acc.at[dst_v.at[i]], dsem.at[b],
                             add=True)

        def scat_wait(i, b):
            pltpu.make_async_copy(ones_v, acc.at[dst_v.at[i]],
                                  dsem.at[b]).wait()

        for b in range(NBUF):
            scat(b, b)

        def body(j, carry):
            i0 = j * NBUF
            for b in range(NBUF):
                scat_wait(i0 + b, b)
                scat(i0 + NBUF + b, b)
            return carry

        lax.fori_loop(0, njb - 1, body, 0)
        i0 = (njb - 1) * NBUF
        for b in range(NBUF):
            scat_wait(i0 + b, b)
        plsc.subcore_barrier()
        pltpu.sync_copy(acc.at[pl.ds(s * rps, rps)],
                        out_hbm.at[c, pl.ds(s * rps, rps)])

    return deg_kernel


def _edge_pipeline(table, src_v, dst_v, rows_v, acc, gsem, ssem, nch):
    njb = nch // NBUF

    def gather(i, b):
        pltpu.async_copy(table.at[src_v.at[i]], rows_v.at[b], gsem.at[b])

    def gather_wait(i, b):
        pltpu.make_async_copy(table.at[src_v.at[i]], rows_v.at[b],
                              gsem.at[b]).wait()

    def scat(i, b):
        pltpu.async_copy(rows_v.at[b], acc.at[dst_v.at[i]], ssem.at[b],
                         add=True)

    def scat_wait(i, b):
        pltpu.make_async_copy(rows_v.at[b], acc.at[dst_v.at[i]],
                              ssem.at[b]).wait()

    for b in range(NBUF):
        gather(b, b)

    def body(j, carry):
        i0 = j * NBUF
        for b in range(NBUF):
            gather_wait(i0 + b, b)
            scat(i0 + b, b)
        for b in range(NBUF):
            scat_wait(i0 + b, b)
            gather(i0 + NBUF + b, b)
        return carry

    lax.fori_loop(0, njb - 1, body, 0)
    i0 = (njb - 1) * NBUF
    for b in range(NBUF):
        gather_wait(i0 + b, b)
        scat(i0 + b, b)
    for b in range(NBUF):
        scat_wait(i0 + b, b)


def _rsqrt16(d):
    i = lax.bitcast_convert_type(d, jnp.int32)
    y = lax.bitcast_convert_type(jnp.int32(0x5F3759DF) - (i >> 1),
                                 jnp.float32)
    for _ in range(3):
        y = y * (1.5 - 0.5 * d * y * y)
    return y


@functools.lru_cache(maxsize=None)
def _make_agg1(n_nodes, nctot):
    nch = nctot // NW
    rps = n_nodes // NS
    mesh = plsc.VectorSubcoreMesh(core_axis_name="c", subcore_axis_name="s")
    nf = jax.ShapeDtypeStruct((n_nodes, LANES), jnp.float32)

    @functools.partial(
        pl.kernel,
        mesh=mesh,
        compiler_params=pltpu.CompilerParams(use_tc_tiling_on_sc=False),
        out_type=(nf, nf,
                  jax.ShapeDtypeStruct((NC, n_nodes, LANES), jnp.float32),
                  nf, nf, nf),
        scratch_types=[
            pltpu.VMEM((nch, BE), jnp.int32),
            pltpu.VMEM((nch, BE), jnp.int32),
            pltpu.VMEM((NBUF, BE, LANES), jnp.float32),
            pltpu.VMEM((rps, LANES), jnp.float32),
            pltpu.VMEM((rps, LANES), jnp.float32),
            pltpu.VMEM((rps, LANES), jnp.float32),
            pltpu.VMEM((rps, LANES), jnp.float32),
            pltpu.VMEM((rps, LANES), jnp.float32),
            pltpu.VMEM((LANES,), jnp.float32),
            pltpu.VMEM_SHARED((n_nodes + PADR, LANES), jnp.float32),
            pltpu.SemaphoreType.DMA((NBUF,)),
            pltpu.SemaphoreType.DMA((NBUF,)),
        ],
    )
    def agg1_kernel(xw_hbm, degp_hbm, eidx_hbm, b1_hbm, zeros_hbm,
                    s1a_out, s1b_out, xs_out, sb_out, dis_out, inv_out,
                    src_v, dst_v, rows_v, dga_v, xw_v, xs_v, sb_v, div_v,
                    b1_v, acc, gsem, ssem):
        c = lax.axis_index("c")
        s = lax.axis_index("s")
        wid = s * NC + c
        pltpu.sync_copy(zeros_hbm.at[pl.ds(s * rps, rps)],
                        acc.at[pl.ds(s * rps, rps)])
        pltpu.sync_copy(eidx_hbm.at[0, pl.ds(wid * nch, nch)], src_v)
        pltpu.sync_copy(eidx_hbm.at[1, pl.ds(wid * nch, nch)], dst_v)

        r0 = s * rps
        pltpu.sync_copy(degp_hbm.at[0, pl.ds(r0, rps)], dga_v)
        pltpu.sync_copy(xw_hbm.at[pl.ds(r0, rps)], xw_v)
        pltpu.sync_copy(b1_hbm, b1_v)
        pltpu.sync_copy(degp_hbm.at[1, pl.ds(r0, rps)], xs_v)
        b1vec = b1_v[...]

        def nbody(r, carry):
            d = dga_v[r] + xs_v[r] + 1.0
            y = _rsqrt16(d)
            y2 = y * y
            w = xw_v[r]
            xs_v[r] = w * y
            sb_v[r] = w * y2 + b1vec
            dga_v[r] = y
            div_v[r] = y2
            return carry

        lax.fori_loop(0, rps, nbody, 0)
        pltpu.sync_copy(xs_v, xs_out.at[c, pl.ds(r0, rps)])

        @pl.when(c == 0)
        def _():
            pltpu.sync_copy(sb_v, sb_out.at[pl.ds(r0, rps)])
            pltpu.sync_copy(dga_v, dis_out.at[pl.ds(r0, rps)])
            pltpu.sync_copy(div_v, inv_out.at[pl.ds(r0, rps)])

        plsc.subcore_barrier()
        _edge_pipeline(xs_out.at[c], src_v, dst_v, rows_v, acc,
                       gsem, ssem, nch)
        plsc.subcore_barrier()

        @pl.when(c == 0)
        def _():
            pltpu.sync_copy(acc.at[pl.ds(s * rps, rps)],
                            s1a_out.at[pl.ds(s * rps, rps)])

        @pl.when(c == 1)
        def _():
            pltpu.sync_copy(acc.at[pl.ds(s * rps, rps)],
                            s1b_out.at[pl.ds(s * rps, rps)])

    return agg1_kernel


@functools.lru_cache(maxsize=None)
def _make_agg(n_nodes, nctot):
    nch = nctot // NW
    rps = n_nodes // NS
    mesh = plsc.VectorSubcoreMesh(core_axis_name="c", subcore_axis_name="s")

    @functools.partial(
        pl.kernel,
        mesh=mesh,
        compiler_params=pltpu.CompilerParams(use_tc_tiling_on_sc=False),
        out_type=(jax.ShapeDtypeStruct((n_nodes, LANES), jnp.float32),
                  jax.ShapeDtypeStruct((n_nodes, LANES), jnp.float32)),
        scratch_types=[
            pltpu.VMEM((nch, BE), jnp.int32),
            pltpu.VMEM((nch, BE), jnp.int32),
            pltpu.VMEM((NBUF, BE, LANES), jnp.float32),
            pltpu.VMEM_SHARED((n_nodes + PADR, LANES), jnp.float32),
            pltpu.SemaphoreType.DMA((NBUF,)),
            pltpu.SemaphoreType.DMA((NBUF,)),
        ],
    )
    def agg_kernel(table_hbm, eidx_hbm, zeros_hbm, outa_hbm, outb_hbm,
                   src_v, dst_v, rows_v, acc, gsem, ssem):
        c = lax.axis_index("c")
        s = lax.axis_index("s")
        wid = s * NC + c
        pltpu.sync_copy(zeros_hbm.at[pl.ds(s * rps, rps)],
                        acc.at[pl.ds(s * rps, rps)])
        pltpu.sync_copy(eidx_hbm.at[0, pl.ds(wid * nch, nch)], src_v)
        pltpu.sync_copy(eidx_hbm.at[1, pl.ds(wid * nch, nch)], dst_v)
        plsc.subcore_barrier()
        _edge_pipeline(table_hbm, src_v, dst_v, rows_v, acc,
                       gsem, ssem, nch)
        plsc.subcore_barrier()

        @pl.when(c == 0)
        def _():
            pltpu.sync_copy(acc.at[pl.ds(s * rps, rps)],
                            outa_hbm.at[pl.ds(s * rps, rps)])

        @pl.when(c == 1)
        def _():
            pltpu.sync_copy(acc.at[pl.ds(s * rps, rps)],
                            outb_hbm.at[pl.ds(s * rps, rps)])

    return agg_kernel



def _tc_mm1(x_ref, w1_ref, o_ref):
    o_ref[...] = jnp.dot(x_ref[...], w1_ref[...],
                         preferred_element_type=jnp.float32)


def _tc_mid(s1a_ref, s1b_ref, sb_ref, dis_ref, inv_ref, w2bd_ref, b2t_ref,
            hs_ref, self2_ref):
    h = jnp.maximum(dis_ref[...] * (s1a_ref[...] + s1b_ref[...])
                    + sb_ref[...], 0.0)
    hw = jnp.dot(h, w2bd_ref[...], preferred_element_type=jnp.float32)
    hs_ref[...] = hw * dis_ref[...]
    self2_ref[...] = hw * inv_ref[...] + b2t_ref[...]


def _tc_post(s2a_ref, s2b_ref, self2_ref, dis_ref, selp_ref, sumbd_ref,
             out_ref, *, d_out):
    o = dis_ref[...] * (s2a_ref[...] + s2b_ref[...]) + self2_ref[...]
    w = o
    for sh in (1, 2, 4, 8):
        w = jnp.maximum(w, jnp.roll(w, sh, axis=1))
    gmax = jnp.dot(w, selp_ref[...], preferred_element_type=jnp.float32)
    col = lax.broadcasted_iota(jnp.int32, o.shape, 1)
    e = jnp.where((col & (LANES - 1)) < d_out, jnp.exp(o - gmax), 0.0)
    ssum = jnp.dot(e, sumbd_ref[...], preferred_element_type=jnp.float32)
    out_ref[...] = o - gmax - jnp.log(ssum)



BN = 2000
BP = 250


def kernel(x, edge_index, W1, b1, W2, b2):
    n, d_in = x.shape
    d_hid = W1.shape[1]
    d_out = W2.shape[1]
    n_edges = edge_index.shape[1]
    assert d_hid == LANES and d_out <= LANES
    assert n % NS == 0 and n % BN == 0 and (n * LANES) % (BP * PACK) == 0
    npk = n * LANES // PACK

    nctot = -(-n_edges // (NW * BE * NBUF)) * NW * NBUF
    e_pad = nctot * BE - n_edges
    spread = jnp.arange(e_pad, dtype=jnp.int32)
    pad = jnp.concatenate(
        [(spread * 61 % n)[None, :],
         (n + spread % PADR)[None, :]], axis=0)
    eidx = jnp.concatenate([edge_index, pad], axis=1).reshape(2, nctot, BE)

    zeros = jnp.zeros((n, LANES), jnp.float32)
    ones = jnp.ones((BE, LANES), jnp.float32)
    w2p = jnp.zeros((LANES, LANES), jnp.float32).at[:d_hid, :d_out].set(W2)
    eye8 = jnp.eye(PACK // LANES, dtype=jnp.float32)
    w2bd = jnp.kron(eye8, w2p)
    b2t = jnp.tile(jnp.zeros((LANES,), jnp.float32).at[:d_out].set(b2),
                   PACK // LANES)
    ar = jnp.arange(PACK, dtype=jnp.int32)
    selp = (ar[:, None] == (ar[None, :] // LANES) * LANES + LANES - 1
            ).astype(jnp.float32)
    sumbd = jnp.kron(eye8, jnp.ones((LANES, LANES), jnp.float32))

    rowsP = pl.BlockSpec((npk, PACK), lambda: (0, 0))
    fullM = pl.BlockSpec((PACK, PACK), lambda: (0, 0))
    fullV = pl.BlockSpec((PACK,), lambda: (0,))
    pgrid = ()

    def P(a):
        return jnp.reshape(a, (npk, PACK))

    xw = pl.pallas_call(
        _tc_mm1, out_shape=jax.ShapeDtypeStruct((n, LANES), jnp.float32),
        grid=(n // BN,),
        in_specs=[pl.BlockSpec((BN, d_in), lambda i: (i, 0)),
                  pl.BlockSpec((d_in, LANES), lambda i: (0, 0))],
        out_specs=pl.BlockSpec((BN, LANES), lambda i: (i, 0)))(x, W1)

    degp = _make_deg(n, nctot)(eidx, zeros, ones)
    s1a, s1b, _, sb, dis, inv = _make_agg1(n, nctot)(xw, degp, eidx, b1,
                                                     zeros)

    hs_p, self2_p = pl.pallas_call(
        _tc_mid,
        out_shape=[jax.ShapeDtypeStruct((npk, PACK), jnp.float32)] * 2,
        grid=pgrid,
        in_specs=[rowsP] * 5 + [fullM, fullV],
        out_specs=[rowsP] * 2,
    )(P(s1a), P(s1b), P(sb), P(dis), P(inv), w2bd, b2t)

    s2a, s2b = _make_agg(n, nctot)(jnp.reshape(hs_p, (n, LANES)), eidx,
                                   zeros)

    out_p = pl.pallas_call(
        functools.partial(_tc_post, d_out=d_out),
        out_shape=jax.ShapeDtypeStruct((npk, PACK), jnp.float32),
        grid=pgrid,
        in_specs=[rowsP] * 4 + [fullM, fullM],
        out_specs=rowsP,
    )(P(s2a), P(s2b), self2_p, P(dis), selp, sumbd)

    return jnp.reshape(out_p, (n, LANES))[:, :d_out]

# --- scband reference (transcript-rebuilt; emitter-appended) ---
"""Pipeline reference for scband-gcn-cora-36644660969781 (READ-ONLY COPY).

The authoritative reference and input builder live on the scoring server;
editing this copy changes nothing except your own understanding.
"""

import jax, jax.numpy as jnp
import numpy as np

N_NODES = 10000
N_EDGES = 320000
D_IN = 128
D_HID = 16
D_OUT = 7


def gcn_conv(x, edge_index, W, b):
    # Linear transform first (matches PyG GCNConv)
    xw = x @ W
    n = x.shape[0]
    src = edge_index[0]
    dst = edge_index[1]
    # add self-loops
    loop = jnp.arange(n, dtype=src.dtype)
    src = jnp.concatenate([src, loop])
    dst = jnp.concatenate([dst, loop])
    # symmetric normalization: deg computed on dst with unit edge weights
    ones = jnp.ones(src.shape[0], dtype=xw.dtype)
    deg = jnp.zeros((n,), dtype=xw.dtype).at[dst].add(ones)
    deg_inv_sqrt = jnp.where(deg > 0, deg ** -0.5, 0.0)
    norm = deg_inv_sqrt[src] * deg_inv_sqrt[dst]
    # gather messages from src, scale, scatter-add to dst
    msgs = xw[src] * norm[:, None]
    out = jnp.zeros_like(xw).at[dst].add(msgs)
    return out + b


def setup_inputs(seed: int = 0) -> dict:
    key = jax.random.key(seed)
    k1, k2, k3, k4, k5, k6 = jax.random.split(key, 6)
    x = jax.random.normal(k1, (N_NODES, D_IN), dtype=jnp.float32)
    edge_index = jax.random.randint(k2, (2, N_EDGES), 0, N_NODES, dtype=jnp.int32)
    W1 = jax.random.normal(k3, (D_IN, D_HID), dtype=jnp.float32) * (1.0 / np.sqrt(D_IN))
    b1 = jnp.zeros((D_HID,), dtype=jnp.float32)
    W2 = jax.random.normal(k4, (D_HID, D_OUT), dtype=jnp.float32) * (1.0 / np.sqrt(D_HID))
    b2 = jnp.zeros((D_OUT,), dtype=jnp.float32)
    return {"x": x, "edge_index": edge_index, "W1": W1, "b1": b1, "W2": W2, "b2": b2}


def reference(x, edge_index, W1, b1, W2, b2):
    # Dropout is identity in eval/inference mode
    h = jax.nn.relu(gcn_conv(x, edge_index, W1, b1))
    out = gcn_conv(h, edge_index, W2, b2)
    return jax.nn.log_softmax(out, axis=1)

if __name__ == "__main__":
    import jax
    _d = setup_inputs()
    print(jax.jit(kernel)(*tuple(_d.values())))

</pallas_src>

<mosaic_0001>
#map = affine_map<(d0, d1) -> (0, 0, 0)>
#map1 = affine_map<(d0, d1) -> (0, 0)>
module attributes {stable_mosaic.version = 14 : i64} {
  func.func @deg_kernel(%arg0: i32, %arg1: i32, %arg2: memref<2x2560x128xi32, #tpu.memory_space<hbm>>, %arg3: memref<10000x16xf32, #tpu.memory_space<hbm>>, %arg4: memref<128x16xf32, #tpu.memory_space<hbm>>, %arg5: memref<2x10000x16xf32, #tpu.memory_space<hbm>>, %arg6: memref<80x128xi32, #tpu.memory_space<vmem>>, %arg7: memref<128x16xf32, #tpu.memory_space<vmem>>, %arg8: memref<10512x16xf32, #tpu.memory_space<vmem_shared>>, %arg9: memref<8x!tpu.dma_semaphore, #tpu.memory_space<semaphore_mem>>) attributes {dimension_semantics = [#tpu.dimension_semantics<core_parallel>, #tpu.dimension_semantics<subcore_parallel>], iteration_bounds = array<i64: 2, 16>, scalar_prefetch = 0 : i64, scratch_operands = 4 : i64, tpu.core_type = #tpu.core_type<sc_vector_subcore>, window_params = [{transform_indices = #map}, {transform_indices = #map1}, {transform_indices = #map1}, {transform_indices = #map}]} {
    %mul3A = arith.constant 2 : i32
    %mul3A_0 = arith.muli %arg1, %mul3A : i32
    %add3A = arith.addi %mul3A_0, %arg0 : i32
    %mul3A_1 = arith.constant 625 : i32
    %mul3A_2 = arith.muli %arg1, %mul3A_1 : i32
    %mul3A_3 = arith.constant 625 : i32
    %mul3A_4 = arith.muli %arg1, %mul3A_3 : i32
    "tpu.region"() ({
      %run_scoped3A_175 = tpu.sem_alloc : memref<!tpu.dma_semaphore, #tpu.memory_space<semaphore_mem>>
      %dma_start3A_176 = arith.constant 0 : i32
      %dma_start3A_177 = tpu.memref_slice %arg8[%mul3A_4, %dma_start3A_176] : memref<10512x16xf32, #tpu.memory_space<vmem_shared>> -> memref<625x16xf32, #tpu.memory_space<vmem_shared>>
      %dma_start3A_178 = arith.constant 0 : i32
      %dma_start3A_179 = tpu.memref_slice %arg3[%mul3A_2, %dma_start3A_178] : memref<10000x16xf32, #tpu.memory_space<hbm>> -> memref<625x16xf32, #tpu.memory_space<hbm>>
      tpu.enqueue_dma source(%dma_start3A_179 : memref<625x16xf32, #tpu.memory_space<hbm>>) target(%dma_start3A_177 : memref<625x16xf32, #tpu.memory_space<vmem_shared>>) target_semaphore(%run_scoped3A_175 : memref<!tpu.dma_semaphore, #tpu.memory_space<semaphore_mem>>)
      %dma_wait3A_180 = arith.constant 0 : i32
      %dma_wait3A_181 = tpu.memref_slice %arg8[%mul3A_4, %dma_wait3A_180] : memref<10512x16xf32, #tpu.memory_space<vmem_shared>> -> memref<625x16xf32, #tpu.memory_space<vmem_shared>>
      %dma_wait3A_182 = arith.constant 0 : i32
      %dma_wait3A_183 = tpu.memref_slice %arg3[%mul3A_2, %dma_wait3A_182] : memref<10000x16xf32, #tpu.memory_space<hbm>> -> memref<625x16xf32, #tpu.memory_space<hbm>>
      tpu.wait_dma2 semaphore(%run_scoped3A_175 : memref<!tpu.dma_semaphore, #tpu.memory_space<semaphore_mem>>) src(%dma_wait3A_183 : memref<625x16xf32, #tpu.memory_space<hbm>>) dst(%dma_wait3A_181 : memref<625x16xf32, #tpu.memory_space<vmem_shared>>)
      tpu.yield
    }) : () -> ()
    "tpu.region"() ({
      %run_scoped3A_175 = tpu.sem_alloc : memref<!tpu.dma_semaphore, #tpu.memory_space<semaphore_mem>>
      tpu.enqueue_dma source(%arg4 : memref<128x16xf32, #tpu.memory_space<hbm>>) target(%arg7 : memref<128x16xf32, #tpu.memory_space<vmem>>) target_semaphore(%run_scoped3A_175 : memref<!tpu.dma_semaphore, #tpu.memory_space<semaphore_mem>>)
      tpu.wait_dma2 semaphore(%run_scoped3A_175 : memref<!tpu.dma_semaphore, #tpu.memory_space<semaphore_mem>>) src(%arg4 : memref<128x16xf32, #tpu.memory_space<hbm>>) dst(%arg7 : memref<128x16xf32, #tpu.memory_space<vmem>>)
      tpu.yield
    }) : () -> ()
    %mul3A_5 = arith.constant 80 : i32
    %mul3A_6 = arith.muli %add3A, %mul3A_5 : i32
    %run_scoped3A = arith.constant 1 : i32
    "tpu.region"() ({
      %run_scoped3A_175 = tpu.sem_alloc : memref<!tpu.dma_semaphore, #tpu.memory_space<semaphore_mem>>
      %dma_start3A_176 = arith.constant 0 : i32
      %dma_start3A_177 = tpu.memref_slice %arg2[%run_scoped3A, %mul3A_6, %dma_start3A_176] : memref<2x2560x128xi32, #tpu.memory_space<hbm>> -> memref<1x80x128xi32, #tpu.memory_space<hbm>>
      %dma_start3A_178 = tpu.memref_squeeze %dma_start3A_177 : memref<1x80x128xi32, #tpu.memory_space<hbm>> -> memref<80x128xi32, #tpu.memory_space<hbm>>
      %dma_start3A_179 = arith.constant 0 : i32
      %dma_start3A_180 = tpu.memref_slice %arg2[%run_scoped3A, %mul3A_6, %dma_start3A_179] : memref<2x2560x128xi32, #tpu.memory_space<hbm>> -> memref<1x80x128xi32, #tpu.memory_space<hbm>>
      %dma_start3A_181 = tpu.memref_squeeze %dma_start3A_180 : memref<1x80x128xi32, #tpu.memory_space<hbm>> -> memref<80x128xi32, #tpu.memory_space<hbm>>
      tpu.enqueue_dma source(%dma_start3A_181 : memref<80x128xi32, #tpu.memory_space<hbm>>) target(%arg6 : memref<80x128xi32, #tpu.memory_space<vmem>>) target_semaphore(%run_scoped3A_175 : memref<!tpu.dma_semaphore, #tpu.memory_space<semaphore_mem>>)
      %dma_wait3A_182 = arith.constant 0 : i32
      %dma_wait3A_183 = tpu.memref_slice %arg2[%run_scoped3A, %mul3A_6, %dma_wait3A_182] : memref<2x2560x128xi32, #tpu.memory_space<hbm>> -> memref<1x80x128xi32, #tpu.memory_space<hbm>>
      %dma_wait3A_184 = tpu.memref_squeeze %dma_wait3A_183 : memref<1x80x128xi32, #tpu.memory_space<hbm>> -> memref<80x128xi32, #tpu.memory_space<hbm>>
      %dma_wait3A_185 = arith.constant 0 : i32
      %dma_wait3A_186 = tpu.memref_slice %arg2[%run_scoped3A, %mul3A_6, %dma_wait3A_185] : memref<2x2560x128xi32, #tpu.memory_space<hbm>> -> memref<1x80x128xi32, #tpu.memory_space<hbm>>
      %dma_wait3A_187 = tpu.memref_squeeze %dma_wait3A_186 : memref<1x80x128xi32, #tpu.memory_space<hbm>> -> memref<80x128xi32, #tpu.memory_space<hbm>>
      tpu.wait_dma2 semaphore(%run_scoped3A_175 : memref<!tpu.dma_semaphore, #tpu.memory_space<semaphore_mem>>) src(%dma_wait3A_187 : memref<80x128xi32, #tpu.memory_space<hbm>>) dst(%arg6 : memref<80x128xi32, #tpu.memory_space<vmem>>)
      tpu.yield
    }) : () -> ()
    %barrier3A = arith.constant 0 : index
    tpu.barrier barrier_id(%barrier3A)
    %dma_start3A = arith.constant 0 : i32
    %dma_start3A_7 = arith.constant 0 : i32
    %dma_start3A_8 = arith.constant 0 : i32
    %dma_start3A_9 = tpu.memref_slice %arg6[%dma_start3A, %dma_start3A_8] : memref<80x128xi32, #tpu.memory_space<vmem>> -> memref<1x128xi32, #tpu.memory_space<vmem>>
    %dma_start3A_10 = tpu.memref_squeeze %dma_start3A_9 : memref<1x128xi32, #tpu.memory_space<vmem>> -> memref<128xi32, #tpu.memory_space<vmem>>
    %dma_start3A_11 = arith.constant 0 : i32
    %dma_start3A_12 = arith.constant 0 : i32
    %dma_start3A_13 = tpu.memref_slice %arg8[%dma_start3A_11, %dma_start3A_12] : memref<10512x16xf32, #tpu.memory_space<vmem_shared>> -> memref<10512x16xf32, #tpu.memory_space<vmem_shared>>
    %dma_start3A_14 = tpu.memref_slice %arg9[%dma_start3A_7] : memref<8x!tpu.dma_semaphore, #tpu.memory_space<semaphore_mem>> -> memref<1x!tpu.dma_semaphore, #tpu.memory_space<semaphore_mem>>
    %dma_start3A_15 = tpu.memref_squeeze %dma_start3A_14 : memref<1x!tpu.dma_semaphore, #tpu.memory_space<semaphore_mem>> -> memref<!tpu.dma_semaphore, #tpu.memory_space<semaphore_mem>>
    tpu.enqueue_indirect_dma source(%arg7 : memref<128x16xf32, #tpu.memory_space<vmem>>) target(%dma_start3A_13 : memref<10512x16xf32, #tpu.memory_space<vmem_shared>>) offsets(%dma_start3A_10 : memref<128xi32, #tpu.memory_space<vmem>>) semaphore(%dma_start3A_15 : memref<!tpu.dma_semaphore, #tpu.memory_space<semaphore_mem>>) {add = true}
    %dma_start3A_16 = arith.constant 1 : i32
    %dma_start3A_17 = arith.constant 1 : i32
    %dma_start3A_18 = arith.constant 0 : i32
    %dma_start3A_19 = tpu.memref_slice %arg6[%dma_start3A_16, %dma_start3A_18] : memref<80x128xi32, #tpu.memory_space<vmem>> -> memref<1x128xi32, #tpu.memory_space<vmem>>
    %dma_start3A_20 = tpu.memref_squeeze %dma_start3A_19 : memref<1x128xi32, #tpu.memory_space<vmem>> -> memref<128xi32, #tpu.memory_space<vmem>>
    %dma_start3A_21 = arith.constant 0 : i32
    %dma_start3A_22 = arith.constant 0 : i32
    %dma_start3A_23 = tpu.memref_slice %arg8[%dma_start3A_21, %dma_start3A_22] : memref<10512x16xf32, #tpu.memory_space<vmem_shared>> -> memref<10512x16xf32, #tpu.memory_space<vmem_shared>>
    %dma_start3A_24 = tpu.memref_slice %arg9[%dma_start3A_17] : memref<8x!tpu.dma_semaphore, #tpu.memory_space<semaphore_mem>> -> memref<1x!tpu.dma_semaphore, #tpu.memory_space<semaphore_mem>>
    %dma_start3A_25 = tpu.memref_squeeze %dma_start3A_24 : memref<1x!tpu.dma_semaphore, #tpu.memory_space<semaphore_mem>> -> memref<!tpu.dma_semaphore, #tpu.memory_space<semaphore_mem>>
    tpu.enqueue_indirect_dma source(%arg7 : memref<128x16xf32, #tpu.memory_space<vmem>>) target(%dma_start3A_23 : memref<10512x16xf32, #tpu.memory_space<vmem_shared>>) offsets(%dma_start3A_20 : memref<128xi32, #tpu.memory_space<vmem>>) semaphore(%dma_start3A_25 : memref<!tpu.dma_semaphore, #tpu.memory_space<semaphore_mem>>) {add = true}
    %dma_start3A_26 = arith.constant 2 : i32
    %dma_start3A_27 = arith.constant 2 : i32
    %dma_start3A_28 = arith.constant 0 : i32
    %dma_start3A_29 = tpu.memref_slice %arg6[%dma_start3A_26, %dma_start3A_28] : memref<80x128xi32, #tpu.memory_space<vmem>> -> memref<1x128xi32, #tpu.memory_space<vmem>>
    %dma_start3A_30 = tpu.memref_squeeze %dma_start3A_29 : memref<1x128xi32, #tpu.memory_space<vmem>> -> memref<128xi32, #tpu.memory_space<vmem>>
    %dma_start3A_31 = arith.constant 0 : i32
    %dma_start3A_32 = arith.constant 0 : i32
    %dma_start3A_33 = tpu.memref_slice %arg8[%dma_start3A_31, %dma_start3A_32] : memref<10512x16xf32, #tpu.memory_space<vmem_shared>> -> memref<10512x16xf32, #tpu.memory_space<vmem_shared>>
    %dma_start3A_34 = tpu.memref_slice %arg9[%dma_start3A_27] : memref<8x!tpu.dma_semaphore, #tpu.memory_space<semaphore_mem>> -> memref<1x!tpu.dma_semaphore, #tpu.memory_space<semaphore_mem>>
    %dma_start3A_35 = tpu.memref_squeeze %dma_start3A_34 : memref<1x!tpu.dma_semaphore, #tpu.memory_space<semaphore_mem>> -> memref<!tpu.dma_semaphore, #tpu.memory_space<semaphore_mem>>
    tpu.enqueue_indirect_dma source(%arg7 : memref<128x16xf32, #tpu.memory_space<vmem>>) target(%dma_start3A_33 : memref<10512x16xf32, #tpu.memory_space<vmem_shared>>) offsets(%dma_start3A_30 : memref<128xi32, #tpu.memory_space<vmem>>) semaphore(%dma_start3A_35 : memref<!tpu.dma_semaphore, #tpu.memory_space<semaphore_mem>>) {add = true}
    %dma_start3A_36 = arith.constant 3 : i32
    %dma_start3A_37 = arith.constant 3 : i32
    %dma_start3A_38 = arith.constant 0 : i32
    %dma_start3A_39 = tpu.memref_slice %arg6[%dma_start3A_36, %dma_start3A_38] : memref<80x128xi32, #tpu.memory_space<vmem>> -> memref<1x128xi32, #tpu.memory_space<vmem>>
    %dma_start3A_40 = tpu.memref_squeeze %dma_start3A_39 : memref<1x128xi32, #tpu.memory_space<vmem>> -> memref<128xi32, #tpu.memory_space<vmem>>
    %dma_start3A_41 = arith.constant 0 : i32
    %dma_start3A_42 = arith.constant 0 : i32
    %dma_start3A_43 = tpu.memref_slice %arg8[%dma_start3A_41, %dma_start3A_42] : memref<10512x16xf32, #tpu.memory_space<vmem_shared>> -> memref<10512x16xf32, #tpu.memory_space<vmem_shared>>
    %dma_start3A_44 = tpu.memref_slice %arg9[%dma_start3A_37] : memref<8x!tpu.dma_semaphore, #tpu.memory_space<semaphore_mem>> -> memref<1x!tpu.dma_semaphore, #tpu.memory_space<semaphore_mem>>
    %dma_start3A_45 = tpu.memref_squeeze %dma_start3A_44 : memref<1x!tpu.dma_semaphore, #tpu.memory_space<semaphore_mem>> -> memref<!tpu.dma_semaphore, #tpu.memory_space<semaphore_mem>>
    tpu.enqueue_indirect_dma source(%arg7 : memref<128x16xf32, #tpu.memory_space<vmem>>) target(%dma_start3A_43 : memref<10512x16xf32, #tpu.memory_space<vmem_shared>>) offsets(%dma_start3A_40 : memref<128xi32, #tpu.memory_space<vmem>>) semaphore(%dma_start3A_45 : memref<!tpu.dma_semaphore, #tpu.memory_space<semaphore_mem>>) {add = true}
    %dma_start3A_46 = arith.constant 4 : i32
    %dma_start3A_47 = arith.constant 4 : i32
    %dma_start3A_48 = arith.constant 0 : i32
    %dma_start3A_49 = tpu.memref_slice %arg6[%dma_start3A_46, %dma_start3A_48] : memref<80x128xi32, #tpu.memory_space<vmem>> -> memref<1x128xi32, #tpu.memory_space<vmem>>
    %dma_start3A_50 = tpu.memref_squeeze %dma_start3A_49 : memref<1x128xi32, #tpu.memory_space<vmem>> -> memref<128xi32, #tpu.memory_space<vmem>>
    %dma_start3A_51 = arith.constant 0 : i32
    %dma_start3A_52 = arith.constant 0 : i32
    %dma_start3A_53 = tpu.memref_slice %arg8[%dma_start3A_51, %dma_start3A_52] : memref<10512x16xf32, #tpu.memory_space<vmem_shared>> -> memref<10512x16xf32, #tpu.memory_space<vmem_shared>>
    %dma_start3A_54 = tpu.memref_slice %arg9[%dma_start3A_47] : memref<8x!tpu.dma_semaphore, #tpu.memory_space<semaphore_mem>> -> memref<1x!tpu.dma_semaphore, #tpu.memory_space<semaphore_mem>>
    %dma_start3A_55 = tpu.memref_squeeze %dma_start3A_54 : memref<1x!tpu.dma_semaphore, #tpu.memory_space<semaphore_mem>> -> memref<!tpu.dma_semaphore, #tpu.memory_space<semaphore_mem>>
    tpu.enqueue_indirect_dma source(%arg7 : memref<128x16xf32, #tpu.memory_space<vmem>>) target(%dma_start3A_53 : memref<10512x16xf32, #tpu.memory_space<vmem_shared>>) offsets(%dma_start3A_50 : memref<128xi32, #tpu.memory_space<vmem>>) semaphore(%dma_start3A_55 : memref<!tpu.dma_semaphore, #tpu.memory_space<semaphore_mem>>) {add = true}
    %dma_start3A_56 = arith.constant 5 : i32
    %dma_start3A_57 = arith.constant 5 : i32
    %dma_start3A_58 = arith.constant 0 : i32
    %dma_start3A_59 = tpu.memref_slice %arg6[%dma_start3A_56, %dma_start3A_58] : memref<80x128xi32, #tpu.memory_space<vmem>> -> memref<1x128xi32, #tpu.memory_space<vmem>>
    %dma_start3A_60 = tpu.memref_squeeze %dma_start3A_59 : memref<1x128xi32, #tpu.memory_space<vmem>> -> memref<128xi32, #tpu.memory_space<vmem>>
    %dma_start3A_61 = arith.constant 0 : i32
    %dma_start3A_62 = arith.constant 0 : i32
    %dma_start3A_63 = tpu.memref_slice %arg8[%dma_start3A_61, %dma_start3A_62] : memref<10512x16xf32, #tpu.memory_space<vmem_shared>> -> memref<10512x16xf32, #tpu.memory_space<vmem_shared>>
    %dma_start3A_64 = tpu.memref_slice %arg9[%dma_start3A_57] : memref<8x!tpu.dma_semaphore, #tpu.memory_space<semaphore_mem>> -> memref<1x!tpu.dma_semaphore, #tpu.memory_space<semaphore_mem>>
    %dma_start3A_65 = tpu.memref_squeeze %dma_start3A_64 : memref<1x!tpu.dma_semaphore, #tpu.memory_space<semaphore_mem>> -> memref<!tpu.dma_semaphore, #tpu.memory_space<semaphore_mem>>
    tpu.enqueue_indirect_dma source(%arg7 : memref<128x16xf32, #tpu.memory_space<vmem>>) target(%dma_start3A_63 : memref<10512x16xf32, #tpu.memory_space<vmem_shared>>) offsets(%dma_start3A_60 : memref<128xi32, #tpu.memory_space<vmem>>) semaphore(%dma_start3A_65 : memref<!tpu.dma_semaphore, #tpu.memory_space<semaphore_mem>>) {add = true}
    %dma_start3A_66 = arith.constant 6 : i32
    %dma_start3A_67 = arith.constant 6 : i32
    %dma_start3A_68 = arith.constant 0 : i32
    %dma_start3A_69 = tpu.memref_slice %arg6[%dma_start3A_66, %dma_start3A_68] : memref<80x128xi32, #tpu.memory_space<vmem>> -> memref<1x128xi32, #tpu.memory_space<vmem>>
    %dma_start3A_70 = tpu.memref_squeeze %dma_start3A_69 : memref<1x128xi32, #tpu.memory_space<vmem>> -> memref<128xi32, #tpu.memory_space<vmem>>
    %dma_start3A_71 = arith.constant 0 : i32
    %dma_start3A_72 = arith.constant 0 : i32
    %dma_start3A_73 = tpu.memref_slice %arg8[%dma_start3A_71, %dma_start3A_72] : memref<10512x16xf32, #tpu.memory_space<vmem_shared>> -> memref<10512x16xf32, #tpu.memory_space<vmem_shared>>
    %dma_start3A_74 = tpu.memref_slice %arg9[%dma_start3A_67] : memref<8x!tpu.dma_semaphore, #tpu.memory_space<semaphore_mem>> -> memref<1x!tpu.dma_semaphore, #tpu.memory_space<semaphore_mem>>
    %dma_start3A_75 = tpu.memref_squeeze %dma_start3A_74 : memref<1x!tpu.dma_semaphore, #tpu.memory_space<semaphore_mem>> -> memref<!tpu.dma_semaphore, #tpu.memory_space<semaphore_mem>>
    tpu.enqueue_indirect_dma source(%arg7 : memref<128x16xf32, #tpu.memory_space<vmem>>) target(%dma_start3A_73 : memref<10512x16xf32, #tpu.memory_space<vmem_shared>>) offsets(%dma_start3A_70 : memref<128xi32, #tpu.memory_space<vmem>>) semaphore(%dma_start3A_75 : memref<!tpu.dma_semaphore, #tpu.memory_space<semaphore_mem>>) {add = true}
    %dma_start3A_76 = arith.constant 7 : i32
    %dma_start3A_77 = arith.constant 7 : i32
    %dma_start3A_78 = arith.constant 0 : i32
    %dma_start3A_79 = tpu.memref_slice %arg6[%dma_start3A_76, %dma_start3A_78] : memref<80x128xi32, #tpu.memory_space<vmem>> -> memref<1x128xi32, #tpu.memory_space<vmem>>
    %dma_start3A_80 = tpu.memref_squeeze %dma_start3A_79 : memref<1x128xi32, #tpu.memory_space<vmem>> -> memref<128xi32, #tpu.memory_space<vmem>>
    %dma_start3A_81 = arith.constant 0 : i32
    %dma_start3A_82 = arith.constant 0 : i32
    %dma_start3A_83 = tpu.memref_slice %arg8[%dma_start3A_81, %dma_start3A_82] : memref<10512x16xf32, #tpu.memory_space<vmem_shared>> -> memref<10512x16xf32, #tpu.memory_space<vmem_shared>>
    %dma_start3A_84 = tpu.memref_slice %arg9[%dma_start3A_77] : memref<8x!tpu.dma_semaphore, #tpu.memory_space<semaphore_mem>> -> memref<1x!tpu.dma_semaphore, #tpu.memory_space<semaphore_mem>>
    %dma_start3A_85 = tpu.memref_squeeze %dma_start3A_84 : memref<1x!tpu.dma_semaphore, #tpu.memory_space<semaphore_mem>> -> memref<!tpu.dma_semaphore, #tpu.memory_space<semaphore_mem>>
    tpu.enqueue_indirect_dma source(%arg7 : memref<128x16xf32, #tpu.memory_space<vmem>>) target(%dma_start3A_83 : memref<10512x16xf32, #tpu.memory_space<vmem_shared>>) offsets(%dma_start3A_80 : memref<128xi32, #tpu.memory_space<vmem>>) semaphore(%dma_start3A_85 : memref<!tpu.dma_semaphore, #tpu.memory_space<semaphore_mem>>) {add = true}
    %scan3A = arith.constant 0 : i32
    %scan3A_86 = arith.constant 0 : i32
    %scan3A_87 = arith.constant 9 : i32
    %scan3A_88 = arith.addi %scan3A_86, %scan3A_87 : i32
    %scan3A_89 = arith.constant 1 : i32
    scf.for %scan3A_175 = %scan3A_86 to %scan3A_88 step %scan3A_89  : i32 {
      %mul3A_176 = arith.constant 8 : i32
      %mul3A_177 = arith.muli %scan3A_175, %mul3A_176 : i32
      %add3A_178 = arith.constant 0 : i32
      %add3A_179 = arith.addi %mul3A_177, %add3A_178 : i32
      %dma_wait3A_180 = arith.constant 0 : i32
      %dma_wait3A_181 = arith.constant 0 : i32
      %dma_wait3A_182 = tpu.memref_slice %arg6[%add3A_179, %dma_wait3A_181] : memref<80x128xi32, #tpu.memory_space<vmem>> -> memref<1x128xi32, #tpu.memory_space<vmem>>
      %dma_wait3A_183 = tpu.memref_squeeze %dma_wait3A_182 : memref<1x128xi32, #tpu.memory_space<vmem>> -> memref<128xi32, #tpu.memory_space<vmem>>
      %dma_wait3A_184 = arith.constant 0 : i32
      %dma_wait3A_185 = arith.constant 0 : i32
      %dma_wait3A_186 = tpu.memref_slice %arg8[%dma_wait3A_184, %dma_wait3A_185] : memref<10512x16xf32, #tpu.memory_space<vmem_shared>> -> memref<10512x16xf32, #tpu.memory_space<vmem_shared>>
      %dma_wait3A_187 = tpu.memref_slice %arg9[%dma_wait3A_180] : memref<8x!tpu.dma_semaphore, #tpu.memory_space<semaphore_mem>> -> memref<1x!tpu.dma_semaphore, #tpu.memory_space<semaphore_mem>>
      %dma_wait3A_188 = tpu.memref_squeeze %dma_wait3A_187 : memref<1x!tpu.dma_semaphore, #tpu.memory_space<semaphore_mem>> -> memref<!tpu.dma_semaphore, #tpu.memory_space<semaphore_mem>>
      tpu.wait_indirect_dma semaphore(%dma_wait3A_188 : memref<!tpu.dma_semaphore, #tpu.memory_space<semaphore_mem>>) src(%arg7 : memref<128x16xf32, #tpu.memory_space<vmem>>) dst(%dma_wait3A_186 : memref<10512x16xf32, #tpu.memory_space<vmem_shared>>)
      %add3A_189 = arith.constant 8 : i32
      %add3A_190 = arith.addi %mul3A_177, %add3A_189 : i32
      %add3A_191 = arith.constant 0 : i32
      %add3A_192 = arith.addi %add3A_190, %add3A_191 : i32
      %dma_start3A_193 = arith.constant 0 : i32
      %dma_start3A_194 = arith.constant 0 : i32
      %dma_start3A_195 = tpu.memref_slice %arg6[%add3A_192, %dma_start3A_194] : memref<80x128xi32, #tpu.memory_space<vmem>> -> memref<1x128xi32, #tpu.memory_space<vmem>>
      %dma_start3A_196 = tpu.memref_squeeze %dma_start3A_195 : memref<1x128xi32, #tpu.memory_space<vmem>> -> memref<128xi32, #tpu.memory_space<vmem>>
      %dma_start3A_197 = arith.constant 0 : i32
      %dma_start3A_198 = arith.constant 0 : i32
      %dma_start3A_199 = tpu.memref_slice %arg8[%dma_start3A_197, %dma_start3A_198] : memref<10512x16xf32, #tpu.memory_space<vmem_shared>> -> memref<10512x16xf32, #tpu.memory_space<vmem_shared>>
      %dma_start3A_200 = tpu.memref_slice %arg9[%dma_start3A_193] : memref<8x!tpu.dma_semaphore, #tpu.memory_space<semaphore_mem>> -> memref<1x!tpu.dma_semaphore, #tpu.memory_space<semaphore_mem>>
      %dma_start3A_201 = tpu.memref_squeeze %dma_start3A_200 : memref<1x!tpu.dma_semaphore, #tpu.memory_space<semaphore_mem>> -> memref<!tpu.dma_semaphore, #tpu.memory_space<semaphore_mem>>
      tpu.enqueue_indirect_dma source(%arg7 : memref<128x16xf32, #tpu.memory_space<vmem>>) target(%dma_start3A_199 : memref<10512x16xf32, #tpu.memory_space<vmem_shared>>) offsets(%dma_start3A_196 : memref<128xi32, #tpu.memory_space<vmem>>) semaphore(%dma_start3A_201 : memref<!tpu.dma_semaphore, #tpu.memory_space<semaphore_mem>>) {add = true}
      %add3A_202 = arith.constant 1 : i32
      %add3A_203 = arith.addi %mul3A_177, %add3A_202 : i32
      %dma_wait3A_204 = arith.constant 1 : i32
      %dma_wait3A_205 = arith.constant 0 : i32
      %dma_wait3A_206 = tpu.memref_slice %arg6[%add3A_203, %dma_wait3A_205] : memref<80x128xi32, #tpu.memory_space<vmem>> -> memref<1x128xi32, #tpu.memory_space<vmem>>
      %dma_wait3A_207 = tpu.memref_squeeze %dma_wait3A_206 : memref<1x128xi32, #tpu.memory_space<vmem>> -> memref<128xi32, #tpu.memory_space<vmem>>
      %dma_wait3A_208 = arith.constant 0 : i32
      %dma_wait3A_209 = arith.constant 0 : i32
      %dma_wait3A_210 = tpu.memref_slice %arg8[%dma_wait3A_208, %dma_wait3A_209] : memref<10512x16xf32, #tpu.memory_space<vmem_shared>> -> memref<10512x16xf32, #tpu.memory_space<vmem_shared>>
      %dma_wait3A_211 = tpu.memref_slice %arg9[%dma_wait3A_204] : memref<8x!tpu.dma_semaphore, #tpu.memory_space<semaphore_mem>> -> memref<1x!tpu.dma_semaphore, #tpu.memory_space<semaphore_mem>>
      %dma_wait3A_212 = tpu.memref_squeeze %dma_wait3A_211 : memref<1x!tpu.dma_semaphore, #tpu.memory_space<semaphore_mem>> -> memref<!tpu.dma_semaphore, #tpu.memory_space<semaphore_mem>>
      tpu.wait_indirect_dma semaphore(%dma_wait3A_212 : memref<!tpu.dma_semaphore, #tpu.memory_space<semaphore_mem>>) src(%arg7 : memref<128x16xf32, #tpu.memory_space<vmem>>) dst(%dma_wait3A_210 : memref<10512x16xf32, #tpu.memory_space<vmem_shared>>)
      %add3A_213 = arith.constant 8 : i32
      %add3A_214 = arith.addi %mul3A_177, %add3A_213 : i32
      %add3A_215 = arith.constant 1 : i32
      %add3A_216 = arith.addi %add3A_214, %add3A_215 : i32
      %dma_start3A_217 = arith.constant 1 : i32
      %dma_start3A_218 = arith.constant 0 : i32
      %dma_start3A_219 = tpu.memref_slice %arg6[%add3A_216, %dma_start3A_218] : memref<80x128xi32, #tpu.memory_space<vmem>> -> memref<1x128xi32, #tpu.memory_space<vmem>>
      %dma_start3A_220 = tpu.memref_squeeze %dma_start3A_219 : memref<1x128xi32, #tpu.memory_space<vmem>> -> memref<128xi32, #tpu.memory_space<vmem>>
      %dma_start3A_221 = arith.constant 0 : i32
      %dma_start3A_222 = arith.constant 0 : i32
      %dma_start3A_223 = tpu.memref_slice %arg8[%dma_start3A_221, %dma_start3A_222] : memref<10512x16xf32, #tpu.memory_space<vmem_shared>> -> memref<10512x16xf32, #tpu.memory_space<vmem_shared>>
      %dma_start3A_224 = tpu.memref_slice %arg9[%dma_start3A_217] : memref<8x!tpu.dma_semaphore, #tpu.memory_space<semaphore_mem>> -> memref<1x!tpu.dma_semaphore, #tpu.memory_space<semaphore_mem>>
      %dma_start3A_225 = tpu.memref_squeeze %dma_start3A_224 : memref<1x!tpu.dma_semaphore, #tpu.memory_space<semaphore_mem>> -> memref<!tpu.dma_semaphore, #tpu.memory_space<semaphore_mem>>
      tpu.enqueue_indirect_dma source(%arg7 : memref<128x16xf32, #tpu.memory_space<vmem>>) target(%dma_start3A_223 : memref<10512x16xf32, #tpu.memory_space<vmem_shared>>) offsets(%dma_start3A_220 : memref<128xi32, #tpu.memory_space<vmem>>) semaphore(%dma_start3A_225 : memref<!tpu.dma_semaphore, #tpu.memory_space<semaphore_mem>>) {add = true}
      %add3A_226 = arith.constant 2 : i32
      %add3A_227 = arith.addi %mul3A_177, %add3A_226 : i32
      %dma_wait3A_228 = arith.constant 2 : i32
      %dma_wait3A_229 = arith.constant 0 : i32
      %dma_wait3A_230 = tpu.memref_slice %arg6[%add3A_227, %dma_wait3A_229] : memref<80x128xi32, #tpu.memory_space<vmem>> -> memref<1x128xi32, #tpu.memory_space<vmem>>
      %dma_wait3A_231 = tpu.memref_squeeze %dma_wait3A_230 : memref<1x128xi32, #tpu.memory_space<vmem>> -> memref<128xi32, #tpu.memory_space<vmem>>
      %dma_wait3A_232 = arith.constant 0 : i32
      %dma_wait3A_233 = arith.constant 0 : i32
      %dma_wait3A_234 = tpu.memref_slice %arg8[%dma_wait3A_232, %dma_wait3A_233] : memref<10512x16xf32, #tpu.memory_space<vmem_shared>> -> memref<10512x16xf32, #tpu.memory_space<vmem_shared>>
      %dma_wait3A_235 = tpu.memref_slice %arg9[%dma_wait3A_228] : memref<8x!tpu.dma_semaphore, #tpu.memory_space<semaphore_mem>> -> memref<1x!tpu.dma_semaphore, #tpu.memory_space<semaphore_mem>>
      %dma_wait3A_236 = tpu.memref_squeeze %dma_wait3A_235 : memref<1x!tpu.dma_semaphore, #tpu.memory_space<semaphore_mem>> -> memref<!tpu.dma_semaphore, #tpu.memory_space<semaphore_mem>>
      tpu.wait_indirect_dma semaphore(%dma_wait3A_236 : memref<!tpu.dma_semaphore, #tpu.memory_space<semaphore_mem>>) src(%arg7 : memref<128x16xf32, #tpu.memory_space<vmem>>) dst(%dma_wait3A_234 : memref<10512x16xf32, #tpu.memory_space<vmem_shared>>)
      %add3A_237 = arith.constant 8 : i32
      %add3A_238 = arith.addi %mul3A_177, %add3A_237 : i32
      %add3A_239 = arith.constant 2 : i32
      %add3A_240 = arith.addi %add3A_238, %add3A_239 : i32
      %dma_start3A_241 = arith.constant 2 : i32
      %dma_start3A_242 = arith.constant 0 : i32
      %dma_start3A_243 = tpu.memref_slice %arg6[%add3A_240, %dma_start3A_242] : memref<80x128xi32, #tpu.memory_space<vmem>> -> memref<1x128xi32, #tpu.memory_space<vmem>>
      %dma_start3A_244 = tpu.memref_squeeze %dma_start3A_243 : memref<1x128xi32, #tpu.memory_space<vmem>> -> memref<128xi32, #tpu.memory_space<vmem>>
      %dma_start3A_245 = arith.constant 0 : i32
      %dma_start3A_246 = arith.constant 0 : i32
      %dma_start3A_247 = tpu.memref_slice %arg8[%dma_start3A_245, %dma_start3A_246] : memref<10512x16xf32, #tpu.memory_space<vmem_shared>> -> memref<10512x16xf32, #tpu.memory_space<vmem_shared>>
      %dma_start3A_248 = tpu.memref_slice %arg9[%dma_start3A_241] : memref<8x!tpu.dma_semaphore, #tpu.memory_space<semaphore_mem>> -> memref<1x!tpu.dma_semaphore, #tpu.memory_space<semaphore_mem>>
      %dma_start3A_249 = tpu.memref_squeeze %dma_start3A_248 : memref<1x!tpu.dma_semaphore, #tpu.memory_space<semaphore_mem>> -> memref<!tpu.dma_semaphore, #tpu.memory_space<semaphore_mem>>
      tpu.enqueue_indirect_dma source(%arg7 : memref<128x16xf32, #tpu.memory_space<vmem>>) target(%dma_start3A_247 : memref<10512x16xf32, #tpu.memory_space<vmem_shared>>) offsets(%dma_start3A_244 : memref<128xi32, #tpu.memory_space<vmem>>) semaphore(%dma_start3A_249 : memref<!tpu.dma_semaphore, #tpu.memory_space<semaphore_mem>>) {add = true}
      %add3A_250 = arith.constant 3 : i32
      %add3A_251 = arith.addi %mul3A_177, %add3A_250 : i32
      %dma_wait3A_252 = arith.constant 3 : i32
      %dma_wait3A_253 = arith.constant 0 : i32
      %dma_wait3A_254 = tpu.memref_slice %arg6[%add3A_251, %dma_wait3A_253] : memref<80x128xi32, #tpu.memory_space<vmem>> -> memref<1x128xi32, #tpu.memory_space<vmem>>
      %dma_wait3A_255 = tpu.memref_squeeze %dma_wait3A_254 : memref<1x128xi32, #tpu.memory_space<vmem>> -> memref<128xi32, #tpu.memory_space<vmem>>
      %dma_wait3A_256 = arith.constant 0 : i32
      %dma_wait3A_257 = arith.constant 0 : i32
      %dma_wait3A_258 = tpu.memref_slice %arg8[%dma_wait3A_256, %dma_wait3A_257] : memref<10512x16xf32, #tpu.memory_space<vmem_shared>> -> memref<10512x16xf32, #tpu.memory_space<vmem_shared>>
      %dma_wait3A_259 = tpu.memref_slice %arg9[%dma_wait3A_252] : memref<8x!tpu.dma_semaphore, #tpu.memory_space<semaphore_mem>> -> memref<1x!tpu.dma_semaphore, #tpu.memory_space<semaphore_mem>>
      %dma_wait3A_260 = tpu.memref_squeeze %dma_wait3A_259 : memref<1x!tpu.dma_semaphore, #tpu.memory_space<semaphore_mem>> -> memref<!tpu.dma_semaphore, #tpu.memory_space<semaphore_mem>>
      tpu.wait_indirect_dma semaphore(%dma_wait3A_260 : memref<!tpu.dma_semaphore, #tpu.memory_space<semaphore_mem>>) src(%arg7 : memref<128x16xf32, #tpu.memory_space<vmem>>) dst(%dma_wait3A_258 : memref<10512x16xf32, #tpu.memory_space<vmem_shared>>)
      %add3A_261 = arith.constant 8 : i32
      %add3A_262 = arith.addi %mul3A_177, %add3A_261 : i32
      %add3A_263 = arith.constant 3 : i32
      %add3A_264 = arith.addi %add3A_262, %add3A_263 : i32
      %dma_start3A_265 = arith.constant 3 : i32
      %dma_start3A_266 = arith.constant 0 : i32
      %dma_start3A_267 = tpu.memref_slice %arg6[%add3A_264, %dma_start3A_266] : memref<80x128xi32, #tpu.memory_space<vmem>> -> memref<1x128xi32, #tpu.memory_space<vmem>>
      %dma_start3A_268 = tpu.memref_squeeze %dma_start3A_267 : memref<1x128xi32, #tpu.memory_space<vmem>> -> memref<128xi32, #tpu.memory_space<vmem>>
      %dma_start3A_269 = arith.constant 0 : i32
      %dma_start3A_270 = arith.constant 0 : i32
      %dma_start3A_271 = tpu.memref_slice %arg8[%dma_start3A_269, %dma_start3A_270] : memref<10512x16xf32, #tpu.memory_space<vmem_shared>> -> memref<10512x16xf32, #tpu.memory_space<vmem_shared>>
      %dma_start3A_272 = tpu.memref_slice %arg9[%dma_start3A_265] : memref<8x!tpu.dma_semaphore, #tpu.memory_space<semaphore_mem>> -> memref<1x!tpu.dma_semaphore, #tpu.memory_space<semaphore_mem>>
      %dma_start3A_273 = tpu.memref_squeeze %dma_start3A_272 : memref<1x!tpu.dma_semaphore, #tpu.memory_space<semaphore_mem>> -> memref<!tpu.dma_semaphore, #tpu.memory_space<semaphore_mem>>
      tpu.enqueue_indirect_dma source(%arg7 : memref<128x16xf32, #tpu.memory_space<vmem>>) target(%dma_start3A_271 : memref<10512x16xf32, #tpu.memory_space<vmem_shared>>) offsets(%dma_start3A_268 : memref<128xi32, #tpu.memory_space<vmem>>) semaphore(%dma_start3A_273 : memref<!tpu.dma_semaphore, #tpu.memory_space<semaphore_mem>>) {add = true}
      %add3A_274 = arith.constant 4 : i32
      %add3A_275 = arith.addi %mul3A_177, %add3A_274 : i32
      %dma_wait3A_276 = arith.constant 4 : i32
      %dma_wait3A_277 = arith.constant 0 : i32
      %dma_wait3A_278 = tpu.memref_slice %arg6[%add3A_275, %dma_wait3A_277] : memref<80x128xi32, #tpu.memory_space<vmem>> -> memref<1x128xi32, #tpu.memory_space<vmem>>
      %dma_wait3A_279 = tpu.memref_squeeze %dma_wait3A_278 : memref<1x128xi32, #tpu.memory_space<vmem>> -> memref<128xi32, #tpu.memory_space<vmem>>
      %dma_wait3A_280 = arith.constant 0 : i32
      %dma_wait3A_281 = arith.constant 0 : i32
      %dma_wait3A_282 = tpu.memref_slice %arg8[%dma_wait3A_280, %dma_wait3A_281] : memref<10512x16xf32, #tpu.memory_space<vmem_shared>> -> memref<10512x16xf32, #tpu.memory_space<vmem_shared>>
      %dma_wait3A_283 = tpu.memref_slice %arg9[%dma_wait3A_276] : memref<8x!tpu.dma_semaphore, #tpu.memory_space<semaphore_mem>> -> memref<1x!tpu.dma_semaphore, #tpu.memory_space<semaphore_mem>>
      %dma_wait3A_284 = tpu.memref_squeeze %dma_wait3A_283 : memref<1x!tpu.dma_semaphore, #tpu.memory_space<semaphore_mem>> -> memref<!tpu.dma_semaphore, #tpu.memory_space<semaphore_mem>>
      tpu.wait_indirect_dma semaphore(%dma_wait3A_284 : memref<!tpu.dma_semaphore, #tpu.memory_space<semaphore_mem>>) src(%arg7 : memref<128x16xf32, #tpu.memory_space<vmem>>) dst(%dma_wait3A_282 : memref<10512x16xf32, #tpu.memory_space<vmem_shared>>)
      %add3A_285 = arith.constant 8 : i32
      %add3A_286 = arith.addi %mul3A_177, %add3A_285 : i32
      %add3A_287 = arith.constant 4 : i32
      %add3A_288 = arith.addi %add3A_286, %add3A_287 : i32
      %dma_start3A_289 = arith.constant 4 : i32
      %dma_start3A_290 = arith.constant 0 : i32
      %dma_start3A_291 = tpu.memref_slice %arg6[%add3A_288, %dma_start3A_290] : memref<80x128xi32, #tpu.memory_space<vmem>> -> memref<1x128xi32, #tpu.memory_space<vmem>>
      %dma_start3A_292 = tpu.memref_squeeze %dma_start3A_291 : memref<1x128xi32, #tpu.memory_space<vmem>> -> memref<128xi32, #tpu.memory_space<vmem>>
      %dma_start3A_293 = arith.constant 0 : i32
      %dma_start3A_294 = arith.constant 0 : i32
      %dma_start3A_295 = tpu.memref_slice %arg8[%dma_start3A_293, %dma_start3A_294] : memref<10512x16xf32, #tpu.memory_space<vmem_shared>> -> memref<10512x16xf32, #tpu.memory_space<vmem_shared>>
      %dma_start3A_296 = tpu.memref_slice %arg9[%dma_start3A_289] : memref<8x!tpu.dma_semaphore, #tpu.memory_space<semaphore_mem>> -> memref<1x!tpu.dma_semaphore, #tpu.memory_space<semaphore_mem>>
      %dma_start3A_297 = tpu.memref_squeeze %dma_start3A_296 : memref<1x!tpu.dma_semaphore, #tpu.memory_space<semaphore_mem>> -> memref<!tpu.dma_semaphore, #tpu.memory_space<semaphore_mem>>
      tpu.enqueue_indirect_dma source(%arg7 : memref<128x16xf32, #tpu.memory_space<vmem>>) target(%dma_start3A_295 : memref<10512x16xf32, #tpu.memory_space<vmem_shared>>) offsets(%dma_start3A_292 : memref<128xi32, #tpu.memory_space<vmem>>) semaphore(%dma_start3A_297 : memref<!tpu.dma_semaphore, #tpu.memory_space<semaphore_mem>>) {add = true}
      %add3A_298 = arith.constant 5 : i32
      %add3A_299 = arith.addi %mul3A_177, %add3A_298 : i32
      %dma_wait3A_300 = arith.constant 5 : i32
      %dma_wait3A_301 = arith.constant 0 : i32
      %dma_wait3A_302 = tpu.memref_slice %arg6[%add3A_299, %dma_wait3A_301] : memref<80x128xi32, #tpu.memory_space<vmem>> -> memref<1x128xi32, #tpu.memory_space<vmem>>
      %dma_wait3A_303 = tpu.memref_squeeze %dma_wait3A_302 : memref<1x128xi32, #tpu.memory_space<vmem>> -> memref<128xi32, #tpu.memory_space<vmem>>
      %dma_wait3A_304 = arith.constant 0 : i32
      %dma_wait3A_305 = arith.constant 0 : i32
      %dma_wait3A_306 = tpu.memref_slice %arg8[%dma_wait3A_304, %dma_wait3A_305] : memref<10512x16xf32, #tpu.memory_space<vmem_shared>> -> memref<10512x16xf32, #tpu.memory_space<vmem_shared>>
      %dma_wait3A_307 = tpu.memref_slice %arg9[%dma_wait3A_300] : memref<8x!tpu.dma_semaphore, #tpu.memory_space<semaphore_mem>> -> memref<1x!tpu.dma_semaphore, #tpu.memory_space<semaphore_mem>>
      %dma_wait3A_308 = tpu.memref_squeeze %dma_wait3A_307 : memref<1x!tpu.dma_semaphore, #tpu.memory_space<semaphore_mem>> -> memref<!tpu.dma_semaphore, #tpu.memory_space<semaphore_mem>>
      tpu.wait_indirect_dma semaphore(%dma_wait3A_308 : memref<!tpu.dma_semaphore, #tpu.memory_space<semaphore_mem>>) src(%arg7 : memref<128x16xf32, #tpu.memory_space<vmem>>) dst(%dma_wait3A_306 : memref<10512x16xf32, #tpu.memory_space<vmem_shared>>)
      %add3A_309 = arith.constant 8 : i32
      %add3A_310 = arith.addi %mul3A_177, %add3A_309 : i32
      %add3A_311 = arith.constant 5 : i32
      %add3A_312 = arith.addi %add3A_310, %add3A_311 : i32
      %dma_start3A_313 = arith.constant 5 : i32
      %dma_start3A_314 = arith.constant 0 : i32
      %dma_start3A_315 = tpu.memref_slice %arg6[%add3A_312, %dma_start3A_314] : memref<80x128xi32, #tpu.memory_space<vmem>> -> memref<1x128xi32, #tpu.memory_space<vmem>>
      %dma_start3A_316 = tpu.memref_squeeze %dma_start3A_315 : memref<1x128xi32, #tpu.memory_space<vmem>> -> memref<128xi32, #tpu.memory_space<vmem>>
      %dma_start3A_317 = arith.constant 0 : i32
      %dma_start3A_318 = arith.constant 0 : i32
      %dma_start3A_319 = tpu.memref_slice %arg8[%dma_start3A_317, %dma_start3A_318] : memref<10512x16xf32, #tpu.memory_space<vmem_shared>> -> memref<10512x16xf32, #tpu.memory_space<vmem_shared>>
      %dma_start3A_320 = tpu.memref_slice %arg9[%dma_start3A_313] : memref<8x!tpu.dma_semaphore, #tpu.memory_space<semaphore_mem>> -> memref<1x!tpu.dma_semaphore, #tpu.memory_space<semaphore_mem>>
      %dma_start3A_321 = tpu.memref_squeeze %dma_start3A_320 : memref<1x!tpu.dma_semaphore, #tpu.memory_space<semaphore_mem>> -> memref<!tpu.dma_semaphore, #tpu.memory_space<semaphore_mem>>
      tpu.enqueue_indirect_dma source(%arg7 : memref<128x16xf32, #tpu.memory_space<vmem>>) target(%dma_start3A_319 : memref<10512x16xf32, #tpu.memory_space<vmem_shared>>) offsets(%dma_start3A_316 : memref<128xi32, #tpu.memory_space<vmem>>) semaphore(%dma_start3A_321 : memref<!tpu.dma_semaphore, #tpu.memory_space<semaphore_mem>>) {add = true}
      %add3A_322 = arith.constant 6 : i32
      %add3A_323 = arith.addi %mul3A_177, %add3A_322 : i32
      %dma_wait3A_324 = arith.constant 6 : i32
      %dma_wait3A_325 = arith.constant 0 : i32
      %dma_wait3A_326 = tpu.memref_slice %arg6[%add3A_323, %dma_wait3A_325] : memref<80x128xi32, #tpu.memory_space<vmem>> -> memref<1x128xi32, #tpu.memory_space<vmem>>
      %dma_wait3A_327 = tpu.memref_squeeze %dma_wait3A_326 : memref<1x128xi32, #tpu.memory_space<vmem>> -> memref<128xi32, #tpu.memory_space<vmem>>
      %dma_wait3A_328 = arith.constant 0 : i32
      %dma_wait3A_329 = arith.constant 0 : i32
      %dma_wait3A_330 = tpu.memref_slice %arg8[%dma_wait3A_328, %dma_wait3A_329] : memref<10512x16xf32, #tpu.memory_space<vmem_shared>> -> memref<10512x16xf32, #tpu.memory_space<vmem_shared>>
      %dma_wait3A_331 = tpu.memref_slice %arg9[%dma_wait3A_324] : memref<8x!tpu.dma_semaphore, #tpu.memory_space<semaphore_mem>> -> memref<1x!tpu.dma_semaphore, #tpu.memory_space<semaphore_mem>>
      %dma_wait3A_332 = tpu.memref_squeeze %dma_wait3A_331 : memref<1x!tpu.dma_semaphore, #tpu.memory_space<semaphore_mem>> -> memref<!tpu.dma_semaphore, #tpu.memory_space<semaphore_mem>>
      tpu.wait_indirect_dma semaphore(%dma_wait3A_332 : memref<!tpu.dma_semaphore, #tpu.memory_space<semaphore_mem>>) src(%arg7 : memref<128x16xf32, #tpu.memory_space<vmem>>) dst(%dma_wait3A_330 : memref<10512x16xf32, #tpu.memory_space<vmem_shared>>)
      %add3A_333 = arith.constant 8 : i32
      %add3A_334 = arith.addi %mul3A_177, %add3A_333 : i32
      %add3A_335 = arith.constant 6 : i32
      %add3A_336 = arith.addi %add3A_334, %add3A_335 : i32
      %dma_start3A_337 = arith.constant 6 : i32
      %dma_start3A_338 = arith.constant 0 : i32
      %dma_start3A_339 = tpu.memref_slice %arg6[%add3A_336, %dma_start3A_338] : memref<80x128xi32, #tpu.memory_space<vmem>> -> memref<1x128xi32, #tpu.memory_space<vmem>>
      %dma_start3A_340 = tpu.memref_squeeze %dma_start3A_339 : memref<1x128xi32, #tpu.memory_space<vmem>> -> memref<128xi32, #tpu.memory_space<vmem>>
      %dma_start3A_341 = arith.constant 0 : i32
      %dma_start3A_342 = arith.constant 0 : i32
      %dma_start3A_343 = tpu.memref_slice %arg8[%dma_start3A_341, %dma_start3A_342] : memref<10512x16xf32, #tpu.memory_space<vmem_shared>> -> memref<10512x16xf32, #tpu.memory_space<vmem_shared>>
      %dma_start3A_344 = tpu.memref_slice %arg9[%dma_start3A_337] : memref<8x!tpu.dma_semaphore, #tpu.memory_space<semaphore_mem>> -> memref<1x!tpu.dma_semaphore, #tpu.memory_space<semaphore_mem>>
      %dma_start3A_345 = tpu.memref_squeeze %dma_start3A_344 : memref<1x!tpu.dma_semaphore, #tpu.memory_space<semaphore_mem>> -> memref<!tpu.dma_semaphore, #tpu.memory_space<semaphore_mem>>
      tpu.enqueue_indirect_dma source(%arg7 : memref<128x16xf32, #tpu.memory_space<vmem>>) target(%dma_start3A_343 : memref<10512x16xf32, #tpu.memory_space<vmem_shared>>) offsets(%dma_start3A_340 : memref<128xi32, #tpu.memory_space<vmem>>) semaphore(%dma_start3A_345 : memref<!tpu.dma_semaphore, #tpu.memory_space<semaphore_mem>>) {add = true}
      %add3A_346 = arith.constant 7 : i32
      %add3A_347 = arith.addi %mul3A_177, %add3A_346 : i32
      %dma_wait3A_348 = arith.constant 7 : i32
      %dma_wait3A_349 = arith.constant 0 : i32
      %dma_wait3A_350 = tpu.memref_slice %arg6[%add3A_347, %dma_wait3A_349] : memref<80x128xi32, #tpu.memory_space<vmem>> -> memref<1x128xi32, #tpu.memory_space<vmem>>
      %dma_wait3A_351 = tpu.memref_squeeze %dma_wait3A_350 : memref<1x128xi32, #tpu.memory_space<vmem>> -> memref<128xi32, #tpu.memory_space<vmem>>
      %dma_wait3A_352 = arith.constant 0 : i32
      %dma_wait3A_353 = arith.constant 0 : i32
      %dma_wait3A_354 = tpu.memref_slice %arg8[%dma_wait3A_352, %dma_wait3A_353] : memref<10512x16xf32, #tpu.memory_space<vmem_shared>> -> memref<10512x16xf32, #tpu.memory_space<vmem_shared>>
      %dma_wait3A_355 = tpu.memref_slice %arg9[%dma_wait3A_348] : memref<8x!tpu.dma_semaphore, #tpu.memory_space<semaphore_mem>> -> memref<1x!tpu.dma_semaphore, #tpu.memory_space<semaphore_mem>>
      %dma_wait3A_356 = tpu.memref_squeeze %dma_wait3A_355 : memref<1x!tpu.dma_semaphore, #tpu.memory_space<semaphore_mem>> -> memref<!tpu.dma_semaphore, #tpu.memory_space<semaphore_mem>>
      tpu.wait_indirect_dma semaphore(%dma_wait3A_356 : memref<!tpu.dma_semaphore, #tpu.memory_space<semaphore_mem>>) src(%arg7 : memref<128x16xf32, #tpu.memory_space<vmem>>) dst(%dma_wait3A_354 : memref<10512x16xf32, #tpu.memory_space<vmem_shared>>)
      %add3A_357 = arith.constant 8 : i32
      %add3A_358 = arith.addi %mul3A_177, %add3A_357 : i32
      %add3A_359 = arith.constant 7 : i32
      %add3A_360 = arith.addi %add3A_358, %add3A_359 : i32
      %dma_start3A_361 = arith.constant 7 : i32
      %dma_start3A_362 = arith.constant 0 : i32
      %dma_start3A_363 = tpu.memref_slice %arg6[%add3A_360, %dma_start3A_362] : memref<80x128xi32, #tpu.memory_space<vmem>> -> memref<1x128xi32, #tpu.memory_space<vmem>>
      %dma_start3A_364 = tpu.memref_squeeze %dma_start3A_363 : memref<1x128xi32, #tpu.memory_space<vmem>> -> memref<128xi32, #tpu.memory_space<vmem>>
      %dma_start3A_365 = arith.constant 0 : i32
      %dma_start3A_366 = arith.constant 0 : i32
      %dma_start3A_367 = tpu.memref_slice %arg8[%dma_start3A_365, %dma_start3A_366] : memref<10512x16xf32, #tpu.memory_space<vmem_shared>> -> memref<10512x16xf32, #tpu.memory_space<vmem_shared>>
      %dma_start3A_368 = tpu.memref_slice %arg9[%dma_start3A_361] : memref<8x!tpu.dma_semaphore, #tpu.memory_space<semaphore_mem>> -> memref<1x!tpu.dma_semaphore, #tpu.memory_space<semaphore_mem>>
      %dma_start3A_369 = tpu.memref_squeeze %dma_start3A_368 : memref<1x!tpu.dma_semaphore, #tpu.memory_space<semaphore_mem>> -> memref<!tpu.dma_semaphore, #tpu.memory_space<semaphore_mem>>
      tpu.enqueue_indirect_dma source(%arg7 : memref<128x16xf32, #tpu.memory_space<vmem>>) target(%dma_start3A_367 : memref<10512x16xf32, #tpu.memory_space<vmem_shared>>) offsets(%dma_start3A_364 : memref<128xi32, #tpu.memory_space<vmem>>) semaphore(%dma_start3A_369 : memref<!tpu.dma_semaphore, #tpu.memory_space<semaphore_mem>>) {add = true}
    }
    %scan3A_90 = arith.constant 9 : i32
    %dma_wait3A = arith.constant 72 : i32
    %dma_wait3A_91 = arith.constant 0 : i32
    %dma_wait3A_92 = arith.constant 0 : i32
    %dma_wait3A_93 = tpu.memref_slice %arg6[%dma_wait3A, %dma_wait3A_92] : memref<80x128xi32, #tpu.memory_space<vmem>> -> memref<1x128xi32, #tpu.memory_space<vmem>>
    %dma_wait3A_94 = tpu.memref_squeeze %dma_wait3A_93 : memref<1x128xi32, #tpu.memory_space<vmem>> -> memref<128xi32, #tpu.memory_space<vmem>>
    %dma_wait3A_95 = arith.constant 0 : i32
    %dma_wait3A_96 = arith.constant 0 : i32
    %dma_wait3A_97 = tpu.memref_slice %arg8[%dma_wait3A_95, %dma_wait3A_96] : memref<10512x16xf32, #tpu.memory_space<vmem_shared>> -> memref<10512x16xf32, #tpu.memory_space<vmem_shared>>
    %dma_wait3A_98 = tpu.memref_slice %arg9[%dma_wait3A_91] : memref<8x!tpu.dma_semaphore, #tpu.memory_space<semaphore_mem>> -> memref<1x!tpu.dma_semaphore, #tpu.memory_space<semaphore_mem>>
    %dma_wait3A_99 = tpu.memref_squeeze %dma_wait3A_98 : memref<1x!tpu.dma_semaphore, #tpu.memory_space<semaphore_mem>> -> memref<!tpu.dma_semaphore, #tpu.memory_space<semaphore_mem>>
    tpu.wait_indirect_dma semaphore(%dma_wait3A_99 : memref<!tpu.dma_semaphore, #tpu.memory_space<semaphore_mem>>) src(%arg7 : memref<128x16xf32, #tpu.memory_space<vmem>>) dst(%dma_wait3A_97 : memref<10512x16xf32, #tpu.memory_space<vmem_shared>>)
    %dma_wait3A_100 = arith.constant 73 : i32
    %dma_wait3A_101 = arith.constant 1 : i32
    %dma_wait3A_102 = arith.constant 0 : i32
    %dma_wait3A_103 = tpu.memref_slice %arg6[%dma_wait3A_100, %dma_wait3A_102] : memref<80x128xi32, #tpu.memory_space<vmem>> -> memref<1x128xi32, #tpu.memory_space<vmem>>
    %dma_wait3A_104 = tpu.memref_squeeze %dma_wait3A_103 : memref<1x128xi32, #tpu.memory_space<vmem>> -> memref<128xi32, #tpu.memory_space<vmem>>
    %dma_wait3A_105 = arith.constant 0 : i32
    %dma_wait3A_106 = arith.constant 0 : i32
    %dma_wait3A_107 = tpu.memref_slice %arg8[%dma_wait3A_105, %dma_wait3A_106] : memref<10512x16xf32, #tpu.memory_space<vmem_shared>> -> memref<10512x16xf32, #tpu.memory_space<vmem_shared>>
    %dma_wait3A_108 = tpu.memref_slice %arg9[%dma_wait3A_101] : memref<8x!tpu.dma_semaphore, #tpu.memory_space<semaphore_mem>> -> memref<1x!tpu.dma_semaphore, #tpu.memory_space<semaphore_mem>>
    %dma_wait3A_109 = tpu.memref_squeeze %dma_wait3A_108 : memref<1x!tpu.dma_semaphore, #tpu.memory_space<semaphore_mem>> -> memref<!tpu.dma_semaphore, #tpu.memory_space<semaphore_mem>>
    tpu.wait_indirect_dma semaphore(%dma_wait3A_109 : memref<!tpu.dma_semaphore, #tpu.memory_space<semaphore_mem>>) src(%arg7 : memref<128x16xf32, #tpu.memory_space<vmem>>) dst(%dma_wait3A_107 : memref<10512x16xf32, #tpu.memory_space<vmem_shared>>)
    %dma_wait3A_110 = arith.constant 74 : i32
    %dma_wait3A_111 = arith.constant 2 : i32
    %dma_wait3A_112 = arith.constant 0 : i32
    %dma_wait3A_113 = tpu.memref_slice %arg6[%dma_wait3A_110, %dma_wait3A_112] : memref<80x128xi32, #tpu.memory_space<vmem>> -> memref<1x128xi32, #tpu.memory_space<vmem>>
    %dma_wait3A_114 = tpu.memref_squeeze %dma_wait3A_113 : memref<1x128xi32, #tpu.memory_space<vmem>> -> memref<128xi32, #tpu.memory_space<vmem>>
    %dma_wait3A_115 = arith.constant 0 : i32
    %dma_wait3A_116 = arith.constant 0 : i32
    %dma_wait3A_117 = tpu.memref_slice %arg8[%dma_wait3A_115, %dma_wait3A_116] : memref<10512x16xf32, #tpu.memory_space<vmem_shared>> -> memref<10512x16xf32, #tpu.memory_space<vmem_shared>>
    %dma_wait3A_118 = tpu.memref_slice %arg9[%dma_wait3A_111] : memref<8x!tpu.dma_semaphore, #tpu.memory_space<semaphore_mem>> -> memref<1x!tpu.dma_semaphore, #tpu.memory_space<semaphore_mem>>
    %dma_wait3A_119 = tpu.memref_squeeze %dma_wait3A_118 : memref<1x!tpu.dma_semaphore, #tpu.memory_space<semaphore_mem>> -> memref<!tpu.dma_semaphore, #tpu.memory_space<semaphore_mem>>
    tpu.wait_indirect_dma semaphore(%dma_wait3A_119 : memref<!tpu.dma_semaphore, #tpu.memory_space<semaphore_mem>>) src(%arg7 : memref<128x16xf32, #tpu.memory_space<vmem>>) dst(%dma_wait3A_117 : memref<10512x16xf32, #tpu.memory_space<vmem_shared>>)
    %dma_wait3A_120 = arith.constant 75 : i32
    %dma_wait3A_121 = arith.constant 3 : i32
    %dma_wait3A_122 = arith.constant 0 : i32
    %dma_wait3A_123 = tpu.memref_slice %arg6[%dma_wait3A_120, %dma_wait3A_122] : memref<80x128xi32, #tpu.memory_space<vmem>> -> memref<1x128xi32, #tpu.memory_space<vmem>>
    %dma_wait3A_124 = tpu.memref_squeeze %dma_wait3A_123 : memref<1x128xi32, #tpu.memory_space<vmem>> -> memref<128xi32, #tpu.memory_space<vmem>>
    %dma_wait3A_125 = arith.constant 0 : i32
    %dma_wait3A_126 = arith.constant 0 : i32
    %dma_wait3A_127 = tpu.memref_slice %arg8[%dma_wait3A_125, %dma_wait3A_126] : memref<10512x16xf32, #tpu.memory_space<vmem_shared>> -> memref<10512x16xf32, #tpu.memory_space<vmem_shared>>
    %dma_wait3A_128 = tpu.memref_slice %arg9[%dma_wait3A_121] : memref<8x!tpu.dma_semaphore, #tpu.memory_space<semaphore_mem>> -> memref<1x!tpu.dma_semaphore, #tpu.memory_space<semaphore_mem>>
    %dma_wait3A_129 = tpu.memref_squeeze %dma_wait3A_128 : memref<1x!tpu.dma_semaphore, #tpu.memory_space<semaphore_mem>> -> memref<!tpu.dma_semaphore, #tpu.memory_space<semaphore_mem>>
    tpu.wait_indirect_dma semaphore(%dma_wait3A_129 : memref<!tpu.dma_semaphore, #tpu.memory_space<semaphore_mem>>) src(%arg7 : memref<128x16xf32, #tpu.memory_space<vmem>>) dst(%dma_wait3A_127 : memref<10512x16xf32, #tpu.memory_space<vmem_shared>>)
    %dma_wait3A_130 = arith.constant 76 : i32
    %dma_wait3A_131 = arith.constant 4 : i32
    %dma_wait3A_132 = arith.constant 0 : i32
    %dma_wait3A_133 = tpu.memref_slice %arg6[%dma_wait3A_130, %dma_wait3A_132] : memref<80x128xi32, #tpu.memory_space<vmem>> -> memref<1x128xi32, #tpu.memory_space<vmem>>
    %dma_wait3A_134 = tpu.memref_squeeze %dma_wait3A_133 : memref<1x128xi32, #tpu.memory_space<vmem>> -> memref<128xi32, #tpu.memory_space<vmem>>
    %dma_wait3A_135 = arith.constant 0 : i32
    %dma_wait3A_136 = arith.constant 0 : i32
    %dma_wait3A_137 = tpu.memref_slice %arg8[%dma_wait3A_135, %dma_wait3A_136] : memref<10512x16xf32, #tpu.memory_space<vmem_shared>> -> memref<10512x16xf32, #tpu.memory_space<vmem_shared>>
    %dma_wait3A_138 = tpu.memref_slice %arg9[%dma_wait3A_131] : memref<8x!tpu.dma_semaphore, #tpu.memory_space<semaphore_mem>> -> memref<1x!tpu.dma_semaphore, #tpu.memory_space<semaphore_mem>>
    %dma_wait3A_139 = tpu.memref_squeeze %dma_wait3A_138 : memref<1x!tpu.dma_semaphore, #tpu.memory_space<semaphore_mem>> -> memref<!tpu.dma_semaphore, #tpu.memory_space<semaphore_mem>>
    tpu.wait_indirect_dma semaphore(%dma_wait3A_139 : memref<!tpu.dma_semaphore, #tpu.memory_space<semaphore_mem>>) src(%arg7 : memref<128x16xf32, #tpu.memory_space<vmem>>) dst(%dma_wait3A_137 : memref<10512x16xf32, #tpu.memory_space<vmem_shared>>)
    %dma_wait3A_140 = arith.constant 77 : i32
    %dma_wait3A_141 = arith.constant 5 : i32
    %dma_wait3A_142 = arith.constant 0 : i32
    %dma_wait3A_143 = tpu.memref_slice %arg6[%dma_wait3A_140, %dma_wait3A_142] : memref<80x128xi32, #tpu.memory_space<vmem>> -> memref<1x128xi32, #tpu.memory_space<vmem>>
    %dma_wait3A_144 = tpu.memref_squeeze %dma_wait3A_143 : memref<1x128xi32, #tpu.memory_space<vmem>> -> memref<128xi32, #tpu.memory_space<vmem>>
    %dma_wait3A_145 = arith.constant 0 : i32
    %dma_wait3A_146 = arith.constant 0 : i32
    %dma_wait3A_147 = tpu.memref_slice %arg8[%dma_wait3A_145, %dma_wait3A_146] : memref<10512x16xf32, #tpu.memory_space<vmem_shared>> -> memref<10512x16xf32, #tpu.memory_space<vmem_shared>>
    %dma_wait3A_148 = tpu.memref_slice %arg9[%dma_wait3A_141] : memref<8x!tpu.dma_semaphore, #tpu.memory_space<semaphore_mem>> -> memref<1x!tpu.dma_semaphore, #tpu.memory_space<semaphore_mem>>
    %dma_wait3A_149 = tpu.memref_squeeze %dma_wait3A_148 : memref<1x!tpu.dma_semaphore, #tpu.memory_space<semaphore_mem>> -> memref<!tpu.dma_semaphore, #tpu.memory_space<semaphore_mem>>
    tpu.wait_indirect_dma semaphore(%dma_wait3A_149 : memref<!tpu.dma_semaphore, #tpu.memory_space<semaphore_mem>>) src(%arg7 : memref<128x16xf32, #tpu.memory_space<vmem>>) dst(%dma_wait3A_147 : memref<10512x16xf32, #tpu.memory_space<vmem_shared>>)
    %dma_wait3A_150 = arith.constant 78 : i32
    %dma_wait3A_151 = arith.constant 6 : i32
    %dma_wait3A_152 = arith.constant 0 : i32
    %dma_wait3A_153 = tpu.memref_slice %arg6[%dma_wait3A_150, %dma_wait3A_152] : memref<80x128xi32, #tpu.memory_space<vmem>> -> memref<1x128xi32, #tpu.memory_space<vmem>>
    %dma_wait3A_154 = tpu.memref_squeeze %dma_wait3A_153 : memref<1x128xi32, #tpu.memory_space<vmem>> -> memref<128xi32, #tpu.memory_space<vmem>>
    %dma_wait3A_155 = arith.constant 0 : i32
    %dma_wait3A_156 = arith.constant 0 : i32
    %dma_wait3A_157 = tpu.memref_slice %arg8[%dma_wait3A_155, %dma_wait3A_156] : memref<10512x16xf32, #tpu.memory_space<vmem_shared>> -> memref<10512x16xf32, #tpu.memory_space<vmem_shared>>
    %dma_wait3A_158 = tpu.memref_slice %arg9[%dma_wait3A_151] : memref<8x!tpu.dma_semaphore, #tpu.memory_space<semaphore_mem>> -> memref<1x!tpu.dma_semaphore, #tpu.memory_space<semaphore_mem>>
    %dma_wait3A_159 = tpu.memref_squeeze %dma_wait3A_158 : memref<1x!tpu.dma_semaphore, #tpu.memory_space<semaphore_mem>> -> memref<!tpu.dma_semaphore, #tpu.memory_space<semaphore_mem>>
    tpu.wait_indirect_dma semaphore(%dma_wait3A_159 : memref<!tpu.dma_semaphore, #tpu.memory_space<semaphore_mem>>) src(%arg7 : memref<128x16xf32, #tpu.memory_space<vmem>>) dst(%dma_wait3A_157 : memref<10512x16xf32, #tpu.memory_space<vmem_shared>>)
    %dma_wait3A_160 = arith.constant 79 : i32
    %dma_wait3A_161 = arith.constant 7 : i32
    %dma_wait3A_162 = arith.constant 0 : i32
    %dma_wait3A_163 = tpu.memref_slice %arg6[%dma_wait3A_160, %dma_wait3A_162] : memref<80x128xi32, #tpu.memory_space<vmem>> -> memref<1x128xi32, #tpu.memory_space<vmem>>
    %dma_wait3A_164 = tpu.memref_squeeze %dma_wait3A_163 : memref<1x128xi32, #tpu.memory_space<vmem>> -> memref<128xi32, #tpu.memory_space<vmem>>
    %dma_wait3A_165 = arith.constant 0 : i32
    %dma_wait3A_166 = arith.constant 0 : i32
    %dma_wait3A_167 = tpu.memref_slice %arg8[%dma_wait3A_165, %dma_wait3A_166] : memref<10512x16xf32, #tpu.memory_space<vmem_shared>> -> memref<10512x16xf32, #tpu.memory_space<vmem_shared>>
    %dma_wait3A_168 = tpu.memref_slice %arg9[%dma_wait3A_161] : memref<8x!tpu.dma_semaphore, #tpu.memory_space<semaphore_mem>> -> memref<1x!tpu.dma_semaphore, #tpu.memory_space<semaphore_mem>>
    %dma_wait3A_169 = tpu.memref_squeeze %dma_wait3A_168 : memref<1x!tpu.dma_semaphore, #tpu.memory_space<semaphore_mem>> -> memref<!tpu.dma_semaphore, #tpu.memory_space<semaphore_mem>>
    tpu.wait_indirect_dma semaphore(%dma_wait3A_169 : memref<!tpu.dma_semaphore, #tpu.memory_space<semaphore_mem>>) src(%arg7 : memref<128x16xf32, #tpu.memory_space<vmem>>) dst(%dma_wait3A_167 : memref<10512x16xf32, #tpu.memory_space<vmem_shared>>)
    %barrier3A_170 = arith.constant 0 : index
    tpu.barrier barrier_id(%barrier3A_170)
    %mul3A_171 = arith.constant 625 : i32
    %mul3A_172 = arith.muli %arg1, %mul3A_171 : i32
    %mul3A_173 = arith.constant 625 : i32
    %mul3A_174 = arith.muli %arg1, %mul3A_173 : i32
    "tpu.region"() ({
      %run_scoped3A_175 = tpu.sem_alloc : memref<!tpu.dma_semaphore, #tpu.memory_space<semaphore_mem>>
      %dma_start3A_176 = arith.constant 0 : i32
      %dma_start3A_177 = tpu.memref_slice %arg5[%arg0, %mul3A_174, %dma_start3A_176] : memref<2x10000x16xf32, #tpu.memory_space<hbm>> -> memref<1x625x16xf32, #tpu.memory_space<hbm>>
      %dma_start3A_178 = tpu.memref_squeeze %dma_start3A_177 : memref<1x625x16xf32, #tpu.memory_space<hbm>> -> memref<625x16xf32, #tpu.memory_space<hbm>>
      %dma_start3A_179 = arith.constant 0 : i32
      %dma_start3A_180 = tpu.memref_slice %arg8[%mul3A_172, %dma_start3A_179] : memref<10512x16xf32, #tpu.memory_space<vmem_shared>> -> memref<625x16xf32, #tpu.memory_space<vmem_shared>>
      tpu.enqueue_dma source(%dma_start3A_180 : memref<625x16xf32, #tpu.memory_space<vmem_shared>>) target(%dma_start3A_178 : memref<625x16xf32, #tpu.memory_space<hbm>>) target_semaphore(%run_scoped3A_175 : memref<!tpu.dma_semaphore, #tpu.memory_space<semaphore_mem>>)
      %dma_wait3A_181 = arith.constant 0 : i32
      %dma_wait3A_182 = tpu.memref_slice %arg5[%arg0, %mul3A_174, %dma_wait3A_181] : memref<2x10000x16xf32, #tpu.memory_space<hbm>> -> memref<1x625x16xf32, #tpu.memory_space<hbm>>
      %dma_wait3A_183 = tpu.memref_squeeze %dma_wait3A_182 : memref<1x625x16xf32, #tpu.memory_space<hbm>> -> memref<625x16xf32, #tpu.memory_space<hbm>>
      %dma_wait3A_184 = arith.constant 0 : i32
      %dma_wait3A_185 = tpu.memref_slice %arg8[%mul3A_172, %dma_wait3A_184] : memref<10512x16xf32, #tpu.memory_space<vmem_shared>> -> memref<625x16xf32, #tpu.memory_space<vmem_shared>>
      tpu.wait_dma2 semaphore(%run_scoped3A_175 : memref<!tpu.dma_semaphore, #tpu.memory_space<semaphore_mem>>) src(%dma_wait3A_185 : memref<625x16xf32, #tpu.memory_space<vmem_shared>>) dst(%dma_wait3A_183 : memref<625x16xf32, #tpu.memory_space<hbm>>)
      tpu.yield
    }) : () -> ()
    return
  }
}

#map = affine_map<(d0, d1) -> (0, 0)>
#map1 = affine_map<(d0, d1) -> (0, 0, 0)>
#map2 = affine_map<(d0, d1) -> (0)>
module attributes {stable_mosaic.version = 14 : i64} {
  func.func @agg1_kernel(%arg0: i32, %arg1: i32, %arg2: memref<10000x16xf32, #tpu.memory_space<hbm>>, %arg3: memref<2x10000x16xf32, #tpu.memory_space<hbm>>, %arg4: memref<2x2560x128xi32, #tpu.memory_space<hbm>>, %arg5: memref<16xf32, #tpu.memory_space<hbm>>, %arg6: memref<10000x16xf32, #tpu.memory_space<hbm>>, %arg7: memref<10000x16xf32, #tpu.memory_space<hbm>>, %arg8: memref<10000x16xf32, #tpu.memory_space<hbm>>, %arg9: memref<2x10000x16xf32, #tpu.memory_space<hbm>>, %arg10: memref<10000x16xf32, #tpu.memory_space<hbm>>, %arg11: memref<10000x16xf32, #tpu.memory_space<hbm>>, %arg12: memref<10000x16xf32, #tpu.memory_space<hbm>>, %arg13: memref<80x128xi32, #tpu.memory_space<vmem>>, %arg14: memref<80x128xi32, #tpu.memory_space<vmem>>, %arg15: memref<8x128x16xf32, #tpu.memory_space<vmem>>, %arg16: memref<625x16xf32, #tpu.memory_space<vmem>>, %arg17: memref<625x16xf32, #tpu.memory_space<vmem>>, %arg18: memref<625x16xf32, #tpu.memory_space<vmem>>, %arg19: memref<625x16xf32, #tpu.memory_space<vmem>>, %arg20: memref<625x16xf32, #tpu.memory_space<vmem>>, %arg21: memref<16xf32, #tpu.memory_space<vmem>>, %arg22: memref<10512x16xf32, #tpu.memory_space<vmem_shared>>, %arg23: memref<8x!tpu.dma_semaphore, #tpu.memory_space<semaphore_mem>>, %arg24: memref<8x!tpu.dma_semaphore, #tpu.memory_space<semaphore_mem>>) attributes {dimension_semantics = [#tpu.dimension_semantics<core_parallel>, #tpu.dimension_semantics<subcore_parallel>], iteration_bounds = array<i64: 2, 16>, scalar_prefetch = 0 : i64, scratch_operands = 12 : i64, tpu.core_type = #tpu.core_type<sc_vector_subcore>, window_params = [{transform_indices = #map}, {transform_indices = #map1}, {transform_indices = #map1}, {transform_indices = #map2}, {transform_indices = #map}, {transform_indices = #map}, {transform_indices = #map}, {transform_indices = #map1}, {transform_indices = #map}, {transform_indices = #map}, {transform_indices = #map}]} {
    %mul3A = arith.constant 2 : i32
    %mul3A_0 = arith.muli %arg1, %mul3A : i32
    %add3A = arith.addi %mul3A_0, %arg0 : i32
    %mul3A_1 = arith.constant 625 : i32
    %mul3A_2 = arith.muli %arg1, %mul3A_1 : i32
    %mul3A_3 = arith.constant 625 : i32
    %mul3A_4 = arith.muli %arg1, %mul3A_3 : i32
    "tpu.region"() ({
      %run_scoped3A_582 = tpu.sem_alloc : memref<!tpu.dma_semaphore, #tpu.memory_space<semaphore_mem>>
      %dma_start3A_583 = arith.constant 0 : i32
      %dma_start3A_584 = tpu.memref_slice %arg22[%mul3A_4, %dma_start3A_583] : memref<10512x16xf32, #tpu.memory_space<vmem_shared>> -> memref<625x16xf32, #tpu.memory_space<vmem_shared>>
      %dma_start3A_585 = arith.constant 0 : i32
      %dma_start3A_586 = tpu.memref_slice %arg6[%mul3A_2, %dma_start3A_585] : memref<10000x16xf32, #tpu.memory_space<hbm>> -> memref<625x16xf32, #tpu.memory_space<hbm>>
      tpu.enqueue_dma source(%dma_start3A_586 : memref<625x16xf32, #tpu.memory_space<hbm>>) target(%dma_start3A_584 : memref<625x16xf32, #tpu.memory_space<vmem_shared>>) target_semaphore(%run_scoped3A_582 : memref<!tpu.dma_semaphore, #tpu.memory_space<semaphore_mem>>)
      %dma_wait3A_587 = arith.constant 0 : i32
      %dma_wait3A_588 = tpu.memref_slice %arg22[%mul3A_4, %dma_wait3A_587] : memref<10512x16xf32, #tpu.memory_space<vmem_shared>> -> memref<625x16xf32, #tpu.memory_space<vmem_shared>>
      %dma_wait3A_589 = arith.constant 0 : i32
      %dma_wait3A_590 = tpu.memref_slice %arg6[%mul3A_2, %dma_wait3A_589] : memref<10000x16xf32, #tpu.memory_space<hbm>> -> memref<625x16xf32, #tpu.memory_space<hbm>>
      tpu.wait_dma2 semaphore(%run_scoped3A_582 : memref<!tpu.dma_semaphore, #tpu.memory_space<semaphore_mem>>) src(%dma_wait3A_590 : memref<625x16xf32, #tpu.memory_space<hbm>>) dst(%dma_wait3A_588 : memref<625x16xf32, #tpu.memory_space<vmem_shared>>)
      tpu.yield
    }) : () -> ()
    %mul3A_5 = arith.constant 80 : i32
    %mul3A_6 = arith.muli %add3A, %mul3A_5 : i32
    %run_scoped3A = arith.constant 0 : i32
    "tpu.region"() ({
      %run_scoped3A_582 = tpu.sem_alloc : memref<!tpu.dma_semaphore, #tpu.memory_space<semaphore_mem>>
      %dma_start3A_583 = arith.constant 0 : i32
      %dma_start3A_584 = tpu.memref_slice %arg4[%run_scoped3A, %mul3A_6, %dma_start3A_583] : memref<2x2560x128xi32, #tpu.memory_space<hbm>> -> memref<1x80x128xi32, #tpu.memory_space<hbm>>
      %dma_start3A_585 = tpu.memref_squeeze %dma_start3A_584 : memref<1x80x128xi32, #tpu.memory_space<hbm>> -> memref<80x128xi32, #tpu.memory_space<hbm>>
      %dma_start3A_586 = arith.constant 0 : i32
      %dma_start3A_587 = tpu.memref_slice %arg4[%run_scoped3A, %mul3A_6, %dma_start3A_586] : memref<2x2560x128xi32, #tpu.memory_space<hbm>> -> memref<1x80x128xi32, #tpu.memory_space<hbm>>
      %dma_start3A_588 = tpu.memref_squeeze %dma_start3A_587 : memref<1x80x128xi32, #tpu.memory_space<hbm>> -> memref<80x128xi32, #tpu.memory_space<hbm>>
      tpu.enqueue_dma source(%dma_start3A_588 : memref<80x128xi32, #tpu.memory_space<hbm>>) target(%arg13 : memref<80x128xi32, #tpu.memory_space<vmem>>) target_semaphore(%run_scoped3A_582 : memref<!tpu.dma_semaphore, #tpu.memory_space<semaphore_mem>>)
      %dma_wait3A_589 = arith.constant 0 : i32
      %dma_wait3A_590 = tpu.memref_slice %arg4[%run_scoped3A, %mul3A_6, %dma_wait3A_589] : memref<2x2560x128xi32, #tpu.memory_space<hbm>> -> memref<1x80x128xi32, #tpu.memory_space<hbm>>
      %dma_wait3A_591 = tpu.memref_squeeze %dma_wait3A_590 : memref<1x80x128xi32, #tpu.memory_space<hbm>> -> memref<80x128xi32, #tpu.memory_space<hbm>>
      %dma_wait3A_592 = arith.constant 0 : i32
      %dma_wait3A_593 = tpu.memref_slice %arg4[%run_scoped3A, %mul3A_6, %dma_wait3A_592] : memref<2x2560x128xi32, #tpu.memory_space<hbm>> -> memref<1x80x128xi32, #tpu.memory_space<hbm>>
      %dma_wait3A_594 = tpu.memref_squeeze %dma_wait3A_593 : memref<1x80x128xi32, #tpu.memory_space<hbm>> -> memref<80x128xi32, #tpu.memory_space<hbm>>
      tpu.wait_dma2 semaphore(%run_scoped3A_582 : memref<!tpu.dma_semaphore, #tpu.memory_space<semaphore_mem>>) src(%dma_wait3A_594 : memref<80x128xi32, #tpu.memory_space<hbm>>) dst(%arg13 : memref<80x128xi32, #tpu.memory_space<vmem>>)
      tpu.yield
    }) : () -> ()
    %mul3A_7 = arith.constant 80 : i32
    %mul3A_8 = arith.muli %add3A, %mul3A_7 : i32
    %run_scoped3A_9 = arith.constant 1 : i32
    "tpu.region"() ({
      %run_scoped3A_582 = tpu.sem_alloc : memref<!tpu.dma_semaphore, #tpu.memory_space<semaphore_mem>>
      %dma_start3A_583 = arith.constant 0 : i32
      %dma_start3A_584 = tpu.memref_slice %arg4[%run_scoped3A_9, %mul3A_8, %dma_start3A_583] : memref<2x2560x128xi32, #tpu.memory_space<hbm>> -> memref<1x80x128xi32, #tpu.memory_space<hbm>>
      %dma_start3A_585 = tpu.memref_squeeze %dma_start3A_584 : memref<1x80x128xi32, #tpu.memory_space<hbm>> -> memref<80x128xi32, #tpu.memory_space<hbm>>
      %dma_start3A_586 = arith.constant 0 : i32
      %dma_start3A_587 = tpu.memref_slice %arg4[%run_scoped3A_9, %mul3A_8, %dma_start3A_586] : memref<2x2560x128xi32, #tpu.memory_space<hbm>> -> memref<1x80x128xi32, #tpu.memory_space<hbm>>
      %dma_start3A_588 = tpu.memref_squeeze %dma_start3A_587 : memref<1x80x128xi32, #tpu.memory_space<hbm>> -> memref<80x128xi32, #tpu.memory_space<hbm>>
      tpu.enqueue_dma source(%dma_start3A_588 : memref<80x128xi32, #tpu.memory_space<hbm>>) target(%arg14 : memref<80x128xi32, #tpu.memory_space<vmem>>) target_semaphore(%run_scoped3A_582 : memref<!tpu.dma_semaphore, #tpu.memory_space<semaphore_mem>>)
      %dma_wait3A_589 = arith.constant 0 : i32
      %dma_wait3A_590 = tpu.memref_slice %arg4[%run_scoped3A_9, %mul3A_8, %dma_wait3A_589] : memref<2x2560x128xi32, #tpu.memory_space<hbm>> -> memref<1x80x128xi32, #tpu.memory_space<hbm>>
      %dma_wait3A_591 = tpu.memref_squeeze %dma_wait3A_590 : memref<1x80x128xi32, #tpu.memory_space<hbm>> -> memref<80x128xi32, #tpu.memory_space<hbm>>
      %dma_wait3A_592 = arith.constant 0 : i32
      %dma_wait3A_593 = tpu.memref_slice %arg4[%run_scoped3A_9, %mul3A_8, %dma_wait3A_592] : memref<2x2560x128xi32, #tpu.memory_space<hbm>> -> memref<1x80x128xi32, #tpu.memory_space<hbm>>
      %dma_wait3A_594 = tpu.memref_squeeze %dma_wait3A_593 : memref<1x80x128xi32, #tpu.memory_space<hbm>> -> memref<80x128xi32, #tpu.memory_space<hbm>>
      tpu.wait_dma2 semaphore(%run_scoped3A_582 : memref<!tpu.dma_semaphore, #tpu.memory_space<semaphore_mem>>) src(%dma_wait3A_594 : memref<80x128xi32, #tpu.memory_space<hbm>>) dst(%arg14 : memref<80x128xi32, #tpu.memory_space<vmem>>)
      tpu.yield
    }) : () -> ()
    %mul3A_10 = arith.constant 625 : i32
    %mul3A_11 = arith.muli %arg1, %mul3A_10 : i32
    %run_scoped3A_12 = arith.constant 0 : i32
    "tpu.region"() ({
      %run_scoped3A_582 = tpu.sem_alloc : memref<!tpu.dma_semaphore, #tpu.memory_space<semaphore_mem>>
      %dma_start3A_583 = arith.constant 0 : i32
      %dma_start3A_584 = tpu.memref_slice %arg3[%run_scoped3A_12, %mul3A_11, %dma_start3A_583] : memref<2x10000x16xf32, #tpu.memory_space<hbm>> -> memref<1x625x16xf32, #tpu.memory_space<hbm>>
      %dma_start3A_585 = tpu.memref_squeeze %dma_start3A_584 : memref<1x625x16xf32, #tpu.memory_space<hbm>> -> memref<625x16xf32, #tpu.memory_space<hbm>>
      %dma_start3A_586 = arith.constant 0 : i32
      %dma_start3A_587 = tpu.memref_slice %arg3[%run_scoped3A_12, %mul3A_11, %dma_start3A_586] : memref<2x10000x16xf32, #tpu.memory_space<hbm>> -> memref<1x625x16xf32, #tpu.memory_space<hbm>>
      %dma_start3A_588 = tpu.memref_squeeze %dma_start3A_587 : memref<1x625x16xf32, #tpu.memory_space<hbm>> -> memref<625x16xf32, #tpu.memory_space<hbm>>
      tpu.enqueue_dma source(%dma_start3A_588 : memref<625x16xf32, #tpu.memory_space<hbm>>) target(%arg16 : memref<625x16xf32, #tpu.memory_space<vmem>>) target_semaphore(%run_scoped3A_582 : memref<!tpu.dma_semaphore, #tpu.memory_space<semaphore_mem>>)
      %dma_wait3A_589 = arith.constant 0 : i32
      %dma_wait3A_590 = tpu.memref_slice %arg3[%run_scoped3A_12, %mul3A_11, %dma_wait3A_589] : memref<2x10000x16xf32, #tpu.memory_space<hbm>> -> memref<1x625x16xf32, #tpu.memory_space<hbm>>
      %dma_wait3A_591 = tpu.memref_squeeze %dma_wait3A_590 : memref<1x625x16xf32, #tpu.memory_space<hbm>> -> memref<625x16xf32, #tpu.memory_space<hbm>>
      %dma_wait3A_592 = arith.constant 0 : i32
      %dma_wait3A_593 = tpu.memref_slice %arg3[%run_scoped3A_12, %mul3A_11, %dma_wait3A_592] : memref<2x10000x16xf32, #tpu.memory_space<hbm>> -> memref<1x625x16xf32, #tpu.memory_space<hbm>>
      %dma_wait3A_594 = tpu.memref_squeeze %dma_wait3A_593 : memref<1x625x16xf32, #tpu.memory_space<hbm>> -> memref<625x16xf32, #tpu.memory_space<hbm>>
      tpu.wait_dma2 semaphore(%run_scoped3A_582 : memref<!tpu.dma_semaphore, #tpu.memory_space<semaphore_mem>>) src(%dma_wait3A_594 : memref<625x16xf32, #tpu.memory_space<hbm>>) dst(%arg16 : memref<625x16xf32, #tpu.memory_space<vmem>>)
      tpu.yield
    }) : () -> ()
    "tpu.region"() ({
      %run_scoped3A_582 = tpu.sem_alloc : memref<!tpu.dma_semaphore, #tpu.memory_space<semaphore_mem>>
      %dma_start3A_583 = arith.constant 0 : i32
      %dma_start3A_584 = tpu.memref_slice %arg2[%mul3A_11, %dma_start3A_583] : memref<10000x16xf32, #tpu.memory_space<hbm>> -> memref<625x16xf32, #tpu.memory_space<hbm>>
      %dma_start3A_585 = arith.constant 0 : i32
      %dma_start3A_586 = tpu.memref_slice %arg2[%mul3A_11, %dma_start3A_585] : memref<10000x16xf32, #tpu.memory_space<hbm>> -> memref<625x16xf32, #tpu.memory_space<hbm>>
      tpu.enqueue_dma source(%dma_start3A_586 : memref<625x16xf32, #tpu.memory_space<hbm>>) target(%arg17 : memref<625x16xf32, #tpu.memory_space<vmem>>) target_semaphore(%run_scoped3A_582 : memref<!tpu.dma_semaphore, #tpu.memory_space<semaphore_mem>>)
      %dma_wait3A_587 = arith.constant 0 : i32
      %dma_wait3A_588 = tpu.memref_slice %arg2[%mul3A_11, %dma_wait3A_587] : memref<10000x16xf32, #tpu.memory_space<hbm>> -> memref<625x16xf32, #tpu.memory_space<hbm>>
      %dma_wait3A_589 = arith.constant 0 : i32
      %dma_wait3A_590 = tpu.memref_slice %arg2[%mul3A_11, %dma_wait3A_589] : memref<10000x16xf32, #tpu.memory_space<hbm>> -> memref<625x16xf32, #tpu.memory_space<hbm>>
      tpu.wait_dma2 semaphore(%run_scoped3A_582 : memref<!tpu.dma_semaphore, #tpu.memory_space<semaphore_mem>>) src(%dma_wait3A_590 : memref<625x16xf32, #tpu.memory_space<hbm>>) dst(%arg17 : memref<625x16xf32, #tpu.memory_space<vmem>>)
      tpu.yield
    }) : () -> ()
    "tpu.region"() ({
      %run_scoped3A_582 = tpu.sem_alloc : memref<!tpu.dma_semaphore, #tpu.memory_space<semaphore_mem>>
      tpu.enqueue_dma source(%arg5 : memref<16xf32, #tpu.memory_space<hbm>>) target(%arg21 : memref<16xf32, #tpu.memory_space<vmem>>) target_semaphore(%run_scoped3A_582 : memref<!tpu.dma_semaphore, #tpu.memory_space<semaphore_mem>>)
      tpu.wait_dma2 semaphore(%run_scoped3A_582 : memref<!tpu.dma_semaphore, #tpu.memory_space<semaphore_mem>>) src(%arg5 : memref<16xf32, #tpu.memory_space<hbm>>) dst(%arg21 : memref<16xf32, #tpu.memory_space<vmem>>)
      tpu.yield
    }) : () -> ()
    %run_scoped3A_13 = arith.constant 1 : i32
    "tpu.region"() ({
      %run_scoped3A_582 = tpu.sem_alloc : memref<!tpu.dma_semaphore, #tpu.memory_space<semaphore_mem>>
      %dma_start3A_583 = arith.constant 0 : i32
      %dma_start3A_584 = tpu.memref_slice %arg3[%run_scoped3A_13, %mul3A_11, %dma_start3A_583] : memref<2x10000x16xf32, #tpu.memory_space<hbm>> -> memref<1x625x16xf32, #tpu.memory_space<hbm>>
      %dma_start3A_585 = tpu.memref_squeeze %dma_start3A_584 : memref<1x625x16xf32, #tpu.memory_space<hbm>> -> memref<625x16xf32, #tpu.memory_space<hbm>>
      %dma_start3A_586 = arith.constant 0 : i32
      %dma_start3A_587 = tpu.memref_slice %arg3[%run_scoped3A_13, %mul3A_11, %dma_start3A_586] : memref<2x10000x16xf32, #tpu.memory_space<hbm>> -> memref<1x625x16xf32, #tpu.memory_space<hbm>>
      %dma_start3A_588 = tpu.memref_squeeze %dma_start3A_587 : memref<1x625x16xf32, #tpu.memory_space<hbm>> -> memref<625x16xf32, #tpu.memory_space<hbm>>
      tpu.enqueue_dma source(%dma_start3A_588 : memref<625x16xf32, #tpu.memory_space<hbm>>) target(%arg18 : memref<625x16xf32, #tpu.memory_space<vmem>>) target_semaphore(%run_scoped3A_582 : memref<!tpu.dma_semaphore, #tpu.memory_space<semaphore_mem>>)
      %dma_wait3A_589 = arith.constant 0 : i32
      %dma_wait3A_590 = tpu.memref_slice %arg3[%run_scoped3A_13, %mul3A_11, %dma_wait3A_589] : memref<2x10000x16xf32, #tpu.memory_space<hbm>> -> memref<1x625x16xf32, #tpu.memory_space<hbm>>
      %dma_wait3A_591 = tpu.memref_squeeze %dma_wait3A_590 : memref<1x625x16xf32, #tpu.memory_space<hbm>> -> memref<625x16xf32, #tpu.memory_space<hbm>>
      %dma_wait3A_592 = arith.constant 0 : i32
      %dma_wait3A_593 = tpu.memref_slice %arg3[%run_scoped3A_13, %mul3A_11, %dma_wait3A_592] : memref<2x10000x16xf32, #tpu.memory_space<hbm>> -> memref<1x625x16xf32, #tpu.memory_space<hbm>>
      %dma_wait3A_594 = tpu.memref_squeeze %dma_wait3A_593 : memref<1x625x16xf32, #tpu.memory_space<hbm>> -> memref<625x16xf32, #tpu.memory_space<hbm>>
      tpu.wait_dma2 semaphore(%run_scoped3A_582 : memref<!tpu.dma_semaphore, #tpu.memory_space<semaphore_mem>>) src(%dma_wait3A_594 : memref<625x16xf32, #tpu.memory_space<hbm>>) dst(%arg18 : memref<625x16xf32, #tpu.memory_space<vmem>>)
      tpu.yield
    }) : () -> ()
    %get3A = arith.constant 0 : index
    %get3A_14 = tpu.vector_load %arg21[%get3A] {strides = array<i32>} : memref<16xf32, #tpu.memory_space<vmem>>, vector<16xf32>,
    %get3A_15 = vector.shape_cast %get3A_14 : vector<16xf32> to vector<16xf32>
    %scan3A = arith.constant 0 : i32
    %scan3A_16 = arith.constant 0 : i32
    %scan3A_17 = arith.constant 625 : i32
    %scan3A_18 = arith.addi %scan3A_16, %scan3A_17 : i32
    %scan3A_19 = arith.constant 1 : i32
    scf.for %scan3A_582 = %scan3A_16 to %scan3A_18 step %scan3A_19  : i32 {
      %get3A_583 = arith.index_cast %scan3A_582 : i32 to index
      %get3A_584 = arith.constant 0 : index
      %get3A_585 = tpu.vector_load %arg16[%get3A_583, %get3A_584] {strides = array<i32>} : memref<625x16xf32, #tpu.memory_space<vmem>>, vector<1x16xf32>,
      %get3A_586 = vector.shape_cast %get3A_585 : vector<1x16xf32> to vector<16xf32>
      %get3A_587 = arith.index_cast %scan3A_582 : i32 to index
      %get3A_588 = arith.constant 0 : index
      %get3A_589 = tpu.vector_load %arg18[%get3A_587, %get3A_588] {strides = array<i32>} : memref<625x16xf32, #tpu.memory_space<vmem>>, vector<1x16xf32>,
      %get3A_590 = vector.shape_cast %get3A_589 : vector<1x16xf32> to vector<16xf32>
      %add3A_591 = arith.addf %get3A_586, %get3A_590 : vector<16xf32>
      %add3A_592 = arith.constant 1.000000e+00 : f32
      %add3A_593 = vector.broadcast %add3A_592 : f32 to vector<16xf32>
      %add3A_594 = arith.addf %add3A_591, %add3A_593 : vector<16xf32>
      %bitcast_convert_type3A = tpu.bitcast %add3A_594 : vector<16xf32> -> vector<16xi32>
      %shift_right_arithmetic3A = arith.constant 1 : i32
      %shift_right_arithmetic3A_595 = vector.broadcast %shift_right_arithmetic3A : i32 to vector<16xi32>
      %shift_right_arithmetic3A_596 = arith.shrsi %bitcast_convert_type3A, %shift_right_arithmetic3A_595 : vector<16xi32>
      %sub3A = arith.constant 1597463007 : i32
      %sub3A_597 = vector.broadcast %sub3A : i32 to vector<16xi32>
      %sub3A_598 = arith.subi %sub3A_597, %shift_right_arithmetic3A_596 : vector<16xi32>
      %bitcast_convert_type3A_599 = tpu.bitcast %sub3A_598 : vector<16xi32> -> vector<16xf32>
      %mul3A_600 = arith.constant 5.000000e-01 : f32
      %mul3A_601 = vector.broadcast %mul3A_600 : f32 to vector<16xf32>
      %mul3A_602 = arith.mulf %mul3A_601, %add3A_594 : vector<16xf32>
      %mul3A_603 = arith.mulf %mul3A_602, %bitcast_convert_type3A_599 : vector<16xf32>
      %mul3A_604 = arith.mulf %mul3A_603, %bitcast_convert_type3A_599 : vector<16xf32>
      %sub3A_605 = arith.constant 1.500000e+00 : f32
      %sub3A_606 = vector.broadcast %sub3A_605 : f32 to vector<16xf32>
      %sub3A_607 = arith.subf %sub3A_606, %mul3A_604 : vector<16xf32>
      %mul3A_608 = arith.mulf %bitcast_convert_type3A_599, %sub3A_607 : vector<16xf32>
      %mul3A_609 = arith.constant 5.000000e-01 : f32
      %mul3A_610 = vector.broadcast %mul3A_609 : f32 to vector<16xf32>
      %mul3A_611 = arith.mulf %mul3A_610, %add3A_594 : vector<16xf32>
      %mul3A_612 = arith.mulf %mul3A_611, %mul3A_608 : vector<16xf32>
      %mul3A_613 = arith.mulf %mul3A_612, %mul3A_608 : vector<16xf32>
      %sub3A_614 = arith.constant 1.500000e+00 : f32
      %sub3A_615 = vector.broadcast %sub3A_614 : f32 to vector<16xf32>
      %sub3A_616 = arith.subf %sub3A_615, %mul3A_613 : vector<16xf32>
      %mul3A_617 = arith.mulf %mul3A_608, %sub3A_616 : vector<16xf32>
      %mul3A_618 = arith.constant 5.000000e-01 : f32
      %mul3A_619 = vector.broadcast %mul3A_618 : f32 to vector<16xf32>
      %mul3A_620 = arith.mulf %mul3A_619, %add3A_594 : vector<16xf32>
      %mul3A_621 = arith.mulf %mul3A_620, %mul3A_617 : vector<16xf32>
      %mul3A_622 = arith.mulf %mul3A_621, %mul3A_617 : vector<16xf32>
      %sub3A_623 = arith.constant 1.500000e+00 : f32
      %sub3A_624 = vector.broadcast %sub3A_623 : f32 to vector<16xf32>
      %sub3A_625 = arith.subf %sub3A_624, %mul3A_622 : vector<16xf32>
      %mul3A_626 = arith.mulf %mul3A_617, %sub3A_625 : vector<16xf32>
      %mul3A_627 = arith.mulf %mul3A_626, %mul3A_626 : vector<16xf32>
      %get3A_628 = arith.index_cast %scan3A_582 : i32 to index
      %get3A_629 = arith.constant 0 : index
      %get3A_630 = tpu.vector_load %arg17[%get3A_628, %get3A_629] {strides = array<i32>} : memref<625x16xf32, #tpu.memory_space<vmem>>, vector<1x16xf32>,
      %get3A_631 = vector.shape_cast %get3A_630 : vector<1x16xf32> to vector<16xf32>
      %mul3A_632 = arith.mulf %get3A_631, %mul3A_626 : vector<16xf32>
      %swap3A = arith.index_cast %scan3A_582 : i32 to index
      %swap3A_633 = arith.constant 0 : index
      %swap3A_634 = tpu.vector_load %arg18[%swap3A, %swap3A_633] {strides = array<i32>} : memref<625x16xf32, #tpu.memory_space<vmem>>, vector<1x16xf32>,
      %swap3A_635 = vector.shape_cast %swap3A_634 : vector<1x16xf32> to vector<16xf32>
      %swap3A_636 = vector.shape_cast %mul3A_632 : vector<16xf32> to vector<1x16xf32>
      tpu.vector_store %arg18[%swap3A, %swap3A_633], %swap3A_636 {strides = array<i32>} : memref<625x16xf32, #tpu.memory_space<vmem>>, vector<1x16xf32>,
      %mul3A_637 = arith.mulf %get3A_631, %mul3A_627 : vector<16xf32>
      %add3A_638 = arith.addf %mul3A_637, %get3A_15 : vector<16xf32>
      %swap3A_639 = arith.index_cast %scan3A_582 : i32 to index
      %swap3A_640 = arith.constant 0 : index
      %swap3A_641 = tpu.vector_load %arg19[%swap3A_639, %swap3A_640] {strides = array<i32>} : memref<625x16xf32, #tpu.memory_space<vmem>>, vector<1x16xf32>,
      %swap3A_642 = vector.shape_cast %swap3A_641 : vector<1x16xf32> to vector<16xf32>
      %swap3A_643 = vector.shape_cast %add3A_638 : vector<16xf32> to vector<1x16xf32>
      tpu.vector_store %arg19[%swap3A_639, %swap3A_640], %swap3A_643 {strides = array<i32>} : memref<625x16xf32, #tpu.memory_space<vmem>>, vector<1x16xf32>,
      %swap3A_644 = arith.index_cast %scan3A_582 : i32 to index
      %swap3A_645 = arith.constant 0 : index
      %swap3A_646 = tpu.vector_load %arg16[%swap3A_644, %swap3A_645] {strides = array<i32>} : memref<625x16xf32, #tpu.memory_space<vmem>>, vector<1x16xf32>,
      %swap3A_647 = vector.shape_cast %swap3A_646 : vector<1x16xf32> to vector<16xf32>
      %swap3A_648 = vector.shape_cast %mul3A_626 : vector<16xf32> to vector<1x16xf32>
      tpu.vector_store %arg16[%swap3A_644, %swap3A_645], %swap3A_648 {strides = array<i32>} : memref<625x16xf32, #tpu.memory_space<vmem>>, vector<1x16xf32>,
      %swap3A_649 = arith.index_cast %scan3A_582 : i32 to index
      %swap3A_650 = arith.constant 0 : index
      %swap3A_651 = tpu.vector_load %arg20[%swap3A_649, %swap3A_650] {strides = array<i32>} : memref<625x16xf32, #tpu.memory_space<vmem>>, vector<1x16xf32>,
      %swap3A_652 = vector.shape_cast %swap3A_651 : vector<1x16xf32> to vector<16xf32>
      %swap3A_653 = vector.shape_cast %mul3A_627 : vector<16xf32> to vector<1x16xf32>
      tpu.vector_store %arg20[%swap3A_649, %swap3A_650], %swap3A_653 {strides = array<i32>} : memref<625x16xf32, #tpu.memory_space<vmem>>, vector<1x16xf32>,
    }
    %scan3A_20 = arith.constant 625 : i32
    "tpu.region"() ({
      %run_scoped3A_582 = tpu.sem_alloc : memref<!tpu.dma_semaphore, #tpu.memory_space<semaphore_mem>>
      %dma_start3A_583 = arith.constant 0 : i32
      %dma_start3A_584 = tpu.memref_slice %arg9[%arg0, %mul3A_11, %dma_start3A_583] : memref<2x10000x16xf32, #tpu.memory_space<hbm>> -> memref<1x625x16xf32, #tpu.memory_space<hbm>>
      %dma_start3A_585 = tpu.memref_squeeze %dma_start3A_584 : memref<1x625x16xf32, #tpu.memory_space<hbm>> -> memref<625x16xf32, #tpu.memory_space<hbm>>
      %dma_start3A_586 = arith.constant 0 : i32
      %dma_start3A_587 = tpu.memref_slice %arg9[%arg0, %mul3A_11, %dma_start3A_586] : memref<2x10000x16xf32, #tpu.memory_space<hbm>> -> memref<1x625x16xf32, #tpu.memory_space<hbm>>
      %dma_start3A_588 = tpu.memref_squeeze %dma_start3A_587 : memref<1x625x16xf32, #tpu.memory_space<hbm>> -> memref<625x16xf32, #tpu.memory_space<hbm>>
      tpu.enqueue_dma source(%arg18 : memref<625x16xf32, #tpu.memory_space<vmem>>) target(%dma_start3A_588 : memref<625x16xf32, #tpu.memory_space<hbm>>) target_semaphore(%run_scoped3A_582 : memref<!tpu.dma_semaphore, #tpu.memory_space<semaphore_mem>>)
      %dma_wait3A_589 = arith.constant 0 : i32
      %dma_wait3A_590 = tpu.memref_slice %arg9[%arg0, %mul3A_11, %dma_wait3A_589] : memref<2x10000x16xf32, #tpu.memory_space<hbm>> -> memref<1x625x16xf32, #tpu.memory_space<hbm>>
      %dma_wait3A_591 = tpu.memref_squeeze %dma_wait3A_590 : memref<1x625x16xf32, #tpu.memory_space<hbm>> -> memref<625x16xf32, #tpu.memory_space<hbm>>
      %dma_wait3A_592 = arith.constant 0 : i32
      %dma_wait3A_593 = tpu.memref_slice %arg9[%arg0, %mul3A_11, %dma_wait3A_592] : memref<2x10000x16xf32, #tpu.memory_space<hbm>> -> memref<1x625x16xf32, #tpu.memory_space<hbm>>
      %dma_wait3A_594 = tpu.memref_squeeze %dma_wait3A_593 : memref<1x625x16xf32, #tpu.memory_space<hbm>> -> memref<625x16xf32, #tpu.memory_space<hbm>>
      tpu.wait_dma2 semaphore(%run_scoped3A_582 : memref<!tpu.dma_semaphore, #tpu.memory_space<semaphore_mem>>) src(%arg18 : memref<625x16xf32, #tpu.memory_space<vmem>>) dst(%dma_wait3A_594 : memref<625x16xf32, #tpu.memory_space<hbm>>)
      tpu.yield
    }) : () -> ()
    %eq3A = arith.constant 0 : i32
    %eq3A_21 = arith.cmpi eq, %arg0, %eq3A : i32
    %convert_element_type3A = arith.extui %eq3A_21 : i1 to i32
    %cond3A = arith.constant 0 : i32
    %cond3A_22 = arith.cmpi ne, %convert_element_type3A, %cond3A : i32
    scf.if %cond3A_22 {
      "tpu.region"() ({
        %run_scoped3A_582 = tpu.sem_alloc : memref<!tpu.dma_semaphore, #tpu.memory_space<semaphore_mem>>
        %dma_start3A_583 = arith.constant 0 : i32
        %dma_start3A_584 = tpu.memref_slice %arg10[%mul3A_11, %dma_start3A_583] : memref<10000x16xf32, #tpu.memory_space<hbm>> -> memref<625x16xf32, #tpu.memory_space<hbm>>
        %dma_start3A_585 = arith.constant 0 : i32
        %dma_start3A_586 = tpu.memref_slice %arg10[%mul3A_11, %dma_start3A_585] : memref<10000x16xf32, #tpu.memory_space<hbm>> -> memref<625x16xf32, #tpu.memory_space<hbm>>
        tpu.enqueue_dma source(%arg19 : memref<625x16xf32, #tpu.memory_space<vmem>>) target(%dma_start3A_586 : memref<625x16xf32, #tpu.memory_space<hbm>>) target_semaphore(%run_scoped3A_582 : memref<!tpu.dma_semaphore, #tpu.memory_space<semaphore_mem>>)
        %dma_wait3A_587 = arith.constant 0 : i32
        %dma_wait3A_588 = tpu.memref_slice %arg10[%mul3A_11, %dma_wait3A_587] : memref<10000x16xf32, #tpu.memory_space<hbm>> -> memref<625x16xf32, #tpu.memory_space<hbm>>
        %dma_wait3A_589 = arith.constant 0 : i32
        %dma_wait3A_590 = tpu.memref_slice %arg10[%mul3A_11, %dma_wait3A_589] : memref<10000x16xf32, #tpu.memory_space<hbm>> -> memref<625x16xf32, #tpu.memory_space<hbm>>
        tpu.wait_dma2 semaphore(%run_scoped3A_582 : memref<!tpu.dma_semaphore, #tpu.memory_space<semaphore_mem>>) src(%arg19 : memref<625x16xf32, #tpu.memory_space<vmem>>) dst(%dma_wait3A_590 : memref<625x16xf32, #tpu.memory_space<hbm>>)
        tpu.yield
      }) : () -> ()
      "tpu.region"() ({
        %run_scoped3A_582 = tpu.sem_alloc : memref<!tpu.dma_semaphore, #tpu.memory_space<semaphore_mem>>
        %dma_start3A_583 = arith.constant 0 : i32
        %dma_start3A_584 = tpu.memref_slice %arg11[%mul3A_11, %dma_start3A_583] : memref<10000x16xf32, #tpu.memory_space<hbm>> -> memref<625x16xf32, #tpu.memory_space<hbm>>
        %dma_start3A_585 = arith.constant 0 : i32
        %dma_start3A_586 = tpu.memref_slice %arg11[%mul3A_11, %dma_start3A_585] : memref<10000x16xf32, #tpu.memory_space<hbm>> -> memref<625x16xf32, #tpu.memory_space<hbm>>
        tpu.enqueue_dma source(%arg16 : memref<625x16xf32, #tpu.memory_space<vmem>>) target(%dma_start3A_586 : memref<625x16xf32, #tpu.memory_space<hbm>>) target_semaphore(%run_scoped3A_582 : memref<!tpu.dma_semaphore, #tpu.memory_space<semaphore_mem>>)
        %dma_wait3A_587 = arith.constant 0 : i32
        %dma_wait3A_588 = tpu.memref_slice %arg11[%mul3A_11, %dma_wait3A_587] : memref<10000x16xf32, #tpu.memory_space<hbm>> -> memref<625x16xf32, #tpu.memory_space<hbm>>
        %dma_wait3A_589 = arith.constant 0 : i32
        %dma_wait3A_590 = tpu.memref_slice %arg11[%mul3A_11, %dma_wait3A_589] : memref<10000x16xf32, #tpu.memory_space<hbm>> -> memref<625x16xf32, #tpu.memory_space<hbm>>
        tpu.wait_dma2 semaphore(%run_scoped3A_582 : memref<!tpu.dma_semaphore, #tpu.memory_space<semaphore_mem>>) src(%arg16 : memref<625x16xf32, #tpu.memory_space<vmem>>) dst(%dma_wait3A_590 : memref<625x16xf32, #tpu.memory_space<hbm>>)
        tpu.yield
      }) : () -> ()
      "tpu.region"() ({
        %run_scoped3A_582 = tpu.sem_alloc : memref<!tpu.dma_semaphore, #tpu.memory_space<semaphore_mem>>
        %dma_start3A_583 = arith.constant 0 : i32
        %dma_start3A_584 = tpu.memref_slice %arg12[%mul3A_11, %dma_start3A_583] : memref<10000x16xf32, #tpu.memory_space<hbm>> -> memref<625x16xf32, #tpu.memory_space<hbm>>
        %dma_start3A_585 = arith.constant 0 : i32
        %dma_start3A_586 = tpu.memref_slice %arg12[%mul3A_11, %dma_start3A_585] : memref<10000x16xf32, #tpu.memory_space<hbm>> -> memref<625x16xf32, #tpu.memory_space<hbm>>
        tpu.enqueue_dma source(%arg20 : memref<625x16xf32, #tpu.memory_space<vmem>>) target(%dma_start3A_586 : memref<625x16xf32, #tpu.memory_space<hbm>>) target_semaphore(%run_scoped3A_582 : memref<!tpu.dma_semaphore, #tpu.memory_space<semaphore_mem>>)
        %dma_wait3A_587 = arith.constant 0 : i32
        %dma_wait3A_588 = tpu.memref_slice %arg12[%mul3A_11, %dma_wait3A_587] : memref<10000x16xf32, #tpu.memory_space<hbm>> -> memref<625x16xf32, #tpu.memory_space<hbm>>
        %dma_wait3A_589 = arith.constant 0 : i32
        %dma_wait3A_590 = tpu.memref_slice %arg12[%mul3A_11, %dma_wait3A_589] : memref<10000x16xf32, #tpu.memory_space<hbm>> -> memref<625x16xf32, #tpu.memory_space<hbm>>
        tpu.wait_dma2 semaphore(%run_scoped3A_582 : memref<!tpu.dma_semaphore, #tpu.memory_space<semaphore_mem>>) src(%arg20 : memref<625x16xf32, #tpu.memory_space<vmem>>) dst(%dma_wait3A_590 : memref<625x16xf32, #tpu.memory_space<hbm>>)
        tpu.yield
      }) : () -> ()
    } else {
    }
    %barrier3A = arith.constant 0 : index
    tpu.barrier barrier_id(%barrier3A)
    %dma_start3A = arith.constant 0 : i32
    %dma_start3A_23 = arith.constant 0 : i32
    %dma_start3A_24 = arith.constant 0 : i32
    %dma_start3A_25 = arith.constant 0 : i32
    %dma_start3A_26 = arith.constant 0 : i32
    %dma_start3A_27 = tpu.memref_slice %arg15[%dma_start3A_23, %dma_start3A_25, %dma_start3A_26] : memref<8x128x16xf32, #tpu.memory_space<vmem>> -> memref<1x128x16xf32, #tpu.memory_space<vmem>>
    %dma_start3A_28 = tpu.memref_squeeze %dma_start3A_27 : memref<1x128x16xf32, #tpu.memory_space<vmem>> -> memref<128x16xf32, #tpu.memory_space<vmem>>
    %dma_start3A_29 = arith.constant 0 : i32
    %dma_start3A_30 = tpu.memref_slice %arg13[%dma_start3A, %dma_start3A_29] : memref<80x128xi32, #tpu.memory_space<vmem>> -> memref<1x128xi32, #tpu.memory_space<vmem>>
    %dma_start3A_31 = tpu.memref_squeeze %dma_start3A_30 : memref<1x128xi32, #tpu.memory_space<vmem>> -> memref<128xi32, #tpu.memory_space<vmem>>
    %dma_start3A_32 = arith.constant 0 : i32
    %dma_start3A_33 = arith.constant 0 : i32
    %dma_start3A_34 = tpu.memref_slice %arg9[%arg0, %dma_start3A_32, %dma_start3A_33] : memref<2x10000x16xf32, #tpu.memory_space<hbm>> -> memref<1x10000x16xf32, #tpu.memory_space<hbm>>
    %dma_start3A_35 = tpu.memref_squeeze %dma_start3A_34 : memref<1x10000x16xf32, #tpu.memory_space<hbm>> -> memref<10000x16xf32, #tpu.memory_space<hbm>>
    %dma_start3A_36 = arith.constant 0 : i32
    %dma_start3A_37 = arith.constant 0 : i32
    %dma_start3A_38 = tpu.memref_slice %dma_start3A_35[%dma_start3A_36, %dma_start3A_37] : memref<10000x16xf32, #tpu.memory_space<hbm>> -> memref<10000x16xf32, #tpu.memory_space<hbm>>
    %dma_start3A_39 = tpu.memref_slice %arg23[%dma_start3A_24] : memref<8x!tpu.dma_semaphore, #tpu.memory_space<semaphore_mem>> -> memref<1x!tpu.dma_semaphore, #tpu.memory_space<semaphore_mem>>
    %dma_start3A_40 = tpu.memref_squeeze %dma_start3A_39 : memref<1x!tpu.dma_semaphore, #tpu.memory_space<semaphore_mem>> -> memref<!tpu.dma_semaphore, #tpu.memory_space<semaphore_mem>>
    tpu.enqueue_indirect_dma source(%dma_start3A_38 : memref<10000x16xf32, #tpu.memory_space<hbm>>) target(%dma_start3A_28 : memref<128x16xf32, #tpu.memory_space<vmem>>) offsets(%dma_start3A_31 : memref<128xi32, #tpu.memory_space<vmem>>) semaphore(%dma_start3A_40 : memref<!tpu.dma_semaphore, #tpu.memory_space<semaphore_mem>>)
    %dma_start3A_41 = arith.constant 1 : i32
    %dma_start3A_42 = arith.constant 1 : i32
    %dma_start3A_43 = arith.constant 1 : i32
    %dma_start3A_44 = arith.constant 0 : i32
    %dma_start3A_45 = arith.constant 0 : i32
    %dma_start3A_46 = tpu.memref_slice %arg15[%dma_start3A_42, %dma_start3A_44, %dma_start3A_45] : memref<8x128x16xf32, #tpu.memory_space<vmem>> -> memref<1x128x16xf32, #tpu.memory_space<vmem>>
    %dma_start3A_47 = tpu.memref_squeeze %dma_start3A_46 : memref<1x128x16xf32, #tpu.memory_space<vmem>> -> memref<128x16xf32, #tpu.memory_space<vmem>>
    %dma_start3A_48 = arith.constant 0 : i32
    %dma_start3A_49 = tpu.memref_slice %arg13[%dma_start3A_41, %dma_start3A_48] : memref<80x128xi32, #tpu.memory_space<vmem>> -> memref<1x128xi32, #tpu.memory_space<vmem>>
    %dma_start3A_50 = tpu.memref_squeeze %dma_start3A_49 : memref<1x128xi32, #tpu.memory_space<vmem>> -> memref<128xi32, #tpu.memory_space<vmem>>
    %dma_start3A_51 = arith.constant 0 : i32
    %dma_start3A_52 = arith.constant 0 : i32
    %dma_start3A_53 = tpu.memref_slice %arg9[%arg0, %dma_start3A_51, %dma_start3A_52] : memref<2x10000x16xf32, #tpu.memory_space<hbm>> -> memref<1x10000x16xf32, #tpu.memory_space<hbm>>
    %dma_start3A_54 = tpu.memref_squeeze %dma_start3A_53 : memref<1x10000x16xf32, #tpu.memory_space<hbm>> -> memref<10000x16xf32, #tpu.memory_space<hbm>>
    %dma_start3A_55 = arith.constant 0 : i32
    %dma_start3A_56 = arith.constant 0 : i32
    %dma_start3A_57 = tpu.memref_slice %dma_start3A_54[%dma_start3A_55, %dma_start3A_56] : memref<10000x16xf32, #tpu.memory_space<hbm>> -> memref<10000x16xf32, #tpu.memory_space<hbm>>
    %dma_start3A_58 = tpu.memref_slice %arg23[%dma_start3A_43] : memref<8x!tpu.dma_semaphore, #tpu.memory_space<semaphore_mem>> -> memref<1x!tpu.dma_semaphore, #tpu.memory_space<semaphore_mem>>
    %dma_start3A_59 = tpu.memref_squeeze %dma_start3A_58 : memref<1x!tpu.dma_semaphore, #tpu.memory_space<semaphore_mem>> -> memref<!tpu.dma_semaphore, #tpu.memory_space<semaphore_mem>>
    tpu.enqueue_indirect_dma source(%dma_start3A_57 : memref<10000x16xf32, #tpu.memory_space<hbm>>) target(%dma_start3A_47 : memref<128x16xf32, #tpu.memory_space<vmem>>) offsets(%dma_start3A_50 : memref<128xi32, #tpu.memory_space<vmem>>) semaphore(%dma_start3A_59 : memref<!tpu.dma_semaphore, #tpu.memory_space<semaphore_mem>>)
    %dma_start3A_60 = arith.constant 2 : i32
    %dma_start3A_61 = arith.constant 2 : i32
    %dma_start3A_62 = arith.constant 2 : i32
    %dma_start3A_63 = arith.constant 0 : i32
    %dma_start3A_64 = arith.constant 0 : i32
    %dma_start3A_65 = tpu.memref_slice %arg15[%dma_start3A_61, %dma_start3A_63, %dma_start3A_64] : memref<8x128x16xf32, #tpu.memory_space<vmem>> -> memref<1x128x16xf32, #tpu.memory_space<vmem>>
    %dma_start3A_66 = tpu.memref_squeeze %dma_start3A_65 : memref<1x128x16xf32, #tpu.memory_space<vmem>> -> memref<128x16xf32, #tpu.memory_space<vmem>>
    %dma_start3A_67 = arith.constant 0 : i32
    %dma_start3A_68 = tpu.memref_slice %arg13[%dma_start3A_60, %dma_start3A_67] : memref<80x128xi32, #tpu.memory_space<vmem>> -> memref<1x128xi32, #tpu.memory_space<vmem>>
    %dma_start3A_69 = tpu.memref_squeeze %dma_start3A_68 : memref<1x128xi32, #tpu.memory_space<vmem>> -> memref<128xi32, #tpu.memory_space<vmem>>
    %dma_start3A_70 = arith.constant 0 : i32
    %dma_start3A_71 = arith.constant 0 : i32
    %dma_start3A_72 = tpu.memref_slice %arg9[%arg0, %dma_start3A_70, %dma_start3A_71] : memref<2x10000x16xf32, #tpu.memory_space<hbm>> -> memref<1x10000x16xf32, #tpu.memory_space<hbm>>
    %dma_start3A_73 = tpu.memref_squeeze %dma_start3A_72 : memref<1x10000x16xf32, #tpu.memory_space<hbm>> -> memref<10000x16xf32, #tpu.memory_space<hbm>>
    %dma_start3A_74 = arith.constant 0 : i32
    %dma_start3A_75 = arith.constant 0 : i32
    %dma_start3A_76 = tpu.memref_slice %dma_start3A_73[%dma_start3A_74, %dma_start3A_75] : memref<10000x16xf32, #tpu.memory_space<hbm>> -> memref<10000x16xf32, #tpu.memory_space<hbm>>
    %dma_start3A_77 = tpu.memref_slice %arg23[%dma_start3A_62] : memref<8x!tpu.dma_semaphore, #tpu.memory_space<semaphore_mem>> -> memref<1x!tpu.dma_semaphore, #tpu.memory_space<semaphore_mem>>
    %dma_start3A_78 = tpu.memref_squeeze %dma_start3A_77 : memref<1x!tpu.dma_semaphore, #tpu.memory_space<semaphore_mem>> -> memref<!tpu.dma_semaphore, #tpu.memory_space<semaphore_mem>>
    tpu.enqueue_indirect_dma source(%dma_start3A_76 : memref<10000x16xf32, #tpu.memory_space<hbm>>) target(%dma_start3A_66 : memref<128x16xf32, #tpu.memory_space<vmem>>) offsets(%dma_start3A_69 : memref<128xi32, #tpu.memory_space<vmem>>) semaphore(%dma_start3A_78 : memref<!tpu.dma_semaphore, #tpu.memory_space<semaphore_mem>>)
    %dma_start3A_79 = arith.constant 3 : i32
    %dma_start3A_80 = arith.constant 3 : i32
    %dma_start3A_81 = arith.constant 3 : i32
    %dma_start3A_82 = arith.constant 0 : i32
    %dma_start3A_83 = arith.constant 0 : i32
    %dma_start3A_84 = tpu.memref_slice %arg15[%dma_start3A_80, %dma_start3A_82, %dma_start3A_83] : memref<8x128x16xf32, #tpu.memory_space<vmem>> -> memref<1x128x16xf32, #tpu.memory_space<vmem>>
    %dma_start3A_85 = tpu.memref_squeeze %dma_start3A_84 : memref<1x128x16xf32, #tpu.memory_space<vmem>> -> memref<128x16xf32, #tpu.memory_space<vmem>>
    %dma_start3A_86 = arith.constant 0 : i32
    %dma_start3A_87 = tpu.memref_slice %arg13[%dma_start3A_79, %dma_start3A_86] : memref<80x128xi32, #tpu.memory_space<vmem>> -> memref<1x128xi32, #tpu.memory_space<vmem>>
    %dma_start3A_88 = tpu.memref_squeeze %dma_start3A_87 : memref<1x128xi32, #tpu.memory_space<vmem>> -> memref<128xi32, #tpu.memory_space<vmem>>
    %dma_start3A_89 = arith.constant 0 : i32
    %dma_start3A_90 = arith.constant 0 : i32
    %dma_start3A_91 = tpu.memref_slice %arg9[%arg0, %dma_start3A_89, %dma_start3A_90] : memref<2x10000x16xf32, #tpu.memory_space<hbm>> -> memref<1x10000x16xf32, #tpu.memory_space<hbm>>
    %dma_start3A_92 = tpu.memref_squeeze %dma_start3A_91 : memref<1x10000x16xf32, #tpu.memory_space<hbm>> -> memref<10000x16xf32, #tpu.memory_space<hbm>>
    %dma_start3A_93 = arith.constant 0 : i32
    %dma_start3A_94 = arith.constant 0 : i32
    %dma_start3A_95 = tpu.memref_slice %dma_start3A_92[%dma_start3A_93, %dma_start3A_94] : memref<10000x16xf32, #tpu.memory_space<hbm>> -> memref<10000x16xf32, #tpu.memory_space<hbm>>
    %dma_start3A_96 = tpu.memref_slice %arg23[%dma_start3A_81] : memref<8x!tpu.dma_semaphore, #tpu.memory_space<semaphore_mem>> -> memref<1x!tpu.dma_semaphore, #tpu.memory_space<semaphore_mem>>
    %dma_start3A_97 = tpu.memref_squeeze %dma_start3A_96 : memref<1x!tpu.dma_semaphore, #tpu.memory_space<semaphore_mem>> -> memref<!tpu.dma_semaphore, #tpu.memory_space<semaphore_mem>>
    tpu.enqueue_indirect_dma source(%dma_start3A_95 : memref<10000x16xf32, #tpu.memory_space<hbm>>) target(%dma_start3A_85 : memref<128x16xf32, #tpu.memory_space<vmem>>) offsets(%dma_start3A_88 : memref<128xi32, #tpu.memory_space<vmem>>) semaphore(%dma_start3A_97 : memref<!tpu.dma_semaphore, #tpu.memory_space<semaphore_mem>>)
    %dma_start3A_98 = arith.constant 4 : i32
    %dma_start3A_99 = arith.constant 4 : i32
    %dma_start3A_100 = arith.constant 4 : i32
    %dma_start3A_101 = arith.constant 0 : i32
    %dma_start3A_102 = arith.constant 0 : i32
    %dma_start3A_103 = tpu.memref_slice %arg15[%dma_start3A_99, %dma_start3A_101, %dma_start3A_102] : memref<8x128x16xf32, #tpu.memory_space<vmem>> -> memref<1x128x16xf32, #tpu.memory_space<vmem>>
    %dma_start3A_104 = tpu.memref_squeeze %dma_start3A_103 : memref<1x128x16xf32, #tpu.memory_space<vmem>> -> memref<128x16xf32, #tpu.memory_space<vmem>>
    %dma_start3A_105 = arith.constant 0 : i32
    %dma_start3A_106 = tpu.memref_slice %arg13[%dma_start3A_98, %dma_start3A_105] : memref<80x128xi32, #tpu.memory_space<vmem>> -> memref<1x128xi32, #tpu.memory_space<vmem>>
    %dma_start3A_107 = tpu.memref_squeeze %dma_start3A_106 : memref<1x128xi32, #tpu.memory_space<vmem>> -> memref<128xi32, #tpu.memory_space<vmem>>
    %dma_start3A_108 = arith.constant 0 : i32
    %dma_start3A_109 = arith.constant 0 : i32
    %dma_start3A_110 = tpu.memref_slice %arg9[%arg0, %dma_start3A_108, %dma_start3A_109] : memref<2x10000x16xf32, #tpu.memory_space<hbm>> -> memref<1x10000x16xf32, #tpu.memory_space<hbm>>
    %dma_start3A_111 = tpu.memref_squeeze %dma_start3A_110 : memref<1x10000x16xf32, #tpu.memory_space<hbm>> -> memref<10000x16xf32, #tpu.memory_space<hbm>>
    %dma_start3A_112 = arith.constant 0 : i32
    %dma_start3A_113 = arith.constant 0 : i32
    %dma_start3A_114 = tpu.memref_slice %dma_start3A_111[%dma_start3A_112, %dma_start3A_113] : memref<10000x16xf32, #tpu.memory_space<hbm>> -> memref<10000x16xf32, #tpu.memory_space<hbm>>
    %dma_start3A_115 = tpu.memref_slice %arg23[%dma_start3A_100] : memref<8x!tpu.dma_semaphore, #tpu.memory_space<semaphore_mem>> -> memref<1x!tpu.dma_semaphore, #tpu.memory_space<semaphore_mem>>
    %dma_start3A_116 = tpu.memref_squeeze %dma_start3A_115 : memref<1x!tpu.dma_semaphore, #tpu.memory_space<semaphore_mem>> -> memref<!tpu.dma_semaphore, #tpu.memory_space<semaphore_mem>>
    tpu.enqueue_indirect_dma source(%dma_start3A_114 : memref<10000x16xf32, #tpu.memory_space<hbm>>) target(%dma_start3A_104 : memref<128x16xf32, #tpu.memory_space<vmem>>) offsets(%dma_start3A_107 : memref<128xi32, #tpu.memory_space<vmem>>) semaphore(%dma_start3A_116 : memref<!tpu.dma_semaphore, #tpu.memory_space<semaphore_mem>>)
    %dma_start3A_117 = arith.constant 5 : i32
    %dma_start3A_118 = arith.constant 5 : i32
    %dma_start3A_119 = arith.constant 5 : i32
    %dma_start3A_120 = arith.constant 0 : i32
    %dma_start3A_121 = arith.constant 0 : i32
    %dma_start3A_122 = tpu.memref_slice %arg15[%dma_start3A_118, %dma_start3A_120, %dma_start3A_121] : memref<8x128x16xf32, #tpu.memory_space<vmem>> -> memref<1x128x16xf32, #tpu.memory_space<vmem>>
    %dma_start3A_123 = tpu.memref_squeeze %dma_start3A_122 : memref<1x128x16xf32, #tpu.memory_space<vmem>> -> memref<128x16xf32, #tpu.memory_space<vmem>>
    %dma_start3A_124 = arith.constant 0 : i32
    %dma_start3A_125 = tpu.memref_slice %arg13[%dma_start3A_117, %dma_start3A_124] : memref<80x128xi32, #tpu.memory_space<vmem>> -> memref<1x128xi32, #tpu.memory_space<vmem>>
    %dma_start3A_126 = tpu.memref_squeeze %dma_start3A_125 : memref<1x128xi32, #tpu.memory_space<vmem>> -> memref<128xi32, #tpu.memory_space<vmem>>
    %dma_start3A_127 = arith.constant 0 : i32
    %dma_start3A_128 = arith.constant 0 : i32
    %dma_start3A_129 = tpu.memref_slice %arg9[%arg0, %dma_start3A_127, %dma_start3A_128] : memref<2x10000x16xf32, #tpu.memory_space<hbm>> -> memref<1x10000x16xf32, #tpu.memory_space<hbm>>
    %dma_start3A_130 = tpu.memref_squeeze %dma_start3A_129 : memref<1x10000x16xf32, #tpu.memory_space<hbm>> -> memref<10000x16xf32, #tpu.memory_space<hbm>>
    %dma_start3A_131 = arith.constant 0 : i32
    %dma_start3A_132 = arith.constant 0 : i32
    %dma_start3A_133 = tpu.memref_slice %dma_start3A_130[%dma_start3A_131, %dma_start3A_132] : memref<10000x16xf32, #tpu.memory_space<hbm>> -> memref<10000x16xf32, #tpu.memory_space<hbm>>
    %dma_start3A_134 = tpu.memref_slice %arg23[%dma_start3A_119] : memref<8x!tpu.dma_semaphore, #tpu.memory_space<semaphore_mem>> -> memref<1x!tpu.dma_semaphore, #tpu.memory_space<semaphore_mem>>
    %dma_start3A_135 = tpu.memref_squeeze %dma_start3A_134 : memref<1x!tpu.dma_semaphore, #tpu.memory_space<semaphore_mem>> -> memref<!tpu.dma_semaphore, #tpu.memory_space<semaphore_mem>>
    tpu.enqueue_indirect_dma source(%dma_start3A_133 : memref<10000x16xf32, #tpu.memory_space<hbm>>) target(%dma_start3A_123 : memref<128x16xf32, #tpu.memory_space<vmem>>) offsets(%dma_start3A_126 : memref<128xi32, #tpu.memory_space<vmem>>) semaphore(%dma_start3A_135 : memref<!tpu.dma_semaphore, #tpu.memory_space<semaphore_mem>>)
    %dma_start3A_136 = arith.constant 6 : i32
    %dma_start3A_137 = arith.constant 6 : i32
    %dma_start3A_138 = arith.constant 6 : i32
    %dma_start3A_139 = arith.constant 0 : i32
    %dma_start3A_140 = arith.constant 0 : i32
    %dma_start3A_141 = tpu.memref_slice %arg15[%dma_start3A_137, %dma_start3A_139, %dma_start3A_140] : memref<8x128x16xf32, #tpu.memory_space<vmem>> -> memref<1x128x16xf32, #tpu.memory_space<vmem>>
    %dma_start3A_142 = tpu.memref_squeeze %dma_start3A_141 : memref<1x128x16xf32, #tpu.memory_space<vmem>> -> memref<128x16xf32, #tpu.memory_space<vmem>>
    %dma_start3A_143 = arith.constant 0 : i32
    %dma_start3A_144 = tpu.memref_slice %arg13[%dma_start3A_136, %dma_start3A_143] : memref<80x128xi32, #tpu.memory_space<vmem>> -> memref<1x128xi32, #tpu.memory_space<vmem>>
    %dma_start3A_145 = tpu.memref_squeeze %dma_start3A_144 : memref<1x128xi32, #tpu.memory_space<vmem>> -> memref<128xi32, #tpu.memory_space<vmem>>
    %dma_start3A_146 = arith.constant 0 : i32
    %dma_start3A_147 = arith.constant 0 : i32
    %dma_start3A_148 = tpu.memref_slice %arg9[%arg0, %dma_start3A_146, %dma_start3A_147] : memref<2x10000x16xf32, #tpu.memory_space<hbm>> -> memref<1x10000x16xf32, #tpu.memory_space<hbm>>
    %dma_start3A_149 = tpu.memref_squeeze %dma_start3A_148 : memref<1x10000x16xf32, #tpu.memory_space<hbm>> -> memref<10000x16xf32, #tpu.memory_space<hbm>>
    %dma_start3A_150 = arith.constant 0 : i32
    %dma_start3A_151 = arith.constant 0 : i32
    %dma_start3A_152 = tpu.memref_slice %dma_start3A_149[%dma_start3A_150, %dma_start3A_151] : memref<10000x16xf32, #tpu.memory_space<hbm>> -> memref<10000x16xf32, #tpu.memory_space<hbm>>
    %dma_start3A_153 = tpu.memref_slice %arg23[%dma_start3A_138] : memref<8x!tpu.dma_semaphore, #tpu.memory_space<semaphore_mem>> -> memref<1x!tpu.dma_semaphore, #tpu.memory_space<semaphore_mem>>
    %dma_start3A_154 = tpu.memref_squeeze %dma_start3A_153 : memref<1x!tpu.dma_semaphore, #tpu.memory_space<semaphore_mem>> -> memref<!tpu.dma_semaphore, #tpu.memory_space<semaphore_mem>>
    tpu.enqueue_indirect_dma source(%dma_start3A_152 : memref<10000x16xf32, #tpu.memory_space<hbm>>) target(%dma_start3A_142 : memref<128x16xf32, #tpu.memory_space<vmem>>) offsets(%dma_start3A_145 : memref<128xi32, #tpu.memory_space<vmem>>) semaphore(%dma_start3A_154 : memref<!tpu.dma_semaphore, #tpu.memory_space<semaphore_mem>>)
    %dma_start3A_155 = arith.constant 7 : i32
    %dma_start3A_156 = arith.constant 7 : i32
    %dma_start3A_157 = arith.constant 7 : i32
    %dma_start3A_158 = arith.constant 0 : i32
    %dma_start3A_159 = arith.constant 0 : i32
    %dma_start3A_160 = tpu.memref_slice %arg15[%dma_start3A_156, %dma_start3A_158, %dma_start3A_159] : memref<8x128x16xf32, #tpu.memory_space<vmem>> -> memref<1x128x16xf32, #tpu.memory_space<vmem>>
    %dma_start3A_161 = tpu.memref_squeeze %dma_start3A_160 : memref<1x128x16xf32, #tpu.memory_space<vmem>> -> memref<128x16xf32, #tpu.memory_space<vmem>>
    %dma_start3A_162 = arith.constant 0 : i32
    %dma_start3A_163 = tpu.memref_slice %arg13[%dma_start3A_155, %dma_start3A_162] : memref<80x128xi32, #tpu.memory_space<vmem>> -> memref<1x128xi32, #tpu.memory_space<vmem>>
    %dma_start3A_164 = tpu.memref_squeeze %dma_start3A_163 : memref<1x128xi32, #tpu.memory_space<vmem>> -> memref<128xi32, #tpu.memory_space<vmem>>
    %dma_start3A_165 = arith.constant 0 : i32
    %dma_start3A_166 = arith.constant 0 : i32
    %dma_start3A_167 = tpu.memref_slice %arg9[%arg0, %dma_start3A_165, %dma_start3A_166] : memref<2x10000x16xf32, #tpu.memory_space<hbm>> -> memref<1x10000x16xf32, #tpu.memory_space<hbm>>
    %dma_start3A_168 = tpu.memref_squeeze %dma_start3A_167 : memref<1x10000x16xf32, #tpu.memory_space<hbm>> -> memref<10000x16xf32, #tpu.memory_space<hbm>>
    %dma_start3A_169 = arith.constant 0 : i32
    %dma_start3A_170 = arith.constant 0 : i32
    %dma_start3A_171 = tpu.memref_slice %dma_start3A_168[%dma_start3A_169, %dma_start3A_170] : memref<10000x16xf32, #tpu.memory_space<hbm>> -> memref<10000x16xf32, #tpu.memory_space<hbm>>
    %dma_start3A_172 = tpu.memref_slice %arg23[%dma_start3A_157] : memref<8x!tpu.dma_semaphore, #tpu.memory_space<semaphore_mem>> -> memref<1x!tpu.dma_semaphore, #tpu.memory_space<semaphore_mem>>
    %dma_start3A_173 = tpu.memref_squeeze %dma_start3A_172 : memref<1x!tpu.dma_semaphore, #tpu.memory_space<semaphore_mem>> -> memref<!tpu.dma_semaphore, #tpu.memory_space<semaphore_mem>>
    tpu.enqueue_indirect_dma source(%dma_start3A_171 : memref<10000x16xf32, #tpu.memory_space<hbm>>) target(%dma_start3A_161 : memref<128x16xf32, #tpu.memory_space<vmem>>) offsets(%dma_start3A_164 : memref<128xi32, #tpu.memory_space<vmem>>) semaphore(%dma_start3A_173 : memref<!tpu.dma_semaphore, #tpu.memory_space<semaphore_mem>>)
    %scan3A_174 = arith.constant 0 : i32
    %scan3A_175 = arith.constant 0 : i32
    %scan3A_176 = arith.constant 9 : i32
    %scan3A_177 = arith.addi %scan3A_175, %scan3A_176 : i32
    %scan3A_178 = arith.constant 1 : i32
    scf.for %scan3A_582 = %scan3A_175 to %scan3A_177 step %scan3A_178  : i32 {
      %mul3A_583 = arith.constant 8 : i32
      %mul3A_584 = arith.muli %scan3A_582, %mul3A_583 : i32
      %add3A_585 = arith.constant 0 : i32
      %add3A_586 = arith.addi %mul3A_584, %add3A_585 : i32
      %dma_wait3A_587 = arith.constant 0 : i32
      %dma_wait3A_588 = arith.constant 0 : i32
      %dma_wait3A_589 = arith.constant 0 : i32
      %dma_wait3A_590 = arith.constant 0 : i32
      %dma_wait3A_591 = tpu.memref_slice %arg15[%dma_wait3A_587, %dma_wait3A_589, %dma_wait3A_590] : memref<8x128x16xf32, #tpu.memory_space<vmem>> -> memref<1x128x16xf32, #tpu.memory_space<vmem>>
      %dma_wait3A_592 = tpu.memref_squeeze %dma_wait3A_591 : memref<1x128x16xf32, #tpu.memory_space<vmem>> -> memref<128x16xf32, #tpu.memory_space<vmem>>
      %dma_wait3A_593 = arith.constant 0 : i32
      %dma_wait3A_594 = tpu.memref_slice %arg13[%add3A_586, %dma_wait3A_593] : memref<80x128xi32, #tpu.memory_space<vmem>> -> memref<1x128xi32, #tpu.memory_space<vmem>>
      %dma_wait3A_595 = tpu.memref_squeeze %dma_wait3A_594 : memref<1x128xi32, #tpu.memory_space<vmem>> -> memref<128xi32, #tpu.memory_space<vmem>>
      %dma_wait3A_596 = arith.constant 0 : i32
      %dma_wait3A_597 = arith.constant 0 : i32
      %dma_wait3A_598 = tpu.memref_slice %arg9[%arg0, %dma_wait3A_596, %dma_wait3A_597] : memref<2x10000x16xf32, #tpu.memory_space<hbm>> -> memref<1x10000x16xf32, #tpu.memory_space<hbm>>
      %dma_wait3A_599 = tpu.memref_squeeze %dma_wait3A_598 : memref<1x10000x16xf32, #tpu.memory_space<hbm>> -> memref<10000x16xf32, #tpu.memory_space<hbm>>
      %dma_wait3A_600 = arith.constant 0 : i32
      %dma_wait3A_601 = arith.constant 0 : i32
      %dma_wait3A_602 = tpu.memref_slice %dma_wait3A_599[%dma_wait3A_600, %dma_wait3A_601] : memref<10000x16xf32, #tpu.memory_space<hbm>> -> memref<10000x16xf32, #tpu.memory_space<hbm>>
      %dma_wait3A_603 = tpu.memref_slice %arg23[%dma_wait3A_588] : memref<8x!tpu.dma_semaphore, #tpu.memory_space<semaphore_mem>> -> memref<1x!tpu.dma_semaphore, #tpu.memory_space<semaphore_mem>>
      %dma_wait3A_604 = tpu.memref_squeeze %dma_wait3A_603 : memref<1x!tpu.dma_semaphore, #tpu.memory_space<semaphore_mem>> -> memref<!tpu.dma_semaphore, #tpu.memory_space<semaphore_mem>>
      tpu.wait_indirect_dma semaphore(%dma_wait3A_604 : memref<!tpu.dma_semaphore, #tpu.memory_space<semaphore_mem>>) src(%dma_wait3A_602 : memref<10000x16xf32, #tpu.memory_space<hbm>>) dst(%dma_wait3A_592 : memref<128x16xf32, #tpu.memory_space<vmem>>)
      %add3A_605 = arith.constant 0 : i32
      %add3A_606 = arith.addi %mul3A_584, %add3A_605 : i32
      %dma_start3A_607 = arith.constant 0 : i32
      %dma_start3A_608 = arith.constant 0 : i32
      %dma_start3A_609 = arith.constant 0 : i32
      %dma_start3A_610 = arith.constant 0 : i32
      %dma_start3A_611 = tpu.memref_slice %arg15[%dma_start3A_607, %dma_start3A_609, %dma_start3A_610] : memref<8x128x16xf32, #tpu.memory_space<vmem>> -> memref<1x128x16xf32, #tpu.memory_space<vmem>>
      %dma_start3A_612 = tpu.memref_squeeze %dma_start3A_611 : memref<1x128x16xf32, #tpu.memory_space<vmem>> -> memref<128x16xf32, #tpu.memory_space<vmem>>
      %dma_start3A_613 = arith.constant 0 : i32
      %dma_start3A_614 = tpu.memref_slice %arg14[%add3A_606, %dma_start3A_613] : memref<80x128xi32, #tpu.memory_space<vmem>> -> memref<1x128xi32, #tpu.memory_space<vmem>>
      %dma_start3A_615 = tpu.memref_squeeze %dma_start3A_614 : memref<1x128xi32, #tpu.memory_space<vmem>> -> memref<128xi32, #tpu.memory_space<vmem>>
      %dma_start3A_616 = arith.constant 0 : i32
      %dma_start3A_617 = arith.constant 0 : i32
      %dma_start3A_618 = tpu.memref_slice %arg22[%dma_start3A_616, %dma_start3A_617] : memref<10512x16xf32, #tpu.memory_space<vmem_shared>> -> memref<10512x16xf32, #tpu.memory_space<vmem_shared>>
      %dma_start3A_619 = tpu.memref_slice %arg24[%dma_start3A_608] : memref<8x!tpu.dma_semaphore, #tpu.memory_space<semaphore_mem>> -> memref<1x!tpu.dma_semaphore, #tpu.memory_space<semaphore_mem>>
      %dma_start3A_620 = tpu.memref_squeeze %dma_start3A_619 : memref<1x!tpu.dma_semaphore, #tpu.memory_space<semaphore_mem>> -> memref<!tpu.dma_semaphore, #tpu.memory_space<semaphore_mem>>
      tpu.enqueue_indirect_dma source(%dma_start3A_612 : memref<128x16xf32, #tpu.memory_space<vmem>>) target(%dma_start3A_618 : memref<10512x16xf32, #tpu.memory_space<vmem_shared>>) offsets(%dma_start3A_615 : memref<128xi32, #tpu.memory_space<vmem>>) semaphore(%dma_start3A_620 : memref<!tpu.dma_semaphore, #tpu.memory_space<semaphore_mem>>) {add = true}
      %add3A_621 = arith.constant 1 : i32
      %add3A_622 = arith.addi %mul3A_584, %add3A_621 : i32
      %dma_wait3A_623 = arith.constant 1 : i32
      %dma_wait3A_624 = arith.constant 1 : i32
      %dma_wait3A_625 = arith.constant 0 : i32
      %dma_wait3A_626 = arith.constant 0 : i32
      %dma_wait3A_627 = tpu.memref_slice %arg15[%dma_wait3A_623, %dma_wait3A_625, %dma_wait3A_626] : memref<8x128x16xf32, #tpu.memory_space<vmem>> -> memref<1x128x16xf32, #tpu.memory_space<vmem>>
      %dma_wait3A_628 = tpu.memref_squeeze %dma_wait3A_627 : memref<1x128x16xf32, #tpu.memory_space<vmem>> -> memref<128x16xf32, #tpu.memory_space<vmem>>
      %dma_wait3A_629 = arith.constant 0 : i32
      %dma_wait3A_630 = tpu.memref_slice %arg13[%add3A_622, %dma_wait3A_629] : memref<80x128xi32, #tpu.memory_space<vmem>> -> memref<1x128xi32, #tpu.memory_space<vmem>>
      %dma_wait3A_631 = tpu.memref_squeeze %dma_wait3A_630 : memref<1x128xi32, #tpu.memory_space<vmem>> -> memref<128xi32, #tpu.memory_space<vmem>>
      %dma_wait3A_632 = arith.constant 0 : i32
      %dma_wait3A_633 = arith.constant 0 : i32
      %dma_wait3A_634 = tpu.memref_slice %arg9[%arg0, %dma_wait3A_632, %dma_wait3A_633] : memref<2x10000x16xf32, #tpu.memory_space<hbm>> -> memref<1x10000x16xf32, #tpu.memory_space<hbm>>
      %dma_wait3A_635 = tpu.memref_squeeze %dma_wait3A_634 : memref<1x10000x16xf32, #tpu.memory_space<hbm>> -> memref<10000x16xf32, #tpu.memory_space<hbm>>
      %dma_wait3A_636 = arith.constant 0 : i32
      %dma_wait3A_637 = arith.constant 0 : i32
      %dma_wait3A_638 = tpu.memref_slice %dma_wait3A_635[%dma_wait3A_636, %dma_wait3A_637] : memref<10000x16xf32, #tpu.memory_space<hbm>> -> memref<10000x16xf32, #tpu.memory_space<hbm>>
      %dma_wait3A_639 = tpu.memref_slice %arg23[%dma_wait3A_624] : memref<8x!tpu.dma_semaphore, #tpu.memory_space<semaphore_mem>> -> memref<1x!tpu.dma_semaphore, #tpu.memory_space<semaphore_mem>>
      %dma_wait3A_640 = tpu.memref_squeeze %dma_wait3A_639 : memref<1x!tpu.dma_semaphore, #tpu.memory_space<semaphore_mem>> -> memref<!tpu.dma_semaphore, #tpu.memory_space<semaphore_mem>>
      tpu.wait_indirect_dma semaphore(%dma_wait3A_640 : memref<!tpu.dma_semaphore, #tpu.memory_space<semaphore_mem>>) src(%dma_wait3A_638 : memref<10000x16xf32, #tpu.memory_space<hbm>>) dst(%dma_wait3A_628 : memref<128x16xf32, #tpu.memory_space<vmem>>)
      %add3A_641 = arith.constant 1 : i32
      %add3A_642 = arith.addi %mul3A_584, %add3A_641 : i32
      %dma_start3A_643 = arith.constant 1 : i32
      %dma_start3A_644 = arith.constant 1 : i32
      %dma_start3A_645 = arith.constant 0 : i32
      %dma_start3A_646 = arith.constant 0 : i32
      %dma_start3A_647 = tpu.memref_slice %arg15[%dma_start3A_643, %dma_start3A_645, %dma_start3A_646] : memref<8x128x16xf32, #tpu.memory_space<vmem>> -> memref<1x128x16xf32, #tpu.memory_space<vmem>>
      %dma_start3A_648 = tpu.memref_squeeze %dma_start3A_647 : memref<1x128x16xf32, #tpu.memory_space<vmem>> -> memref<128x16xf32, #tpu.memory_space<vmem>>
      %dma_start3A_649 = arith.constant 0 : i32
      %dma_start3A_650 = tpu.memref_slice %arg14[%add3A_642, %dma_start3A_649] : memref<80x128xi32, #tpu.memory_space<vmem>> -> memref<1x128xi32, #tpu.memory_space<vmem>>
      %dma_start3A_651 = tpu.memref_squeeze %dma_start3A_650 : memref<1x128xi32, #tpu.memory_space<vmem>> -> memref<128xi32, #tpu.memory_space<vmem>>
      %dma_start3A_652 = arith.constant 0 : i32
      %dma_start3A_653 = arith.constant 0 : i32
      %dma_start3A_654 = tpu.memref_slice %arg22[%dma_start3A_652, %dma_start3A_653] : memref<10512x16xf32, #tpu.memory_space<vmem_shared>> -> memref<10512x16xf32, #tpu.memory_space<vmem_shared>>
      %dma_start3A_655 = tpu.memref_slice %arg24[%dma_start3A_644] : memref<8x!tpu.dma_semaphore, #tpu.memory_space<semaphore_mem>> -> memref<1x!tpu.dma_semaphore, #tpu.memory_space<semaphore_mem>>
      %dma_start3A_656 = tpu.memref_squeeze %dma_start3A_655 : memref<1x!tpu.dma_semaphore, #tpu.memory_space<semaphore_mem>> -> memref<!tpu.dma_semaphore, #tpu.memory_space<semaphore_mem>>
      tpu.enqueue_indirect_dma source(%dma_start3A_648 : memref<128x16xf32, #tpu.memory_space<vmem>>) target(%dma_start3A_654 : memref<10512x16xf32, #tpu.memory_space<vmem_shared>>) offsets(%dma_start3A_651 : memref<128xi32, #tpu.memory_space<vmem>>) semaphore(%dma_start3A_656 : memref<!tpu.dma_semaphore, #tpu.memory_space<semaphore_mem>>) {add = true}
      %add3A_657 = arith.constant 2 : i32
      %add3A_658 = arith.addi %mul3A_584, %add3A_657 : i32
      %dma_wait3A_659 = arith.constant 2 : i32
      %dma_wait3A_660 = arith.constant 2 : i32
      %dma_wait3A_661 = arith.constant 0 : i32
      %dma_wait3A_662 = arith.constant 0 : i32
      %dma_wait3A_663 = tpu.memref_slice %arg15[%dma_wait3A_659, %dma_wait3A_661, %dma_wait3A_662] : memref<8x128x16xf32, #tpu.memory_space<vmem>> -> memref<1x128x16xf32, #tpu.memory_space<vmem>>
      %dma_wait3A_664 = tpu.memref_squeeze %dma_wait3A_663 : memref<1x128x16xf32, #tpu.memory_space<vmem>> -> memref<128x16xf32, #tpu.memory_space<vmem>>
      %dma_wait3A_665 = arith.constant 0 : i32
      %dma_wait3A_666 = tpu.memref_slice %arg13[%add3A_658, %dma_wait3A_665] : memref<80x128xi32, #tpu.memory_space<vmem>> -> memref<1x128xi32, #tpu.memory_space<vmem>>
      %dma_wait3A_667 = tpu.memref_squeeze %dma_wait3A_666 : memref<1x128xi32, #tpu.memory_space<vmem>> -> memref<128xi32, #tpu.memory_space<vmem>>
      %dma_wait3A_668 = arith.constant 0 : i32
      %dma_wait3A_669 = arith.constant 0 : i32
      %dma_wait3A_670 = tpu.memref_slice %arg9[%arg0, %dma_wait3A_668, %dma_wait3A_669] : memref<2x10000x16xf32, #tpu.memory_space<hbm>> -> memref<1x10000x16xf32, #tpu.memory_space<hbm>>
      %dma_wait3A_671 = tpu.memref_squeeze %dma_wait3A_670 : memref<1x10000x16xf32, #tpu.memory_space<hbm>> -> memref<10000x16xf32, #tpu.memory_space<hbm>>
      %dma_wait3A_672 = arith.constant 0 : i32
      %dma_wait3A_673 = arith.constant 0 : i32
      %dma_wait3A_674 = tpu.memref_slice %dma_wait3A_671[%dma_wait3A_672, %dma_wait3A_673] : memref<10000x16xf32, #tpu.memory_space<hbm>> -> memref<10000x16xf32, #tpu.memory_space<hbm>>
      %dma_wait3A_675 = tpu.memref_slice %arg23[%dma_wait3A_660] : memref<8x!tpu.dma_semaphore, #tpu.memory_space<semaphore_mem>> -> memref<1x!tpu.dma_semaphore, #tpu.memory_space<semaphore_mem>>
      %dma_wait3A_676 = tpu.memref_squeeze %dma_wait3A_675 : memref<1x!tpu.dma_semaphore, #tpu.memory_space<semaphore_mem>> -> memref<!tpu.dma_semaphore, #tpu.memory_space<semaphore_mem>>
      tpu.wait_indirect_dma semaphore(%dma_wait3A_676 : memref<!tpu.dma_semaphore, #tpu.memory_space<semaphore_mem>>) src(%dma_wait3A_674 : memref<10000x16xf32, #tpu.memory_space<hbm>>) dst(%dma_wait3A_664 : memref<128x16xf32, #tpu.memory_space<vmem>>)
      %add3A_677 = arith.constant 2 : i32
      %add3A_678 = arith.addi %mul3A_584, %add3A_677 : i32
      %dma_start3A_679 = arith.constant 2 : i32
      %dma_start3A_680 = arith.constant 2 : i32
      %dma_start3A_681 = arith.constant 0 : i32
      %dma_start3A_682 = arith.constant 0 : i32
      %dma_start3A_683 = tpu.memref_slice %arg15[%dma_start3A_679, %dma_start3A_681, %dma_start3A_682] : memref<8x128x16xf32, #tpu.memory_space<vmem>> -> memref<1x128x16xf32, #tpu.memory_space<vmem>>
      %dma_start3A_684 = tpu.memref_squeeze %dma_start3A_683 : memref<1x128x16xf32, #tpu.memory_space<vmem>> -> memref<128x16xf32, #tpu.memory_space<vmem>>
      %dma_start3A_685 = arith.constant 0 : i32
      %dma_start3A_686 = tpu.memref_slice %arg14[%add3A_678, %dma_start3A_685] : memref<80x128xi32, #tpu.memory_space<vmem>> -> memref<1x128xi32, #tpu.memory_space<vmem>>
      %dma_start3A_687 = tpu.memref_squeeze %dma_start3A_686 : memref<1x128xi32, #tpu.memory_space<vmem>> -> memref<128xi32, #tpu.memory_space<vmem>>
      %dma_start3A_688 = arith.constant 0 : i32
      %dma_start3A_689 = arith.constant 0 : i32
      %dma_start3A_690 = tpu.memref_slice %arg22[%dma_start3A_688, %dma_start3A_689] : memref<10512x16xf32, #tpu.memory_space<vmem_shared>> -> memref<10512x16xf32, #tpu.memory_space<vmem_shared>>
      %dma_start3A_691 = tpu.memref_slice %arg24[%dma_start3A_680] : memref<8x!tpu.dma_semaphore, #tpu.memory_space<semaphore_mem>> -> memref<1x!tpu.dma_semaphore, #tpu.memory_space<semaphore_mem>>
      %dma_start3A_692 = tpu.memref_squeeze %dma_start3A_691 : memref<1x!tpu.dma_semaphore, #tpu.memory_space<semaphore_mem>> -> memref<!tpu.dma_semaphore, #tpu.memory_space<semaphore_mem>>
      tpu.enqueue_indirect_dma source(%dma_start3A_684 : memref<128x16xf32, #tpu.memory_space<vmem>>) target(%dma_start3A_690 : memref<10512x16xf32, #tpu.memory_space<vmem_shared>>) offsets(%dma_start3A_687 : memref<128xi32, #tpu.memory_space<vmem>>) semaphore(%dma_start3A_692 : memref<!tpu.dma_semaphore, #tpu.memory_space<semaphore_mem>>) {add = true}
      %add3A_693 = arith.constant 3 : i32
      %add3A_694 = arith.addi %mul3A_584, %add3A_693 : i32
      %dma_wait3A_695 = arith.constant 3 : i32
      %dma_wait3A_696 = arith.constant 3 : i32
      %dma_wait3A_697 = arith.constant 0 : i32
      %dma_wait3A_698 = arith.constant 0 : i32
      %dma_wait3A_699 = tpu.memref_slice %arg15[%dma_wait3A_695, %dma_wait3A_697, %dma_wait3A_698] : memref<8x128x16xf32, #tpu.memory_space<vmem>> -> memref<1x128x16xf32, #tpu.memory_space<vmem>>
      %dma_wait3A_700 = tpu.memref_squeeze %dma_wait3A_699 : memref<1x128x16xf32, #tpu.memory_space<vmem>> -> memref<128x16xf32, #tpu.memory_space<vmem>>
      %dma_wait3A_701 = arith.constant 0 : i32
      %dma_wait3A_702 = tpu.memref_slice %arg13[%add3A_694, %dma_wait3A_701] : memref<80x128xi32, #tpu.memory_space<vmem>> -> memref<1x128xi32, #tpu.memory_space<vmem>>
      %dma_wait3A_703 = tpu.memref_squeeze %dma_wait3A_702 : memref<1x128xi32, #tpu.memory_space<vmem>> -> memref<128xi32, #tpu.memory_space<vmem>>
      %dma_wait3A_704 = arith.constant 0 : i32
      %dma_wait3A_705 = arith.constant 0 : i32
      %dma_wait3A_706 = tpu.memref_slice %arg9[%arg0, %dma_wait3A_704, %dma_wait3A_705] : memref<2x10000x16xf32, #tpu.memory_space<hbm>> -> memref<1x10000x16xf32, #tpu.memory_space<hbm>>
      %dma_wait3A_707 = tpu.memref_squeeze %dma_wait3A_706 : memref<1x10000x16xf32, #tpu.memory_space<hbm>> -> memref<10000x16xf32, #tpu.memory_space<hbm>>
      %dma_wait3A_708 = arith.constant 0 : i32
      %dma_wait3A_709 = arith.constant 0 : i32
      %dma_wait3A_710 = tpu.memref_slice %dma_wait3A_707[%dma_wait3A_708, %dma_wait3A_709] : memref<10000x16xf32, #tpu.memory_space<hbm>> -> memref<10000x16xf32, #tpu.memory_space<hbm>>
      %dma_wait3A_711 = tpu.memref_slice %arg23[%dma_wait3A_696] : memref<8x!tpu.dma_semaphore, #tpu.memory_space<semaphore_mem>> -> memref<1x!tpu.dma_semaphore, #tpu.memory_space<semaphore_mem>>
      %dma_wait3A_712 = tpu.memref_squeeze %dma_wait3A_711 : memref<1x!tpu.dma_semaphore, #tpu.memory_space<semaphore_mem>> -> memref<!tpu.dma_semaphore, #tpu.memory_space<semaphore_mem>>
      tpu.wait_indirect_dma semaphore(%dma_wait3A_712 : memref<!tpu.dma_semaphore, #tpu.memory_space<semaphore_mem>>) src(%dma_wait3A_710 : memref<10000x16xf32, #tpu.memory_space<hbm>>) dst(%dma_wait3A_700 : memref<128x16xf32, #tpu.memory_space<vmem>>)
      %add3A_713 = arith.constant 3 : i32
      %add3A_714 = arith.addi %mul3A_584, %add3A_713 : i32
      %dma_start3A_715 = arith.constant 3 : i32
      %dma_start3A_716 = arith.constant 3 : i32
      %dma_start3A_717 = arith.constant 0 : i32
      %dma_start3A_718 = arith.constant 0 : i32
      %dma_start3A_719 = tpu.memref_slice %arg15[%dma_start3A_715, %dma_start3A_717, %dma_start3A_718] : memref<8x128x16xf32, #tpu.memory_space<vmem>> -> memref<1x128x16xf32, #tpu.memory_space<vmem>>
      %dma_start3A_720 = tpu.memref_squeeze %dma_start3A_719 : memref<1x128x16xf32, #tpu.memory_space<vmem>> -> memref<128x16xf32, #tpu.memory_space<vmem>>
      %dma_start3A_721 = arith.constant 0 : i32
      %dma_start3A_722 = tpu.memref_slice %arg14[%add3A_714, %dma_start3A_721] : memref<80x128xi32, #tpu.memory_space<vmem>> -> memref<1x128xi32, #tpu.memory_space<vmem>>
      %dma_start3A_723 = tpu.memref_squeeze %dma_start3A_722 : memref<1x128xi32, #tpu.memory_space<vmem>> -> memref<128xi32, #tpu.memory_space<vmem>>
      %dma_start3A_724 = arith.constant 0 : i32
      %dma_start3A_725 = arith.constant 0 : i32
      %dma_start3A_726 = tpu.memref_slice %arg22[%dma_start3A_724, %dma_start3A_725] : memref<10512x16xf32, #tpu.memory_space<vmem_shared>> -> memref<10512x16xf32, #tpu.memory_space<vmem_shared>>
      %dma_start3A_727 = tpu.memref_slice %arg24[%dma_start3A_716] : memref<8x!tpu.dma_semaphore, #tpu.memory_space<semaphore_mem>> -> memref<1x!tpu.dma_semaphore, #tpu.memory_space<semaphore_mem>>
      %dma_start3A_728 = tpu.memref_squeeze %dma_start3A_727 : memref<1x!tpu.dma_semaphore, #tpu.memory_space<semaphore_mem>> -> memref<!tpu.dma_semaphore, #tpu.memory_space<semaphore_mem>>
      tpu.enqueue_indirect_dma source(%dma_start3A_720 : memref<128x16xf32, #tpu.memory_space<vmem>>) target(%dma_start3A_726 : memref<10512x16xf32, #tpu.memory_space<vmem_shared>>) offsets(%dma_start3A_723 : memref<128xi32, #tpu.memory_space<vmem>>) semaphore(%dma_start3A_728 : memref<!tpu.dma_semaphore, #tpu.memory_space<semaphore_mem>>) {add = true}
      %add3A_729 = arith.constant 4 : i32
      %add3A_730 = arith.addi %mul3A_584, %add3A_729 : i32
      %dma_wait3A_731 = arith.constant 4 : i32
      %dma_wait3A_732 = arith.constant 4 : i32
      %dma_wait3A_733 = arith.constant 0 : i32
      %dma_wait3A_734 = arith.constant 0 : i32
      %dma_wait3A_735 = tpu.memref_slice %arg15[%dma_wait3A_731, %dma_wait3A_733, %dma_wait3A_734] : memref<8x128x16xf32, #tpu.memory_space<vmem>> -> memref<1x128x16xf32, #tpu.memory_space<vmem>>
      %dma_wait3A_736 = tpu.memref_squeeze %dma_wait3A_735 : memref<1x128x16xf32, #tpu.memory_space<vmem>> -> memref<128x16xf32, #tpu.memory_space<vmem>>
      %dma_wait3A_737 = arith.constant 0 : i32
      %dma_wait3A_738 = tpu.memref_slice %arg13[%add3A_730, %dma_wait3A_737] : memref<80x128xi32, #tpu.memory_space<vmem>> -> memref<1x128xi32, #tpu.memory_space<vmem>>
      %dma_wait3A_739 = tpu.memref_squeeze %dma_wait3A_738 : memref<1x128xi32, #tpu.memory_space<vmem>> -> memref<128xi32, #tpu.memory_space<vmem>>
      %dma_wait3A_740 = arith.constant 0 : i32
      %dma_wait3A_741 = arith.constant 0 : i32
      %dma_wait3A_742 = tpu.memref_slice %arg9[%arg0, %dma_wait3A_740, %dma_wait3A_741] : memref<2x10000x16xf32, #tpu.memory_space<hbm>> -> memref<1x10000x16xf32, #tpu.memory_space<hbm>>
      %dma_wait3A_743 = tpu.memref_squeeze %dma_wait3A_742 : memref<1x10000x16xf32, #tpu.memory_space<hbm>> -> memref<10000x16xf32, #tpu.memory_space<hbm>>
      %dma_wait3A_744 = arith.constant 0 : i32
      %dma_wait3A_745 = arith.constant 0 : i32
      %dma_wait3A_746 = tpu.memref_slice %dma_wait3A_743[%dma_wait3A_744, %dma_wait3A_745] : memref<10000x16xf32, #tpu.memory_space<hbm>> -> memref<10000x16xf32, #tpu.memory_space<hbm>>
      %dma_wait3A_747 = tpu.memref_slice %arg23[%dma_wait3A_732] : memref<8x!tpu.dma_semaphore, #tpu.memory_space<semaphore_mem>> -> memref<1x!tpu.dma_semaphore, #tpu.memory_space<semaphore_mem>>
      %dma_wait3A_748 = tpu.memref_squeeze %dma_wait3A_747 : memref<1x!tpu.dma_semaphore, #tpu.memory_space<semaphore_mem>> -> memref<!tpu.dma_semaphore, #tpu.memory_space<semaphore_mem>>
      tpu.wait_indirect_dma semaphore(%dma_wait3A_748 : memref<!tpu.dma_semaphore, #tpu.memory_space<semaphore_mem>>) src(%dma_wait3A_746 : memref<10000x16xf32, #tpu.memory_space<hbm>>) dst(%dma_wait3A_736 : memref<128x16xf32, #tpu.memory_space<vmem>>)
      %add3A_749 = arith.constant 4 : i32
      %add3A_750 = arith.addi %mul3A_584, %add3A_749 : i32
      %dma_start3A_751 = arith.constant 4 : i32
      %dma_start3A_752 = arith.constant 4 : i32
      %dma_start3A_753 = arith.constant 0 : i32
      %dma_start3A_754 = arith.constant 0 : i32
      %dma_start3A_755 = tpu.memref_slice %arg15[%dma_start3A_751, %dma_start3A_753, %dma_start3A_754] : memref<8x128x16xf32, #tpu.memory_space<vmem>> -> memref<1x128x16xf32, #tpu.memory_space<vmem>>
      %dma_start3A_756 = tpu.memref_squeeze %dma_start3A_755 : memref<1x128x16xf32, #tpu.memory_space<vmem>> -> memref<128x16xf32, #tpu.memory_space<vmem>>
      %dma_start3A_757 = arith.constant 0 : i32
      %dma_start3A_758 = tpu.memref_slice %arg14[%add3A_750, %dma_start3A_757] : memref<80x128xi32, #tpu.memory_space<vmem>> -> memref<1x128xi32, #tpu.memory_space<vmem>>
      %dma_start3A_759 = tpu.memref_squeeze %dma_start3A_758 : memref<1x128xi32, #tpu.memory_space<vmem>> -> memref<128xi32, #tpu.memory_space<vmem>>
      %dma_start3A_760 = arith.constant 0 : i32
      %dma_start3A_761 = arith.constant 0 : i32
      %dma_start3A_762 = tpu.memref_slice %arg22[%dma_start3A_760, %dma_start3A_761] : memref<10512x16xf32, #tpu.memory_space<vmem_shared>> -> memref<10512x16xf32, #tpu.memory_space<vmem_shared>>
      %dma_start3A_763 = tpu.memref_slice %arg24[%dma_start3A_752] : memref<8x!tpu.dma_semaphore, #tpu.memory_space<semaphore_mem>> -> memref<1x!tpu.dma_semaphore, #tpu.memory_space<semaphore_mem>>
      %dma_start3A_764 = tpu.memref_squeeze %dma_start3A_763 : memref<1x!tpu.dma_semaphore, #tpu.memory_space<semaphore_mem>> -> memref<!tpu.dma_semaphore, #tpu.memory_space<semaphore_mem>>
      tpu.enqueue_indirect_dma source(%dma_start3A_756 : memref<128x16xf32, #tpu.memory_space<vmem>>) target(%dma_start3A_762 : memref<10512x16xf32, #tpu.memory_space<vmem_shared>>) offsets(%dma_start3A_759 : memref<128xi32, #tpu.memory_space<vmem>>) semaphore(%dma_start3A_764 : memref<!tpu.dma_semaphore, #tpu.memory_space<semaphore_mem>>) {add = true}
      %add3A_765 = arith.constant 5 : i32
      %add3A_766 = arith.addi %mul3A_584, %add3A_765 : i32
      %dma_wait3A_767 = arith.constant 5 : i32
      %dma_wait3A_768 = arith.constant 5 : i32
      %dma_wait3A_769 = arith.constant 0 : i32
      %dma_wait3A_770 = arith.constant 0 : i32
      %dma_wait3A_771 = tpu.memref_slice %arg15[%dma_wait3A_767, %dma_wait3A_769, %dma_wait3A_770] : memref<8x128x16xf32, #tpu.memory_space<vmem>> -> memref<1x128x16xf32, #tpu.memory_space<vmem>>
      %dma_wait3A_772 = tpu.memref_squeeze %dma_wait3A_771 : memref<1x128x16xf32, #tpu.memory_space<vmem>> -> memref<128x16xf32, #tpu.memory_space<vmem>>
      %dma_wait3A_773 = arith.constant 0 : i32
      %dma_wait3A_774 = tpu.memref_slice %arg13[%add3A_766, %dma_wait3A_773] : memref<80x128xi32, #tpu.memory_space<vmem>> -> memref<1x128xi32, #tpu.memory_space<vmem>>
      %dma_wait3A_775 = tpu.memref_squeeze %dma_wait3A_774 : memref<1x128xi32, #tpu.memory_space<vmem>> -> memref<128xi32, #tpu.memory_space<vmem>>
      %dma_wait3A_776 = arith.constant 0 : i32
      %dma_wait3A_777 = arith.constant 0 : i32
      %dma_wait3A_778 = tpu.memref_slice %arg9[%arg0, %dma_wait3A_776, %dma_wait3A_777] : memref<2x10000x16xf32, #tpu.memory_space<hbm>> -> memref<1x10000x16xf32, #tpu.memory_space<hbm>>
      %dma_wait3A_779 = tpu.memref_squeeze %dma_wait3A_778 : memref<1x10000x16xf32, #tpu.memory_space<hbm>> -> memref<10000x16xf32, #tpu.memory_space<hbm>>
      %dma_wait3A_780 = arith.constant 0 : i32
      %dma_wait3A_781 = arith.constant 0 : i32
      %dma_wait3A_782 = tpu.memref_slice %dma_wait3A_779[%dma_wait3A_780, %dma_wait3A_781] : memref<10000x16xf32, #tpu.memory_space<hbm>> -> memref<10000x16xf32, #tpu.memory_space<hbm>>
      %dma_wait3A_783 = tpu.memref_slice %arg23[%dma_wait3A_768] : memref<8x!tpu.dma_semaphore, #tpu.memory_space<semaphore_mem>> -> memref<1x!tpu.dma_semaphore, #tpu.memory_space<semaphore_mem>>
      %dma_wait3A_784 = tpu.memref_squeeze %dma_wait3A_783 : memref<1x!tpu.dma_semaphore, #tpu.memory_space<semaphore_mem>> -> memref<!tpu.dma_semaphore, #tpu.memory_space<semaphore_mem>>
      tpu.wait_indirect_dma semaphore(%dma_wait3A_784 : memref<!tpu.dma_semaphore, #tpu.memory_space<semaphore_mem>>) src(%dma_wait3A_782 : memref<10000x16xf32, #tpu.memory_space<hbm>>) dst(%dma_wait3A_772 : memref<128x16xf32, #tpu.memory_space<vmem>>)
      %add3A_785 = arith.constant 5 : i32
      %add3A_786 = arith.addi %mul3A_584, %add3A_785 : i32
      %dma_start3A_787 = arith.constant 5 : i32
      %dma_start3A_788 = arith.constant 5 : i32
      %dma_start3A_789 = arith.constant 0 : i32
      %dma_start3A_790 = arith.constant 0 : i32
      %dma_start3A_791 = tpu.memref_slice %arg15[%dma_start3A_787, %dma_start3A_789, %dma_start3A_790] : memref<8x128x16xf32, #tpu.memory_space<vmem>> -> memref<1x128x16xf32, #tpu.memory_space<vmem>>
      %dma_start3A_792 = tpu.memref_squeeze %dma_start3A_791 : memref<1x128x16xf32, #tpu.memory_space<vmem>> -> memref<128x16xf32, #tpu.memory_space<vmem>>
      %dma_start3A_793 = arith.constant 0 : i32
      %dma_start3A_794 = tpu.memref_slice %arg14[%add3A_786, %dma_start3A_793] : memref<80x128xi32, #tpu.memory_space<vmem>> -> memref<1x128xi32, #tpu.memory_space<vmem>>
      %dma_start3A_795 = tpu.memref_squeeze %dma_start3A_794 : memref<1x128xi32, #tpu.memory_space<vmem>> -> memref<128xi32, #tpu.memory_space<vmem>>
      %dma_start3A_796 = arith.constant 0 : i32
      %dma_start3A_797 = arith.constant 0 : i32
      %dma_start3A_798 = tpu.memref_slice %arg22[%dma_start3A_796, %dma_start3A_797] : memref<10512x16xf32, #tpu.memory_space<vmem_shared>> -> memref<10512x16xf32, #tpu.memory_space<vmem_shared>>
      %dma_start3A_799 = tpu.memref_slice %arg24[%dma_start3A_788] : memref<8x!tpu.dma_semaphore, #tpu.memory_space<semaphore_mem>> -> memref<1x!tpu.dma_semaphore, #tpu.memory_space<semaphore_mem>>
      %dma_start3A_800 = tpu.memref_squeeze %dma_start3A_799 : memref<1x!tpu.dma_semaphore, #tpu.memory_space<semaphore_mem>> -> memref<!tpu.dma_semaphore, #tpu.memory_space<semaphore_mem>>
      tpu.enqueue_indirect_dma source(%dma_start3A_792 : memref<128x16xf32, #tpu.memory_space<vmem>>) target(%dma_start3A_798 : memref<10512x16xf32, #tpu.memory_space<vmem_shared>>) offsets(%dma_start3A_795 : memref<128xi32, #tpu.memory_space<vmem>>) semaphore(%dma_start3A_800 : memref<!tpu.dma_semaphore, #tpu.memory_space<semaphore_mem>>) {add = true}
      %add3A_801 = arith.constant 6 : i32
      %add3A_802 = arith.addi %mul3A_584, %add3A_801 : i32
      %dma_wait3A_803 = arith.constant 6 : i32
      %dma_wait3A_804 = arith.constant 6 : i32
      %dma_wait3A_805 = arith.constant 0 : i32
      %dma_wait3A_806 = arith.constant 0 : i32
      %dma_wait3A_807 = tpu.memref_slice %arg15[%dma_wait3A_803, %dma_wait3A_805, %dma_wait3A_806] : memref<8x128x16xf32, #tpu.memory_space<vmem>> -> memref<1x128x16xf32, #tpu.memory_space<vmem>>
      %dma_wait3A_808 = tpu.memref_squeeze %dma_wait3A_807 : memref<1x128x16xf32, #tpu.memory_space<vmem>> -> memref<128x16xf32, #tpu.memory_space<vmem>>
      %dma_wait3A_809 = arith.constant 0 : i32
      %dma_wait3A_810 = tpu.memref_slice %arg13[%add3A_802, %dma_wait3A_809] : memref<80x128xi32, #tpu.memory_space<vmem>> -> memref<1x128xi32, #tpu.memory_space<vmem>>
      %dma_wait3A_811 = tpu.memref_squeeze %dma_wait3A_810 : memref<1x128xi32, #tpu.memory_space<vmem>> -> memref<128xi32, #tpu.memory_space<vmem>>
      %dma_wait3A_812 = arith.constant 0 : i32
      %dma_wait3A_813 = arith.constant 0 : i32
      %dma_wait3A_814 = tpu.memref_slice %arg9[%arg0, %dma_wait3A_812, %dma_wait3A_813] : memref<2x10000x16xf32, #tpu.memory_space<hbm>> -> memref<1x10000x16xf32, #tpu.memory_space<hbm>>
      %dma_wait3A_815 = tpu.memref_squeeze %dma_wait3A_814 : memref<1x10000x16xf32, #tpu.memory_space<hbm>> -> memref<10000x16xf32, #tpu.memory_space<hbm>>
      %dma_wait3A_816 = arith.constant 0 : i32
      %dma_wait3A_817 = arith.constant 0 : i32
      %dma_wait3A_818 = tpu.memref_slice %dma_wait3A_815[%dma_wait3A_816, %dma_wait3A_817] : memref<10000x16xf32, #tpu.memory_space<hbm>> -> memref<10000x16xf32, #tpu.memory_space<hbm>>
      %dma_wait3A_819 = tpu.memref_slice %arg23[%dma_wait3A_804] : memref<8x!tpu.dma_semaphore, #tpu.memory_space<semaphore_mem>> -> memref<1x!tpu.dma_semaphore, #tpu.memory_space<semaphore_mem>>
      %dma_wait3A_820 = tpu.memref_squeeze %dma_wait3A_819 : memref<1x!tpu.dma_semaphore, #tpu.memory_space<semaphore_mem>> -> memref<!tpu.dma_semaphore, #tpu.memory_space<semaphore_mem>>
      tpu.wait_indirect_dma semaphore(%dma_wait3A_820 : memref<!tpu.dma_semaphore, #tpu.memory_space<semaphore_mem>>) src(%dma_wait3A_818 : memref<10000x16xf32, #tpu.memory_space<hbm>>) dst(%dma_wait3A_808 : memref<128x16xf32, #tpu.memory_space<vmem>>)
      %add3A_821 = arith.constant 6 : i32
      %add3A_822 = arith.addi %mul3A_584, %add3A_821 : i32
      %dma_start3A_823 = arith.constant 6 : i32
      %dma_start3A_824 = arith.constant 6 : i32
      %dma_start3A_825 = arith.constant 0 : i32
      %dma_start3A_826 = arith.constant 0 : i32
      %dma_start3A_827 = tpu.memref_slice %arg15[%dma_start3A_823, %dma_start3A_825, %dma_start3A_826] : memref<8x128x16xf32, #tpu.memory_space<vmem>> -> memref<1x128x16xf32, #tpu.memory_space<vmem>>
      %dma_start3A_828 = tpu.memref_squeeze %dma_start3A_827 : memref<1x128x16xf32, #tpu.memory_space<vmem>> -> memref<128x16xf32, #tpu.memory_space<vmem>>
      %dma_start3A_829 = arith.constant 0 : i32
      %dma_start3A_830 = tpu.memref_slice %arg14[%add3A_822, %dma_start3A_829] : memref<80x128xi32, #tpu.memory_space<vmem>> -> memref<1x128xi32, #tpu.memory_space<vmem>>
      %dma_start3A_831 = tpu.memref_squeeze %dma_start3A_830 : memref<1x128xi32, #tpu.memory_space<vmem>> -> memref<128xi32, #tpu.memory_space<vmem>>
      %dma_start3A_832 = arith.constant 0 : i32
      %dma_start3A_833 = arith.constant 0 : i32
      %dma_start3A_834 = tpu.memref_slice %arg22[%dma_start3A_832, %dma_start3A_833] : memref<10512x16xf32, #tpu.memory_space<vmem_shared>> -> memref<10512x16xf32, #tpu.memory_space<vmem_shared>>
      %dma_start3A_835 = tpu.memref_slice %arg24[%dma_start3A_824] : memref<8x!tpu.dma_semaphore, #tpu.memory_space<semaphore_mem>> -> memref<1x!tpu.dma_semaphore, #tpu.memory_space<semaphore_mem>>
      %dma_start3A_836 = tpu.memref_squeeze %dma_start3A_835 : memref<1x!tpu.dma_semaphore, #tpu.memory_space<semaphore_mem>> -> memref<!tpu.dma_semaphore, #tpu.memory_space<semaphore_mem>>
      tpu.enqueue_indirect_dma source(%dma_start3A_828 : memref<128x16xf32, #tpu.memory_space<vmem>>) target(%dma_start3A_834 : memref<10512x16xf32, #tpu.memory_space<vmem_shared>>) offsets(%dma_start3A_831 : memref<128xi32, #tpu.memory_space<vmem>>) semaphore(%dma_start3A_836 : memref<!tpu.dma_semaphore, #tpu.memory_space<semaphore_mem>>) {add = true}
      %add3A_837 = arith.constant 7 : i32
      %add3A_838 = arith.addi %mul3A_584, %add3A_837 : i32
      %dma_wait3A_839 = arith.constant 7 : i32
      %dma_wait3A_840 = arith.constant 7 : i32
      %dma_wait3A_841 = arith.constant 0 : i32
      %dma_wait3A_842 = arith.constant 0 : i32
      %dma_wait3A_843 = tpu.memref_slice %arg15[%dma_wait3A_839, %dma_wait3A_841, %dma_wait3A_842] : memref<8x128x16xf32, #tpu.memory_space<vmem>> -> memref<1x128x16xf32, #tpu.memory_space<vmem>>
      %dma_wait3A_844 = tpu.memref_squeeze %dma_wait3A_843 : memref<1x128x16xf32, #tpu.memory_space<vmem>> -> memref<128x16xf32, #tpu.memory_space<vmem>>
      %dma_wait3A_845 = arith.constant 0 : i32
      %dma_wait3A_846 = tpu.memref_slice %arg13[%add3A_838, %dma_wait3A_845] : memref<80x128xi32, #tpu.memory_space<vmem>> -> memref<1x128xi32, #tpu.memory_space<vmem>>
      %dma_wait3A_847 = tpu.memref_squeeze %dma_wait3A_846 : memref<1x128xi32, #tpu.memory_space<vmem>> -> memref<128xi32, #tpu.memory_space<vmem>>
      %dma_wait3A_848 = arith.constant 0 : i32
      %dma_wait3A_849 = arith.constant 0 : i32
      %dma_wait3A_850 = tpu.memref_slice %arg9[%arg0, %dma_wait3A_848, %dma_wait3A_849] : memref<2x10000x16xf32, #tpu.memory_space<hbm>> -> memref<1x10000x16xf32, #tpu.memory_space<hbm>>
      %dma_wait3A_851 = tpu.memref_squeeze %dma_wait3A_850 : memref<1x10000x16xf32, #tpu.memory_space<hbm>> -> memref<10000x16xf32, #tpu.memory_space<hbm>>
      %dma_wait3A_852 = arith.constant 0 : i32
      %dma_wait3A_853 = arith.constant 0 : i32
      %dma_wait3A_854 = tpu.memref_slice %dma_wait3A_851[%dma_wait3A_852, %dma_wait3A_853] : memref<10000x16xf32, #tpu.memory_space<hbm>> -> memref<10000x16xf32, #tpu.memory_space<hbm>>
      %dma_wait3A_855 = tpu.memref_slice %arg23[%dma_wait3A_840] : memref<8x!tpu.dma_semaphore, #tpu.memory_space<semaphore_mem>> -> memref<1x!tpu.dma_semaphore, #tpu.memory_space<semaphore_mem>>
      %dma_wait3A_856 = tpu.memref_squeeze %dma_wait3A_855 : memref<1x!tpu.dma_semaphore, #tpu.memory_space<semaphore_mem>> -> memref<!tpu.dma_semaphore, #tpu.memory_space<semaphore_mem>>
      tpu.wait_indirect_dma semaphore(%dma_wait3A_856 : memref<!tpu.dma_semaphore, #tpu.memory_space<semaphore_mem>>) src(%dma_wait3A_854 : memref<10000x16xf32, #tpu.memory_space<hbm>>) dst(%dma_wait3A_844 : memref<128x16xf32, #tpu.memory_space<vmem>>)
      %add3A_857 = arith.constant 7 : i32
      %add3A_858 = arith.addi %mul3A_584, %add3A_857 : i32
      %dma_start3A_859 = arith.constant 7 : i32
      %dma_start3A_860 = arith.constant 7 : i32
      %dma_start3A_861 = arith.constant 0 : i32
      %dma_start3A_862 = arith.constant 0 : i32
      %dma_start3A_863 = tpu.memref_slice %arg15[%dma_start3A_859, %dma_start3A_861, %dma_start3A_862] : memref<8x128x16xf32, #tpu.memory_space<vmem>> -> memref<1x128x16xf32, #tpu.memory_space<vmem>>
      %dma_start3A_864 = tpu.memref_squeeze %dma_start3A_863 : memref<1x128x16xf32, #tpu.memory_space<vmem>> -> memref<128x16xf32, #tpu.memory_space<vmem>>
      %dma_start3A_865 = arith.constant 0 : i32
      %dma_start3A_866 = tpu.memref_slice %arg14[%add3A_858, %dma_start3A_865] : memref<80x128xi32, #tpu.memory_space<vmem>> -> memref<1x128xi32, #tpu.memory_space<vmem>>
      %dma_start3A_867 = tpu.memref_squeeze %dma_start3A_866 : memref<1x128xi32, #tpu.memory_space<vmem>> -> memref<128xi32, #tpu.memory_space<vmem>>
      %dma_start3A_868 = arith.constant 0 : i32
      %dma_start3A_869 = arith.constant 0 : i32
      %dma_start3A_870 = tpu.memref_slice %arg22[%dma_start3A_868, %dma_start3A_869] : memref<10512x16xf32, #tpu.memory_space<vmem_shared>> -> memref<10512x16xf32, #tpu.memory_space<vmem_shared>>
      %dma_start3A_871 = tpu.memref_slice %arg24[%dma_start3A_860] : memref<8x!tpu.dma_semaphore, #tpu.memory_space<semaphore_mem>> -> memref<1x!tpu.dma_semaphore, #tpu.memory_space<semaphore_mem>>
      %dma_start3A_872 = tpu.memref_squeeze %dma_start3A_871 : memref<1x!tpu.dma_semaphore, #tpu.memory_space<semaphore_mem>> -> memref<!tpu.dma_semaphore, #tpu.memory_space<semaphore_mem>>
      tpu.enqueue_indirect_dma source(%dma_start3A_864 : memref<128x16xf32, #tpu.memory_space<vmem>>) target(%dma_start3A_870 : memref<10512x16xf32, #tpu.memory_space<vmem_shared>>) offsets(%dma_start3A_867 : memref<128xi32, #tpu.memory_space<vmem>>) semaphore(%dma_start3A_872 : memref<!tpu.dma_semaphore, #tpu.memory_space<semaphore_mem>>) {add = true}
      %add3A_873 = arith.constant 0 : i32
      %add3A_874 = arith.addi %mul3A_584, %add3A_873 : i32
      %dma_wait3A_875 = arith.constant 0 : i32
      %dma_wait3A_876 = arith.constant 0 : i32
      %dma_wait3A_877 = arith.constant 0 : i32
      %dma_wait3A_878 = arith.constant 0 : i32
      %dma_wait3A_879 = tpu.memref_slice %arg15[%dma_wait3A_875, %dma_wait3A_877, %dma_wait3A_878] : memref<8x128x16xf32, #tpu.memory_space<vmem>> -> memref<1x128x16xf32, #tpu.memory_space<vmem>>
      %dma_wait3A_880 = tpu.memref_squeeze %dma_wait3A_879 : memref<1x128x16xf32, #tpu.memory_space<vmem>> -> memref<128x16xf32, #tpu.memory_space<vmem>>
      %dma_wait3A_881 = arith.constant 0 : i32
      %dma_wait3A_882 = tpu.memref_slice %arg14[%add3A_874, %dma_wait3A_881] : memref<80x128xi32, #tpu.memory_space<vmem>> -> memref<1x128xi32, #tpu.memory_space<vmem>>
      %dma_wait3A_883 = tpu.memref_squeeze %dma_wait3A_882 : memref<1x128xi32, #tpu.memory_space<vmem>> -> memref<128xi32, #tpu.memory_space<vmem>>
      %dma_wait3A_884 = arith.constant 0 : i32
      %dma_wait3A_885 = arith.constant 0 : i32
      %dma_wait3A_886 = tpu.memref_slice %arg22[%dma_wait3A_884, %dma_wait3A_885] : memref<10512x16xf32, #tpu.memory_space<vmem_shared>> -> memref<10512x16xf32, #tpu.memory_space<vmem_shared>>
      %dma_wait3A_887 = tpu.memref_slice %arg24[%dma_wait3A_876] : memref<8x!tpu.dma_semaphore, #tpu.memory_space<semaphore_mem>> -> memref<1x!tpu.dma_semaphore, #tpu.memory_space<semaphore_mem>>
      %dma_wait3A_888 = tpu.memref_squeeze %dma_wait3A_887 : memref<1x!tpu.dma_semaphore, #tpu.memory_space<semaphore_mem>> -> memref<!tpu.dma_semaphore, #tpu.memory_space<semaphore_mem>>
      tpu.wait_indirect_dma semaphore(%dma_wait3A_888 : memref<!tpu.dma_semaphore, #tpu.memory_space<semaphore_mem>>) src(%dma_wait3A_880 : memref<128x16xf32, #tpu.memory_space<vmem>>) dst(%dma_wait3A_886 : memref<10512x16xf32, #tpu.memory_space<vmem_shared>>)
      %add3A_889 = arith.constant 8 : i32
      %add3A_890 = arith.addi %mul3A_584, %add3A_889 : i32
      %add3A_891 = arith.constant 0 : i32
      %add3A_892 = arith.addi %add3A_890, %add3A_891 : i32
      %dma_start3A_893 = arith.constant 0 : i32
      %dma_start3A_894 = arith.constant 0 : i32
      %dma_start3A_895 = arith.constant 0 : i32
      %dma_start3A_896 = arith.constant 0 : i32
      %dma_start3A_897 = tpu.memref_slice %arg15[%dma_start3A_893, %dma_start3A_895, %dma_start3A_896] : memref<8x128x16xf32, #tpu.memory_space<vmem>> -> memref<1x128x16xf32, #tpu.memory_space<vmem>>
      %dma_start3A_898 = tpu.memref_squeeze %dma_start3A_897 : memref<1x128x16xf32, #tpu.memory_space<vmem>> -> memref<128x16xf32, #tpu.memory_space<vmem>>
      %dma_start3A_899 = arith.constant 0 : i32
      %dma_start3A_900 = tpu.memref_slice %arg13[%add3A_892, %dma_start3A_899] : memref<80x128xi32, #tpu.memory_space<vmem>> -> memref<1x128xi32, #tpu.memory_space<vmem>>
      %dma_start3A_901 = tpu.memref_squeeze %dma_start3A_900 : memref<1x128xi32, #tpu.memory_space<vmem>> -> memref<128xi32, #tpu.memory_space<vmem>>
      %dma_start3A_902 = arith.constant 0 : i32
      %dma_start3A_903 = arith.constant 0 : i32
      %dma_start3A_904 = tpu.memref_slice %arg9[%arg0, %dma_start3A_902, %dma_start3A_903] : memref<2x10000x16xf32, #tpu.memory_space<hbm>> -> memref<1x10000x16xf32, #tpu.memory_space<hbm>>
      %dma_start3A_905 = tpu.memref_squeeze %dma_start3A_904 : memref<1x10000x16xf32, #tpu.memory_space<hbm>> -> memref<10000x16xf32, #tpu.memory_space<hbm>>
      %dma_start3A_906 = arith.constant 0 : i32
      %dma_start3A_907 = arith.constant 0 : i32
      %dma_start3A_908 = tpu.memref_slice %dma_start3A_905[%dma_start3A_906, %dma_start3A_907] : memref<10000x16xf32, #tpu.memory_space<hbm>> -> memref<10000x16xf32, #tpu.memory_space<hbm>>
      %dma_start3A_909 = tpu.memref_slice %arg23[%dma_start3A_894] : memref<8x!tpu.dma_semaphore, #tpu.memory_space<semaphore_mem>> -> memref<1x!tpu.dma_semaphore, #tpu.memory_space<semaphore_mem>>
      %dma_start3A_910 = tpu.memref_squeeze %dma_start3A_909 : memref<1x!tpu.dma_semaphore, #tpu.memory_space<semaphore_mem>> -> memref<!tpu.dma_semaphore, #tpu.memory_space<semaphore_mem>>
      tpu.enqueue_indirect_dma source(%dma_start3A_908 : memref<10000x16xf32, #tpu.memory_space<hbm>>) target(%dma_start3A_898 : memref<128x16xf32, #tpu.memory_space<vmem>>) offsets(%dma_start3A_901 : memref<128xi32, #tpu.memory_space<vmem>>) semaphore(%dma_start3A_910 : memref<!tpu.dma_semaphore, #tpu.memory_space<semaphore_mem>>)
      %add3A_911 = arith.constant 1 : i32
      %add3A_912 = arith.addi %mul3A_584, %add3A_911 : i32
      %dma_wait3A_913 = arith.constant 1 : i32
      %dma_wait3A_914 = arith.constant 1 : i32
      %dma_wait3A_915 = arith.constant 0 : i32
      %dma_wait3A_916 = arith.constant 0 : i32
      %dma_wait3A_917 = tpu.memref_slice %arg15[%dma_wait3A_913, %dma_wait3A_915, %dma_wait3A_916] : memref<8x128x16xf32, #tpu.memory_space<vmem>> -> memref<1x128x16xf32, #tpu.memory_space<vmem>>
      %dma_wait3A_918 = tpu.memref_squeeze %dma_wait3A_917 : memref<1x128x16xf32, #tpu.memory_space<vmem>> -> memref<128x16xf32, #tpu.memory_space<vmem>>
      %dma_wait3A_919 = arith.constant 0 : i32
      %dma_wait3A_920 = tpu.memref_slice %arg14[%add3A_912, %dma_wait3A_919] : memref<80x128xi32, #tpu.memory_space<vmem>> -> memref<1x128xi32, #tpu.memory_space<vmem>>
      %dma_wait3A_921 = tpu.memref_squeeze %dma_wait3A_920 : memref<1x128xi32, #tpu.memory_space<vmem>> -> memref<128xi32, #tpu.memory_space<vmem>>
      %dma_wait3A_922 = arith.constant 0 : i32
      %dma_wait3A_923 = arith.constant 0 : i32
      %dma_wait3A_924 = tpu.memref_slice %arg22[%dma_wait3A_922, %dma_wait3A_923] : memref<10512x16xf32, #tpu.memory_space<vmem_shared>> -> memref<10512x16xf32, #tpu.memory_space<vmem_shared>>
      %dma_wait3A_925 = tpu.memref_slice %arg24[%dma_wait3A_914] : memref<8x!tpu.dma_semaphore, #tpu.memory_space<semaphore_mem>> -> memref<1x!tpu.dma_semaphore, #tpu.memory_space<semaphore_mem>>
      %dma_wait3A_926 = tpu.memref_squeeze %dma_wait3A_925 : memref<1x!tpu.dma_semaphore, #tpu.memory_space<semaphore_mem>> -> memref<!tpu.dma_semaphore, #tpu.memory_space<semaphore_mem>>
      tpu.wait_indirect_dma semaphore(%dma_wait3A_926 : memref<!tpu.dma_semaphore, #tpu.memory_space<semaphore_mem>>) src(%dma_wait3A_918 : memref<128x16xf32, #tpu.memory_space<vmem>>) dst(%dma_wait3A_924 : memref<10512x16xf32, #tpu.memory_space<vmem_shared>>)
      %add3A_927 = arith.constant 8 : i32
      %add3A_928 = arith.addi %mul3A_584, %add3A_927 : i32
      %add3A_929 = arith.constant 1 : i32
      %add3A_930 = arith.addi %add3A_928, %add3A_929 : i32
      %dma_start3A_931 = arith.constant 1 : i32
      %dma_start3A_932 = arith.constant 1 : i32
      %dma_start3A_933 = arith.constant 0 : i32
      %dma_start3A_934 = arith.constant 0 : i32
      %dma_start3A_935 = tpu.memref_slice %arg15[%dma_start3A_931, %dma_start3A_933, %dma_start3A_934] : memref<8x128x16xf32, #tpu.memory_space<vmem>> -> memref<1x128x16xf32, #tpu.memory_space<vmem>>
      %dma_start3A_936 = tpu.memref_squeeze %dma_start3A_935 : memref<1x128x16xf32, #tpu.memory_space<vmem>> -> memref<128x16xf32, #tpu.memory_space<vmem>>
      %dma_start3A_937 = arith.constant 0 : i32
      %dma_start3A_938 = tpu.memref_slice %arg13[%add3A_930, %dma_start3A_937] : memref<80x128xi32, #tpu.memory_space<vmem>> -> memref<1x128xi32, #tpu.memory_space<vmem>>
      %dma_start3A_939 = tpu.memref_squeeze %dma_start3A_938 : memref<1x128xi32, #tpu.memory_space<vmem>> -> memref<128xi32, #tpu.memory_space<vmem>>
      %dma_start3A_940 = arith.constant 0 : i32
      %dma_start3A_941 = arith.constant 0 : i32
      %dma_start3A_942 = tpu.memref_slice %arg9[%arg0, %dma_start3A_940, %dma_start3A_941] : memref<2x10000x16xf32, #tpu.memory_space<hbm>> -> memref<1x10000x16xf32, #tpu.memory_space<hbm>>
      %dma_start3A_943 = tpu.memref_squeeze %dma_start3A_942 : memref<1x10000x16xf32, #tpu.memory_space<hbm>> -> memref<10000x16xf32, #tpu.memory_space<hbm>>
      %dma_start3A_944 = arith.constant 0 : i32
      %dma_start3A_945 = arith.constant 0 : i32
      %dma_start3A_946 = tpu.memref_slice %dma_start3A_943[%dma_start3A_944, %dma_start3A_945] : memref<10000x16xf32, #tpu.memory_space<hbm>> -> memref<10000x16xf32, #tpu.memory_space<hbm>>
      %dma_start3A_947 = tpu.memref_slice %arg23[%dma_start3A_932] : memref<8x!tpu.dma_semaphore, #tpu.memory_space<semaphore_mem>> -> memref<1x!tpu.dma_semaphore, #tpu.memory_space<semaphore_mem>>
      %dma_start3A_948 = tpu.memref_squeeze %dma_start3A_947 : memref<1x!tpu.dma_semaphore, #tpu.memory_space<semaphore_mem>> -> memref<!tpu.dma_semaphore, #tpu.memory_space<semaphore_mem>>
      tpu.enqueue_indirect_dma source(%dma_start3A_946 : memref<10000x16xf32, #tpu.memory_space<hbm>>) target(%dma_start3A_936 : memref<128x16xf32, #tpu.memory_space<vmem>>) offsets(%dma_start3A_939 : memref<128xi32, #tpu.memory_space<vmem>>) semaphore(%dma_start3A_948 : memref<!tpu.dma_semaphore, #tpu.memory_space<semaphore_mem>>)
      %add3A_949 = arith.constant 2 : i32
      %add3A_950 = arith.addi %mul3A_584, %add3A_949 : i32
      %dma_wait3A_951 = arith.constant 2 : i32
      %dma_wait3A_952 = arith.constant 2 : i32
      %dma_wait3A_953 = arith.constant 0 : i32
      %dma_wait3A_954 = arith.constant 0 : i32
      %dma_wait3A_955 = tpu.memref_slice %arg15[%dma_wait3A_951, %dma_wait3A_953, %dma_wait3A_954] : memref<8x128x16xf32, #tpu.memory_space<vmem>> -> memref<1x128x16xf32, #tpu.memory_space<vmem>>
      %dma_wait3A_956 = tpu.memref_squeeze %dma_wait3A_955 : memref<1x128x16xf32, #tpu.memory_space<vmem>> -> memref<128x16xf32, #tpu.memory_space<vmem>>
      %dma_wait3A_957 = arith.constant 0 : i32
      %dma_wait3A_958 = tpu.memref_slice %arg14[%add3A_950, %dma_wait3A_957] : memref<80x128xi32, #tpu.memory_space<vmem>> -> memref<1x128xi32, #tpu.memory_space<vmem>>
      %dma_wait3A_959 = tpu.memref_squeeze %dma_wait3A_958 : memref<1x128xi32, #tpu.memory_space<vmem>> -> memref<128xi32, #tpu.memory_space<vmem>>
      %dma_wait3A_960 = arith.constant 0 : i32
      %dma_wait3A_961 = arith.constant 0 : i32
      %dma_wait3A_962 = tpu.memref_slice %arg22[%dma_wait3A_960, %dma_wait3A_961] : memref<10512x16xf32, #tpu.memory_space<vmem_shared>> -> memref<10512x16xf32, #tpu.memory_space<vmem_shared>>
      %dma_wait3A_963 = tpu.memref_slice %arg24[%dma_wait3A_952] : memref<8x!tpu.dma_semaphore, #tpu.memory_space<semaphore_mem>> -> memref<1x!tpu.dma_semaphore, #tpu.memory_space<semaphore_mem>>
      %dma_wait3A_964 = tpu.memref_squeeze %dma_wait3A_963 : memref<1x!tpu.dma_semaphore, #tpu.memory_space<semaphore_mem>> -> memref<!tpu.dma_semaphore, #tpu.memory_space<semaphore_mem>>
      tpu.wait_indirect_dma semaphore(%dma_wait3A_964 : memref<!tpu.dma_semaphore, #tpu.memory_space<semaphore_mem>>) src(%dma_wait3A_956 : memref<128x16xf32, #tpu.memory_space<vmem>>) dst(%dma_wait3A_962 : memref<10512x16xf32, #tpu.memory_space<vmem_shared>>)
      %add3A_965 = arith.constant 8 : i32
      %add3A_966 = arith.addi %mul3A_584, %add3A_965 : i32
      %add3A_967 = arith.constant 2 : i32
      %add3A_968 = arith.addi %add3A_966, %add3A_967 : i32
      %dma_start3A_969 = arith.constant 2 : i32
      %dma_start3A_970 = arith.constant 2 : i32
      %dma_start3A_971 = arith.constant 0 : i32
      %dma_start3A_972 = arith.constant 0 : i32
      %dma_start3A_973 = tpu.memref_slice %arg15[%dma_start3A_969, %dma_start3A_971, %dma_start3A_972] : memref<8x128x16xf32, #tpu.memory_space<vmem>> -> memref<1x128x16xf32, #tpu.memory_space<vmem>>
      %dma_start3A_974 = tpu.memref_squeeze %dma_start3A_973 : memref<1x128x16xf32, #tpu.memory_space<vmem>> -> memref<128x16xf32, #tpu.memory_space<vmem>>
      %dma_start3A_975 = arith.constant 0 : i32
      %dma_start3A_976 = tpu.memref_slice %arg13[%add3A_968, %dma_start3A_975] : memref<80x128xi32, #tpu.memory_space<vmem>> -> memref<1x128xi32, #tpu.memory_space<vmem>>
      %dma_start3A_977 = tpu.memref_squeeze %dma_start3A_976 : memref<1x128xi32, #tpu.memory_space<vmem>> -> memref<128xi32, #tpu.memory_space<vmem>>
      %dma_start3A_978 = arith.constant 0 : i32
      %dma_start3A_979 = arith.constant 0 : i32
      %dma_start3A_980 = tpu.memref_slice %arg9[%arg0, %dma_start3A_978, %dma_start3A_979] : memref<2x10000x16xf32, #tpu.memory_space<hbm>> -> memref<1x10000x16xf32, #tpu.memory_space<hbm>>
      %dma_start3A_981 = tpu.memref_squeeze %dma_start3A_980 : memref<1x10000x16xf32, #tpu.memory_space<hbm>> -> memref<10000x16xf32, #tpu.memory_space<hbm>>
      %dma_start3A_982 = arith.constant 0 : i32
      %dma_start3A_983 = arith.constant 0 : i32
      %dma_start3A_984 = tpu.memref_slice %dma_start3A_981[%dma_start3A_982, %dma_start3A_983] : memref<10000x16xf32, #tpu.memory_space<hbm>> -> memref<10000x16xf32, #tpu.memory_space<hbm>>
      %dma_start3A_985 = tpu.memref_slice %arg23[%dma_start3A_970] : memref<8x!tpu.dma_semaphore, #tpu.memory_space<semaphore_mem>> -> memref<1x!tpu.dma_semaphore, #tpu.memory_space<semaphore_mem>>
      %dma_start3A_986 = tpu.memref_squeeze %dma_start3A_985 : memref<1x!tpu.dma_semaphore, #tpu.memory_space<semaphore_mem>> -> memref<!tpu.dma_semaphore, #tpu.memory_space<semaphore_mem>>
      tpu.enqueue_indirect_dma source(%dma_start3A_984 : memref<10000x16xf32, #tpu.memory_space<hbm>>) target(%dma_start3A_974 : memref<128x16xf32, #tpu.memory_space<vmem>>) offsets(%dma_start3A_977 : memref<128xi32, #tpu.memory_space<vmem>>) semaphore(%dma_start3A_986 : memref<!tpu.dma_semaphore, #tpu.memory_space<semaphore_mem>>)
      %add3A_987 = arith.constant 3 : i32
      %add3A_988 = arith.addi %mul3A_584, %add3A_987 : i32
      %dma_wait3A_989 = arith.constant 3 : i32
      %dma_wait3A_990 = arith.constant 3 : i32
      %dma_wait3A_991 = arith.constant 0 : i32
      %dma_wait3A_992 = arith.constant 0 : i32
      %dma_wait3A_993 = tpu.memref_slice %arg15[%dma_wait3A_989, %dma_wait3A_991, %dma_wait3A_992] : memref<8x128x16xf32, #tpu.memory_space<vmem>> -> memref<1x128x16xf32, #tpu.memory_space<vmem>>
      %dma_wait3A_994 = tpu.memref_squeeze %dma_wait3A_993 : memref<1x128x16xf32, #tpu.memory_space<vmem>> -> memref<128x16xf32, #tpu.memory_space<vmem>>
      %dma_wait3A_995 = arith.constant 0 : i32
      %dma_wait3A_996 = tpu.memref_slice %arg14[%add3A_988, %dma_wait3A_995] : memref<80x128xi32, #tpu.memory_space<vmem>> -> memref<1x128xi32, #tpu.memory_space<vmem>>
      %dma_wait3A_997 = tpu.memref_squeeze %dma_wait3A_996 : memref<1x128xi32, #tpu.memory_space<vmem>> -> memref<128xi32, #tpu.memory_space<vmem>>
      %dma_wait3A_998 = arith.constant 0 : i32
      %dma_wait3A_999 = arith.constant 0 : i32
      %dma_wait3A_1000 = tpu.memref_slice %arg22[%dma_wait3A_998, %dma_wait3A_999] : memref<10512x16xf32, #tpu.memory_space<vmem_shared>> -> memref<10512x16xf32, #tpu.memory_space<vmem_shared>>
      %dma_wait3A_1001 = tpu.memref_slice %arg24[%dma_wait3A_990] : memref<8x!tpu.dma_semaphore, #tpu.memory_space<semaphore_mem>> -> memref<1x!tpu.dma_semaphore, #tpu.memory_space<semaphore_mem>>
      %dma_wait3A_1002 = tpu.memref_squeeze %dma_wait3A_1001 : memref<1x!tpu.dma_semaphore, #tpu.memory_space<semaphore_mem>> -> memref<!tpu.dma_semaphore, #tpu.memory_space<semaphore_mem>>
      tpu.wait_indirect_dma semaphore(%dma_wait3A_1002 : memref<!tpu.dma_semaphore, #tpu.memory_space<semaphore_mem>>) src(%dma_wait3A_994 : memref<128x16xf32, #tpu.memory_space<vmem>>) dst(%dma_wait3A_1000 : memref<10512x16xf32, #tpu.memory_space<vmem_shared>>)
      %add3A_1003 = arith.constant 8 : i32
      %add3A_1004 = arith.addi %mul3A_584, %add3A_1003 : i32
      %add3A_1005 = arith.constant 3 : i32
      %add3A_1006 = arith.addi %add3A_1004, %add3A_1005 : i32
      %dma_start3A_1007 = arith.constant 3 : i32
      %dma_start3A_1008 = arith.constant 3 : i32
      %dma_start3A_1009 = arith.constant 0 : i32
      %dma_start3A_1010 = arith.constant 0 : i32
      %dma_start3A_1011 = tpu.memref_slice %arg15[%dma_start3A_1007, %dma_start3A_1009, %dma_start3A_1010] : memref<8x128x16xf32, #tpu.memory_space<vmem>> -> memref<1x128x16xf32, #tpu.memory_space<vmem>>
      %dma_start3A_1012 = tpu.memref_squeeze %dma_start3A_1011 : memref<1x128x16xf32, #tpu.memory_space<vmem>> -> memref<128x16xf32, #tpu.memory_space<vmem>>
      %dma_start3A_1013 = arith.constant 0 : i32
      %dma_start3A_1014 = tpu.memref_slice %arg13[%add3A_1006, %dma_start3A_1013] : memref<80x128xi32, #tpu.memory_space<vmem>> -> memref<1x128xi32, #tpu.memory_space<vmem>>
      %dma_start3A_1015 = tpu.memref_squeeze %dma_start3A_1014 : memref<1x128xi32, #tpu.memory_space<vmem>> -> memref<128xi32, #tpu.memory_space<vmem>>
      %dma_start3A_1016 = arith.constant 0 : i32
      %dma_start3A_1017 = arith.constant 0 : i32
      %dma_start3A_1018 = tpu.memref_slice %arg9[%arg0, %dma_start3A_1016, %dma_start3A_1017] : memref<2x10000x16xf32, #tpu.memory_space<hbm>> -> memref<1x10000x16xf32, #tpu.memory_space<hbm>>
      %dma_start3A_1019 = tpu.memref_squeeze %dma_start3A_1018 : memref<1x10000x16xf32, #tpu.memory_space<hbm>> -> memref<10000x16xf32, #tpu.memory_space<hbm>>
      %dma_start3A_1020 = arith.constant 0 : i32
      %dma_start3A_1021 = arith.constant 0 : i32
      %dma_start3A_1022 = tpu.memref_slice %dma_start3A_1019[%dma_start3A_1020, %dma_start3A_1021] : memref<10000x16xf32, #tpu.memory_space<hbm>> -> memref<10000x16xf32, #tpu.memory_space<hbm>>
      %dma_start3A_1023 = tpu.memref_slice %arg23[%dma_start3A_1008] : memref<8x!tpu.dma_semaphore, #tpu.memory_space<semaphore_mem>> -> memref<1x!tpu.dma_semaphore, #tpu.memory_space<semaphore_mem>>
      %dma_start3A_1024 = tpu.memref_squeeze %dma_start3A_1023 : memref<1x!tpu.dma_semaphore, #tpu.memory_space<semaphore_mem>> -> memref<!tpu.dma_semaphore, #tpu.memory_space<semaphore_mem>>
      tpu.enqueue_indirect_dma source(%dma_start3A_1022 : memref<10000x16xf32, #tpu.memory_space<hbm>>) target(%dma_start3A_1012 : memref<128x16xf32, #tpu.memory_space<vmem>>) offsets(%dma_start3A_1015 : memref<128xi32, #tpu.memory_space<vmem>>) semaphore(%dma_start3A_1024 : memref<!tpu.dma_semaphore, #tpu.memory_space<semaphore_mem>>)
      %add3A_1025 = arith.constant 4 : i32
      %add3A_1026 = arith.addi %mul3A_584, %add3A_1025 : i32
      %dma_wait3A_1027 = arith.constant 4 : i32
      %dma_wait3A_1028 = arith.constant 4 : i32
      %dma_wait3A_1029 = arith.constant 0 : i32
      %dma_wait3A_1030 = arith.constant 0 : i32
      %dma_wait3A_1031 = tpu.memref_slice %arg15[%dma_wait3A_1027, %dma_wait3A_1029, %dma_wait3A_1030] : memref<8x128x16xf32, #tpu.memory_space<vmem>> -> memref<1x128x16xf32, #tpu.memory_space<vmem>>
      %dma_wait3A_1032 = tpu.memref_squeeze %dma_wait3A_1031 : memref<1x128x16xf32, #tpu.memory_space<vmem>> -> memref<128x16xf32, #tpu.memory_space<vmem>>
      %dma_wait3A_1033 = arith.constant 0 : i32
      %dma_wait3A_1034 = tpu.memref_slice %arg14[%add3A_1026, %dma_wait3A_1033] : memref<80x128xi32, #tpu.memory_space<vmem>> -> memref<1x128xi32, #tpu.memory_space<vmem>>
      %dma_wait3A_1035 = tpu.memref_squeeze %dma_wait3A_1034 : memref<1x128xi32, #tpu.memory_space<vmem>> -> memref<128xi32, #tpu.memory_space<vmem>>
      %dma_wait3A_1036 = arith.constant 0 : i32
      %dma_wait3A_1037 = arith.constant 0 : i32
      %dma_wait3A_1038 = tpu.memref_slice %arg22[%dma_wait3A_1036, %dma_wait3A_1037] : memref<10512x16xf32, #tpu.memory_space<vmem_shared>> -> memref<10512x16xf32, #tpu.memory_space<vmem_shared>>
      %dma_wait3A_1039 = tpu.memref_slice %arg24[%dma_wait3A_1028] : memref<8x!tpu.dma_semaphore, #tpu.memory_space<semaphore_mem>> -> memref<1x!tpu.dma_semaphore, #tpu.memory_space<semaphore_mem>>
      %dma_wait3A_1040 = tpu.memref_squeeze %dma_wait3A_1039 : memref<1x!tpu.dma_semaphore, #tpu.memory_space<semaphore_mem>> -> memref<!tpu.dma_semaphore, #tpu.memory_space<semaphore_mem>>
      tpu.wait_indirect_dma semaphore(%dma_wait3A_1040 : memref<!tpu.dma_semaphore, #tpu.memory_space<semaphore_mem>>) src(%dma_wait3A_1032 : memref<128x16xf32, #tpu.memory_space<vmem>>) dst(%dma_wait3A_1038 : memref<10512x16xf32, #tpu.memory_space<vmem_shared>>)
      %add3A_1041 = arith.constant 8 : i32
      %add3A_1042 = arith.addi %mul3A_584, %add3A_1041 : i32
      %add3A_1043 = arith.constant 4 : i32
      %add3A_1044 = arith.addi %add3A_1042, %add3A_1043 : i32
      %dma_start3A_1045 = arith.constant 4 : i32
      %dma_start3A_1046 = arith.constant 4 : i32
      %dma_start3A_1047 = arith.constant 0 : i32
      %dma_start3A_1048 = arith.constant 0 : i32
      %dma_start3A_1049 = tpu.memref_slice %arg15[%dma_start3A_1045, %dma_start3A_1047, %dma_start3A_1048] : memref<8x128x16xf32, #tpu.memory_space<vmem>> -> memref<1x128x16xf32, #tpu.memory_space<vmem>>
      %dma_start3A_1050 = tpu.memref_squeeze %dma_start3A_1049 : memref<1x128x16xf32, #tpu.memory_space<vmem>> -> memref<128x16xf32, #tpu.memory_space<vmem>>
      %dma_start3A_1051 = arith.constant 0 : i32
      %dma_start3A_1052 = tpu.memref_slice %arg13[%add3A_1044, %dma_start3A_1051] : memref<80x128xi32, #tpu.memory_space<vmem>> -> memref<1x128xi32, #tpu.memory_space<vmem>>
      %dma_start3A_1053 = tpu.memref_squeeze %dma_start3A_1052 : memref<1x128xi32, #tpu.memory_space<vmem>> -> memref<128xi32, #tpu.memory_space<vmem>>
      %dma_start3A_1054 = arith.constant 0 : i32
      %dma_start3A_1055 = arith.constant 0 : i32
      %dma_start3A_1056 = tpu.memref_slice %arg9[%arg0, %dma_start3A_1054, %dma_start3A_1055] : memref<2x10000x16xf32, #tpu.memory_space<hbm>> -> memref<1x10000x16xf32, #tpu.memory_space<hbm>>
      %dma_start3A_1057 = tpu.memref_squeeze %dma_start3A_1056 : memref<1x10000x16xf32, #tpu.memory_space<hbm>> -> memref<10000x16xf32, #tpu.memory_space<hbm>>
      %dma_start3A_1058 = arith.constant 0 : i32
      %dma_start3A_1059 = arith.constant 0 : i32
      %dma_start3A_1060 = tpu.memref_slice %dma_start3A_1057[%dma_start3A_1058, %dma_start3A_1059] : memref<10000x16xf32, #tpu.memory_space<hbm>> -> memref<10000x16xf32, #tpu.memory_space<hbm>>
      %dma_start3A_1061 = tpu.memref_slice %arg23[%dma_start3A_1046] : memref<8x!tpu.dma_semaphore, #tpu.memory_space<semaphore_mem>> -> memref<1x!tpu.dma_semaphore, #tpu.memory_space<semaphore_mem>>
      %dma_start3A_1062 = tpu.memref_squeeze %dma_start3A_1061 : memref<1x!tpu.dma_semaphore, #tpu.memory_space<semaphore_mem>> -> memref<!tpu.dma_semaphore, #tpu.memory_space<semaphore_mem>>
      tpu.enqueue_indirect_dma source(%dma_start3A_1060 : memref<10000x16xf32, #tpu.memory_space<hbm>>) target(%dma_start3A_1050 : memref<128x16xf32, #tpu.memory_space<vmem>>) offsets(%dma_start3A_1053 : memref<128xi32, #tpu.memory_space<vmem>>) semaphore(%dma_start3A_1062 : memref<!tpu.dma_semaphore, #tpu.memory_space<semaphore_mem>>)
      %add3A_1063 = arith.constant 5 : i32
      %add3A_1064 = arith.addi %mul3A_584, %add3A_1063 : i32
      %dma_wait3A_1065 = arith.constant 5 : i32
      %dma_wait3A_1066 = arith.constant 5 : i32
      %dma_wait3A_1067 = arith.constant 0 : i32
      %dma_wait3A_1068 = arith.constant 0 : i32
      %dma_wait3A_1069 = tpu.memref_slice %arg15[%dma_wait3A_1065, %dma_wait3A_1067, %dma_wait3A_1068] : memref<8x128x16xf32, #tpu.memory_space<vmem>> -> memref<1x128x16xf32, #tpu.memory_space<vmem>>
      %dma_wait3A_1070 = tpu.memref_squeeze %dma_wait3A_1069 : memref<1x128x16xf32, #tpu.memory_space<vmem>> -> memref<128x16xf32, #tpu.memory_space<vmem>>
      %dma_wait3A_1071 = arith.constant 0 : i32
      %dma_wait3A_1072 = tpu.memref_slice %arg14[%add3A_1064, %dma_wait3A_1071] : memref<80x128xi32, #tpu.memory_space<vmem>> -> memref<1x128xi32, #tpu.memory_space<vmem>>
      %dma_wait3A_1073 = tpu.memref_squeeze %dma_wait3A_1072 : memref<1x128xi32, #tpu.memory_space<vmem>> -> memref<128xi32, #tpu.memory_space<vmem>>
      %dma_wait3A_1074 = arith.constant 0 : i32
      %dma_wait3A_1075 = arith.constant 0 : i32
      %dma_wait3A_1076 = tpu.memref_slice %arg22[%dma_wait3A_1074, %dma_wait3A_1075] : memref<10512x16xf32, #tpu.memory_space<vmem_shared>> -> memref<10512x16xf32, #tpu.memory_space<vmem_shared>>
      %dma_wait3A_1077 = tpu.memref_slice %arg24[%dma_wait3A_1066] : memref<8x!tpu.dma_semaphore, #tpu.memory_space<semaphore_mem>> -> memref<1x!tpu.dma_semaphore, #tpu.memory_space<semaphore_mem>>
      %dma_wait3A_1078 = tpu.memref_squeeze %dma_wait3A_1077 : memref<1x!tpu.dma_semaphore, #tpu.memory_space<semaphore_mem>> -> memref<!tpu.dma_semaphore, #tpu.memory_space<semaphore_mem>>
      tpu.wait_indirect_dma semaphore(%dma_wait3A_1078 : memref<!tpu.dma_semaphore, #tpu.memory_space<semaphore_mem>>) src(%dma_wait3A_1070 : memref<128x16xf32, #tpu.memory_space<vmem>>) dst(%dma_wait3A_1076 : memref<10512x16xf32, #tpu.memory_space<vmem_shared>>)
      %add3A_1079 = arith.constant 8 : i32
      %add3A_1080 = arith.addi %mul3A_584, %add3A_1079 : i32
      %add3A_1081 = arith.constant 5 : i32
      %add3A_1082 = arith.addi %add3A_1080, %add3A_1081 : i32
      %dma_start3A_1083 = arith.constant 5 : i32
      %dma_start3A_1084 = arith.constant 5 : i32
      %dma_start3A_1085 = arith.constant 0 : i32
      %dma_start3A_1086 = arith.constant 0 : i32
      %dma_start3A_1087 = tpu.memref_slice %arg15[%dma_start3A_1083, %dma_start3A_1085, %dma_start3A_1086] : memref<8x128x16xf32, #tpu.memory_space<vmem>> -> memref<1x128x16xf32, #tpu.memory_space<vmem>>
      %dma_start3A_1088 = tpu.memref_squeeze %dma_start3A_1087 : memref<1x128x16xf32, #tpu.memory_space<vmem>> -> memref<128x16xf32, #tpu.memory_space<vmem>>
      %dma_start3A_1089 = arith.constant 0 : i32
      %dma_start3A_1090 = tpu.memref_slice %arg13[%add3A_1082, %dma_start3A_1089] : memref<80x128xi32, #tpu.memory_space<vmem>> -> memref<1x128xi32, #tpu.memory_space<vmem>>
      %dma_start3A_1091 = tpu.memref_squeeze %dma_start3A_1090 : memref<1x128xi32, #tpu.memory_space<vmem>> -> memref<128xi32, #tpu.memory_space<vmem>>
      %dma_start3A_1092 = arith.constant 0 : i32
      %dma_start3A_1093 = arith.constant 0 : i32
      %dma_start3A_1094 = tpu.memref_slice %arg9[%arg0, %dma_start3A_1092, %dma_start3A_1093] : memref<2x10000x16xf32, #tpu.memory_space<hbm>> -> memref<1x10000x16xf32, #tpu.memory_space<hbm>>
      %dma_start3A_1095 = tpu.memref_squeeze %dma_start3A_1094 : memref<1x10000x16xf32, #tpu.memory_space<hbm>> -> memref<10000x16xf32, #tpu.memory_space<hbm>>
      %dma_start3A_1096 = arith.constant 0 : i32
      %dma_start3A_1097 = arith.constant 0 : i32
      %dma_start3A_1098 = tpu.memref_slice %dma_start3A_1095[%dma_start3A_1096, %dma_start3A_1097] : memref<10000x16xf32, #tpu.memory_space<hbm>> -> memref<10000x16xf32, #tpu.memory_space<hbm>>
      %dma_start3A_1099 = tpu.memref_slice %arg23[%dma_start3A_1084] : memref<8x!tpu.dma_semaphore, #tpu.memory_space<semaphore_mem>> -> memref<1x!tpu.dma_semaphore, #tpu.memory_space<semaphore_mem>>
      %dma_start3A_1100 = tpu.memref_squeeze %dma_start3A_1099 : memref<1x!tpu.dma_semaphore, #tpu.memory_space<semaphore_mem>> -> memref<!tpu.dma_semaphore, #tpu.memory_space<semaphore_mem>>
      tpu.enqueue_indirect_dma source(%dma_start3A_1098 : memref<10000x16xf32, #tpu.memory_space<hbm>>) target(%dma_start3A_1088 : memref<128x16xf32, #tpu.memory_space<vmem>>) offsets(%dma_start3A_1091 : memref<128xi32, #tpu.memory_space<vmem>>) semaphore(%dma_start3A_1100 : memref<!tpu.dma_semaphore, #tpu.memory_space<semaphore_mem>>)
      %add3A_1101 = arith.constant 6 : i32
      %add3A_1102 = arith.addi %mul3A_584, %add3A_1101 : i32
      %dma_wait3A_1103 = arith.constant 6 : i32
      %dma_wait3A_1104 = arith.constant 6 : i32
      %dma_wait3A_1105 = arith.constant 0 : i32
      %dma_wait3A_1106 = arith.constant 0 : i32
      %dma_wait3A_1107 = tpu.memref_slice %arg15[%dma_wait3A_1103, %dma_wait3A_1105, %dma_wait3A_1106] : memref<8x128x16xf32, #tpu.memory_space<vmem>> -> memref<1x128x16xf32, #tpu.memory_space<vmem>>
      %dma_wait3A_1108 = tpu.memref_squeeze %dma_wait3A_1107 : memref<1x128x16xf32, #tpu.memory_space<vmem>> -> memref<128x16xf32, #tpu.memory_space<vmem>>
      %dma_wait3A_1109 = arith.constant 0 : i32
      %dma_wait3A_1110 = tpu.memref_slice %arg14[%add3A_1102, %dma_wait3A_1109] : memref<80x128xi32, #tpu.memory_space<vmem>> -> memref<1x128xi32, #tpu.memory_space<vmem>>
      %dma_wait3A_1111 = tpu.memref_squeeze %dma_wait3A_1110 : memref<1x128xi32, #tpu.memory_space<vmem>> -> memref<128xi32, #tpu.memory_space<vmem>>
      %dma_wait3A_1112 = arith.constant 0 : i32
      %dma_wait3A_1113 = arith.constant 0 : i32
      %dma_wait3A_1114 = tpu.memref_slice %arg22[%dma_wait3A_1112, %dma_wait3A_1113] : memref<10512x16xf32, #tpu.memory_space<vmem_shared>> -> memref<10512x16xf32, #tpu.memory_space<vmem_shared>>
      %dma_wait3A_1115 = tpu.memref_slice %arg24[%dma_wait3A_1104] : memref<8x!tpu.dma_semaphore, #tpu.memory_space<semaphore_mem>> -> memref<1x!tpu.dma_semaphore, #tpu.memory_space<semaphore_mem>>
      %dma_wait3A_1116 = tpu.memref_squeeze %dma_wait3A_1115 : memref<1x!tpu.dma_semaphore, #tpu.memory_space<semaphore_mem>> -> memref<!tpu.dma_semaphore, #tpu.memory_space<semaphore_mem>>
      tpu.wait_indirect_dma semaphore(%dma_wait3A_1116 : memref<!tpu.dma_semaphore, #tpu.memory_space<semaphore_mem>>) src(%dma_wait3A_1108 : memref<128x16xf32, #tpu.memory_space<vmem>>) dst(%dma_wait3A_1114 : memref<10512x16xf32, #tpu.memory_space<vmem_shared>>)
      %add3A_1117 = arith.constant 8 : i32
      %add3A_1118 = arith.addi %mul3A_584, %add3A_1117 : i32
      %add3A_1119 = arith.constant 6 : i32
      %add3A_1120 = arith.addi %add3A_1118, %add3A_1119 : i32
      %dma_start3A_1121 = arith.constant 6 : i32
      %dma_start3A_1122 = arith.constant 6 : i32
      %dma_start3A_1123 = arith.constant 0 : i32
      %dma_start3A_1124 = arith.constant 0 : i32
      %dma_start3A_1125 = tpu.memref_slice %arg15[%dma_start3A_1121, %dma_start3A_1123, %dma_start3A_1124] : memref<8x128x16xf32, #tpu.memory_space<vmem>> -> memref<1x128x16xf32, #tpu.memory_space<vmem>>
      %dma_start3A_1126 = tpu.memref_squeeze %dma_start3A_1125 : memref<1x128x16xf32, #tpu.memory_space<vmem>> -> memref<128x16xf32, #tpu.memory_space<vmem>>
      %dma_start3A_1127 = arith.constant 0 : i32
      %dma_start3A_1128 = tpu.memref_slice %arg13[%add3A_1120, %dma_start3A_1127] : memref<80x128xi32, #tpu.memory_space<vmem>> -> memref<1x128xi32, #tpu.memory_space<vmem>>
      %dma_start3A_1129 = tpu.memref_squeeze %dma_start3A_1128 : memref<1x128xi32, #tpu.memory_space<vmem>> -> memref<128xi32, #tpu.memory_space<vmem>>
      %dma_start3A_1130 = arith.constant 0 : i32
      %dma_start3A_1131 = arith.constant 0 : i32
      %dma_start3A_1132 = tpu.memref_slice %arg9[%arg0, %dma_start3A_1130, %dma_start3A_1131] : memref<2x10000x16xf32, #tpu.memory_space<hbm>> -> memref<1x10000x16xf32, #tpu.memory_space<hbm>>
      %dma_start3A_1133 = tpu.memref_squeeze %dma_start3A_1132 : memref<1x10000x16xf32, #tpu.memory_space<hbm>> -> memref<10000x16xf32, #tpu.memory_space<hbm>>
      %dma_start3A_1134 = arith.constant 0 : i32
      %dma_start3A_1135 = arith.constant 0 : i32
      %dma_start3A_1136 = tpu.memref_slice %dma_start3A_1133[%dma_start3A_1134, %dma_start3A_1135] : memref<10000x16xf32, #tpu.memory_space<hbm>> -> memref<10000x16xf32, #tpu.memory_space<hbm>>
      %dma_start3A_1137 = tpu.memref_slice %arg23[%dma_start3A_1122] : memref<8x!tpu.dma_semaphore, #tpu.memory_space<semaphore_mem>> -> memref<1x!tpu.dma_semaphore, #tpu.memory_space<semaphore_mem>>
      %dma_start3A_1138 = tpu.memref_squeeze %dma_start3A_1137 : memref<1x!tpu.dma_semaphore, #tpu.memory_space<semaphore_mem>> -> memref<!tpu.dma_semaphore, #tpu.memory_space<semaphore_mem>>
      tpu.enqueue_indirect_dma source(%dma_start3A_1136 : memref<10000x16xf32, #tpu.memory_space<hbm>>) target(%dma_start3A_1126 : memref<128x16xf32, #tpu.memory_space<vmem>>) offsets(%dma_start3A_1129 : memref<128xi32, #tpu.memory_space<vmem>>) semaphore(%dma_start3A_1138 : memref<!tpu.dma_semaphore, #tpu.memory_space<semaphore_mem>>)
      %add3A_1139 = arith.constant 7 : i32
      %add3A_1140 = arith.addi %mul3A_584, %add3A_1139 : i32
      %dma_wait3A_1141 = arith.constant 7 : i32
      %dma_wait3A_1142 = arith.constant 7 : i32
      %dma_wait3A_1143 = arith.constant 0 : i32
      %dma_wait3A_1144 = arith.constant 0 : i32
      %dma_wait3A_1145 = tpu.memref_slice %arg15[%dma_wait3A_1141, %dma_wait3A_1143, %dma_wait3A_1144] : memref<8x128x16xf32, #tpu.memory_space<vmem>> -> memref<1x128x16xf32, #tpu.memory_space<vmem>>
      %dma_wait3A_1146 = tpu.memref_squeeze %dma_wait3A_1145 : memref<1x128x16xf32, #tpu.memory_space<vmem>> -> memref<128x16xf32, #tpu.memory_space<vmem>>
      %dma_wait3A_1147 = arith.constant 0 : i32
      %dma_wait3A_1148 = tpu.memref_slice %arg14[%add3A_1140, %dma_wait3A_1147] : memref<80x128xi32, #tpu.memory_space<vmem>> -> memref<1x128xi32, #tpu.memory_space<vmem>>
      %dma_wait3A_1149 = tpu.memref_squeeze %dma_wait3A_1148 : memref<1x128xi32, #tpu.memory_space<vmem>> -> memref<128xi32, #tpu.memory_space<vmem>>
      %dma_wait3A_1150 = arith.constant 0 : i32
      %dma_wait3A_1151 = arith.constant 0 : i32
      %dma_wait3A_1152 = tpu.memref_slice %arg22[%dma_wait3A_1150, %dma_wait3A_1151] : memref<10512x16xf32, #tpu.memory_space<vmem_shared>> -> memref<10512x16xf32, #tpu.memory_space<vmem_shared>>
      %dma_wait3A_1153 = tpu.memref_slice %arg24[%dma_wait3A_1142] : memref<8x!tpu.dma_semaphore, #tpu.memory_space<semaphore_mem>> -> memref<1x!tpu.dma_semaphore, #tpu.memory_space<semaphore_mem>>
      %dma_wait3A_1154 = tpu.memref_squeeze %dma_wait3A_1153 : memref<1x!tpu.dma_semaphore, #tpu.memory_space<semaphore_mem>> -> memref<!tpu.dma_semaphore, #tpu.memory_space<semaphore_mem>>
      tpu.wait_indirect_dma semaphore(%dma_wait3A_1154 : memref<!tpu.dma_semaphore, #tpu.memory_space<semaphore_mem>>) src(%dma_wait3A_1146 : memref<128x16xf32, #tpu.memory_space<vmem>>) dst(%dma_wait3A_1152 : memref<10512x16xf32, #tpu.memory_space<vmem_shared>>)
      %add3A_1155 = arith.constant 8 : i32
      %add3A_1156 = arith.addi %mul3A_584, %add3A_1155 : i32
      %add3A_1157 = arith.constant 7 : i32
      %add3A_1158 = arith.addi %add3A_1156, %add3A_1157 : i32
      %dma_start3A_1159 = arith.constant 7 : i32
      %dma_start3A_1160 = arith.constant 7 : i32
      %dma_start3A_1161 = arith.constant 0 : i32
      %dma_start3A_1162 = arith.constant 0 : i32
      %dma_start3A_1163 = tpu.memref_slice %arg15[%dma_start3A_1159, %dma_start3A_1161, %dma_start3A_1162] : memref<8x128x16xf32, #tpu.memory_space<vmem>> -> memref<1x128x16xf32, #tpu.memory_space<vmem>>
      %dma_start3A_1164 = tpu.memref_squeeze %dma_start3A_1163 : memref<1x128x16xf32, #tpu.memory_space<vmem>> -> memref<128x16xf32, #tpu.memory_space<vmem>>
      %dma_start3A_1165 = arith.constant 0 : i32
      %dma_start3A_1166 = tpu.memref_slice %arg13[%add3A_1158, %dma_start3A_1165] : memref<80x128xi32, #tpu.memory_space<vmem>> -> memref<1x128xi32, #tpu.memory_space<vmem>>
      %dma_start3A_1167 = tpu.memref_squeeze %dma_start3A_1166 : memref<1x128xi32, #tpu.memory_space<vmem>> -> memref<128xi32, #tpu.memory_space<vmem>>
      %dma_start3A_1168 = arith.constant 0 : i32
      %dma_start3A_1169 = arith.constant 0 : i32
      %dma_start3A_1170 = tpu.memref_slice %arg9[%arg0, %dma_start3A_1168, %dma_start3A_1169] : memref<2x10000x16xf32, #tpu.memory_space<hbm>> -> memref<1x10000x16xf32, #tpu.memory_space<hbm>>
      %dma_start3A_1171 = tpu.memref_squeeze %dma_start3A_1170 : memref<1x10000x16xf32, #tpu.memory_space<hbm>> -> memref<10000x16xf32, #tpu.memory_space<hbm>>
      %dma_start3A_1172 = arith.constant 0 : i32
      %dma_start3A_1173 = arith.constant 0 : i32
      %dma_start3A_1174 = tpu.memref_slice %dma_start3A_1171[%dma_start3A_1172, %dma_start3A_1173] : memref<10000x16xf32, #tpu.memory_space<hbm>> -> memref<10000x16xf32, #tpu.memory_space<hbm>>
      %dma_start3A_1175 = tpu.memref_slice %arg23[%dma_start3A_1160] : memref<8x!tpu.dma_semaphore, #tpu.memory_space<semaphore_mem>> -> memref<1x!tpu.dma_semaphore, #tpu.memory_space<semaphore_mem>>
      %dma_start3A_1176 = tpu.memref_squeeze %dma_start3A_1175 : memref<1x!tpu.dma_semaphore, #tpu.memory_space<semaphore_mem>> -> memref<!tpu.dma_semaphore, #tpu.memory_space<semaphore_mem>>
      tpu.enqueue_indirect_dma source(%dma_start3A_1174 : memref<10000x16xf32, #tpu.memory_space<hbm>>) target(%dma_start3A_1164 : memref<128x16xf32, #tpu.memory_space<vmem>>) offsets(%dma_start3A_1167 : memref<128xi32, #tpu.memory_space<vmem>>) semaphore(%dma_start3A_1176 : memref<!tpu.dma_semaphore, #tpu.memory_space<semaphore_mem>>)
    }
    %scan3A_179 = arith.constant 9 : i32
    %dma_wait3A = arith.constant 72 : i32
    %dma_wait3A_180 = arith.constant 0 : i32
    %dma_wait3A_181 = arith.constant 0 : i32
    %dma_wait3A_182 = arith.constant 0 : i32
    %dma_wait3A_183 = arith.constant 0 : i32
    %dma_wait3A_184 = tpu.memref_slice %arg15[%dma_wait3A_180, %dma_wait3A_182, %dma_wait3A_183] : memref<8x128x16xf32, #tpu.memory_space<vmem>> -> memref<1x128x16xf32, #tpu.memory_space<vmem>>
    %dma_wait3A_185 = tpu.memref_squeeze %dma_wait3A_184 : memref<1x128x16xf32, #tpu.memory_space<vmem>> -> memref<128x16xf32, #tpu.memory_space<vmem>>
    %dma_wait3A_186 = arith.constant 0 : i32
    %dma_wait3A_187 = tpu.memref_slice %arg13[%dma_wait3A, %dma_wait3A_186] : memref<80x128xi32, #tpu.memory_space<vmem>> -> memref<1x128xi32, #tpu.memory_space<vmem>>
    %dma_wait3A_188 = tpu.memref_squeeze %dma_wait3A_187 : memref<1x128xi32, #tpu.memory_space<vmem>> -> memref<128xi32, #tpu.memory_space<vmem>>
    %dma_wait3A_189 = arith.constant 0 : i32
    %dma_wait3A_190 = arith.constant 0 : i32
    %dma_wait3A_191 = tpu.memref_slice %arg9[%arg0, %dma_wait3A_189, %dma_wait3A_190] : memref<2x10000x16xf32, #tpu.memory_space<hbm>> -> memref<1x10000x16xf32, #tpu.memory_space<hbm>>
    %dma_wait3A_192 = tpu.memref_squeeze %dma_wait3A_191 : memref<1x10000x16xf32, #tpu.memory_space<hbm>> -> memref<10000x16xf32, #tpu.memory_space<hbm>>
    %dma_wait3A_193 = arith.constant 0 : i32
    %dma_wait3A_194 = arith.constant 0 : i32
    %dma_wait3A_195 = tpu.memref_slice %dma_wait3A_192[%dma_wait3A_193, %dma_wait3A_194] : memref<10000x16xf32, #tpu.memory_space<hbm>> -> memref<10000x16xf32, #tpu.memory_space<hbm>>
    %dma_wait3A_196 = tpu.memref_slice %arg23[%dma_wait3A_181] : memref<8x!tpu.dma_semaphore, #tpu.memory_space<semaphore_mem>> -> memref<1x!tpu.dma_semaphore, #tpu.memory_space<semaphore_mem>>
    %dma_wait3A_197 = tpu.memref_squeeze %dma_wait3A_196 : memref<1x!tpu.dma_semaphore, #tpu.memory_space<semaphore_mem>> -> memref<!tpu.dma_semaphore, #tpu.memory_space<semaphore_mem>>
    tpu.wait_indirect_dma semaphore(%dma_wait3A_197 : memref<!tpu.dma_semaphore, #tpu.memory_space<semaphore_mem>>) src(%dma_wait3A_195 : memref<10000x16xf32, #tpu.memory_space<hbm>>) dst(%dma_wait3A_185 : memref<128x16xf32, #tpu.memory_space<vmem>>)
    %dma_start3A_198 = arith.constant 0 : i32
    %dma_start3A_199 = arith.constant 72 : i32
    %dma_start3A_200 = arith.constant 0 : i32
    %dma_start3A_201 = arith.constant 0 : i32
    %dma_start3A_202 = arith.constant 0 : i32
    %dma_start3A_203 = tpu.memref_slice %arg15[%dma_start3A_198, %dma_start3A_201, %dma_start3A_202] : memref<8x128x16xf32, #tpu.memory_space<vmem>> -> memref<1x128x16xf32, #tpu.memory_space<vmem>>
    %dma_start3A_204 = tpu.memref_squeeze %dma_start3A_203 : memref<1x128x16xf32, #tpu.memory_space<vmem>> -> memref<128x16xf32, #tpu.memory_space<vmem>>
    %dma_start3A_205 = arith.constant 0 : i32
    %dma_start3A_206 = tpu.memref_slice %arg14[%dma_start3A_199, %dma_start3A_205] : memref<80x128xi32, #tpu.memory_space<vmem>> -> memref<1x128xi32, #tpu.memory_space<vmem>>
    %dma_start3A_207 = tpu.memref_squeeze %dma_start3A_206 : memref<1x128xi32, #tpu.memory_space<vmem>> -> memref<128xi32, #tpu.memory_space<vmem>>
    %dma_start3A_208 = arith.constant 0 : i32
    %dma_start3A_209 = arith.constant 0 : i32
    %dma_start3A_210 = tpu.memref_slice %arg22[%dma_start3A_208, %dma_start3A_209] : memref<10512x16xf32, #tpu.memory_space<vmem_shared>> -> memref<10512x16xf32, #tpu.memory_space<vmem_shared>>
    %dma_start3A_211 = tpu.memref_slice %arg24[%dma_start3A_200] : memref<8x!tpu.dma_semaphore, #tpu.memory_space<semaphore_mem>> -> memref<1x!tpu.dma_semaphore, #tpu.memory_space<semaphore_mem>>
    %dma_start3A_212 = tpu.memref_squeeze %dma_start3A_211 : memref<1x!tpu.dma_semaphore, #tpu.memory_space<semaphore_mem>> -> memref<!tpu.dma_semaphore, #tpu.memory_space<semaphore_mem>>
    tpu.enqueue_indirect_dma source(%dma_start3A_204 : memref<128x16xf32, #tpu.memory_space<vmem>>) target(%dma_start3A_210 : memref<10512x16xf32, #tpu.memory_space<vmem_shared>>) offsets(%dma_start3A_207 : memref<128xi32, #tpu.memory_space<vmem>>) semaphore(%dma_start3A_212 : memref<!tpu.dma_semaphore, #tpu.memory_space<semaphore_mem>>) {add = true}
    %dma_wait3A_213 = arith.constant 73 : i32
    %dma_wait3A_214 = arith.constant 1 : i32
    %dma_wait3A_215 = arith.constant 1 : i32
    %dma_wait3A_216 = arith.constant 0 : i32
    %dma_wait3A_217 = arith.constant 0 : i32
    %dma_wait3A_218 = tpu.memref_slice %arg15[%dma_wait3A_214, %dma_wait3A_216, %dma_wait3A_217] : memref<8x128x16xf32, #tpu.memory_space<vmem>> -> memref<1x128x16xf32, #tpu.memory_space<vmem>>
    %dma_wait3A_219 = tpu.memref_squeeze %dma_wait3A_218 : memref<1x128x16xf32, #tpu.memory_space<vmem>> -> memref<128x16xf32, #tpu.memory_space<vmem>>
    %dma_wait3A_220 = arith.constant 0 : i32
    %dma_wait3A_221 = tpu.memref_slice %arg13[%dma_wait3A_213, %dma_wait3A_220] : memref<80x128xi32, #tpu.memory_space<vmem>> -> memref<1x128xi32, #tpu.memory_space<vmem>>
    %dma_wait3A_222 = tpu.memref_squeeze %dma_wait3A_221 : memref<1x128xi32, #tpu.memory_space<vmem>> -> memref<128xi32, #tpu.memory_space<vmem>>
    %dma_wait3A_223 = arith.constant 0 : i32
    %dma_wait3A_224 = arith.constant 0 : i32
    %dma_wait3A_225 = tpu.memref_slice %arg9[%arg0, %dma_wait3A_223, %dma_wait3A_224] : memref<2x10000x16xf32, #tpu.memory_space<hbm>> -> memref<1x10000x16xf32, #tpu.memory_space<hbm>>
    %dma_wait3A_226 = tpu.memref_squeeze %dma_wait3A_225 : memref<1x10000x16xf32, #tpu.memory_space<hbm>> -> memref<10000x16xf32, #tpu.memory_space<hbm>>
    %dma_wait3A_227 = arith.constant 0 : i32
    %dma_wait3A_228 = arith.constant 0 : i32
    %dma_wait3A_229 = tpu.memref_slice %dma_wait3A_226[%dma_wait3A_227, %dma_wait3A_228] : memref<10000x16xf32, #tpu.memory_space<hbm>> -> memref<10000x16xf32, #tpu.memory_space<hbm>>
    %dma_wait3A_230 = tpu.memref_slice %arg23[%dma_wait3A_215] : memref<8x!tpu.dma_semaphore, #tpu.memory_space<semaphore_mem>> -> memref<1x!tpu.dma_semaphore, #tpu.memory_space<semaphore_mem>>
    %dma_wait3A_231 = tpu.memref_squeeze %dma_wait3A_230 : memref<1x!tpu.dma_semaphore, #tpu.memory_space<semaphore_mem>> -> memref<!tpu.dma_semaphore, #tpu.memory_space<semaphore_mem>>
    tpu.wait_indirect_dma semaphore(%dma_wait3A_231 : memref<!tpu.dma_semaphore, #tpu.memory_space<semaphore_mem>>) src(%dma_wait3A_229 : memref<10000x16xf32, #tpu.memory_space<hbm>>) dst(%dma_wait3A_219 : memref<128x16xf32, #tpu.memory_space<vmem>>)
    %dma_start3A_232 = arith.constant 1 : i32
    %dma_start3A_233 = arith.constant 73 : i32
    %dma_start3A_234 = arith.constant 1 : i32
    %dma_start3A_235 = arith.constant 0 : i32
    %dma_start3A_236 = arith.constant 0 : i32
    %dma_start3A_237 = tpu.memref_slice %arg15[%dma_start3A_232, %dma_start3A_235, %dma_start3A_236] : memref<8x128x16xf32, #tpu.memory_space<vmem>> -> memref<1x128x16xf32, #tpu.memory_space<vmem>>
    %dma_start3A_238 = tpu.memref_squeeze %dma_start3A_237 : memref<1x128x16xf32, #tpu.memory_space<vmem>> -> memref<128x16xf32, #tpu.memory_space<vmem>>
    %dma_start3A_239 = arith.constant 0 : i32
    %dma_start3A_240 = tpu.memref_slice %arg14[%dma_start3A_233, %dma_start3A_239] : memref<80x128xi32, #tpu.memory_space<vmem>> -> memref<1x128xi32, #tpu.memory_space<vmem>>
    %dma_start3A_241 = tpu.memref_squeeze %dma_start3A_240 : memref<1x128xi32, #tpu.memory_space<vmem>> -> memref<128xi32, #tpu.memory_space<vmem>>
    %dma_start3A_242 = arith.constant 0 : i32
    %dma_start3A_243 = arith.constant 0 : i32
    %dma_start3A_244 = tpu.memref_slice %arg22[%dma_start3A_242, %dma_start3A_243] : memref<10512x16xf32, #tpu.memory_space<vmem_shared>> -> memref<10512x16xf32, #tpu.memory_space<vmem_shared>>
    %dma_start3A_245 = tpu.memref_slice %arg24[%dma_start3A_234] : memref<8x!tpu.dma_semaphore, #tpu.memory_space<semaphore_mem>> -> memref<1x!tpu.dma_semaphore, #tpu.memory_space<semaphore_mem>>
    %dma_start3A_246 = tpu.memref_squeeze %dma_start3A_245 : memref<1x!tpu.dma_semaphore, #tpu.memory_space<semaphore_mem>> -> memref<!tpu.dma_semaphore, #tpu.memory_space<semaphore_mem>>
    tpu.enqueue_indirect_dma source(%dma_start3A_238 : memref<128x16xf32, #tpu.memory_space<vmem>>) target(%dma_start3A_244 : memref<10512x16xf32, #tpu.memory_space<vmem_shared>>) offsets(%dma_start3A_241 : memref<128xi32, #tpu.memory_space<vmem>>) semaphore(%dma_start3A_246 : memref<!tpu.dma_semaphore, #tpu.memory_space<semaphore_mem>>) {add = true}
    %dma_wait3A_247 = arith.constant 74 : i32
    %dma_wait3A_248 = arith.constant 2 : i32
    %dma_wait3A_249 = arith.constant 2 : i32
    %dma_wait3A_250 = arith.constant 0 : i32
    %dma_wait3A_251 = arith.constant 0 : i32
    %dma_wait3A_252 = tpu.memref_slice %arg15[%dma_wait3A_248, %dma_wait3A_250, %dma_wait3A_251] : memref<8x128x16xf32, #tpu.memory_space<vmem>> -> memref<1x128x16xf32, #tpu.memory_space<vmem>>
    %dma_wait3A_253 = tpu.memref_squeeze %dma_wait3A_252 : memref<1x128x16xf32, #tpu.memory_space<vmem>> -> memref<128x16xf32, #tpu.memory_space<vmem>>
    %dma_wait3A_254 = arith.constant 0 : i32
    %dma_wait3A_255 = tpu.memref_slice %arg13[%dma_wait3A_247, %dma_wait3A_254] : memref<80x128xi32, #tpu.memory_space<vmem>> -> memref<1x128xi32, #tpu.memory_space<vmem>>
    %dma_wait3A_256 = tpu.memref_squeeze %dma_wait3A_255 : memref<1x128xi32, #tpu.memory_space<vmem>> -> memref<128xi32, #tpu.memory_space<vmem>>
    %dma_wait3A_257 = arith.constant 0 : i32
    %dma_wait3A_258 = arith.constant 0 : i32
    %dma_wait3A_259 = tpu.memref_slice %arg9[%arg0, %dma_wait3A_257, %dma_wait3A_258] : memref<2x10000x16xf32, #tpu.memory_space<hbm>> -> memref<1x10000x16xf32, #tpu.memory_space<hbm>>
    %dma_wait3A_260 = tpu.memref_squeeze %dma_wait3A_259 : memref<1x10000x16xf32, #tpu.memory_space<hbm>> -> memref<10000x16xf32, #tpu.memory_space<hbm>>
    %dma_wait3A_261 = arith.constant 0 : i32
    %dma_wait3A_262 = arith.constant 0 : i32
    %dma_wait3A_263 = tpu.memref_slice %dma_wait3A_260[%dma_wait3A_261, %dma_wait3A_262] : memref<10000x16xf32, #tpu.memory_space<hbm>> -> memref<10000x16xf32, #tpu.memory_space<hbm>>
    %dma_wait3A_264 = tpu.memref_slice %arg23[%dma_wait3A_249] : memref<8x!tpu.dma_semaphore, #tpu.memory_space<semaphore_mem>> -> memref<1x!tpu.dma_semaphore, #tpu.memory_space<semaphore_mem>>
    %dma_wait3A_265 = tpu.memref_squeeze %dma_wait3A_264 : memref<1x!tpu.dma_semaphore, #tpu.memory_space<semaphore_mem>> -> memref<!tpu.dma_semaphore, #tpu.memory_space<semaphore_mem>>
    tpu.wait_indirect_dma semaphore(%dma_wait3A_265 : memref<!tpu.dma_semaphore, #tpu.memory_space<semaphore_mem>>) src(%dma_wait3A_263 : memref<10000x16xf32, #tpu.memory_space<hbm>>) dst(%dma_wait3A_253 : memref<128x16xf32, #tpu.memory_space<vmem>>)
    %dma_start3A_266 = arith.constant 2 : i32
    %dma_start3A_267 = arith.constant 74 : i32
    %dma_start3A_268 = arith.constant 2 : i32
    %dma_start3A_269 = arith.constant 0 : i32
    %dma_start3A_270 = arith.constant 0 : i32
    %dma_start3A_271 = tpu.memref_slice %arg15[%dma_start3A_266, %dma_start3A_269, %dma_start3A_270] : memref<8x128x16xf32, #tpu.memory_space<vmem>> -> memref<1x128x16xf32, #tpu.memory_space<vmem>>
    %dma_start3A_272 = tpu.memref_squeeze %dma_start3A_271 : memref<1x128x16xf32, #tpu.memory_space<vmem>> -> memref<128x16xf32, #tpu.memory_space<vmem>>
    %dma_start3A_273 = arith.constant 0 : i32
    %dma_start3A_274 = tpu.memref_slice %arg14[%dma_start3A_267, %dma_start3A_273] : memref<80x128xi32, #tpu.memory_space<vmem>> -> memref<1x128xi32, #tpu.memory_space<vmem>>
    %dma_start3A_275 = tpu.memref_squeeze %dma_start3A_274 : memref<1x128xi32, #tpu.memory_space<vmem>> -> memref<128xi32, #tpu.memory_space<vmem>>
    %dma_start3A_276 = arith.constant 0 : i32
    %dma_start3A_277 = arith.constant 0 : i32
    %dma_start3A_278 = tpu.memref_slice %arg22[%dma_start3A_276, %dma_start3A_277] : memref<10512x16xf32, #tpu.memory_space<vmem_shared>> -> memref<10512x16xf32, #tpu.memory_space<vmem_shared>>
    %dma_start3A_279 = tpu.memref_slice %arg24[%dma_start3A_268] : memref<8x!tpu.dma_semaphore, #tpu.memory_space<semaphore_mem>> -> memref<1x!tpu.dma_semaphore, #tpu.memory_space<semaphore_mem>>
    %dma_start3A_280 = tpu.memref_squeeze %dma_start3A_279 : memref<1x!tpu.dma_semaphore, #tpu.memory_space<semaphore_mem>> -> memref<!tpu.dma_semaphore, #tpu.memory_space<semaphore_mem>>
    tpu.enqueue_indirect_dma source(%dma_start3A_272 : memref<128x16xf32, #tpu.memory_space<vmem>>) target(%dma_start3A_278 : memref<10512x16xf32, #tpu.memory_space<vmem_shared>>) offsets(%dma_start3A_275 : memref<128xi32, #tpu.memory_space<vmem>>) semaphore(%dma_start3A_280 : memref<!tpu.dma_semaphore, #tpu.memory_space<semaphore_mem>>) {add = true}
    %dma_wait3A_281 = arith.constant 75 : i32
    %dma_wait3A_282 = arith.constant 3 : i32
    %dma_wait3A_283 = arith.constant 3 : i32
    %dma_wait3A_284 = arith.constant 0 : i32
    %dma_wait3A_285 = arith.constant 0 : i32
    %dma_wait3A_286 = tpu.memref_slice %arg15[%dma_wait3A_282, %dma_wait3A_284, %dma_wait3A_285] : memref<8x128x16xf32, #tpu.memory_space<vmem>> -> memref<1x128x16xf32, #tpu.memory_space<vmem>>
    %dma_wait3A_287 = tpu.memref_squeeze %dma_wait3A_286 : memref<1x128x16xf32, #tpu.memory_space<vmem>> -> memref<128x16xf32, #tpu.memory_space<vmem>>
    %dma_wait3A_288 = arith.constant 0 : i32
    %dma_wait3A_289 = tpu.memref_slice %arg13[%dma_wait3A_281, %dma_wait3A_288] : memref<80x128xi32, #tpu.memory_space<vmem>> -> memref<1x128xi32, #tpu.memory_space<vmem>>
    %dma_wait3A_290 = tpu.memref_squeeze %dma_wait3A_289 : memref<1x128xi32, #tpu.memory_space<vmem>> -> memref<128xi32, #tpu.memory_space<vmem>>
    %dma_wait3A_291 = arith.constant 0 : i32
    %dma_wait3A_292 = arith.constant 0 : i32
    %dma_wait3A_293 = tpu.memref_slice %arg9[%arg0, %dma_wait3A_291, %dma_wait3A_292] : memref<2x10000x16xf32, #tpu.memory_space<hbm>> -> memref<1x10000x16xf32, #tpu.memory_space<hbm>>
    %dma_wait3A_294 = tpu.memref_squeeze %dma_wait3A_293 : memref<1x10000x16xf32, #tpu.memory_space<hbm>> -> memref<10000x16xf32, #tpu.memory_space<hbm>>
    %dma_wait3A_295 = arith.constant 0 : i32
    %dma_wait3A_296 = arith.constant 0 : i32
    %dma_wait3A_297 = tpu.memref_slice %dma_wait3A_294[%dma_wait3A_295, %dma_wait3A_296] : memref<10000x16xf32, #tpu.memory_space<hbm>> -> memref<10000x16xf32, #tpu.memory_space<hbm>>
    %dma_wait3A_298 = tpu.memref_slice %arg23[%dma_wait3A_283] : memref<8x!tpu.dma_semaphore, #tpu.memory_space<semaphore_mem>> -> memref<1x!tpu.dma_semaphore, #tpu.memory_space<semaphore_mem>>
    %dma_wait3A_299 = tpu.memref_squeeze %dma_wait3A_298 : memref<1x!tpu.dma_semaphore, #tpu.memory_space<semaphore_mem>> -> memref<!tpu.dma_semaphore, #tpu.memory_space<semaphore_mem>>
    tpu.wait_indirect_dma semaphore(%dma_wait3A_299 : memref<!tpu.dma_semaphore, #tpu.memory_space<semaphore_mem>>) src(%dma_wait3A_297 : memref<10000x16xf32, #tpu.memory_space<hbm>>) dst(%dma_wait3A_287 : memref<128x16xf32, #tpu.memory_space<vmem>>)
    %dma_start3A_300 = arith.constant 3 : i32
    %dma_start3A_301 = arith.constant 75 : i32
    %dma_start3A_302 = arith.constant 3 : i32
    %dma_start3A_303 = arith.constant 0 : i32
    %dma_start3A_304 = arith.constant 0 : i32
    %dma_start3A_305 = tpu.memref_slice %arg15[%dma_start3A_300, %dma_start3A_303, %dma_start3A_304] : memref<8x128x16xf32, #tpu.memory_space<vmem>> -> memref<1x128x16xf32, #tpu.memory_space<vmem>>
    %dma_start3A_306 = tpu.memref_squeeze %dma_start3A_305 : memref<1x128x16xf32, #tpu.memory_space<vmem>> -> memref<128x16xf32, #tpu.memory_space<vmem>>
    %dma_start3A_307 = arith.constant 0 : i32
    %dma_start3A_308 = tpu.memref_slice %arg14[%dma_start3A_301, %dma_start3A_307] : memref<80x128xi32, #tpu.memory_space<vmem>> -> memref<1x128xi32, #tpu.memory_space<vmem>>
    %dma_start3A_309 = tpu.memref_squeeze %dma_start3A_308 : memref<1x128xi32, #tpu.memory_space<vmem>> -> memref<128xi32, #tpu.memory_space<vmem>>
    %dma_start3A_310 = arith.constant 0 : i32
    %dma_start3A_311 = arith.constant 0 : i32
    %dma_start3A_312 = tpu.memref_slice %arg22[%dma_start3A_310, %dma_start3A_311] : memref<10512x16xf32, #tpu.memory_space<vmem_shared>> -> memref<10512x16xf32, #tpu.memory_space<vmem_shared>>
    %dma_start3A_313 = tpu.memref_slice %arg24[%dma_start3A_302] : memref<8x!tpu.dma_semaphore, #tpu.memory_space<semaphore_mem>> -> memref<1x!tpu.dma_semaphore, #tpu.memory_space<semaphore_mem>>
    %dma_start3A_314 = tpu.memref_squeeze %dma_start3A_313 : memref<1x!tpu.dma_semaphore, #tpu.memory_space<semaphore_mem>> -> memref<!tpu.dma_semaphore, #tpu.memory_space<semaphore_mem>>
    tpu.enqueue_indirect_dma source(%dma_start3A_306 : memref<128x16xf32, #tpu.memory_space<vmem>>) target(%dma_start3A_312 : memref<10512x16xf32, #tpu.memory_space<vmem_shared>>) offsets(%dma_start3A_309 : memref<128xi32, #tpu.memory_space<vmem>>) semaphore(%dma_start3A_314 : memref<!tpu.dma_semaphore, #tpu.memory_space<semaphore_mem>>) {add = true}
    %dma_wait3A_315 = arith.constant 76 : i32
    %dma_wait3A_316 = arith.constant 4 : i32
    %dma_wait3A_317 = arith.constant 4 : i32
    %dma_wait3A_318 = arith.constant 0 : i32
    %dma_wait3A_319 = arith.constant 0 : i32
    %dma_wait3A_320 = tpu.memref_slice %arg15[%dma_wait3A_316, %dma_wait3A_318, %dma_wait3A_319] : memref<8x128x16xf32, #tpu.memory_space<vmem>> -> memref<1x128x16xf32, #tpu.memory_space<vmem>>
    %dma_wait3A_321 = tpu.memref_squeeze %dma_wait3A_320 : memref<1x128x16xf32, #tpu.memory_space<vmem>> -> memref<128x16xf32, #tpu.memory_space<vmem>>
    %dma_wait3A_322 = arith.constant 0 : i32
    %dma_wait3A_323 = tpu.memref_slice %arg13[%dma_wait3A_315, %dma_wait3A_322] : memref<80x128xi32, #tpu.memory_space<vmem>> -> memref<1x128xi32, #tpu.memory_space<vmem>>
    %dma_wait3A_324 = tpu.memref_squeeze %dma_wait3A_323 : memref<1x128xi32, #tpu.memory_space<vmem>> -> memref<128xi32, #tpu.memory_space<vmem>>
    %dma_wait3A_325 = arith.constant 0 : i32
    %dma_wait3A_326 = arith.constant 0 : i32
    %dma_wait3A_327 = tpu.memref_slice %arg9[%arg0, %dma_wait3A_325, %dma_wait3A_326] : memref<2x10000x16xf32, #tpu.memory_space<hbm>> -> memref<1x10000x16xf32, #tpu.memory_space<hbm>>
    %dma_wait3A_328 = tpu.memref_squeeze %dma_wait3A_327 : memref<1x10000x16xf32, #tpu.memory_space<hbm>> -> memref<10000x16xf32, #tpu.memory_space<hbm>>
    %dma_wait3A_329 = arith.constant 0 : i32
    %dma_wait3A_330 = arith.constant 0 : i32
    %dma_wait3A_331 = tpu.memref_slice %dma_wait3A_328[%dma_wait3A_329, %dma_wait3A_330] : memref<10000x16xf32, #tpu.memory_space<hbm>> -> memref<10000x16xf32, #tpu.memory_space<hbm>>
    %dma_wait3A_332 = tpu.memref_slice %arg23[%dma_wait3A_317] : memref<8x!tpu.dma_semaphore, #tpu.memory_space<semaphore_mem>> -> memref<1x!tpu.dma_semaphore, #tpu.memory_space<semaphore_mem>>
    %dma_wait3A_333 = tpu.memref_squeeze %dma_wait3A_332 : memref<1x!tpu.dma_semaphore, #tpu.memory_space<semaphore_mem>> -> memref<!tpu.dma_semaphore, #tpu.memory_space<semaphore_mem>>
    tpu.wait_indirect_dma semaphore(%dma_wait3A_333 : memref<!tpu.dma_semaphore, #tpu.memory_space<semaphore_mem>>) src(%dma_wait3A_331 : memref<10000x16xf32, #tpu.memory_space<hbm>>) dst(%dma_wait3A_321 : memref<128x16xf32, #tpu.memory_space<vmem>>)
    %dma_start3A_334 = arith.constant 4 : i32
    %dma_start3A_335 = arith.constant 76 : i32
    %dma_start3A_336 = arith.constant 4 : i32
    %dma_start3A_337 = arith.constant 0 : i32
    %dma_start3A_338 = arith.constant 0 : i32
    %dma_start3A_339 = tpu.memref_slice %arg15[%dma_start3A_334, %dma_start3A_337, %dma_start3A_338] : memref<8x128x16xf32, #tpu.memory_space<vmem>> -> memref<1x128x16xf32, #tpu.memory_space<vmem>>
    %dma_start3A_340 = tpu.memref_squeeze %dma_start3A_339 : memref<1x128x16xf32, #tpu.memory_space<vmem>> -> memref<128x16xf32, #tpu.memory_space<vmem>>
    %dma_start3A_341 = arith.constant 0 : i32
    %dma_start3A_342 = tpu.memref_slice %arg14[%dma_start3A_335, %dma_start3A_341] : memref<80x128xi32, #tpu.memory_space<vmem>> -> memref<1x128xi32, #tpu.memory_space<vmem>>
    %dma_start3A_343 = tpu.memref_squeeze %dma_start3A_342 : memref<1x128xi32, #tpu.memory_space<vmem>> -> memref<128xi32, #tpu.memory_space<vmem>>
    %dma_start3A_344 = arith.constant 0 : i32
    %dma_start3A_345 = arith.constant 0 : i32
    %dma_start3A_346 = tpu.memref_slice %arg22[%dma_start3A_344, %dma_start3A_345] : memref<10512x16xf32, #tpu.memory_space<vmem_shared>> -> memref<10512x16xf32, #tpu.memory_space<vmem_shared>>
    %dma_start3A_347 = tpu.memref_slice %arg24[%dma_start3A_336] : memref<8x!tpu.dma_semaphore, #tpu.memory_space<semaphore_mem>> -> memref<1x!tpu.dma_semaphore, #tpu.memory_space<semaphore_mem>>
    %dma_start3A_348 = tpu.memref_squeeze %dma_start3A_347 : memref<1x!tpu.dma_semaphore, #tpu.memory_space<semaphore_mem>> -> memref<!tpu.dma_semaphore, #tpu.memory_space<semaphore_mem>>
    tpu.enqueue_indirect_dma source(%dma_start3A_340 : memref<128x16xf32, #tpu.memory_space<vmem>>) target(%dma_start3A_346 : memref<10512x16xf32, #tpu.memory_space<vmem_shared>>) offsets(%dma_start3A_343 : memref<128xi32, #tpu.memory_space<vmem>>) semaphore(%dma_start3A_348 : memref<!tpu.dma_semaphore, #tpu.memory_space<semaphore_mem>>) {add = true}
    %dma_wait3A_349 = arith.constant 77 : i32
    %dma_wait3A_350 = arith.constant 5 : i32
    %dma_wait3A_351 = arith.constant 5 : i32
    %dma_wait3A_352 = arith.constant 0 : i32
    %dma_wait3A_353 = arith.constant 0 : i32
    %dma_wait3A_354 = tpu.memref_slice %arg15[%dma_wait3A_350, %dma_wait3A_352, %dma_wait3A_353] : memref<8x128x16xf32, #tpu.memory_space<vmem>> -> memref<1x128x16xf32, #tpu.memory_space<vmem>>
    %dma_wait3A_355 = tpu.memref_squeeze %dma_wait3A_354 : memref<1x128x16xf32, #tpu.memory_space<vmem>> -> memref<128x16xf32, #tpu.memory_space<vmem>>
    %dma_wait3A_356 = arith.constant 0 : i32
    %dma_wait3A_357 = tpu.memref_slice %arg13[%dma_wait3A_349, %dma_wait3A_356] : memref<80x128xi32, #tpu.memory_space<vmem>> -> memref<1x128xi32, #tpu.memory_space<vmem>>
    %dma_wait3A_358 = tpu.memref_squeeze %dma_wait3A_357 : memref<1x128xi32, #tpu.memory_space<vmem>> -> memref<128xi32, #tpu.memory_space<vmem>>
    %dma_wait3A_359 = arith.constant 0 : i32
    %dma_wait3A_360 = arith.constant 0 : i32
    %dma_wait3A_361 = tpu.memref_slice %arg9[%arg0, %dma_wait3A_359, %dma_wait3A_360] : memref<2x10000x16xf32, #tpu.memory_space<hbm>> -> memref<1x10000x16xf32, #tpu.memory_space<hbm>>
    %dma_wait3A_362 = tpu.memref_squeeze %dma_wait3A_361 : memref<1x10000x16xf32, #tpu.memory_space<hbm>> -> memref<10000x16xf32, #tpu.memory_space<hbm>>
    %dma_wait3A_363 = arith.constant 0 : i32
    %dma_wait3A_364 = arith.constant 0 : i32
    %dma_wait3A_365 = tpu.memref_slice %dma_wait3A_362[%dma_wait3A_363, %dma_wait3A_364] : memref<10000x16xf32, #tpu.memory_space<hbm>> -> memref<10000x16xf32, #tpu.memory_space<hbm>>
    %dma_wait3A_366 = tpu.memref_slice %arg23[%dma_wait3A_351] : memref<8x!tpu.dma_semaphore, #tpu.memory_space<semaphore_mem>> -> memref<1x!tpu.dma_semaphore, #tpu.memory_space<semaphore_mem>>
    %dma_wait3A_367 = tpu.memref_squeeze %dma_wait3A_366 : memref<1x!tpu.dma_semaphore, #tpu.memory_space<semaphore_mem>> -> memref<!tpu.dma_semaphore, #tpu.memory_space<semaphore_mem>>
    tpu.wait_indirect_dma semaphore(%dma_wait3A_367 : memref<!tpu.dma_semaphore, #tpu.memory_space<semaphore_mem>>) src(%dma_wait3A_365 : memref<10000x16xf32, #tpu.memory_space<hbm>>) dst(%dma_wait3A_355 : memref<128x16xf32, #tpu.memory_space<vmem>>)
    %dma_start3A_368 = arith.constant 5 : i32
    %dma_start3A_369 = arith.constant 77 : i32
    %dma_start3A_370 = arith.constant 5 : i32
    %dma_start3A_371 = arith.constant 0 : i32
    %dma_start3A_372 = arith.constant 0 : i32
    %dma_start3A_373 = tpu.memref_slice %arg15[%dma_start3A_368, %dma_start3A_371, %dma_start3A_372] : memref<8x128x16xf32, #tpu.memory_space<vmem>> -> memref<1x128x16xf32, #tpu.memory_space<vmem>>
    %dma_start3A_374 = tpu.memref_squeeze %dma_start3A_373 : memref<1x128x16xf32, #tpu.memory_space<vmem>> -> memref<128x16xf32, #tpu.memory_space<vmem>>
    %dma_start3A_375 = arith.constant 0 : i32
    %dma_start3A_376 = tpu.memref_slice %arg14[%dma_start3A_369, %dma_start3A_375] : memref<80x128xi32, #tpu.memory_space<vmem>> -> memref<1x128xi32, #tpu.memory_space<vmem>>
    %dma_start3A_377 = tpu.memref_squeeze %dma_start3A_376 : memref<1x128xi32, #tpu.memory_space<vmem>> -> memref<128xi32, #tpu.memory_space<vmem>>
    %dma_start3A_378 = arith.constant 0 : i32
    %dma_start3A_379 = arith.constant 0 : i32
    %dma_start3A_380 = tpu.memref_slice %arg22[%dma_start3A_378, %dma_start3A_379] : memref<10512x16xf32, #tpu.memory_space<vmem_shared>> -> memref<10512x16xf32, #tpu.memory_space<vmem_shared>>
    %dma_start3A_381 = tpu.memref_slice %arg24[%dma_start3A_370] : memref<8x!tpu.dma_semaphore, #tpu.memory_space<semaphore_mem>> -> memref<1x!tpu.dma_semaphore, #tpu.memory_space<semaphore_mem>>
    %dma_start3A_382 = tpu.memref_squeeze %dma_start3A_381 : memref<1x!tpu.dma_semaphore, #tpu.memory_space<semaphore_mem>> -> memref<!tpu.dma_semaphore, #tpu.memory_space<semaphore_mem>>
    tpu.enqueue_indirect_dma source(%dma_start3A_374 : memref<128x16xf32, #tpu.memory_space<vmem>>) target(%dma_start3A_380 : memref<10512x16xf32, #tpu.memory_space<vmem_shared>>) offsets(%dma_start3A_377 : memref<128xi32, #tpu.memory_space<vmem>>) semaphore(%dma_start3A_382 : memref<!tpu.dma_semaphore, #tpu.memory_space<semaphore_mem>>) {add = true}
    %dma_wait3A_383 = arith.constant 78 : i32
    %dma_wait3A_384 = arith.constant 6 : i32
    %dma_wait3A_385 = arith.constant 6 : i32
    %dma_wait3A_386 = arith.constant 0 : i32
    %dma_wait3A_387 = arith.constant 0 : i32
    %dma_wait3A_388 = tpu.memref_slice %arg15[%dma_wait3A_384, %dma_wait3A_386, %dma_wait3A_387] : memref<8x128x16xf32, #tpu.memory_space<vmem>> -> memref<1x128x16xf32, #tpu.memory_space<vmem>>
    %dma_wait3A_389 = tpu.memref_squeeze %dma_wait3A_388 : memref<1x128x16xf32, #tpu.memory_space<vmem>> -> memref<128x16xf32, #tpu.memory_space<vmem>>
    %dma_wait3A_390 = arith.constant 0 : i32
    %dma_wait3A_391 = tpu.memref_slice %arg13[%dma_wait3A_383, %dma_wait3A_390] : memref<80x128xi32, #tpu.memory_space<vmem>> -> memref<1x128xi32, #tpu.memory_space<vmem>>
    %dma_wait3A_392 = tpu.memref_squeeze %dma_wait3A_391 : memref<1x128xi32, #tpu.memory_space<vmem>> -> memref<128xi32, #tpu.memory_space<vmem>>
    %dma_wait3A_393 = arith.constant 0 : i32
    %dma_wait3A_394 = arith.constant 0 : i32
    %dma_wait3A_395 = tpu.memref_slice %arg9[%arg0, %dma_wait3A_393, %dma_wait3A_394] : memref<2x10000x16xf32, #tpu.memory_space<hbm>> -> memref<1x10000x16xf32, #tpu.memory_space<hbm>>
    %dma_wait3A_396 = tpu.memref_squeeze %dma_wait3A_395 : memref<1x10000x16xf32, #tpu.memory_space<hbm>> -> memref<10000x16xf32, #tpu.memory_space<hbm>>
    %dma_wait3A_397 = arith.constant 0 : i32
    %dma_wait3A_398 = arith.constant 0 : i32
    %dma_wait3A_399 = tpu.memref_slice %dma_wait3A_396[%dma_wait3A_397, %dma_wait3A_398] : memref<10000x16xf32, #tpu.memory_space<hbm>> -> memref<10000x16xf32, #tpu.memory_space<hbm>>
    %dma_wait3A_400 = tpu.memref_slice %arg23[%dma_wait3A_385] : memref<8x!tpu.dma_semaphore, #tpu.memory_space<semaphore_mem>> -> memref<1x!tpu.dma_semaphore, #tpu.memory_space<semaphore_mem>>
    %dma_wait3A_401 = tpu.memref_squeeze %dma_wait3A_400 : memref<1x!tpu.dma_semaphore, #tpu.memory_space<semaphore_mem>> -> memref<!tpu.dma_semaphore, #tpu.memory_space<semaphore_mem>>
    tpu.wait_indirect_dma semaphore(%dma_wait3A_401 : memref<!tpu.dma_semaphore, #tpu.memory_space<semaphore_mem>>) src(%dma_wait3A_399 : memref<10000x16xf32, #tpu.memory_space<hbm>>) dst(%dma_wait3A_389 : memref<128x16xf32, #tpu.memory_space<vmem>>)
    %dma_start3A_402 = arith.constant 6 : i32
    %dma_start3A_403 = arith.constant 78 : i32
    %dma_start3A_404 = arith.constant 6 : i32
    %dma_start3A_405 = arith.constant 0 : i32
    %dma_start3A_406 = arith.constant 0 : i32
    %dma_start3A_407 = tpu.memref_slice %arg15[%dma_start3A_402, %dma_start3A_405, %dma_start3A_406] : memref<8x128x16xf32, #tpu.memory_space<vmem>> -> memref<1x128x16xf32, #tpu.memory_space<vmem>>
    %dma_start3A_408 = tpu.memref_squeeze %dma_start3A_407 : memref<1x128x16xf32, #tpu.memory_space<vmem>> -> memref<128x16xf32, #tpu.memory_space<vmem>>
    %dma_start3A_409 = arith.constant 0 : i32
    %dma_start3A_410 = tpu.memref_slice %arg14[%dma_start3A_403, %dma_start3A_409] : memref<80x128xi32, #tpu.memory_space<vmem>> -> memref<1x128xi32, #tpu.memory_space<vmem>>
    %dma_start3A_411 = tpu.memref_squeeze %dma_start3A_410 : memref<1x128xi32, #tpu.memory_space<vmem>> -> memref<128xi32, #tpu.memory_space<vmem>>
    %dma_start3A_412 = arith.constant 0 : i32
    %dma_start3A_413 = arith.constant 0 : i32
    %dma_start3A_414 = tpu.memref_slice %arg22[%dma_start3A_412, %dma_start3A_413] : memref<10512x16xf32, #tpu.memory_space<vmem_shared>> -> memref<10512x16xf32, #tpu.memory_space<vmem_shared>>
    %dma_start3A_415 = tpu.memref_slice %arg24[%dma_start3A_404] : memref<8x!tpu.dma_semaphore, #tpu.memory_space<semaphore_mem>> -> memref<1x!tpu.dma_semaphore, #tpu.memory_space<semaphore_mem>>
    %dma_start3A_416 = tpu.memref_squeeze %dma_start3A_415 : memref<1x!tpu.dma_semaphore, #tpu.memory_space<semaphore_mem>> -> memref<!tpu.dma_semaphore, #tpu.memory_space<semaphore_mem>>
    tpu.enqueue_indirect_dma source(%dma_start3A_408 : memref<128x16xf32, #tpu.memory_space<vmem>>) target(%dma_start3A_414 : memref<10512x16xf32, #tpu.memory_space<vmem_shared>>) offsets(%dma_start3A_411 : memref<128xi32, #tpu.memory_space<vmem>>) semaphore(%dma_start3A_416 : memref<!tpu.dma_semaphore, #tpu.memory_space<semaphore_mem>>) {add = true}
    %dma_wait3A_417 = arith.constant 79 : i32
    %dma_wait3A_418 = arith.constant 7 : i32
    %dma_wait3A_419 = arith.constant 7 : i32
    %dma_wait3A_420 = arith.constant 0 : i32
    %dma_wait3A_421 = arith.constant 0 : i32
    %dma_wait3A_422 = tpu.memref_slice %arg15[%dma_wait3A_418, %dma_wait3A_420, %dma_wait3A_421] : memref<8x128x16xf32, #tpu.memory_space<vmem>> -> memref<1x128x16xf32, #tpu.memory_space<vmem>>
    %dma_wait3A_423 = tpu.memref_squeeze %dma_wait3A_422 : memref<1x128x16xf32, #tpu.memory_space<vmem>> -> memref<128x16xf32, #tpu.memory_space<vmem>>
    %dma_wait3A_424 = arith.constant 0 : i32
    %dma_wait3A_425 = tpu.memref_slice %arg13[%dma_wait3A_417, %dma_wait3A_424] : memref<80x128xi32, #tpu.memory_space<vmem>> -> memref<1x128xi32, #tpu.memory_space<vmem>>
    %dma_wait3A_426 = tpu.memref_squeeze %dma_wait3A_425 : memref<1x128xi32, #tpu.memory_space<vmem>> -> memref<128xi32, #tpu.memory_space<vmem>>
    %dma_wait3A_427 = arith.constant 0 : i32
    %dma_wait3A_428 = arith.constant 0 : i32
    %dma_wait3A_429 = tpu.memref_slice %arg9[%arg0, %dma_wait3A_427, %dma_wait3A_428] : memref<2x10000x16xf32, #tpu.memory_space<hbm>> -> memref<1x10000x16xf32, #tpu.memory_space<hbm>>
    %dma_wait3A_430 = tpu.memref_squeeze %dma_wait3A_429 : memref<1x10000x16xf32, #tpu.memory_space<hbm>> -> memref<10000x16xf32, #tpu.memory_space<hbm>>
    %dma_wait3A_431 = arith.constant 0 : i32
    %dma_wait3A_432 = arith.constant 0 : i32
    %dma_wait3A_433 = tpu.memref_slice %dma_wait3A_430[%dma_wait3A_431, %dma_wait3A_432] : memref<10000x16xf32, #tpu.memory_space<hbm>> -> memref<10000x16xf32, #tpu.memory_space<hbm>>
    %dma_wait3A_434 = tpu.memref_slice %arg23[%dma_wait3A_419] : memref<8x!tpu.dma_semaphore, #tpu.memory_space<semaphore_mem>> -> memref<1x!tpu.dma_semaphore, #tpu.memory_space<semaphore_mem>>
    %dma_wait3A_435 = tpu.memref_squeeze %dma_wait3A_434 : memref<1x!tpu.dma_semaphore, #tpu.memory_space<semaphore_mem>> -> memref<!tpu.dma_semaphore, #tpu.memory_space<semaphore_mem>>
    tpu.wait_indirect_dma semaphore(%dma_wait3A_435 : memref<!tpu.dma_semaphore, #tpu.memory_space<semaphore_mem>>) src(%dma_wait3A_433 : memref<10000x16xf32, #tpu.memory_space<hbm>>) dst(%dma_wait3A_423 : memref<128x16xf32, #tpu.memory_space<vmem>>)
    %dma_start3A_436 = arith.constant 7 : i32
    %dma_start3A_437 = arith.constant 79 : i32
    %dma_start3A_438 = arith.constant 7 : i32
    %dma_start3A_439 = arith.constant 0 : i32
    %dma_start3A_440 = arith.constant 0 : i32
    %dma_start3A_441 = tpu.memref_slice %arg15[%dma_start3A_436, %dma_start3A_439, %dma_start3A_440] : memref<8x128x16xf32, #tpu.memory_space<vmem>> -> memref<1x128x16xf32, #tpu.memory_space<vmem>>
    %dma_start3A_442 = tpu.memref_squeeze %dma_start3A_441 : memref<1x128x16xf32, #tpu.memory_space<vmem>> -> memref<128x16xf32, #tpu.memory_space<vmem>>
    %dma_start3A_443 = arith.constant 0 : i32
    %dma_start3A_444 = tpu.memref_slice %arg14[%dma_start3A_437, %dma_start3A_443] : memref<80x128xi32, #tpu.memory_space<vmem>> -> memref<1x128xi32, #tpu.memory_space<vmem>>
    %dma_start3A_445 = tpu.memref_squeeze %dma_start3A_444 : memref<1x128xi32, #tpu.memory_space<vmem>> -> memref<128xi32, #tpu.memory_space<vmem>>
    %dma_start3A_446 = arith.constant 0 : i32
    %dma_start3A_447 = arith.constant 0 : i32
    %dma_start3A_448 = tpu.memref_slice %arg22[%dma_start3A_446, %dma_start3A_447] : memref<10512x16xf32, #tpu.memory_space<vmem_shared>> -> memref<10512x16xf32, #tpu.memory_space<vmem_shared>>
    %dma_start3A_449 = tpu.memref_slice %arg24[%dma_start3A_438] : memref<8x!tpu.dma_semaphore, #tpu.memory_space<semaphore_mem>> -> memref<1x!tpu.dma_semaphore, #tpu.memory_space<semaphore_mem>>
    %dma_start3A_450 = tpu.memref_squeeze %dma_start3A_449 : memref<1x!tpu.dma_semaphore, #tpu.memory_space<semaphore_mem>> -> memref<!tpu.dma_semaphore, #tpu.memory_space<semaphore_mem>>
    tpu.enqueue_indirect_dma source(%dma_start3A_442 : memref<128x16xf32, #tpu.memory_space<vmem>>) target(%dma_start3A_448 : memref<10512x16xf32, #tpu.memory_space<vmem_shared>>) offsets(%dma_start3A_445 : memref<128xi32, #tpu.memory_space<vmem>>) semaphore(%dma_start3A_450 : memref<!tpu.dma_semaphore, #tpu.memory_space<semaphore_mem>>) {add = true}
    %dma_wait3A_451 = arith.constant 0 : i32
    %dma_wait3A_452 = arith.constant 72 : i32
    %dma_wait3A_453 = arith.constant 0 : i32
    %dma_wait3A_454 = arith.constant 0 : i32
    %dma_wait3A_455 = arith.constant 0 : i32
    %dma_wait3A_456 = tpu.memref_slice %arg15[%dma_wait3A_451, %dma_wait3A_454, %dma_wait3A_455] : memref<8x128x16xf32, #tpu.memory_space<vmem>> -> memref<1x128x16xf32, #tpu.memory_space<vmem>>
    %dma_wait3A_457 = tpu.memref_squeeze %dma_wait3A_456 : memref<1x128x16xf32, #tpu.memory_space<vmem>> -> memref<128x16xf32, #tpu.memory_space<vmem>>
    %dma_wait3A_458 = arith.constant 0 : i32
    %dma_wait3A_459 = tpu.memref_slice %arg14[%dma_wait3A_452, %dma_wait3A_458] : memref<80x128xi32, #tpu.memory_space<vmem>> -> memref<1x128xi32, #tpu.memory_space<vmem>>
    %dma_wait3A_460 = tpu.memref_squeeze %dma_wait3A_459 : memref<1x128xi32, #tpu.memory_space<vmem>> -> memref<128xi32, #tpu.memory_space<vmem>>
    %dma_wait3A_461 = arith.constant 0 : i32
    %dma_wait3A_462 = arith.constant 0 : i32
    %dma_wait3A_463 = tpu.memref_slice %arg22[%dma_wait3A_461, %dma_wait3A_462] : memref<10512x16xf32, #tpu.memory_space<vmem_shared>> -> memref<10512x16xf32, #tpu.memory_space<vmem_shared>>
    %dma_wait3A_464 = tpu.memref_slice %arg24[%dma_wait3A_453] : memref<8x!tpu.dma_semaphore, #tpu.memory_space<semaphore_mem>> -> memref<1x!tpu.dma_semaphore, #tpu.memory_space<semaphore_mem>>
    %dma_wait3A_465 = tpu.memref_squeeze %dma_wait3A_464 : memref<1x!tpu.dma_semaphore, #tpu.memory_space<semaphore_mem>> -> memref<!tpu.dma_semaphore, #tpu.memory_space<semaphore_mem>>
    tpu.wait_indirect_dma semaphore(%dma_wait3A_465 : memref<!tpu.dma_semaphore, #tpu.memory_space<semaphore_mem>>) src(%dma_wait3A_457 : memref<128x16xf32, #tpu.memory_space<vmem>>) dst(%dma_wait3A_463 : memref<10512x16xf32, #tpu.memory_space<vmem_shared>>)
    %dma_wait3A_466 = arith.constant 1 : i32
    %dma_wait3A_467 = arith.constant 73 : i32
    %dma_wait3A_468 = arith.constant 1 : i32
    %dma_wait3A_469 = arith.constant 0 : i32
    %dma_wait3A_470 = arith.constant 0 : i32
    %dma_wait3A_471 = tpu.memref_slice %arg15[%dma_wait3A_466, %dma_wait3A_469, %dma_wait3A_470] : memref<8x128x16xf32, #tpu.memory_space<vmem>> -> memref<1x128x16xf32, #tpu.memory_space<vmem>>
    %dma_wait3A_472 = tpu.memref_squeeze %dma_wait3A_471 : memref<1x128x16xf32, #tpu.memory_space<vmem>> -> memref<128x16xf32, #tpu.memory_space<vmem>>
    %dma_wait3A_473 = arith.constant 0 : i32
    %dma_wait3A_474 = tpu.memref_slice %arg14[%dma_wait3A_467, %dma_wait3A_473] : memref<80x128xi32, #tpu.memory_space<vmem>> -> memref<1x128xi32, #tpu.memory_space<vmem>>
    %dma_wait3A_475 = tpu.memref_squeeze %dma_wait3A_474 : memref<1x128xi32, #tpu.memory_space<vmem>> -> memref<128xi32, #tpu.memory_space<vmem>>
    %dma_wait3A_476 = arith.constant 0 : i32
    %dma_wait3A_477 = arith.constant 0 : i32
    %dma_wait3A_478 = tpu.memref_slice %arg22[%dma_wait3A_476, %dma_wait3A_477] : memref<10512x16xf32, #tpu.memory_space<vmem_shared>> -> memref<10512x16xf32, #tpu.memory_space<vmem_shared>>
    %dma_wait3A_479 = tpu.memref_slice %arg24[%dma_wait3A_468] : memref<8x!tpu.dma_semaphore, #tpu.memory_space<semaphore_mem>> -> memref<1x!tpu.dma_semaphore, #tpu.memory_space<semaphore_mem>>
    %dma_wait3A_480 = tpu.memref_squeeze %dma_wait3A_479 : memref<1x!tpu.dma_semaphore, #tpu.memory_space<semaphore_mem>> -> memref<!tpu.dma_semaphore, #tpu.memory_space<semaphore_mem>>
    tpu.wait_indirect_dma semaphore(%dma_wait3A_480 : memref<!tpu.dma_semaphore, #tpu.memory_space<semaphore_mem>>) src(%dma_wait3A_472 : memref<128x16xf32, #tpu.memory_space<vmem>>) dst(%dma_wait3A_478 : memref<10512x16xf32, #tpu.memory_space<vmem_shared>>)
    %dma_wait3A_481 = arith.constant 2 : i32
    %dma_wait3A_482 = arith.constant 74 : i32
    %dma_wait3A_483 = arith.constant 2 : i32
    %dma_wait3A_484 = arith.constant 0 : i32
    %dma_wait3A_485 = arith.constant 0 : i32
    %dma_wait3A_486 = tpu.memref_slice %arg15[%dma_wait3A_481, %dma_wait3A_484, %dma_wait3A_485] : memref<8x128x16xf32, #tpu.memory_space<vmem>> -> memref<1x128x16xf32, #tpu.memory_space<vmem>>
    %dma_wait3A_487 = tpu.memref_squeeze %dma_wait3A_486 : memref<1x128x16xf32, #tpu.memory_space<vmem>> -> memref<128x16xf32, #tpu.memory_space<vmem>>
    %dma_wait3A_488 = arith.constant 0 : i32
    %dma_wait3A_489 = tpu.memref_slice %arg14[%dma_wait3A_482, %dma_wait3A_488] : memref<80x128xi32, #tpu.memory_space<vmem>> -> memref<1x128xi32, #tpu.memory_space<vmem>>
    %dma_wait3A_490 = tpu.memref_squeeze %dma_wait3A_489 : memref<1x128xi32, #tpu.memory_space<vmem>> -> memref<128xi32, #tpu.memory_space<vmem>>
    %dma_wait3A_491 = arith.constant 0 : i32
    %dma_wait3A_492 = arith.constant 0 : i32
    %dma_wait3A_493 = tpu.memref_slice %arg22[%dma_wait3A_491, %dma_wait3A_492] : memref<10512x16xf32, #tpu.memory_space<vmem_shared>> -> memref<10512x16xf32, #tpu.memory_space<vmem_shared>>
    %dma_wait3A_494 = tpu.memref_slice %arg24[%dma_wait3A_483] : memref<8x!tpu.dma_semaphore, #tpu.memory_space<semaphore_mem>> -> memref<1x!tpu.dma_semaphore, #tpu.memory_space<semaphore_mem>>
    %dma_wait3A_495 = tpu.memref_squeeze %dma_wait3A_494 : memref<1x!tpu.dma_semaphore, #tpu.memory_space<semaphore_mem>> -> memref<!tpu.dma_semaphore, #tpu.memory_space<semaphore_mem>>
    tpu.wait_indirect_dma semaphore(%dma_wait3A_495 : memref<!tpu.dma_semaphore, #tpu.memory_space<semaphore_mem>>) src(%dma_wait3A_487 : memref<128x16xf32, #tpu.memory_space<vmem>>) dst(%dma_wait3A_493 : memref<10512x16xf32, #tpu.memory_space<vmem_shared>>)
    %dma_wait3A_496 = arith.constant 3 : i32
    %dma_wait3A_497 = arith.constant 75 : i32
    %dma_wait3A_498 = arith.constant 3 : i32
    %dma_wait3A_499 = arith.constant 0 : i32
    %dma_wait3A_500 = arith.constant 0 : i32
    %dma_wait3A_501 = tpu.memref_slice %arg15[%dma_wait3A_496, %dma_wait3A_499, %dma_wait3A_500] : memref<8x128x16xf32, #tpu.memory_space<vmem>> -> memref<1x128x16xf32, #tpu.memory_space<vmem>>
    %dma_wait3A_502 = tpu.memref_squeeze %dma_wait3A_501 : memref<1x128x16xf32, #tpu.memory_space<vmem>> -> memref<128x16xf32, #tpu.memory_space<vmem>>
    %dma_wait3A_503 = arith.constant 0 : i32
    %dma_wait3A_504 = tpu.memref_slice %arg14[%dma_wait3A_497, %dma_wait3A_503] : memref<80x128xi32, #tpu.memory_space<vmem>> -> memref<1x128xi32, #tpu.memory_space<vmem>>
    %dma_wait3A_505 = tpu.memref_squeeze %dma_wait3A_504 : memref<1x128xi32, #tpu.memory_space<vmem>> -> memref<128xi32, #tpu.memory_space<vmem>>
    %dma_wait3A_506 = arith.constant 0 : i32
    %dma_wait3A_507 = arith.constant 0 : i32
    %dma_wait3A_508 = tpu.memref_slice %arg22[%dma_wait3A_506, %dma_wait3A_507] : memref<10512x16xf32, #tpu.memory_space<vmem_shared>> -> memref<10512x16xf32, #tpu.memory_space<vmem_shared>>
    %dma_wait3A_509 = tpu.memref_slice %arg24[%dma_wait3A_498] : memref<8x!tpu.dma_semaphore, #tpu.memory_space<semaphore_mem>> -> memref<1x!tpu.dma_semaphore, #tpu.memory_space<semaphore_mem>>
    %dma_wait3A_510 = tpu.memref_squeeze %dma_wait3A_509 : memref<1x!tpu.dma_semaphore, #tpu.memory_space<semaphore_mem>> -> memref<!tpu.dma_semaphore, #tpu.memory_space<semaphore_mem>>
    tpu.wait_indirect_dma semaphore(%dma_wait3A_510 : memref<!tpu.dma_semaphore, #tpu.memory_space<semaphore_mem>>) src(%dma_wait3A_502 : memref<128x16xf32, #tpu.memory_space<vmem>>) dst(%dma_wait3A_508 : memref<10512x16xf32, #tpu.memory_space<vmem_shared>>)
    %dma_wait3A_511 = arith.constant 4 : i32
    %dma_wait3A_512 = arith.constant 76 : i32
    %dma_wait3A_513 = arith.constant 4 : i32
    %dma_wait3A_514 = arith.constant 0 : i32
    %dma_wait3A_515 = arith.constant 0 : i32
    %dma_wait3A_516 = tpu.memref_slice %arg15[%dma_wait3A_511, %dma_wait3A_514, %dma_wait3A_515] : memref<8x128x16xf32, #tpu.memory_space<vmem>> -> memref<1x128x16xf32, #tpu.memory_space<vmem>>
    %dma_wait3A_517 = tpu.memref_squeeze %dma_wait3A_516 : memref<1x128x16xf32, #tpu.memory_space<vmem>> -> memref<128x16xf32, #tpu.memory_space<vmem>>
    %dma_wait3A_518 = arith.constant 0 : i32
    %dma_wait3A_519 = tpu.memref_slice %arg14[%dma_wait3A_512, %dma_wait3A_518] : memref<80x128xi32, #tpu.memory_space<vmem>> -> memref<1x128xi32, #tpu.memory_space<vmem>>
    %dma_wait3A_520 = tpu.memref_squeeze %dma_wait3A_519 : memref<1x128xi32, #tpu.memory_space<vmem>> -> memref<128xi32, #tpu.memory_space<vmem>>
    %dma_wait3A_521 = arith.constant 0 : i32
    %dma_wait3A_522 = arith.constant 0 : i32
    %dma_wait3A_523 = tpu.memref_slice %arg22[%dma_wait3A_521, %dma_wait3A_522] : memref<10512x16xf32, #tpu.memory_space<vmem_shared>> -> memref<10512x16xf32, #tpu.memory_space<vmem_shared>>
    %dma_wait3A_524 = tpu.memref_slice %arg24[%dma_wait3A_513] : memref<8x!tpu.dma_semaphore, #tpu.memory_space<semaphore_mem>> -> memref<1x!tpu.dma_semaphore, #tpu.memory_space<semaphore_mem>>
    %dma_wait3A_525 = tpu.memref_squeeze %dma_wait3A_524 : memref<1x!tpu.dma_semaphore, #tpu.memory_space<semaphore_mem>> -> memref<!tpu.dma_semaphore, #tpu.memory_space<semaphore_mem>>
    tpu.wait_indirect_dma semaphore(%dma_wait3A_525 : memref<!tpu.dma_semaphore, #tpu.memory_space<semaphore_mem>>) src(%dma_wait3A_517 : memref<128x16xf32, #tpu.memory_space<vmem>>) dst(%dma_wait3A_523 : memref<10512x16xf32, #tpu.memory_space<vmem_shared>>)
    %dma_wait3A_526 = arith.constant 5 : i32
    %dma_wait3A_527 = arith.constant 77 : i32
    %dma_wait3A_528 = arith.constant 5 : i32
    %dma_wait3A_529 = arith.constant 0 : i32
    %dma_wait3A_530 = arith.constant 0 : i32
    %dma_wait3A_531 = tpu.memref_slice %arg15[%dma_wait3A_526, %dma_wait3A_529, %dma_wait3A_530] : memref<8x128x16xf32, #tpu.memory_space<vmem>> -> memref<1x128x16xf32, #tpu.memory_space<vmem>>
    %dma_wait3A_532 = tpu.memref_squeeze %dma_wait3A_531 : memref<1x128x16xf32, #tpu.memory_space<vmem>> -> memref<128x16xf32, #tpu.memory_space<vmem>>
    %dma_wait3A_533 = arith.constant 0 : i32
    %dma_wait3A_534 = tpu.memref_slice %arg14[%dma_wait3A_527, %dma_wait3A_533] : memref<80x128xi32, #tpu.memory_space<vmem>> -> memref<1x128xi32, #tpu.memory_space<vmem>>
    %dma_wait3A_535 = tpu.memref_squeeze %dma_wait3A_534 : memref<1x128xi32, #tpu.memory_space<vmem>> -> memref<128xi32, #tpu.memory_space<vmem>>
    %dma_wait3A_536 = arith.constant 0 : i32
    %dma_wait3A_537 = arith.constant 0 : i32
    %dma_wait3A_538 = tpu.memref_slice %arg22[%dma_wait3A_536, %dma_wait3A_537] : memref<10512x16xf32, #tpu.memory_space<vmem_shared>> -> memref<10512x16xf32, #tpu.memory_space<vmem_shared>>
    %dma_wait3A_539 = tpu.memref_slice %arg24[%dma_wait3A_528] : memref<8x!tpu.dma_semaphore, #tpu.memory_space<semaphore_mem>> -> memref<1x!tpu.dma_semaphore, #tpu.memory_space<semaphore_mem>>
    %dma_wait3A_540 = tpu.memref_squeeze %dma_wait3A_539 : memref<1x!tpu.dma_semaphore, #tpu.memory_space<semaphore_mem>> -> memref<!tpu.dma_semaphore, #tpu.memory_space<semaphore_mem>>
    tpu.wait_indirect_dma semaphore(%dma_wait3A_540 : memref<!tpu.dma_semaphore, #tpu.memory_space<semaphore_mem>>) src(%dma_wait3A_532 : memref<128x16xf32, #tpu.memory_space<vmem>>) dst(%dma_wait3A_538 : memref<10512x16xf32, #tpu.memory_space<vmem_shared>>)
    %dma_wait3A_541 = arith.constant 6 : i32
    %dma_wait3A_542 = arith.constant 78 : i32
    %dma_wait3A_543 = arith.constant 6 : i32
    %dma_wait3A_544 = arith.constant 0 : i32
    %dma_wait3A_545 = arith.constant 0 : i32
    %dma_wait3A_546 = tpu.memref_slice %arg15[%dma_wait3A_541, %dma_wait3A_544, %dma_wait3A_545] : memref<8x128x16xf32, #tpu.memory_space<vmem>> -> memref<1x128x16xf32, #tpu.memory_space<vmem>>
    %dma_wait3A_547 = tpu.memref_squeeze %dma_wait3A_546 : memref<1x128x16xf32, #tpu.memory_space<vmem>> -> memref<128x16xf32, #tpu.memory_space<vmem>>
    %dma_wait3A_548 = arith.constant 0 : i32
    %dma_wait3A_549 = tpu.memref_slice %arg14[%dma_wait3A_542, %dma_wait3A_548] : memref<80x128xi32, #tpu.memory_space<vmem>> -> memref<1x128xi32, #tpu.memory_space<vmem>>
    %dma_wait3A_550 = tpu.memref_squeeze %dma_wait3A_549 : memref<1x128xi32, #tpu.memory_space<vmem>> -> memref<128xi32, #tpu.memory_space<vmem>>
    %dma_wait3A_551 = arith.constant 0 : i32
    %dma_wait3A_552 = arith.constant 0 : i32
    %dma_wait3A_553 = tpu.memref_slice %arg22[%dma_wait3A_551, %dma_wait3A_552] : memref<10512x16xf32, #tpu.memory_space<vmem_shared>> -> memref<10512x16xf32, #tpu.memory_space<vmem_shared>>
    %dma_wait3A_554 = tpu.memref_slice %arg24[%dma_wait3A_543] : memref<8x!tpu.dma_semaphore, #tpu.memory_space<semaphore_mem>> -> memref<1x!tpu.dma_semaphore, #tpu.memory_space<semaphore_mem>>
    %dma_wait3A_555 = tpu.memref_squeeze %dma_wait3A_554 : memref<1x!tpu.dma_semaphore, #tpu.memory_space<semaphore_mem>> -> memref<!tpu.dma_semaphore, #tpu.memory_space<semaphore_mem>>
    tpu.wait_indirect_dma semaphore(%dma_wait3A_555 : memref<!tpu.dma_semaphore, #tpu.memory_space<semaphore_mem>>) src(%dma_wait3A_547 : memref<128x16xf32, #tpu.memory_space<vmem>>) dst(%dma_wait3A_553 : memref<10512x16xf32, #tpu.memory_space<vmem_shared>>)
    %dma_wait3A_556 = arith.constant 7 : i32
    %dma_wait3A_557 = arith.constant 79 : i32
    %dma_wait3A_558 = arith.constant 7 : i32
    %dma_wait3A_559 = arith.constant 0 : i32
    %dma_wait3A_560 = arith.constant 0 : i32
    %dma_wait3A_561 = tpu.memref_slice %arg15[%dma_wait3A_556, %dma_wait3A_559, %dma_wait3A_560] : memref<8x128x16xf32, #tpu.memory_space<vmem>> -> memref<1x128x16xf32, #tpu.memory_space<vmem>>
    %dma_wait3A_562 = tpu.memref_squeeze %dma_wait3A_561 : memref<1x128x16xf32, #tpu.memory_space<vmem>> -> memref<128x16xf32, #tpu.memory_space<vmem>>
    %dma_wait3A_563 = arith.constant 0 : i32
    %dma_wait3A_564 = tpu.memref_slice %arg14[%dma_wait3A_557, %dma_wait3A_563] : memref<80x128xi32, #tpu.memory_space<vmem>> -> memref<1x128xi32, #tpu.memory_space<vmem>>
    %dma_wait3A_565 = tpu.memref_squeeze %dma_wait3A_564 : memref<1x128xi32, #tpu.memory_space<vmem>> -> memref<128xi32, #tpu.memory_space<vmem>>
    %dma_wait3A_566 = arith.constant 0 : i32
    %dma_wait3A_567 = arith.constant 0 : i32
    %dma_wait3A_568 = tpu.memref_slice %arg22[%dma_wait3A_566, %dma_wait3A_567] : memref<10512x16xf32, #tpu.memory_space<vmem_shared>> -> memref<10512x16xf32, #tpu.memory_space<vmem_shared>>
    %dma_wait3A_569 = tpu.memref_slice %arg24[%dma_wait3A_558] : memref<8x!tpu.dma_semaphore, #tpu.memory_space<semaphore_mem>> -> memref<1x!tpu.dma_semaphore, #tpu.memory_space<semaphore_mem>>
    %dma_wait3A_570 = tpu.memref_squeeze %dma_wait3A_569 : memref<1x!tpu.dma_semaphore, #tpu.memory_space<semaphore_mem>> -> memref<!tpu.dma_semaphore, #tpu.memory_space<semaphore_mem>>
    tpu.wait_indirect_dma semaphore(%dma_wait3A_570 : memref<!tpu.dma_semaphore, #tpu.memory_space<semaphore_mem>>) src(%dma_wait3A_562 : memref<128x16xf32, #tpu.memory_space<vmem>>) dst(%dma_wait3A_568 : memref<10512x16xf32, #tpu.memory_space<vmem_shared>>)
    %barrier3A_571 = arith.constant 0 : index
    tpu.barrier barrier_id(%barrier3A_571)
    %eq3A_572 = arith.constant 0 : i32
    %eq3A_573 = arith.cmpi eq, %arg0, %eq3A_572 : i32
    %convert_element_type3A_574 = arith.extui %eq3A_573 : i1 to i32
    %cond3A_575 = arith.constant 0 : i32
    %cond3A_576 = arith.cmpi ne, %convert_element_type3A_574, %cond3A_575 : i32
    scf.if %cond3A_576 {
      %mul3A_582 = arith.constant 625 : i32
      %mul3A_583 = arith.muli %arg1, %mul3A_582 : i32
      %mul3A_584 = arith.constant 625 : i32
      %mul3A_585 = arith.muli %arg1, %mul3A_584 : i32
      "tpu.region"() ({
        %run_scoped3A_586 = tpu.sem_alloc : memref<!tpu.dma_semaphore, #tpu.memory_space<semaphore_mem>>
        %dma_start3A_587 = arith.constant 0 : i32
        %dma_start3A_588 = tpu.memref_slice %arg7[%mul3A_585, %dma_start3A_587] : memref<10000x16xf32, #tpu.memory_space<hbm>> -> memref<625x16xf32, #tpu.memory_space<hbm>>
        %dma_start3A_589 = arith.constant 0 : i32
        %dma_start3A_590 = tpu.memref_slice %arg22[%mul3A_583, %dma_start3A_589] : memref<10512x16xf32, #tpu.memory_space<vmem_shared>> -> memref<625x16xf32, #tpu.memory_space<vmem_shared>>
        tpu.enqueue_dma source(%dma_start3A_590 : memref<625x16xf32, #tpu.memory_space<vmem_shared>>) target(%dma_start3A_588 : memref<625x16xf32, #tpu.memory_space<hbm>>) target_semaphore(%run_scoped3A_586 : memref<!tpu.dma_semaphore, #tpu.memory_space<semaphore_mem>>)
        %dma_wait3A_591 = arith.constant 0 : i32
        %dma_wait3A_592 = tpu.memref_slice %arg7[%mul3A_585, %dma_wait3A_591] : memref<10000x16xf32, #tpu.memory_space<hbm>> -> memref<625x16xf32, #tpu.memory_space<hbm>>
        %dma_wait3A_593 = arith.constant 0 : i32
        %dma_wait3A_594 = tpu.memref_slice %arg22[%mul3A_583, %dma_wait3A_593] : memref<10512x16xf32, #tpu.memory_space<vmem_shared>> -> memref<625x16xf32, #tpu.memory_space<vmem_shared>>
        tpu.wait_dma2 semaphore(%run_scoped3A_586 : memref<!tpu.dma_semaphore, #tpu.memory_space<semaphore_mem>>) src(%dma_wait3A_594 : memref<625x16xf32, #tpu.memory_space<vmem_shared>>) dst(%dma_wait3A_592 : memref<625x16xf32, #tpu.memory_space<hbm>>)
        tpu.yield
      }) : () -> ()
    } else {
    }
    %eq3A_577 = arith.constant 1 : i32
    %eq3A_578 = arith.cmpi eq, %arg0, %eq3A_577 : i32
    %convert_element_type3A_579 = arith.extui %eq3A_578 : i1 to i32
    %cond3A_580 = arith.constant 0 : i32
    %cond3A_581 = arith.cmpi ne, %convert_element_type3A_579, %cond3A_580 : i32
    scf.if %cond3A_581 {
      %mul3A_582 = arith.constant 625 : i32
      %mul3A_583 = arith.muli %arg1, %mul3A_582 : i32
      %mul3A_584 = arith.constant 625 : i32
      %mul3A_585 = arith.muli %arg1, %mul3A_584 : i32
      "tpu.region"() ({
        %run_scoped3A_586 = tpu.sem_alloc : memref<!tpu.dma_semaphore, #tpu.memory_space<semaphore_mem>>
        %dma_start3A_587 = arith.constant 0 : i32
        %dma_start3A_588 = tpu.memref_slice %arg8[%mul3A_585, %dma_start3A_587] : memref<10000x16xf32, #tpu.memory_space<hbm>> -> memref<625x16xf32, #tpu.memory_space<hbm>>
        %dma_start3A_589 = arith.constant 0 : i32
        %dma_start3A_590 = tpu.memref_slice %arg22[%mul3A_583, %dma_start3A_589] : memref<10512x16xf32, #tpu.memory_space<vmem_shared>> -> memref<625x16xf32, #tpu.memory_space<vmem_shared>>
        tpu.enqueue_dma source(%dma_start3A_590 : memref<625x16xf32, #tpu.memory_space<vmem_shared>>) target(%dma_start3A_588 : memref<625x16xf32, #tpu.memory_space<hbm>>) target_semaphore(%run_scoped3A_586 : memref<!tpu.dma_semaphore, #tpu.memory_space<semaphore_mem>>)
        %dma_wait3A_591 = arith.constant 0 : i32
        %dma_wait3A_592 = tpu.memref_slice %arg8[%mul3A_585, %dma_wait3A_591] : memref<10000x16xf32, #tpu.memory_space<hbm>> -> memref<625x16xf32, #tpu.memory_space<hbm>>
        %dma_wait3A_593 = arith.constant 0 : i32
        %dma_wait3A_594 = tpu.memref_slice %arg22[%mul3A_583, %dma_wait3A_593] : memref<10512x16xf32, #tpu.memory_space<vmem_shared>> -> memref<625x16xf32, #tpu.memory_space<vmem_shared>>
        tpu.wait_dma2 semaphore(%run_scoped3A_586 : memref<!tpu.dma_semaphore, #tpu.memory_space<semaphore_mem>>) src(%dma_wait3A_594 : memref<625x16xf32, #tpu.memory_space<vmem_shared>>) dst(%dma_wait3A_592 : memref<625x16xf32, #tpu.memory_space<hbm>>)
        tpu.yield
      }) : () -> ()
    } else {
    }
    return
  }
}

#map = affine_map<(d0, d1) -> (0, 0)>
#map1 = affine_map<(d0, d1) -> (0, 0, 0)>
module attributes {stable_mosaic.version = 14 : i64} {
  func.func @agg_kernel(%arg0: i32, %arg1: i32, %arg2: memref<10000x16xf32, #tpu.memory_space<hbm>>, %arg3: memref<2x2560x128xi32, #tpu.memory_space<hbm>>, %arg4: memref<10000x16xf32, #tpu.memory_space<hbm>>, %arg5: memref<10000x16xf32, #tpu.memory_space<hbm>>, %arg6: memref<10000x16xf32, #tpu.memory_space<hbm>>, %arg7: memref<80x128xi32, #tpu.memory_space<vmem>>, %arg8: memref<80x128xi32, #tpu.memory_space<vmem>>, %arg9: memref<8x128x16xf32, #tpu.memory_space<vmem>>, %arg10: memref<10512x16xf32, #tpu.memory_space<vmem_shared>>, %arg11: memref<8x!tpu.dma_semaphore, #tpu.memory_space<semaphore_mem>>, %arg12: memref<8x!tpu.dma_semaphore, #tpu.memory_space<semaphore_mem>>) attributes {dimension_semantics = [#tpu.dimension_semantics<core_parallel>, #tpu.dimension_semantics<subcore_parallel>], iteration_bounds = array<i64: 2, 16>, scalar_prefetch = 0 : i64, scratch_operands = 6 : i64, tpu.core_type = #tpu.core_type<sc_vector_subcore>, window_params = [{transform_indices = #map}, {transform_indices = #map1}, {transform_indices = #map}, {transform_indices = #map}, {transform_indices = #map}]} {
    %mul3A = arith.constant 2 : i32
    %mul3A_0 = arith.muli %arg1, %mul3A : i32
    %add3A = arith.addi %mul3A_0, %arg0 : i32
    %mul3A_1 = arith.constant 625 : i32
    %mul3A_2 = arith.muli %arg1, %mul3A_1 : i32
    %mul3A_3 = arith.constant 625 : i32
    %mul3A_4 = arith.muli %arg1, %mul3A_3 : i32
    "tpu.region"() ({
      %run_scoped3A_501 = tpu.sem_alloc : memref<!tpu.dma_semaphore, #tpu.memory_space<semaphore_mem>>
      %dma_start3A_502 = arith.constant 0 : i32
      %dma_start3A_503 = tpu.memref_slice %arg10[%mul3A_4, %dma_start3A_502] : memref<10512x16xf32, #tpu.memory_space<vmem_shared>> -> memref<625x16xf32, #tpu.memory_space<vmem_shared>>
      %dma_start3A_504 = arith.constant 0 : i32
      %dma_start3A_505 = tpu.memref_slice %arg4[%mul3A_2, %dma_start3A_504] : memref<10000x16xf32, #tpu.memory_space<hbm>> -> memref<625x16xf32, #tpu.memory_space<hbm>>
      tpu.enqueue_dma source(%dma_start3A_505 : memref<625x16xf32, #tpu.memory_space<hbm>>) target(%dma_start3A_503 : memref<625x16xf32, #tpu.memory_space<vmem_shared>>) target_semaphore(%run_scoped3A_501 : memref<!tpu.dma_semaphore, #tpu.memory_space<semaphore_mem>>)
      %dma_wait3A_506 = arith.constant 0 : i32
      %dma_wait3A_507 = tpu.memref_slice %arg10[%mul3A_4, %dma_wait3A_506] : memref<10512x16xf32, #tpu.memory_space<vmem_shared>> -> memref<625x16xf32, #tpu.memory_space<vmem_shared>>
      %dma_wait3A_508 = arith.constant 0 : i32
      %dma_wait3A_509 = tpu.memref_slice %arg4[%mul3A_2, %dma_wait3A_508] : memref<10000x16xf32, #tpu.memory_space<hbm>> -> memref<625x16xf32, #tpu.memory_space<hbm>>
      tpu.wait_dma2 semaphore(%run_scoped3A_501 : memref<!tpu.dma_semaphore, #tpu.memory_space<semaphore_mem>>) src(%dma_wait3A_509 : memref<625x16xf32, #tpu.memory_space<hbm>>) dst(%dma_wait3A_507 : memref<625x16xf32, #tpu.memory_space<vmem_shared>>)
      tpu.yield
    }) : () -> ()
    %mul3A_5 = arith.constant 80 : i32
    %mul3A_6 = arith.muli %add3A, %mul3A_5 : i32
    %run_scoped3A = arith.constant 0 : i32
    "tpu.region"() ({
      %run_scoped3A_501 = tpu.sem_alloc : memref<!tpu.dma_semaphore, #tpu.memory_space<semaphore_mem>>
      %dma_start3A_502 = arith.constant 0 : i32
      %dma_start3A_503 = tpu.memref_slice %arg3[%run_scoped3A, %mul3A_6, %dma_start3A_502] : memref<2x2560x128xi32, #tpu.memory_space<hbm>> -> memref<1x80x128xi32, #tpu.memory_space<hbm>>
      %dma_start3A_504 = tpu.memref_squeeze %dma_start3A_503 : memref<1x80x128xi32, #tpu.memory_space<hbm>> -> memref<80x128xi32, #tpu.memory_space<hbm>>
      %dma_start3A_505 = arith.constant 0 : i32
      %dma_start3A_506 = tpu.memref_slice %arg3[%run_scoped3A, %mul3A_6, %dma_start3A_505] : memref<2x2560x128xi32, #tpu.memory_space<hbm>> -> memref<1x80x128xi32, #tpu.memory_space<hbm>>
      %dma_start3A_507 = tpu.memref_squeeze %dma_start3A_506 : memref<1x80x128xi32, #tpu.memory_space<hbm>> -> memref<80x128xi32, #tpu.memory_space<hbm>>
      tpu.enqueue_dma source(%dma_start3A_507 : memref<80x128xi32, #tpu.memory_space<hbm>>) target(%arg7 : memref<80x128xi32, #tpu.memory_space<vmem>>) target_semaphore(%run_scoped3A_501 : memref<!tpu.dma_semaphore, #tpu.memory_space<semaphore_mem>>)
      %dma_wait3A_508 = arith.constant 0 : i32
      %dma_wait3A_509 = tpu.memref_slice %arg3[%run_scoped3A, %mul3A_6, %dma_wait3A_508] : memref<2x2560x128xi32, #tpu.memory_space<hbm>> -> memref<1x80x128xi32, #tpu.memory_space<hbm>>
      %dma_wait3A_510 = tpu.memref_squeeze %dma_wait3A_509 : memref<1x80x128xi32, #tpu.memory_space<hbm>> -> memref<80x128xi32, #tpu.memory_space<hbm>>
      %dma_wait3A_511 = arith.constant 0 : i32
      %dma_wait3A_512 = tpu.memref_slice %arg3[%run_scoped3A, %mul3A_6, %dma_wait3A_511] : memref<2x2560x128xi32, #tpu.memory_space<hbm>> -> memref<1x80x128xi32, #tpu.memory_space<hbm>>
      %dma_wait3A_513 = tpu.memref_squeeze %dma_wait3A_512 : memref<1x80x128xi32, #tpu.memory_space<hbm>> -> memref<80x128xi32, #tpu.memory_space<hbm>>
      tpu.wait_dma2 semaphore(%run_scoped3A_501 : memref<!tpu.dma_semaphore, #tpu.memory_space<semaphore_mem>>) src(%dma_wait3A_513 : memref<80x128xi32, #tpu.memory_space<hbm>>) dst(%arg7 : memref<80x128xi32, #tpu.memory_space<vmem>>)
      tpu.yield
    }) : () -> ()
    %mul3A_7 = arith.constant 80 : i32
    %mul3A_8 = arith.muli %add3A, %mul3A_7 : i32
    %run_scoped3A_9 = arith.constant 1 : i32
    "tpu.region"() ({
      %run_scoped3A_501 = tpu.sem_alloc : memref<!tpu.dma_semaphore, #tpu.memory_space<semaphore_mem>>
      %dma_start3A_502 = arith.constant 0 : i32
      %dma_start3A_503 = tpu.memref_slice %arg3[%run_scoped3A_9, %mul3A_8, %dma_start3A_502] : memref<2x2560x128xi32, #tpu.memory_space<hbm>> -> memref<1x80x128xi32, #tpu.memory_space<hbm>>
      %dma_start3A_504 = tpu.memref_squeeze %dma_start3A_503 : memref<1x80x128xi32, #tpu.memory_space<hbm>> -> memref<80x128xi32, #tpu.memory_space<hbm>>
      %dma_start3A_505 = arith.constant 0 : i32
      %dma_start3A_506 = tpu.memref_slice %arg3[%run_scoped3A_9, %mul3A_8, %dma_start3A_505] : memref<2x2560x128xi32, #tpu.memory_space<hbm>> -> memref<1x80x128xi32, #tpu.memory_space<hbm>>
      %dma_start3A_507 = tpu.memref_squeeze %dma_start3A_506 : memref<1x80x128xi32, #tpu.memory_space<hbm>> -> memref<80x128xi32, #tpu.memory_space<hbm>>
      tpu.enqueue_dma source(%dma_start3A_507 : memref<80x128xi32, #tpu.memory_space<hbm>>) target(%arg8 : memref<80x128xi32, #tpu.memory_space<vmem>>) target_semaphore(%run_scoped3A_501 : memref<!tpu.dma_semaphore, #tpu.memory_space<semaphore_mem>>)
      %dma_wait3A_508 = arith.constant 0 : i32
      %dma_wait3A_509 = tpu.memref_slice %arg3[%run_scoped3A_9, %mul3A_8, %dma_wait3A_508] : memref<2x2560x128xi32, #tpu.memory_space<hbm>> -> memref<1x80x128xi32, #tpu.memory_space<hbm>>
      %dma_wait3A_510 = tpu.memref_squeeze %dma_wait3A_509 : memref<1x80x128xi32, #tpu.memory_space<hbm>> -> memref<80x128xi32, #tpu.memory_space<hbm>>
      %dma_wait3A_511 = arith.constant 0 : i32
      %dma_wait3A_512 = tpu.memref_slice %arg3[%run_scoped3A_9, %mul3A_8, %dma_wait3A_511] : memref<2x2560x128xi32, #tpu.memory_space<hbm>> -> memref<1x80x128xi32, #tpu.memory_space<hbm>>
      %dma_wait3A_513 = tpu.memref_squeeze %dma_wait3A_512 : memref<1x80x128xi32, #tpu.memory_space<hbm>> -> memref<80x128xi32, #tpu.memory_space<hbm>>
      tpu.wait_dma2 semaphore(%run_scoped3A_501 : memref<!tpu.dma_semaphore, #tpu.memory_space<semaphore_mem>>) src(%dma_wait3A_513 : memref<80x128xi32, #tpu.memory_space<hbm>>) dst(%arg8 : memref<80x128xi32, #tpu.memory_space<vmem>>)
      tpu.yield
    }) : () -> ()
    %barrier3A = arith.constant 0 : index
    tpu.barrier barrier_id(%barrier3A)
    %dma_start3A = arith.constant 0 : i32
    %dma_start3A_10 = arith.constant 0 : i32
    %dma_start3A_11 = arith.constant 0 : i32
    %dma_start3A_12 = arith.constant 0 : i32
    %dma_start3A_13 = arith.constant 0 : i32
    %dma_start3A_14 = tpu.memref_slice %arg9[%dma_start3A_10, %dma_start3A_12, %dma_start3A_13] : memref<8x128x16xf32, #tpu.memory_space<vmem>> -> memref<1x128x16xf32, #tpu.memory_space<vmem>>
    %dma_start3A_15 = tpu.memref_squeeze %dma_start3A_14 : memref<1x128x16xf32, #tpu.memory_space<vmem>> -> memref<128x16xf32, #tpu.memory_space<vmem>>
    %dma_start3A_16 = arith.constant 0 : i32
    %dma_start3A_17 = tpu.memref_slice %arg7[%dma_start3A, %dma_start3A_16] : memref<80x128xi32, #tpu.memory_space<vmem>> -> memref<1x128xi32, #tpu.memory_space<vmem>>
    %dma_start3A_18 = tpu.memref_squeeze %dma_start3A_17 : memref<1x128xi32, #tpu.memory_space<vmem>> -> memref<128xi32, #tpu.memory_space<vmem>>
    %dma_start3A_19 = arith.constant 0 : i32
    %dma_start3A_20 = arith.constant 0 : i32
    %dma_start3A_21 = tpu.memref_slice %arg2[%dma_start3A_19, %dma_start3A_20] : memref<10000x16xf32, #tpu.memory_space<hbm>> -> memref<10000x16xf32, #tpu.memory_space<hbm>>
    %dma_start3A_22 = tpu.memref_slice %arg11[%dma_start3A_11] : memref<8x!tpu.dma_semaphore, #tpu.memory_space<semaphore_mem>> -> memref<1x!tpu.dma_semaphore, #tpu.memory_space<semaphore_mem>>
    %dma_start3A_23 = tpu.memref_squeeze %dma_start3A_22 : memref<1x!tpu.dma_semaphore, #tpu.memory_space<semaphore_mem>> -> memref<!tpu.dma_semaphore, #tpu.memory_space<semaphore_mem>>
    tpu.enqueue_indirect_dma source(%dma_start3A_21 : memref<10000x16xf32, #tpu.memory_space<hbm>>) target(%dma_start3A_15 : memref<128x16xf32, #tpu.memory_space<vmem>>) offsets(%dma_start3A_18 : memref<128xi32, #tpu.memory_space<vmem>>) semaphore(%dma_start3A_23 : memref<!tpu.dma_semaphore, #tpu.memory_space<semaphore_mem>>)
    %dma_start3A_24 = arith.constant 1 : i32
    %dma_start3A_25 = arith.constant 1 : i32
    %dma_start3A_26 = arith.constant 1 : i32
    %dma_start3A_27 = arith.constant 0 : i32
    %dma_start3A_28 = arith.constant 0 : i32
    %dma_start3A_29 = tpu.memref_slice %arg9[%dma_start3A_25, %dma_start3A_27, %dma_start3A_28] : memref<8x128x16xf32, #tpu.memory_space<vmem>> -> memref<1x128x16xf32, #tpu.memory_space<vmem>>
    %dma_start3A_30 = tpu.memref_squeeze %dma_start3A_29 : memref<1x128x16xf32, #tpu.memory_space<vmem>> -> memref<128x16xf32, #tpu.memory_space<vmem>>
    %dma_start3A_31 = arith.constant 0 : i32
    %dma_start3A_32 = tpu.memref_slice %arg7[%dma_start3A_24, %dma_start3A_31] : memref<80x128xi32, #tpu.memory_space<vmem>> -> memref<1x128xi32, #tpu.memory_space<vmem>>
    %dma_start3A_33 = tpu.memref_squeeze %dma_start3A_32 : memref<1x128xi32, #tpu.memory_space<vmem>> -> memref<128xi32, #tpu.memory_space<vmem>>
    %dma_start3A_34 = arith.constant 0 : i32
    %dma_start3A_35 = arith.constant 0 : i32
    %dma_start3A_36 = tpu.memref_slice %arg2[%dma_start3A_34, %dma_start3A_35] : memref<10000x16xf32, #tpu.memory_space<hbm>> -> memref<10000x16xf32, #tpu.memory_space<hbm>>
    %dma_start3A_37 = tpu.memref_slice %arg11[%dma_start3A_26] : memref<8x!tpu.dma_semaphore, #tpu.memory_space<semaphore_mem>> -> memref<1x!tpu.dma_semaphore, #tpu.memory_space<semaphore_mem>>
    %dma_start3A_38 = tpu.memref_squeeze %dma_start3A_37 : memref<1x!tpu.dma_semaphore, #tpu.memory_space<semaphore_mem>> -> memref<!tpu.dma_semaphore, #tpu.memory_space<semaphore_mem>>
    tpu.enqueue_indirect_dma source(%dma_start3A_36 : memref<10000x16xf32, #tpu.memory_space<hbm>>) target(%dma_start3A_30 : memref<128x16xf32, #tpu.memory_space<vmem>>) offsets(%dma_start3A_33 : memref<128xi32, #tpu.memory_space<vmem>>) semaphore(%dma_start3A_38 : memref<!tpu.dma_semaphore, #tpu.memory_space<semaphore_mem>>)
    %dma_start3A_39 = arith.constant 2 : i32
    %dma_start3A_40 = arith.constant 2 : i32
    %dma_start3A_41 = arith.constant 2 : i32
    %dma_start3A_42 = arith.constant 0 : i32
    %dma_start3A_43 = arith.constant 0 : i32
    %dma_start3A_44 = tpu.memref_slice %arg9[%dma_start3A_40, %dma_start3A_42, %dma_start3A_43] : memref<8x128x16xf32, #tpu.memory_space<vmem>> -> memref<1x128x16xf32, #tpu.memory_space<vmem>>
    %dma_start3A_45 = tpu.memref_squeeze %dma_start3A_44 : memref<1x128x16xf32, #tpu.memory_space<vmem>> -> memref<128x16xf32, #tpu.memory_space<vmem>>
    %dma_start3A_46 = arith.constant 0 : i32
    %dma_start3A_47 = tpu.memref_slice %arg7[%dma_start3A_39, %dma_start3A_46] : memref<80x128xi32, #tpu.memory_space<vmem>> -> memref<1x128xi32, #tpu.memory_space<vmem>>
    %dma_start3A_48 = tpu.memref_squeeze %dma_start3A_47 : memref<1x128xi32, #tpu.memory_space<vmem>> -> memref<128xi32, #tpu.memory_space<vmem>>
    %dma_start3A_49 = arith.constant 0 : i32
    %dma_start3A_50 = arith.constant 0 : i32
    %dma_start3A_51 = tpu.memref_slice %arg2[%dma_start3A_49, %dma_start3A_50] : memref<10000x16xf32, #tpu.memory_space<hbm>> -> memref<10000x16xf32, #tpu.memory_space<hbm>>
    %dma_start3A_52 = tpu.memref_slice %arg11[%dma_start3A_41] : memref<8x!tpu.dma_semaphore, #tpu.memory_space<semaphore_mem>> -> memref<1x!tpu.dma_semaphore, #tpu.memory_space<semaphore_mem>>
    %dma_start3A_53 = tpu.memref_squeeze %dma_start3A_52 : memref<1x!tpu.dma_semaphore, #tpu.memory_space<semaphore_mem>> -> memref<!tpu.dma_semaphore, #tpu.memory_space<semaphore_mem>>
    tpu.enqueue_indirect_dma source(%dma_start3A_51 : memref<10000x16xf32, #tpu.memory_space<hbm>>) target(%dma_start3A_45 : memref<128x16xf32, #tpu.memory_space<vmem>>) offsets(%dma_start3A_48 : memref<128xi32, #tpu.memory_space<vmem>>) semaphore(%dma_start3A_53 : memref<!tpu.dma_semaphore, #tpu.memory_space<semaphore_mem>>)
    %dma_start3A_54 = arith.constant 3 : i32
    %dma_start3A_55 = arith.constant 3 : i32
    %dma_start3A_56 = arith.constant 3 : i32
    %dma_start3A_57 = arith.constant 0 : i32
    %dma_start3A_58 = arith.constant 0 : i32
    %dma_start3A_59 = tpu.memref_slice %arg9[%dma_start3A_55, %dma_start3A_57, %dma_start3A_58] : memref<8x128x16xf32, #tpu.memory_space<vmem>> -> memref<1x128x16xf32, #tpu.memory_space<vmem>>
    %dma_start3A_60 = tpu.memref_squeeze %dma_start3A_59 : memref<1x128x16xf32, #tpu.memory_space<vmem>> -> memref<128x16xf32, #tpu.memory_space<vmem>>
    %dma_start3A_61 = arith.constant 0 : i32
    %dma_start3A_62 = tpu.memref_slice %arg7[%dma_start3A_54, %dma_start3A_61] : memref<80x128xi32, #tpu.memory_space<vmem>> -> memref<1x128xi32, #tpu.memory_space<vmem>>
    %dma_start3A_63 = tpu.memref_squeeze %dma_start3A_62 : memref<1x128xi32, #tpu.memory_space<vmem>> -> memref<128xi32, #tpu.memory_space<vmem>>
    %dma_start3A_64 = arith.constant 0 : i32
    %dma_start3A_65 = arith.constant 0 : i32
    %dma_start3A_66 = tpu.memref_slice %arg2[%dma_start3A_64, %dma_start3A_65] : memref<10000x16xf32, #tpu.memory_space<hbm>> -> memref<10000x16xf32, #tpu.memory_space<hbm>>
    %dma_start3A_67 = tpu.memref_slice %arg11[%dma_start3A_56] : memref<8x!tpu.dma_semaphore, #tpu.memory_space<semaphore_mem>> -> memref<1x!tpu.dma_semaphore, #tpu.memory_space<semaphore_mem>>
    %dma_start3A_68 = tpu.memref_squeeze %dma_start3A_67 : memref<1x!tpu.dma_semaphore, #tpu.memory_space<semaphore_mem>> -> memref<!tpu.dma_semaphore, #tpu.memory_space<semaphore_mem>>
    tpu.enqueue_indirect_dma source(%dma_start3A_66 : memref<10000x16xf32, #tpu.memory_space<hbm>>) target(%dma_start3A_60 : memref<128x16xf32, #tpu.memory_space<vmem>>) offsets(%dma_start3A_63 : memref<128xi32, #tpu.memory_space<vmem>>) semaphore(%dma_start3A_68 : memref<!tpu.dma_semaphore, #tpu.memory_space<semaphore_mem>>)
    %dma_start3A_69 = arith.constant 4 : i32
    %dma_start3A_70 = arith.constant 4 : i32
    %dma_start3A_71 = arith.constant 4 : i32
    %dma_start3A_72 = arith.constant 0 : i32
    %dma_start3A_73 = arith.constant 0 : i32
    %dma_start3A_74 = tpu.memref_slice %arg9[%dma_start3A_70, %dma_start3A_72, %dma_start3A_73] : memref<8x128x16xf32, #tpu.memory_space<vmem>> -> memref<1x128x16xf32, #tpu.memory_space<vmem>>
    %dma_start3A_75 = tpu.memref_squeeze %dma_start3A_74 : memref<1x128x16xf32, #tpu.memory_space<vmem>> -> memref<128x16xf32, #tpu.memory_space<vmem>>
    %dma_start3A_76 = arith.constant 0 : i32
    %dma_start3A_77 = tpu.memref_slice %arg7[%dma_start3A_69, %dma_start3A_76] : memref<80x128xi32, #tpu.memory_space<vmem>> -> memref<1x128xi32, #tpu.memory_space<vmem>>
    %dma_start3A_78 = tpu.memref_squeeze %dma_start3A_77 : memref<1x128xi32, #tpu.memory_space<vmem>> -> memref<128xi32, #tpu.memory_space<vmem>>
    %dma_start3A_79 = arith.constant 0 : i32
    %dma_start3A_80 = arith.constant 0 : i32
    %dma_start3A_81 = tpu.memref_slice %arg2[%dma_start3A_79, %dma_start3A_80] : memref<10000x16xf32, #tpu.memory_space<hbm>> -> memref<10000x16xf32, #tpu.memory_space<hbm>>
    %dma_start3A_82 = tpu.memref_slice %arg11[%dma_start3A_71] : memref<8x!tpu.dma_semaphore, #tpu.memory_space<semaphore_mem>> -> memref<1x!tpu.dma_semaphore, #tpu.memory_space<semaphore_mem>>
    %dma_start3A_83 = tpu.memref_squeeze %dma_start3A_82 : memref<1x!tpu.dma_semaphore, #tpu.memory_space<semaphore_mem>> -> memref<!tpu.dma_semaphore, #tpu.memory_space<semaphore_mem>>
    tpu.enqueue_indirect_dma source(%dma_start3A_81 : memref<10000x16xf32, #tpu.memory_space<hbm>>) target(%dma_start3A_75 : memref<128x16xf32, #tpu.memory_space<vmem>>) offsets(%dma_start3A_78 : memref<128xi32, #tpu.memory_space<vmem>>) semaphore(%dma_start3A_83 : memref<!tpu.dma_semaphore, #tpu.memory_space<semaphore_mem>>)
    %dma_start3A_84 = arith.constant 5 : i32
    %dma_start3A_85 = arith.constant 5 : i32
    %dma_start3A_86 = arith.constant 5 : i32
    %dma_start3A_87 = arith.constant 0 : i32
    %dma_start3A_88 = arith.constant 0 : i32
    %dma_start3A_89 = tpu.memref_slice %arg9[%dma_start3A_85, %dma_start3A_87, %dma_start3A_88] : memref<8x128x16xf32, #tpu.memory_space<vmem>> -> memref<1x128x16xf32, #tpu.memory_space<vmem>>
    %dma_start3A_90 = tpu.memref_squeeze %dma_start3A_89 : memref<1x128x16xf32, #tpu.memory_space<vmem>> -> memref<128x16xf32, #tpu.memory_space<vmem>>
    %dma_start3A_91 = arith.constant 0 : i32
    %dma_start3A_92 = tpu.memref_slice %arg7[%dma_start3A_84, %dma_start3A_91] : memref<80x128xi32, #tpu.memory_space<vmem>> -> memref<1x128xi32, #tpu.memory_space<vmem>>
    %dma_start3A_93 = tpu.memref_squeeze %dma_start3A_92 : memref<1x128xi32, #tpu.memory_space<vmem>> -> memref<128xi32, #tpu.memory_space<vmem>>
    %dma_start3A_94 = arith.constant 0 : i32
    %dma_start3A_95 = arith.constant 0 : i32
    %dma_start3A_96 = tpu.memref_slice %arg2[%dma_start3A_94, %dma_start3A_95] : memref<10000x16xf32, #tpu.memory_space<hbm>> -> memref<10000x16xf32, #tpu.memory_space<hbm>>
    %dma_start3A_97 = tpu.memref_slice %arg11[%dma_start3A_86] : memref<8x!tpu.dma_semaphore, #tpu.memory_space<semaphore_mem>> -> memref<1x!tpu.dma_semaphore, #tpu.memory_space<semaphore_mem>>
    %dma_start3A_98 = tpu.memref_squeeze %dma_start3A_97 : memref<1x!tpu.dma_semaphore, #tpu.memory_space<semaphore_mem>> -> memref<!tpu.dma_semaphore, #tpu.memory_space<semaphore_mem>>
    tpu.enqueue_indirect_dma source(%dma_start3A_96 : memref<10000x16xf32, #tpu.memory_space<hbm>>) target(%dma_start3A_90 : memref<128x16xf32, #tpu.memory_space<vmem>>) offsets(%dma_start3A_93 : memref<128xi32, #tpu.memory_space<vmem>>) semaphore(%dma_start3A_98 : memref<!tpu.dma_semaphore, #tpu.memory_space<semaphore_mem>>)
    %dma_start3A_99 = arith.constant 6 : i32
    %dma_start3A_100 = arith.constant 6 : i32
    %dma_start3A_101 = arith.constant 6 : i32
    %dma_start3A_102 = arith.constant 0 : i32
    %dma_start3A_103 = arith.constant 0 : i32
    %dma_start3A_104 = tpu.memref_slice %arg9[%dma_start3A_100, %dma_start3A_102, %dma_start3A_103] : memref<8x128x16xf32, #tpu.memory_space<vmem>> -> memref<1x128x16xf32, #tpu.memory_space<vmem>>
    %dma_start3A_105 = tpu.memref_squeeze %dma_start3A_104 : memref<1x128x16xf32, #tpu.memory_space<vmem>> -> memref<128x16xf32, #tpu.memory_space<vmem>>
    %dma_start3A_106 = arith.constant 0 : i32
    %dma_start3A_107 = tpu.memref_slice %arg7[%dma_start3A_99, %dma_start3A_106] : memref<80x128xi32, #tpu.memory_space<vmem>> -> memref<1x128xi32, #tpu.memory_space<vmem>>
    %dma_start3A_108 = tpu.memref_squeeze %dma_start3A_107 : memref<1x128xi32, #tpu.memory_space<vmem>> -> memref<128xi32, #tpu.memory_space<vmem>>
    %dma_start3A_109 = arith.constant 0 : i32
    %dma_start3A_110 = arith.constant 0 : i32
    %dma_start3A_111 = tpu.memref_slice %arg2[%dma_start3A_109, %dma_start3A_110] : memref<10000x16xf32, #tpu.memory_space<hbm>> -> memref<10000x16xf32, #tpu.memory_space<hbm>>
    %dma_start3A_112 = tpu.memref_slice %arg11[%dma_start3A_101] : memref<8x!tpu.dma_semaphore, #tpu.memory_space<semaphore_mem>> -> memref<1x!tpu.dma_semaphore, #tpu.memory_space<semaphore_mem>>
    %dma_start3A_113 = tpu.memref_squeeze %dma_start3A_112 : memref<1x!tpu.dma_semaphore, #tpu.memory_space<semaphore_mem>> -> memref<!tpu.dma_semaphore, #tpu.memory_space<semaphore_mem>>
    tpu.enqueue_indirect_dma source(%dma_start3A_111 : memref<10000x16xf32, #tpu.memory_space<hbm>>) target(%dma_start3A_105 : memref<128x16xf32, #tpu.memory_space<vmem>>) offsets(%dma_start3A_108 : memref<128xi32, #tpu.memory_space<vmem>>) semaphore(%dma_start3A_113 : memref<!tpu.dma_semaphore, #tpu.memory_space<semaphore_mem>>)
    %dma_start3A_114 = arith.constant 7 : i32
    %dma_start3A_115 = arith.constant 7 : i32
    %dma_start3A_116 = arith.constant 7 : i32
    %dma_start3A_117 = arith.constant 0 : i32
    %dma_start3A_118 = arith.constant 0 : i32
    %dma_start3A_119 = tpu.memref_slice %arg9[%dma_start3A_115, %dma_start3A_117, %dma_start3A_118] : memref<8x128x16xf32, #tpu.memory_space<vmem>> -> memref<1x128x16xf32, #tpu.memory_space<vmem>>
    %dma_start3A_120 = tpu.memref_squeeze %dma_start3A_119 : memref<1x128x16xf32, #tpu.memory_space<vmem>> -> memref<128x16xf32, #tpu.memory_space<vmem>>
    %dma_start3A_121 = arith.constant 0 : i32
    %dma_start3A_122 = tpu.memref_slice %arg7[%dma_start3A_114, %dma_start3A_121] : memref<80x128xi32, #tpu.memory_space<vmem>> -> memref<1x128xi32, #tpu.memory_space<vmem>>
    %dma_start3A_123 = tpu.memref_squeeze %dma_start3A_122 : memref<1x128xi32, #tpu.memory_space<vmem>> -> memref<128xi32, #tpu.memory_space<vmem>>
    %dma_start3A_124 = arith.constant 0 : i32
    %dma_start3A_125 = arith.constant 0 : i32
    %dma_start3A_126 = tpu.memref_slice %arg2[%dma_start3A_124, %dma_start3A_125] : memref<10000x16xf32, #tpu.memory_space<hbm>> -> memref<10000x16xf32, #tpu.memory_space<hbm>>
    %dma_start3A_127 = tpu.memref_slice %arg11[%dma_start3A_116] : memref<8x!tpu.dma_semaphore, #tpu.memory_space<semaphore_mem>> -> memref<1x!tpu.dma_semaphore, #tpu.memory_space<semaphore_mem>>
    %dma_start3A_128 = tpu.memref_squeeze %dma_start3A_127 : memref<1x!tpu.dma_semaphore, #tpu.memory_space<semaphore_mem>> -> memref<!tpu.dma_semaphore, #tpu.memory_space<semaphore_mem>>
    tpu.enqueue_indirect_dma source(%dma_start3A_126 : memref<10000x16xf32, #tpu.memory_space<hbm>>) target(%dma_start3A_120 : memref<128x16xf32, #tpu.memory_space<vmem>>) offsets(%dma_start3A_123 : memref<128xi32, #tpu.memory_space<vmem>>) semaphore(%dma_start3A_128 : memref<!tpu.dma_semaphore, #tpu.memory_space<semaphore_mem>>)
    %scan3A = arith.constant 0 : i32
    %scan3A_129 = arith.constant 0 : i32
    %scan3A_130 = arith.constant 9 : i32
    %scan3A_131 = arith.addi %scan3A_129, %scan3A_130 : i32
    %scan3A_132 = arith.constant 1 : i32
    scf.for %scan3A_501 = %scan3A_129 to %scan3A_131 step %scan3A_132  : i32 {
      %mul3A_502 = arith.constant 8 : i32
      %mul3A_503 = arith.muli %scan3A_501, %mul3A_502 : i32
      %add3A_504 = arith.constant 0 : i32
      %add3A_505 = arith.addi %mul3A_503, %add3A_504 : i32
      %dma_wait3A_506 = arith.constant 0 : i32
      %dma_wait3A_507 = arith.constant 0 : i32
      %dma_wait3A_508 = arith.constant 0 : i32
      %dma_wait3A_509 = arith.constant 0 : i32
      %dma_wait3A_510 = tpu.memref_slice %arg9[%dma_wait3A_506, %dma_wait3A_508, %dma_wait3A_509] : memref<8x128x16xf32, #tpu.memory_space<vmem>> -> memref<1x128x16xf32, #tpu.memory_space<vmem>>
      %dma_wait3A_511 = tpu.memref_squeeze %dma_wait3A_510 : memref<1x128x16xf32, #tpu.memory_space<vmem>> -> memref<128x16xf32, #tpu.memory_space<vmem>>
      %dma_wait3A_512 = arith.constant 0 : i32
      %dma_wait3A_513 = tpu.memref_slice %arg7[%add3A_505, %dma_wait3A_512] : memref<80x128xi32, #tpu.memory_space<vmem>> -> memref<1x128xi32, #tpu.memory_space<vmem>>
      %dma_wait3A_514 = tpu.memref_squeeze %dma_wait3A_513 : memref<1x128xi32, #tpu.memory_space<vmem>> -> memref<128xi32, #tpu.memory_space<vmem>>
      %dma_wait3A_515 = arith.constant 0 : i32
      %dma_wait3A_516 = arith.constant 0 : i32
      %dma_wait3A_517 = tpu.memref_slice %arg2[%dma_wait3A_515, %dma_wait3A_516] : memref<10000x16xf32, #tpu.memory_space<hbm>> -> memref<10000x16xf32, #tpu.memory_space<hbm>>
      %dma_wait3A_518 = tpu.memref_slice %arg11[%dma_wait3A_507] : memref<8x!tpu.dma_semaphore, #tpu.memory_space<semaphore_mem>> -> memref<1x!tpu.dma_semaphore, #tpu.memory_space<semaphore_mem>>
      %dma_wait3A_519 = tpu.memref_squeeze %dma_wait3A_518 : memref<1x!tpu.dma_semaphore, #tpu.memory_space<semaphore_mem>> -> memref<!tpu.dma_semaphore, #tpu.memory_space<semaphore_mem>>
      tpu.wait_indirect_dma semaphore(%dma_wait3A_519 : memref<!tpu.dma_semaphore, #tpu.memory_space<semaphore_mem>>) src(%dma_wait3A_517 : memref<10000x16xf32, #tpu.memory_space<hbm>>) dst(%dma_wait3A_511 : memref<128x16xf32, #tpu.memory_space<vmem>>)
      %add3A_520 = arith.constant 0 : i32
      %add3A_521 = arith.addi %mul3A_503, %add3A_520 : i32
      %dma_start3A_522 = arith.constant 0 : i32
      %dma_start3A_523 = arith.constant 0 : i32
      %dma_start3A_524 = arith.constant 0 : i32
      %dma_start3A_525 = arith.constant 0 : i32
      %dma_start3A_526 = tpu.memref_slice %arg9[%dma_start3A_522, %dma_start3A_524, %dma_start3A_525] : memref<8x128x16xf32, #tpu.memory_space<vmem>> -> memref<1x128x16xf32, #tpu.memory_space<vmem>>
      %dma_start3A_527 = tpu.memref_squeeze %dma_start3A_526 : memref<1x128x16xf32, #tpu.memory_space<vmem>> -> memref<128x16xf32, #tpu.memory_space<vmem>>
      %dma_start3A_528 = arith.constant 0 : i32
      %dma_start3A_529 = tpu.memref_slice %arg8[%add3A_521, %dma_start3A_528] : memref<80x128xi32, #tpu.memory_space<vmem>> -> memref<1x128xi32, #tpu.memory_space<vmem>>
      %dma_start3A_530 = tpu.memref_squeeze %dma_start3A_529 : memref<1x128xi32, #tpu.memory_space<vmem>> -> memref<128xi32, #tpu.memory_space<vmem>>
      %dma_start3A_531 = arith.constant 0 : i32
      %dma_start3A_532 = arith.constant 0 : i32
      %dma_start3A_533 = tpu.memref_slice %arg10[%dma_start3A_531, %dma_start3A_532] : memref<10512x16xf32, #tpu.memory_space<vmem_shared>> -> memref<10512x16xf32, #tpu.memory_space<vmem_shared>>
      %dma_start3A_534 = tpu.memref_slice %arg12[%dma_start3A_523] : memref<8x!tpu.dma_semaphore, #tpu.memory_space<semaphore_mem>> -> memref<1x!tpu.dma_semaphore, #tpu.memory_space<semaphore_mem>>
      %dma_start3A_535 = tpu.memref_squeeze %dma_start3A_534 : memref<1x!tpu.dma_semaphore, #tpu.memory_space<semaphore_mem>> -> memref<!tpu.dma_semaphore, #tpu.memory_space<semaphore_mem>>
      tpu.enqueue_indirect_dma source(%dma_start3A_527 : memref<128x16xf32, #tpu.memory_space<vmem>>) target(%dma_start3A_533 : memref<10512x16xf32, #tpu.memory_space<vmem_shared>>) offsets(%dma_start3A_530 : memref<128xi32, #tpu.memory_space<vmem>>) semaphore(%dma_start3A_535 : memref<!tpu.dma_semaphore, #tpu.memory_space<semaphore_mem>>) {add = true}
      %add3A_536 = arith.constant 1 : i32
      %add3A_537 = arith.addi %mul3A_503, %add3A_536 : i32
      %dma_wait3A_538 = arith.constant 1 : i32
      %dma_wait3A_539 = arith.constant 1 : i32
      %dma_wait3A_540 = arith.constant 0 : i32
      %dma_wait3A_541 = arith.constant 0 : i32
      %dma_wait3A_542 = tpu.memref_slice %arg9[%dma_wait3A_538, %dma_wait3A_540, %dma_wait3A_541] : memref<8x128x16xf32, #tpu.memory_space<vmem>> -> memref<1x128x16xf32, #tpu.memory_space<vmem>>
      %dma_wait3A_543 = tpu.memref_squeeze %dma_wait3A_542 : memref<1x128x16xf32, #tpu.memory_space<vmem>> -> memref<128x16xf32, #tpu.memory_space<vmem>>
      %dma_wait3A_544 = arith.constant 0 : i32
      %dma_wait3A_545 = tpu.memref_slice %arg7[%add3A_537, %dma_wait3A_544] : memref<80x128xi32, #tpu.memory_space<vmem>> -> memref<1x128xi32, #tpu.memory_space<vmem>>
      %dma_wait3A_546 = tpu.memref_squeeze %dma_wait3A_545 : memref<1x128xi32, #tpu.memory_space<vmem>> -> memref<128xi32, #tpu.memory_space<vmem>>
      %dma_wait3A_547 = arith.constant 0 : i32
      %dma_wait3A_548 = arith.constant 0 : i32
      %dma_wait3A_549 = tpu.memref_slice %arg2[%dma_wait3A_547, %dma_wait3A_548] : memref<10000x16xf32, #tpu.memory_space<hbm>> -> memref<10000x16xf32, #tpu.memory_space<hbm>>
      %dma_wait3A_550 = tpu.memref_slice %arg11[%dma_wait3A_539] : memref<8x!tpu.dma_semaphore, #tpu.memory_space<semaphore_mem>> -> memref<1x!tpu.dma_semaphore, #tpu.memory_space<semaphore_mem>>
      %dma_wait3A_551 = tpu.memref_squeeze %dma_wait3A_550 : memref<1x!tpu.dma_semaphore, #tpu.memory_space<semaphore_mem>> -> memref<!tpu.dma_semaphore, #tpu.memory_space<semaphore_mem>>
      tpu.wait_indirect_dma semaphore(%dma_wait3A_551 : memref<!tpu.dma_semaphore, #tpu.memory_space<semaphore_mem>>) src(%dma_wait3A_549 : memref<10000x16xf32, #tpu.memory_space<hbm>>) dst(%dma_wait3A_543 : memref<128x16xf32, #tpu.memory_space<vmem>>)
      %add3A_552 = arith.constant 1 : i32
      %add3A_553 = arith.addi %mul3A_503, %add3A_552 : i32
      %dma_start3A_554 = arith.constant 1 : i32
      %dma_start3A_555 = arith.constant 1 : i32
      %dma_start3A_556 = arith.constant 0 : i32
      %dma_start3A_557 = arith.constant 0 : i32
      %dma_start3A_558 = tpu.memref_slice %arg9[%dma_start3A_554, %dma_start3A_556, %dma_start3A_557] : memref<8x128x16xf32, #tpu.memory_space<vmem>> -> memref<1x128x16xf32, #tpu.memory_space<vmem>>
      %dma_start3A_559 = tpu.memref_squeeze %dma_start3A_558 : memref<1x128x16xf32, #tpu.memory_space<vmem>> -> memref<128x16xf32, #tpu.memory_space<vmem>>
      %dma_start3A_560 = arith.constant 0 : i32
      %dma_start3A_561 = tpu.memref_slice %arg8[%add3A_553, %dma_start3A_560] : memref<80x128xi32, #tpu.memory_space<vmem>> -> memref<1x128xi32, #tpu.memory_space<vmem>>
      %dma_start3A_562 = tpu.memref_squeeze %dma_start3A_561 : memref<1x128xi32, #tpu.memory_space<vmem>> -> memref<128xi32, #tpu.memory_space<vmem>>
      %dma_start3A_563 = arith.constant 0 : i32
      %dma_start3A_564 = arith.constant 0 : i32
      %dma_start3A_565 = tpu.memref_slice %arg10[%dma_start3A_563, %dma_start3A_564] : memref<10512x16xf32, #tpu.memory_space<vmem_shared>> -> memref<10512x16xf32, #tpu.memory_space<vmem_shared>>
      %dma_start3A_566 = tpu.memref_slice %arg12[%dma_start3A_555] : memref<8x!tpu.dma_semaphore, #tpu.memory_space<semaphore_mem>> -> memref<1x!tpu.dma_semaphore, #tpu.memory_space<semaphore_mem>>
      %dma_start3A_567 = tpu.memref_squeeze %dma_start3A_566 : memref<1x!tpu.dma_semaphore, #tpu.memory_space<semaphore_mem>> -> memref<!tpu.dma_semaphore, #tpu.memory_space<semaphore_mem>>
      tpu.enqueue_indirect_dma source(%dma_start3A_559 : memref<128x16xf32, #tpu.memory_space<vmem>>) target(%dma_start3A_565 : memref<10512x16xf32, #tpu.memory_space<vmem_shared>>) offsets(%dma_start3A_562 : memref<128xi32, #tpu.memory_space<vmem>>) semaphore(%dma_start3A_567 : memref<!tpu.dma_semaphore, #tpu.memory_space<semaphore_mem>>) {add = true}
      %add3A_568 = arith.constant 2 : i32
      %add3A_569 = arith.addi %mul3A_503, %add3A_568 : i32
      %dma_wait3A_570 = arith.constant 2 : i32
      %dma_wait3A_571 = arith.constant 2 : i32
      %dma_wait3A_572 = arith.constant 0 : i32
      %dma_wait3A_573 = arith.constant 0 : i32
      %dma_wait3A_574 = tpu.memref_slice %arg9[%dma_wait3A_570, %dma_wait3A_572, %dma_wait3A_573] : memref<8x128x16xf32, #tpu.memory_space<vmem>> -> memref<1x128x16xf32, #tpu.memory_space<vmem>>
      %dma_wait3A_575 = tpu.memref_squeeze %dma_wait3A_574 : memref<1x128x16xf32, #tpu.memory_space<vmem>> -> memref<128x16xf32, #tpu.memory_space<vmem>>
      %dma_wait3A_576 = arith.constant 0 : i32
      %dma_wait3A_577 = tpu.memref_slice %arg7[%add3A_569, %dma_wait3A_576] : memref<80x128xi32, #tpu.memory_space<vmem>> -> memref<1x128xi32, #tpu.memory_space<vmem>>
      %dma_wait3A_578 = tpu.memref_squeeze %dma_wait3A_577 : memref<1x128xi32, #tpu.memory_space<vmem>> -> memref<128xi32, #tpu.memory_space<vmem>>
      %dma_wait3A_579 = arith.constant 0 : i32
      %dma_wait3A_580 = arith.constant 0 : i32
      %dma_wait3A_581 = tpu.memref_slice %arg2[%dma_wait3A_579, %dma_wait3A_580] : memref<10000x16xf32, #tpu.memory_space<hbm>> -> memref<10000x16xf32, #tpu.memory_space<hbm>>
      %dma_wait3A_582 = tpu.memref_slice %arg11[%dma_wait3A_571] : memref<8x!tpu.dma_semaphore, #tpu.memory_space<semaphore_mem>> -> memref<1x!tpu.dma_semaphore, #tpu.memory_space<semaphore_mem>>
      %dma_wait3A_583 = tpu.memref_squeeze %dma_wait3A_582 : memref<1x!tpu.dma_semaphore, #tpu.memory_space<semaphore_mem>> -> memref<!tpu.dma_semaphore, #tpu.memory_space<semaphore_mem>>
      tpu.wait_indirect_dma semaphore(%dma_wait3A_583 : memref<!tpu.dma_semaphore, #tpu.memory_space<semaphore_mem>>) src(%dma_wait3A_581 : memref<10000x16xf32, #tpu.memory_space<hbm>>) dst(%dma_wait3A_575 : memref<128x16xf32, #tpu.memory_space<vmem>>)
      %add3A_584 = arith.constant 2 : i32
      %add3A_585 = arith.addi %mul3A_503, %add3A_584 : i32
      %dma_start3A_586 = arith.constant 2 : i32
      %dma_start3A_587 = arith.constant 2 : i32
      %dma_start3A_588 = arith.constant 0 : i32
      %dma_start3A_589 = arith.constant 0 : i32
      %dma_start3A_590 = tpu.memref_slice %arg9[%dma_start3A_586, %dma_start3A_588, %dma_start3A_589] : memref<8x128x16xf32, #tpu.memory_space<vmem>> -> memref<1x128x16xf32, #tpu.memory_space<vmem>>
      %dma_start3A_591 = tpu.memref_squeeze %dma_start3A_590 : memref<1x128x16xf32, #tpu.memory_space<vmem>> -> memref<128x16xf32, #tpu.memory_space<vmem>>
      %dma_start3A_592 = arith.constant 0 : i32
      %dma_start3A_593 = tpu.memref_slice %arg8[%add3A_585, %dma_start3A_592] : memref<80x128xi32, #tpu.memory_space<vmem>> -> memref<1x128xi32, #tpu.memory_space<vmem>>
      %dma_start3A_594 = tpu.memref_squeeze %dma_start3A_593 : memref<1x128xi32, #tpu.memory_space<vmem>> -> memref<128xi32, #tpu.memory_space<vmem>>
      %dma_start3A_595 = arith.constant 0 : i32
      %dma_start3A_596 = arith.constant 0 : i32
      %dma_start3A_597 = tpu.memref_slice %arg10[%dma_start3A_595, %dma_start3A_596] : memref<10512x16xf32, #tpu.memory_space<vmem_shared>> -> memref<10512x16xf32, #tpu.memory_space<vmem_shared>>
      %dma_start3A_598 = tpu.memref_slice %arg12[%dma_start3A_587] : memref<8x!tpu.dma_semaphore, #tpu.memory_space<semaphore_mem>> -> memref<1x!tpu.dma_semaphore, #tpu.memory_space<semaphore_mem>>
      %dma_start3A_599 = tpu.memref_squeeze %dma_start3A_598 : memref<1x!tpu.dma_semaphore, #tpu.memory_space<semaphore_mem>> -> memref<!tpu.dma_semaphore, #tpu.memory_space<semaphore_mem>>
      tpu.enqueue_indirect_dma source(%dma_start3A_591 : memref<128x16xf32, #tpu.memory_space<vmem>>) target(%dma_start3A_597 : memref<10512x16xf32, #tpu.memory_space<vmem_shared>>) offsets(%dma_start3A_594 : memref<128xi32, #tpu.memory_space<vmem>>) semaphore(%dma_start3A_599 : memref<!tpu.dma_semaphore, #tpu.memory_space<semaphore_mem>>) {add = true}
      %add3A_600 = arith.constant 3 : i32
      %add3A_601 = arith.addi %mul3A_503, %add3A_600 : i32
      %dma_wait3A_602 = arith.constant 3 : i32
      %dma_wait3A_603 = arith.constant 3 : i32
      %dma_wait3A_604 = arith.constant 0 : i32
      %dma_wait3A_605 = arith.constant 0 : i32
      %dma_wait3A_606 = tpu.memref_slice %arg9[%dma_wait3A_602, %dma_wait3A_604, %dma_wait3A_605] : memref<8x128x16xf32, #tpu.memory_space<vmem>> -> memref<1x128x16xf32, #tpu.memory_space<vmem>>
      %dma_wait3A_607 = tpu.memref_squeeze %dma_wait3A_606 : memref<1x128x16xf32, #tpu.memory_space<vmem>> -> memref<128x16xf32, #tpu.memory_space<vmem>>
      %dma_wait3A_608 = arith.constant 0 : i32
      %dma_wait3A_609 = tpu.memref_slice %arg7[%add3A_601, %dma_wait3A_608] : memref<80x128xi32, #tpu.memory_space<vmem>> -> memref<1x128xi32, #tpu.memory_space<vmem>>
      %dma_wait3A_610 = tpu.memref_squeeze %dma_wait3A_609 : memref<1x128xi32, #tpu.memory_space<vmem>> -> memref<128xi32, #tpu.memory_space<vmem>>
      %dma_wait3A_611 = arith.constant 0 : i32
      %dma_wait3A_612 = arith.constant 0 : i32
      %dma_wait3A_613 = tpu.memref_slice %arg2[%dma_wait3A_611, %dma_wait3A_612] : memref<10000x16xf32, #tpu.memory_space<hbm>> -> memref<10000x16xf32, #tpu.memory_space<hbm>>
      %dma_wait3A_614 = tpu.memref_slice %arg11[%dma_wait3A_603] : memref<8x!tpu.dma_semaphore, #tpu.memory_space<semaphore_mem>> -> memref<1x!tpu.dma_semaphore, #tpu.memory_space<semaphore_mem>>
      %dma_wait3A_615 = tpu.memref_squeeze %dma_wait3A_614 : memref<1x!tpu.dma_semaphore, #tpu.memory_space<semaphore_mem>> -> memref<!tpu.dma_semaphore, #tpu.memory_space<semaphore_mem>>
      tpu.wait_indirect_dma semaphore(%dma_wait3A_615 : memref<!tpu.dma_semaphore, #tpu.memory_space<semaphore_mem>>) src(%dma_wait3A_613 : memref<10000x16xf32, #tpu.memory_space<hbm>>) dst(%dma_wait3A_607 : memref<128x16xf32, #tpu.memory_space<vmem>>)
      %add3A_616 = arith.constant 3 : i32
      %add3A_617 = arith.addi %mul3A_503, %add3A_616 : i32
      %dma_start3A_618 = arith.constant 3 : i32
      %dma_start3A_619 = arith.constant 3 : i32
      %dma_start3A_620 = arith.constant 0 : i32
      %dma_start3A_621 = arith.constant 0 : i32
      %dma_start3A_622 = tpu.memref_slice %arg9[%dma_start3A_618, %dma_start3A_620, %dma_start3A_621] : memref<8x128x16xf32, #tpu.memory_space<vmem>> -> memref<1x128x16xf32, #tpu.memory_space<vmem>>
      %dma_start3A_623 = tpu.memref_squeeze %dma_start3A_622 : memref<1x128x16xf32, #tpu.memory_space<vmem>> -> memref<128x16xf32, #tpu.memory_space<vmem>>
      %dma_start3A_624 = arith.constant 0 : i32
      %dma_start3A_625 = tpu.memref_slice %arg8[%add3A_617, %dma_start3A_624] : memref<80x128xi32, #tpu.memory_space<vmem>> -> memref<1x128xi32, #tpu.memory_space<vmem>>
      %dma_start3A_626 = tpu.memref_squeeze %dma_start3A_625 : memref<1x128xi32, #tpu.memory_space<vmem>> -> memref<128xi32, #tpu.memory_space<vmem>>
      %dma_start3A_627 = arith.constant 0 : i32
      %dma_start3A_628 = arith.constant 0 : i32
      %dma_start3A_629 = tpu.memref_slice %arg10[%dma_start3A_627, %dma_start3A_628] : memref<10512x16xf32, #tpu.memory_space<vmem_shared>> -> memref<10512x16xf32, #tpu.memory_space<vmem_shared>>
      %dma_start3A_630 = tpu.memref_slice %arg12[%dma_start3A_619] : memref<8x!tpu.dma_semaphore, #tpu.memory_space<semaphore_mem>> -> memref<1x!tpu.dma_semaphore, #tpu.memory_space<semaphore_mem>>
      %dma_start3A_631 = tpu.memref_squeeze %dma_start3A_630 : memref<1x!tpu.dma_semaphore, #tpu.memory_space<semaphore_mem>> -> memref<!tpu.dma_semaphore, #tpu.memory_space<semaphore_mem>>
      tpu.enqueue_indirect_dma source(%dma_start3A_623 : memref<128x16xf32, #tpu.memory_space<vmem>>) target(%dma_start3A_629 : memref<10512x16xf32, #tpu.memory_space<vmem_shared>>) offsets(%dma_start3A_626 : memref<128xi32, #tpu.memory_space<vmem>>) semaphore(%dma_start3A_631 : memref<!tpu.dma_semaphore, #tpu.memory_space<semaphore_mem>>) {add = true}
      %add3A_632 = arith.constant 4 : i32
      %add3A_633 = arith.addi %mul3A_503, %add3A_632 : i32
      %dma_wait3A_634 = arith.constant 4 : i32
      %dma_wait3A_635 = arith.constant 4 : i32
      %dma_wait3A_636 = arith.constant 0 : i32
      %dma_wait3A_637 = arith.constant 0 : i32
      %dma_wait3A_638 = tpu.memref_slice %arg9[%dma_wait3A_634, %dma_wait3A_636, %dma_wait3A_637] : memref<8x128x16xf32, #tpu.memory_space<vmem>> -> memref<1x128x16xf32, #tpu.memory_space<vmem>>
      %dma_wait3A_639 = tpu.memref_squeeze %dma_wait3A_638 : memref<1x128x16xf32, #tpu.memory_space<vmem>> -> memref<128x16xf32, #tpu.memory_space<vmem>>
      %dma_wait3A_640 = arith.constant 0 : i32
      %dma_wait3A_641 = tpu.memref_slice %arg7[%add3A_633, %dma_wait3A_640] : memref<80x128xi32, #tpu.memory_space<vmem>> -> memref<1x128xi32, #tpu.memory_space<vmem>>
      %dma_wait3A_642 = tpu.memref_squeeze %dma_wait3A_641 : memref<1x128xi32, #tpu.memory_space<vmem>> -> memref<128xi32, #tpu.memory_space<vmem>>
      %dma_wait3A_643 = arith.constant 0 : i32
      %dma_wait3A_644 = arith.constant 0 : i32
      %dma_wait3A_645 = tpu.memref_slice %arg2[%dma_wait3A_643, %dma_wait3A_644] : memref<10000x16xf32, #tpu.memory_space<hbm>> -> memref<10000x16xf32, #tpu.memory_space<hbm>>
      %dma_wait3A_646 = tpu.memref_slice %arg11[%dma_wait3A_635] : memref<8x!tpu.dma_semaphore, #tpu.memory_space<semaphore_mem>> -> memref<1x!tpu.dma_semaphore, #tpu.memory_space<semaphore_mem>>
      %dma_wait3A_647 = tpu.memref_squeeze %dma_wait3A_646 : memref<1x!tpu.dma_semaphore, #tpu.memory_space<semaphore_mem>> -> memref<!tpu.dma_semaphore, #tpu.memory_space<semaphore_mem>>
      tpu.wait_indirect_dma semaphore(%dma_wait3A_647 : memref<!tpu.dma_semaphore, #tpu.memory_space<semaphore_mem>>) src(%dma_wait3A_645 : memref<10000x16xf32, #tpu.memory_space<hbm>>) dst(%dma_wait3A_639 : memref<128x16xf32, #tpu.memory_space<vmem>>)
      %add3A_648 = arith.constant 4 : i32
      %add3A_649 = arith.addi %mul3A_503, %add3A_648 : i32
      %dma_start3A_650 = arith.constant 4 : i32
      %dma_start3A_651 = arith.constant 4 : i32
      %dma_start3A_652 = arith.constant 0 : i32
      %dma_start3A_653 = arith.constant 0 : i32
      %dma_start3A_654 = tpu.memref_slice %arg9[%dma_start3A_650, %dma_start3A_652, %dma_start3A_653] : memref<8x128x16xf32, #tpu.memory_space<vmem>> -> memref<1x128x16xf32, #tpu.memory_space<vmem>>
      %dma_start3A_655 = tpu.memref_squeeze %dma_start3A_654 : memref<1x128x16xf32, #tpu.memory_space<vmem>> -> memref<128x16xf32, #tpu.memory_space<vmem>>
      %dma_start3A_656 = arith.constant 0 : i32
      %dma_start3A_657 = tpu.memref_slice %arg8[%add3A_649, %dma_start3A_656] : memref<80x128xi32, #tpu.memory_space<vmem>> -> memref<1x128xi32, #tpu.memory_space<vmem>>
      %dma_start3A_658 = tpu.memref_squeeze %dma_start3A_657 : memref<1x128xi32, #tpu.memory_space<vmem>> -> memref<128xi32, #tpu.memory_space<vmem>>
      %dma_start3A_659 = arith.constant 0 : i32
      %dma_start3A_660 = arith.constant 0 : i32
      %dma_start3A_661 = tpu.memref_slice %arg10[%dma_start3A_659, %dma_start3A_660] : memref<10512x16xf32, #tpu.memory_space<vmem_shared>> -> memref<10512x16xf32, #tpu.memory_space<vmem_shared>>
      %dma_start3A_662 = tpu.memref_slice %arg12[%dma_start3A_651] : memref<8x!tpu.dma_semaphore, #tpu.memory_space<semaphore_mem>> -> memref<1x!tpu.dma_semaphore, #tpu.memory_space<semaphore_mem>>
      %dma_start3A_663 = tpu.memref_squeeze %dma_start3A_662 : memref<1x!tpu.dma_semaphore, #tpu.memory_space<semaphore_mem>> -> memref<!tpu.dma_semaphore, #tpu.memory_space<semaphore_mem>>
      tpu.enqueue_indirect_dma source(%dma_start3A_655 : memref<128x16xf32, #tpu.memory_space<vmem>>) target(%dma_start3A_661 : memref<10512x16xf32, #tpu.memory_space<vmem_shared>>) offsets(%dma_start3A_658 : memref<128xi32, #tpu.memory_space<vmem>>) semaphore(%dma_start3A_663 : memref<!tpu.dma_semaphore, #tpu.memory_space<semaphore_mem>>) {add = true}
      %add3A_664 = arith.constant 5 : i32
      %add3A_665 = arith.addi %mul3A_503, %add3A_664 : i32
      %dma_wait3A_666 = arith.constant 5 : i32
      %dma_wait3A_667 = arith.constant 5 : i32
      %dma_wait3A_668 = arith.constant 0 : i32
      %dma_wait3A_669 = arith.constant 0 : i32
      %dma_wait3A_670 = tpu.memref_slice %arg9[%dma_wait3A_666, %dma_wait3A_668, %dma_wait3A_669] : memref<8x128x16xf32, #tpu.memory_space<vmem>> -> memref<1x128x16xf32, #tpu.memory_space<vmem>>
      %dma_wait3A_671 = tpu.memref_squeeze %dma_wait3A_670 : memref<1x128x16xf32, #tpu.memory_space<vmem>> -> memref<128x16xf32, #tpu.memory_space<vmem>>
      %dma_wait3A_672 = arith.constant 0 : i32
      %dma_wait3A_673 = tpu.memref_slice %arg7[%add3A_665, %dma_wait3A_672] : memref<80x128xi32, #tpu.memory_space<vmem>> -> memref<1x128xi32, #tpu.memory_space<vmem>>
      %dma_wait3A_674 = tpu.memref_squeeze %dma_wait3A_673 : memref<1x128xi32, #tpu.memory_space<vmem>> -> memref<128xi32, #tpu.memory_space<vmem>>
      %dma_wait3A_675 = arith.constant 0 : i32
      %dma_wait3A_676 = arith.constant 0 : i32
      %dma_wait3A_677 = tpu.memref_slice %arg2[%dma_wait3A_675, %dma_wait3A_676] : memref<10000x16xf32, #tpu.memory_space<hbm>> -> memref<10000x16xf32, #tpu.memory_space<hbm>>
      %dma_wait3A_678 = tpu.memref_slice %arg11[%dma_wait3A_667] : memref<8x!tpu.dma_semaphore, #tpu.memory_space<semaphore_mem>> -> memref<1x!tpu.dma_semaphore, #tpu.memory_space<semaphore_mem>>
      %dma_wait3A_679 = tpu.memref_squeeze %dma_wait3A_678 : memref<1x!tpu.dma_semaphore, #tpu.memory_space<semaphore_mem>> -> memref<!tpu.dma_semaphore, #tpu.memory_space<semaphore_mem>>
      tpu.wait_indirect_dma semaphore(%dma_wait3A_679 : memref<!tpu.dma_semaphore, #tpu.memory_space<semaphore_mem>>) src(%dma_wait3A_677 : memref<10000x16xf32, #tpu.memory_space<hbm>>) dst(%dma_wait3A_671 : memref<128x16xf32, #tpu.memory_space<vmem>>)
      %add3A_680 = arith.constant 5 : i32
      %add3A_681 = arith.addi %mul3A_503, %add3A_680 : i32
      %dma_start3A_682 = arith.constant 5 : i32
      %dma_start3A_683 = arith.constant 5 : i32
      %dma_start3A_684 = arith.constant 0 : i32
      %dma_start3A_685 = arith.constant 0 : i32
      %dma_start3A_686 = tpu.memref_slice %arg9[%dma_start3A_682, %dma_start3A_684, %dma_start3A_685] : memref<8x128x16xf32, #tpu.memory_space<vmem>> -> memref<1x128x16xf32, #tpu.memory_space<vmem>>
      %dma_start3A_687 = tpu.memref_squeeze %dma_start3A_686 : memref<1x128x16xf32, #tpu.memory_space<vmem>> -> memref<128x16xf32, #tpu.memory_space<vmem>>
      %dma_start3A_688 = arith.constant 0 : i32
      %dma_start3A_689 = tpu.memref_slice %arg8[%add3A_681, %dma_start3A_688] : memref<80x128xi32, #tpu.memory_space<vmem>> -> memref<1x128xi32, #tpu.memory_space<vmem>>
      %dma_start3A_690 = tpu.memref_squeeze %dma_start3A_689 : memref<1x128xi32, #tpu.memory_space<vmem>> -> memref<128xi32, #tpu.memory_space<vmem>>
      %dma_start3A_691 = arith.constant 0 : i32
      %dma_start3A_692 = arith.constant 0 : i32
      %dma_start3A_693 = tpu.memref_slice %arg10[%dma_start3A_691, %dma_start3A_692] : memref<10512x16xf32, #tpu.memory_space<vmem_shared>> -> memref<10512x16xf32, #tpu.memory_space<vmem_shared>>
      %dma_start3A_694 = tpu.memref_slice %arg12[%dma_start3A_683] : memref<8x!tpu.dma_semaphore, #tpu.memory_space<semaphore_mem>> -> memref<1x!tpu.dma_semaphore, #tpu.memory_space<semaphore_mem>>
      %dma_start3A_695 = tpu.memref_squeeze %dma_start3A_694 : memref<1x!tpu.dma_semaphore, #tpu.memory_space<semaphore_mem>> -> memref<!tpu.dma_semaphore, #tpu.memory_space<semaphore_mem>>
      tpu.enqueue_indirect_dma source(%dma_start3A_687 : memref<128x16xf32, #tpu.memory_space<vmem>>) target(%dma_start3A_693 : memref<10512x16xf32, #tpu.memory_space<vmem_shared>>) offsets(%dma_start3A_690 : memref<128xi32, #tpu.memory_space<vmem>>) semaphore(%dma_start3A_695 : memref<!tpu.dma_semaphore, #tpu.memory_space<semaphore_mem>>) {add = true}
      %add3A_696 = arith.constant 6 : i32
      %add3A_697 = arith.addi %mul3A_503, %add3A_696 : i32
      %dma_wait3A_698 = arith.constant 6 : i32
      %dma_wait3A_699 = arith.constant 6 : i32
      %dma_wait3A_700 = arith.constant 0 : i32
      %dma_wait3A_701 = arith.constant 0 : i32
      %dma_wait3A_702 = tpu.memref_slice %arg9[%dma_wait3A_698, %dma_wait3A_700, %dma_wait3A_701] : memref<8x128x16xf32, #tpu.memory_space<vmem>> -> memref<1x128x16xf32, #tpu.memory_space<vmem>>
      %dma_wait3A_703 = tpu.memref_squeeze %dma_wait3A_702 : memref<1x128x16xf32, #tpu.memory_space<vmem>> -> memref<128x16xf32, #tpu.memory_space<vmem>>
      %dma_wait3A_704 = arith.constant 0 : i32
      %dma_wait3A_705 = tpu.memref_slice %arg7[%add3A_697, %dma_wait3A_704] : memref<80x128xi32, #tpu.memory_space<vmem>> -> memref<1x128xi32, #tpu.memory_space<vmem>>
      %dma_wait3A_706 = tpu.memref_squeeze %dma_wait3A_705 : memref<1x128xi32, #tpu.memory_space<vmem>> -> memref<128xi32, #tpu.memory_space<vmem>>
      %dma_wait3A_707 = arith.constant 0 : i32
      %dma_wait3A_708 = arith.constant 0 : i32
      %dma_wait3A_709 = tpu.memref_slice %arg2[%dma_wait3A_707, %dma_wait3A_708] : memref<10000x16xf32, #tpu.memory_space<hbm>> -> memref<10000x16xf32, #tpu.memory_space<hbm>>
      %dma_wait3A_710 = tpu.memref_slice %arg11[%dma_wait3A_699] : memref<8x!tpu.dma_semaphore, #tpu.memory_space<semaphore_mem>> -> memref<1x!tpu.dma_semaphore, #tpu.memory_space<semaphore_mem>>
      %dma_wait3A_711 = tpu.memref_squeeze %dma_wait3A_710 : memref<1x!tpu.dma_semaphore, #tpu.memory_space<semaphore_mem>> -> memref<!tpu.dma_semaphore, #tpu.memory_space<semaphore_mem>>
      tpu.wait_indirect_dma semaphore(%dma_wait3A_711 : memref<!tpu.dma_semaphore, #tpu.memory_space<semaphore_mem>>) src(%dma_wait3A_709 : memref<10000x16xf32, #tpu.memory_space<hbm>>) dst(%dma_wait3A_703 : memref<128x16xf32, #tpu.memory_space<vmem>>)
      %add3A_712 = arith.constant 6 : i32
      %add3A_713 = arith.addi %mul3A_503, %add3A_712 : i32
      %dma_start3A_714 = arith.constant 6 : i32
      %dma_start3A_715 = arith.constant 6 : i32
      %dma_start3A_716 = arith.constant 0 : i32
      %dma_start3A_717 = arith.constant 0 : i32
      %dma_start3A_718 = tpu.memref_slice %arg9[%dma_start3A_714, %dma_start3A_716, %dma_start3A_717] : memref<8x128x16xf32, #tpu.memory_space<vmem>> -> memref<1x128x16xf32, #tpu.memory_space<vmem>>
      %dma_start3A_719 = tpu.memref_squeeze %dma_start3A_718 : memref<1x128x16xf32, #tpu.memory_space<vmem>> -> memref<128x16xf32, #tpu.memory_space<vmem>>
      %dma_start3A_720 = arith.constant 0 : i32
      %dma_start3A_721 = tpu.memref_slice %arg8[%add3A_713, %dma_start3A_720] : memref<80x128xi32, #tpu.memory_space<vmem>> -> memref<1x128xi32, #tpu.memory_space<vmem>>
      %dma_start3A_722 = tpu.memref_squeeze %dma_start3A_721 : memref<1x128xi32, #tpu.memory_space<vmem>> -> memref<128xi32, #tpu.memory_space<vmem>>
      %dma_start3A_723 = arith.constant 0 : i32
      %dma_start3A_724 = arith.constant 0 : i32
      %dma_start3A_725 = tpu.memref_slice %arg10[%dma_start3A_723, %dma_start3A_724] : memref<10512x16xf32, #tpu.memory_space<vmem_shared>> -> memref<10512x16xf32, #tpu.memory_space<vmem_shared>>
      %dma_start3A_726 = tpu.memref_slice %arg12[%dma_start3A_715] : memref<8x!tpu.dma_semaphore, #tpu.memory_space<semaphore_mem>> -> memref<1x!tpu.dma_semaphore, #tpu.memory_space<semaphore_mem>>
      %dma_start3A_727 = tpu.memref_squeeze %dma_start3A_726 : memref<1x!tpu.dma_semaphore, #tpu.memory_space<semaphore_mem>> -> memref<!tpu.dma_semaphore, #tpu.memory_space<semaphore_mem>>
      tpu.enqueue_indirect_dma source(%dma_start3A_719 : memref<128x16xf32, #tpu.memory_space<vmem>>) target(%dma_start3A_725 : memref<10512x16xf32, #tpu.memory_space<vmem_shared>>) offsets(%dma_start3A_722 : memref<128xi32, #tpu.memory_space<vmem>>) semaphore(%dma_start3A_727 : memref<!tpu.dma_semaphore, #tpu.memory_space<semaphore_mem>>) {add = true}
      %add3A_728 = arith.constant 7 : i32
      %add3A_729 = arith.addi %mul3A_503, %add3A_728 : i32
      %dma_wait3A_730 = arith.constant 7 : i32
      %dma_wait3A_731 = arith.constant 7 : i32
      %dma_wait3A_732 = arith.constant 0 : i32
      %dma_wait3A_733 = arith.constant 0 : i32
      %dma_wait3A_734 = tpu.memref_slice %arg9[%dma_wait3A_730, %dma_wait3A_732, %dma_wait3A_733] : memref<8x128x16xf32, #tpu.memory_space<vmem>> -> memref<1x128x16xf32, #tpu.memory_space<vmem>>
      %dma_wait3A_735 = tpu.memref_squeeze %dma_wait3A_734 : memref<1x128x16xf32, #tpu.memory_space<vmem>> -> memref<128x16xf32, #tpu.memory_space<vmem>>
      %dma_wait3A_736 = arith.constant 0 : i32
      %dma_wait3A_737 = tpu.memref_slice %arg7[%add3A_729, %dma_wait3A_736] : memref<80x128xi32, #tpu.memory_space<vmem>> -> memref<1x128xi32, #tpu.memory_space<vmem>>
      %dma_wait3A_738 = tpu.memref_squeeze %dma_wait3A_737 : memref<1x128xi32, #tpu.memory_space<vmem>> -> memref<128xi32, #tpu.memory_space<vmem>>
      %dma_wait3A_739 = arith.constant 0 : i32
      %dma_wait3A_740 = arith.constant 0 : i32
      %dma_wait3A_741 = tpu.memref_slice %arg2[%dma_wait3A_739, %dma_wait3A_740] : memref<10000x16xf32, #tpu.memory_space<hbm>> -> memref<10000x16xf32, #tpu.memory_space<hbm>>
      %dma_wait3A_742 = tpu.memref_slice %arg11[%dma_wait3A_731] : memref<8x!tpu.dma_semaphore, #tpu.memory_space<semaphore_mem>> -> memref<1x!tpu.dma_semaphore, #tpu.memory_space<semaphore_mem>>
      %dma_wait3A_743 = tpu.memref_squeeze %dma_wait3A_742 : memref<1x!tpu.dma_semaphore, #tpu.memory_space<semaphore_mem>> -> memref<!tpu.dma_semaphore, #tpu.memory_space<semaphore_mem>>
      tpu.wait_indirect_dma semaphore(%dma_wait3A_743 : memref<!tpu.dma_semaphore, #tpu.memory_space<semaphore_mem>>) src(%dma_wait3A_741 : memref<10000x16xf32, #tpu.memory_space<hbm>>) dst(%dma_wait3A_735 : memref<128x16xf32, #tpu.memory_space<vmem>>)
      %add3A_744 = arith.constant 7 : i32
      %add3A_745 = arith.addi %mul3A_503, %add3A_744 : i32
      %dma_start3A_746 = arith.constant 7 : i32
      %dma_start3A_747 = arith.constant 7 : i32
      %dma_start3A_748 = arith.constant 0 : i32
      %dma_start3A_749 = arith.constant 0 : i32
      %dma_start3A_750 = tpu.memref_slice %arg9[%dma_start3A_746, %dma_start3A_748, %dma_start3A_749] : memref<8x128x16xf32, #tpu.memory_space<vmem>> -> memref<1x128x16xf32, #tpu.memory_space<vmem>>
      %dma_start3A_751 = tpu.memref_squeeze %dma_start3A_750 : memref<1x128x16xf32, #tpu.memory_space<vmem>> -> memref<128x16xf32, #tpu.memory_space<vmem>>
      %dma_start3A_752 = arith.constant 0 : i32
      %dma_start3A_753 = tpu.memref_slice %arg8[%add3A_745, %dma_start3A_752] : memref<80x128xi32, #tpu.memory_space<vmem>> -> memref<1x128xi32, #tpu.memory_space<vmem>>
      %dma_start3A_754 = tpu.memref_squeeze %dma_start3A_753 : memref<1x128xi32, #tpu.memory_space<vmem>> -> memref<128xi32, #tpu.memory_space<vmem>>
      %dma_start3A_755 = arith.constant 0 : i32
      %dma_start3A_756 = arith.constant 0 : i32
      %dma_start3A_757 = tpu.memref_slice %arg10[%dma_start3A_755, %dma_start3A_756] : memref<10512x16xf32, #tpu.memory_space<vmem_shared>> -> memref<10512x16xf32, #tpu.memory_space<vmem_shared>>
      %dma_start3A_758 = tpu.memref_slice %arg12[%dma_start3A_747] : memref<8x!tpu.dma_semaphore, #tpu.memory_space<semaphore_mem>> -> memref<1x!tpu.dma_semaphore, #tpu.memory_space<semaphore_mem>>
      %dma_start3A_759 = tpu.memref_squeeze %dma_start3A_758 : memref<1x!tpu.dma_semaphore, #tpu.memory_space<semaphore_mem>> -> memref<!tpu.dma_semaphore, #tpu.memory_space<semaphore_mem>>
      tpu.enqueue_indirect_dma source(%dma_start3A_751 : memref<128x16xf32, #tpu.memory_space<vmem>>) target(%dma_start3A_757 : memref<10512x16xf32, #tpu.memory_space<vmem_shared>>) offsets(%dma_start3A_754 : memref<128xi32, #tpu.memory_space<vmem>>) semaphore(%dma_start3A_759 : memref<!tpu.dma_semaphore, #tpu.memory_space<semaphore_mem>>) {add = true}
      %add3A_760 = arith.constant 0 : i32
      %add3A_761 = arith.addi %mul3A_503, %add3A_760 : i32
      %dma_wait3A_762 = arith.constant 0 : i32
      %dma_wait3A_763 = arith.constant 0 : i32
      %dma_wait3A_764 = arith.constant 0 : i32
      %dma_wait3A_765 = arith.constant 0 : i32
      %dma_wait3A_766 = tpu.memref_slice %arg9[%dma_wait3A_762, %dma_wait3A_764, %dma_wait3A_765] : memref<8x128x16xf32, #tpu.memory_space<vmem>> -> memref<1x128x16xf32, #tpu.memory_space<vmem>>
      %dma_wait3A_767 = tpu.memref_squeeze %dma_wait3A_766 : memref<1x128x16xf32, #tpu.memory_space<vmem>> -> memref<128x16xf32, #tpu.memory_space<vmem>>
      %dma_wait3A_768 = arith.constant 0 : i32
      %dma_wait3A_769 = tpu.memref_slice %arg8[%add3A_761, %dma_wait3A_768] : memref<80x128xi32, #tpu.memory_space<vmem>> -> memref<1x128xi32, #tpu.memory_space<vmem>>
      %dma_wait3A_770 = tpu.memref_squeeze %dma_wait3A_769 : memref<1x128xi32, #tpu.memory_space<vmem>> -> memref<128xi32, #tpu.memory_space<vmem>>
      %dma_wait3A_771 = arith.constant 0 : i32
      %dma_wait3A_772 = arith.constant 0 : i32
      %dma_wait3A_773 = tpu.memref_slice %arg10[%dma_wait3A_771, %dma_wait3A_772] : memref<10512x16xf32, #tpu.memory_space<vmem_shared>> -> memref<10512x16xf32, #tpu.memory_space<vmem_shared>>
      %dma_wait3A_774 = tpu.memref_slice %arg12[%dma_wait3A_763] : memref<8x!tpu.dma_semaphore, #tpu.memory_space<semaphore_mem>> -> memref<1x!tpu.dma_semaphore, #tpu.memory_space<semaphore_mem>>
      %dma_wait3A_775 = tpu.memref_squeeze %dma_wait3A_774 : memref<1x!tpu.dma_semaphore, #tpu.memory_space<semaphore_mem>> -> memref<!tpu.dma_semaphore, #tpu.memory_space<semaphore_mem>>
      tpu.wait_indirect_dma semaphore(%dma_wait3A_775 : memref<!tpu.dma_semaphore, #tpu.memory_space<semaphore_mem>>) src(%dma_wait3A_767 : memref<128x16xf32, #tpu.memory_space<vmem>>) dst(%dma_wait3A_773 : memref<10512x16xf32, #tpu.memory_space<vmem_shared>>)
      %add3A_776 = arith.constant 8 : i32
      %add3A_777 = arith.addi %mul3A_503, %add3A_776 : i32
      %add3A_778 = arith.constant 0 : i32
      %add3A_779 = arith.addi %add3A_777, %add3A_778 : i32
      %dma_start3A_780 = arith.constant 0 : i32
      %dma_start3A_781 = arith.constant 0 : i32
      %dma_start3A_782 = arith.constant 0 : i32
      %dma_start3A_783 = arith.constant 0 : i32
      %dma_start3A_784 = tpu.memref_slice %arg9[%dma_start3A_780, %dma_start3A_782, %dma_start3A_783] : memref<8x128x16xf32, #tpu.memory_space<vmem>> -> memref<1x128x16xf32, #tpu.memory_space<vmem>>
      %dma_start3A_785 = tpu.memref_squeeze %dma_start3A_784 : memref<1x128x16xf32, #tpu.memory_space<vmem>> -> memref<128x16xf32, #tpu.memory_space<vmem>>
      %dma_start3A_786 = arith.constant 0 : i32
      %dma_start3A_787 = tpu.memref_slice %arg7[%add3A_779, %dma_start3A_786] : memref<80x128xi32, #tpu.memory_space<vmem>> -> memref<1x128xi32, #tpu.memory_space<vmem>>
      %dma_start3A_788 = tpu.memref_squeeze %dma_start3A_787 : memref<1x128xi32, #tpu.memory_space<vmem>> -> memref<128xi32, #tpu.memory_space<vmem>>
      %dma_start3A_789 = arith.constant 0 : i32
      %dma_start3A_790 = arith.constant 0 : i32
      %dma_start3A_791 = tpu.memref_slice %arg2[%dma_start3A_789, %dma_start3A_790] : memref<10000x16xf32, #tpu.memory_space<hbm>> -> memref<10000x16xf32, #tpu.memory_space<hbm>>
      %dma_start3A_792 = tpu.memref_slice %arg11[%dma_start3A_781] : memref<8x!tpu.dma_semaphore, #tpu.memory_space<semaphore_mem>> -> memref<1x!tpu.dma_semaphore, #tpu.memory_space<semaphore_mem>>
      %dma_start3A_793 = tpu.memref_squeeze %dma_start3A_792 : memref<1x!tpu.dma_semaphore, #tpu.memory_space<semaphore_mem>> -> memref<!tpu.dma_semaphore, #tpu.memory_space<semaphore_mem>>
      tpu.enqueue_indirect_dma source(%dma_start3A_791 : memref<10000x16xf32, #tpu.memory_space<hbm>>) target(%dma_start3A_785 : memref<128x16xf32, #tpu.memory_space<vmem>>) offsets(%dma_start3A_788 : memref<128xi32, #tpu.memory_space<vmem>>) semaphore(%dma_start3A_793 : memref<!tpu.dma_semaphore, #tpu.memory_space<semaphore_mem>>)
      %add3A_794 = arith.constant 1 : i32
      %add3A_795 = arith.addi %mul3A_503, %add3A_794 : i32
      %dma_wait3A_796 = arith.constant 1 : i32
      %dma_wait3A_797 = arith.constant 1 : i32
      %dma_wait3A_798 = arith.constant 0 : i32
      %dma_wait3A_799 = arith.constant 0 : i32
      %dma_wait3A_800 = tpu.memref_slice %arg9[%dma_wait3A_796, %dma_wait3A_798, %dma_wait3A_799] : memref<8x128x16xf32, #tpu.memory_space<vmem>> -> memref<1x128x16xf32, #tpu.memory_space<vmem>>
      %dma_wait3A_801 = tpu.memref_squeeze %dma_wait3A_800 : memref<1x128x16xf32, #tpu.memory_space<vmem>> -> memref<128x16xf32, #tpu.memory_space<vmem>>
      %dma_wait3A_802 = arith.constant 0 : i32
      %dma_wait3A_803 = tpu.memref_slice %arg8[%add3A_795, %dma_wait3A_802] : memref<80x128xi32, #tpu.memory_space<vmem>> -> memref<1x128xi32, #tpu.memory_space<vmem>>
      %dma_wait3A_804 = tpu.memref_squeeze %dma_wait3A_803 : memref<1x128xi32, #tpu.memory_space<vmem>> -> memref<128xi32, #tpu.memory_space<vmem>>
      %dma_wait3A_805 = arith.constant 0 : i32
      %dma_wait3A_806 = arith.constant 0 : i32
      %dma_wait3A_807 = tpu.memref_slice %arg10[%dma_wait3A_805, %dma_wait3A_806] : memref<10512x16xf32, #tpu.memory_space<vmem_shared>> -> memref<10512x16xf32, #tpu.memory_space<vmem_shared>>
      %dma_wait3A_808 = tpu.memref_slice %arg12[%dma_wait3A_797] : memref<8x!tpu.dma_semaphore, #tpu.memory_space<semaphore_mem>> -> memref<1x!tpu.dma_semaphore, #tpu.memory_space<semaphore_mem>>
      %dma_wait3A_809 = tpu.memref_squeeze %dma_wait3A_808 : memref<1x!tpu.dma_semaphore, #tpu.memory_space<semaphore_mem>> -> memref<!tpu.dma_semaphore, #tpu.memory_space<semaphore_mem>>
      tpu.wait_indirect_dma semaphore(%dma_wait3A_809 : memref<!tpu.dma_semaphore, #tpu.memory_space<semaphore_mem>>) src(%dma_wait3A_801 : memref<128x16xf32, #tpu.memory_space<vmem>>) dst(%dma_wait3A_807 : memref<10512x16xf32, #tpu.memory_space<vmem_shared>>)
      %add3A_810 = arith.constant 8 : i32
      %add3A_811 = arith.addi %mul3A_503, %add3A_810 : i32
      %add3A_812 = arith.constant 1 : i32
      %add3A_813 = arith.addi %add3A_811, %add3A_812 : i32
      %dma_start3A_814 = arith.constant 1 : i32
      %dma_start3A_815 = arith.constant 1 : i32
      %dma_start3A_816 = arith.constant 0 : i32
      %dma_start3A_817 = arith.constant 0 : i32
      %dma_start3A_818 = tpu.memref_slice %arg9[%dma_start3A_814, %dma_start3A_816, %dma_start3A_817] : memref<8x128x16xf32, #tpu.memory_space<vmem>> -> memref<1x128x16xf32, #tpu.memory_space<vmem>>
      %dma_start3A_819 = tpu.memref_squeeze %dma_start3A_818 : memref<1x128x16xf32, #tpu.memory_space<vmem>> -> memref<128x16xf32, #tpu.memory_space<vmem>>
      %dma_start3A_820 = arith.constant 0 : i32
      %dma_start3A_821 = tpu.memref_slice %arg7[%add3A_813, %dma_start3A_820] : memref<80x128xi32, #tpu.memory_space<vmem>> -> memref<1x128xi32, #tpu.memory_space<vmem>>
      %dma_start3A_822 = tpu.memref_squeeze %dma_start3A_821 : memref<1x128xi32, #tpu.memory_space<vmem>> -> memref<128xi32, #tpu.memory_space<vmem>>
      %dma_start3A_823 = arith.constant 0 : i32
      %dma_start3A_824 = arith.constant 0 : i32
      %dma_start3A_825 = tpu.memref_slice %arg2[%dma_start3A_823, %dma_start3A_824] : memref<10000x16xf32, #tpu.memory_space<hbm>> -> memref<10000x16xf32, #tpu.memory_space<hbm>>
      %dma_start3A_826 = tpu.memref_slice %arg11[%dma_start3A_815] : memref<8x!tpu.dma_semaphore, #tpu.memory_space<semaphore_mem>> -> memref<1x!tpu.dma_semaphore, #tpu.memory_space<semaphore_mem>>
      %dma_start3A_827 = tpu.memref_squeeze %dma_start3A_826 : memref<1x!tpu.dma_semaphore, #tpu.memory_space<semaphore_mem>> -> memref<!tpu.dma_semaphore, #tpu.memory_space<semaphore_mem>>
      tpu.enqueue_indirect_dma source(%dma_start3A_825 : memref<10000x16xf32, #tpu.memory_space<hbm>>) target(%dma_start3A_819 : memref<128x16xf32, #tpu.memory_space<vmem>>) offsets(%dma_start3A_822 : memref<128xi32, #tpu.memory_space<vmem>>) semaphore(%dma_start3A_827 : memref<!tpu.dma_semaphore, #tpu.memory_space<semaphore_mem>>)
      %add3A_828 = arith.constant 2 : i32
      %add3A_829 = arith.addi %mul3A_503, %add3A_828 : i32
      %dma_wait3A_830 = arith.constant 2 : i32
      %dma_wait3A_831 = arith.constant 2 : i32
      %dma_wait3A_832 = arith.constant 0 : i32
      %dma_wait3A_833 = arith.constant 0 : i32
      %dma_wait3A_834 = tpu.memref_slice %arg9[%dma_wait3A_830, %dma_wait3A_832, %dma_wait3A_833] : memref<8x128x16xf32, #tpu.memory_space<vmem>> -> memref<1x128x16xf32, #tpu.memory_space<vmem>>
      %dma_wait3A_835 = tpu.memref_squeeze %dma_wait3A_834 : memref<1x128x16xf32, #tpu.memory_space<vmem>> -> memref<128x16xf32, #tpu.memory_space<vmem>>
      %dma_wait3A_836 = arith.constant 0 : i32
      %dma_wait3A_837 = tpu.memref_slice %arg8[%add3A_829, %dma_wait3A_836] : memref<80x128xi32, #tpu.memory_space<vmem>> -> memref<1x128xi32, #tpu.memory_space<vmem>>
      %dma_wait3A_838 = tpu.memref_squeeze %dma_wait3A_837 : memref<1x128xi32, #tpu.memory_space<vmem>> -> memref<128xi32, #tpu.memory_space<vmem>>
      %dma_wait3A_839 = arith.constant 0 : i32
      %dma_wait3A_840 = arith.constant 0 : i32
      %dma_wait3A_841 = tpu.memref_slice %arg10[%dma_wait3A_839, %dma_wait3A_840] : memref<10512x16xf32, #tpu.memory_space<vmem_shared>> -> memref<10512x16xf32, #tpu.memory_space<vmem_shared>>
      %dma_wait3A_842 = tpu.memref_slice %arg12[%dma_wait3A_831] : memref<8x!tpu.dma_semaphore, #tpu.memory_space<semaphore_mem>> -> memref<1x!tpu.dma_semaphore, #tpu.memory_space<semaphore_mem>>
      %dma_wait3A_843 = tpu.memref_squeeze %dma_wait3A_842 : memref<1x!tpu.dma_semaphore, #tpu.memory_space<semaphore_mem>> -> memref<!tpu.dma_semaphore, #tpu.memory_space<semaphore_mem>>
      tpu.wait_indirect_dma semaphore(%dma_wait3A_843 : memref<!tpu.dma_semaphore, #tpu.memory_space<semaphore_mem>>) src(%dma_wait3A_835 : memref<128x16xf32, #tpu.memory_space<vmem>>) dst(%dma_wait3A_841 : memref<10512x16xf32, #tpu.memory_space<vmem_shared>>)
      %add3A_844 = arith.constant 8 : i32
      %add3A_845 = arith.addi %mul3A_503, %add3A_844 : i32
      %add3A_846 = arith.constant 2 : i32
      %add3A_847 = arith.addi %add3A_845, %add3A_846 : i32
      %dma_start3A_848 = arith.constant 2 : i32
      %dma_start3A_849 = arith.constant 2 : i32
      %dma_start3A_850 = arith.constant 0 : i32
      %dma_start3A_851 = arith.constant 0 : i32
      %dma_start3A_852 = tpu.memref_slice %arg9[%dma_start3A_848, %dma_start3A_850, %dma_start3A_851] : memref<8x128x16xf32, #tpu.memory_space<vmem>> -> memref<1x128x16xf32, #tpu.memory_space<vmem>>
      %dma_start3A_853 = tpu.memref_squeeze %dma_start3A_852 : memref<1x128x16xf32, #tpu.memory_space<vmem>> -> memref<128x16xf32, #tpu.memory_space<vmem>>
      %dma_start3A_854 = arith.constant 0 : i32
      %dma_start3A_855 = tpu.memref_slice %arg7[%add3A_847, %dma_start3A_854] : memref<80x128xi32, #tpu.memory_space<vmem>> -> memref<1x128xi32, #tpu.memory_space<vmem>>
      %dma_start3A_856 = tpu.memref_squeeze %dma_start3A_855 : memref<1x128xi32, #tpu.memory_space<vmem>> -> memref<128xi32, #tpu.memory_space<vmem>>
      %dma_start3A_857 = arith.constant 0 : i32
      %dma_start3A_858 = arith.constant 0 : i32
      %dma_start3A_859 = tpu.memref_slice %arg2[%dma_start3A_857, %dma_start3A_858] : memref<10000x16xf32, #tpu.memory_space<hbm>> -> memref<10000x16xf32, #tpu.memory_space<hbm>>
      %dma_start3A_860 = tpu.memref_slice %arg11[%dma_start3A_849] : memref<8x!tpu.dma_semaphore, #tpu.memory_space<semaphore_mem>> -> memref<1x!tpu.dma_semaphore, #tpu.memory_space<semaphore_mem>>
      %dma_start3A_861 = tpu.memref_squeeze %dma_start3A_860 : memref<1x!tpu.dma_semaphore, #tpu.memory_space<semaphore_mem>> -> memref<!tpu.dma_semaphore, #tpu.memory_space<semaphore_mem>>
      tpu.enqueue_indirect_dma source(%dma_start3A_859 : memref<10000x16xf32, #tpu.memory_space<hbm>>) target(%dma_start3A_853 : memref<128x16xf32, #tpu.memory_space<vmem>>) offsets(%dma_start3A_856 : memref<128xi32, #tpu.memory_space<vmem>>) semaphore(%dma_start3A_861 : memref<!tpu.dma_semaphore, #tpu.memory_space<semaphore_mem>>)
      %add3A_862 = arith.constant 3 : i32
      %add3A_863 = arith.addi %mul3A_503, %add3A_862 : i32
      %dma_wait3A_864 = arith.constant 3 : i32
      %dma_wait3A_865 = arith.constant 3 : i32
      %dma_wait3A_866 = arith.constant 0 : i32
      %dma_wait3A_867 = arith.constant 0 : i32
      %dma_wait3A_868 = tpu.memref_slice %arg9[%dma_wait3A_864, %dma_wait3A_866, %dma_wait3A_867] : memref<8x128x16xf32, #tpu.memory_space<vmem>> -> memref<1x128x16xf32, #tpu.memory_space<vmem>>
      %dma_wait3A_869 = tpu.memref_squeeze %dma_wait3A_868 : memref<1x128x16xf32, #tpu.memory_space<vmem>> -> memref<128x16xf32, #tpu.memory_space<vmem>>
      %dma_wait3A_870 = arith.constant 0 : i32
      %dma_wait3A_871 = tpu.memref_slice %arg8[%add3A_863, %dma_wait3A_870] : memref<80x128xi32, #tpu.memory_space<vmem>> -> memref<1x128xi32, #tpu.memory_space<vmem>>
      %dma_wait3A_872 = tpu.memref_squeeze %dma_wait3A_871 : memref<1x128xi32, #tpu.memory_space<vmem>> -> memref<128xi32, #tpu.memory_space<vmem>>
      %dma_wait3A_873 = arith.constant 0 : i32
      %dma_wait3A_874 = arith.constant 0 : i32
      %dma_wait3A_875 = tpu.memref_slice %arg10[%dma_wait3A_873, %dma_wait3A_874] : memref<10512x16xf32, #tpu.memory_space<vmem_shared>> -> memref<10512x16xf32, #tpu.memory_space<vmem_shared>>
      %dma_wait3A_876 = tpu.memref_slice %arg12[%dma_wait3A_865] : memref<8x!tpu.dma_semaphore, #tpu.memory_space<semaphore_mem>> -> memref<1x!tpu.dma_semaphore, #tpu.memory_space<semaphore_mem>>
      %dma_wait3A_877 = tpu.memref_squeeze %dma_wait3A_876 : memref<1x!tpu.dma_semaphore, #tpu.memory_space<semaphore_mem>> -> memref<!tpu.dma_semaphore, #tpu.memory_space<semaphore_mem>>
      tpu.wait_indirect_dma semaphore(%dma_wait3A_877 : memref<!tpu.dma_semaphore, #tpu.memory_space<semaphore_mem>>) src(%dma_wait3A_869 : memref<128x16xf32, #tpu.memory_space<vmem>>) dst(%dma_wait3A_875 : memref<10512x16xf32, #tpu.memory_space<vmem_shared>>)
      %add3A_878 = arith.constant 8 : i32
      %add3A_879 = arith.addi %mul3A_503, %add3A_878 : i32
      %add3A_880 = arith.constant 3 : i32
      %add3A_881 = arith.addi %add3A_879, %add3A_880 : i32
      %dma_start3A_882 = arith.constant 3 : i32
      %dma_start3A_883 = arith.constant 3 : i32
      %dma_start3A_884 = arith.constant 0 : i32
      %dma_start3A_885 = arith.constant 0 : i32
      %dma_start3A_886 = tpu.memref_slice %arg9[%dma_start3A_882, %dma_start3A_884, %dma_start3A_885] : memref<8x128x16xf32, #tpu.memory_space<vmem>> -> memref<1x128x16xf32, #tpu.memory_space<vmem>>
      %dma_start3A_887 = tpu.memref_squeeze %dma_start3A_886 : memref<1x128x16xf32, #tpu.memory_space<vmem>> -> memref<128x16xf32, #tpu.memory_space<vmem>>
      %dma_start3A_888 = arith.constant 0 : i32
      %dma_start3A_889 = tpu.memref_slice %arg7[%add3A_881, %dma_start3A_888] : memref<80x128xi32, #tpu.memory_space<vmem>> -> memref<1x128xi32, #tpu.memory_space<vmem>>
      %dma_start3A_890 = tpu.memref_squeeze %dma_start3A_889 : memref<1x128xi32, #tpu.memory_space<vmem>> -> memref<128xi32, #tpu.memory_space<vmem>>
      %dma_start3A_891 = arith.constant 0 : i32
      %dma_start3A_892 = arith.constant 0 : i32
      %dma_start3A_893 = tpu.memref_slice %arg2[%dma_start3A_891, %dma_start3A_892] : memref<10000x16xf32, #tpu.memory_space<hbm>> -> memref<10000x16xf32, #tpu.memory_space<hbm>>
      %dma_start3A_894 = tpu.memref_slice %arg11[%dma_start3A_883] : memref<8x!tpu.dma_semaphore, #tpu.memory_space<semaphore_mem>> -> memref<1x!tpu.dma_semaphore, #tpu.memory_space<semaphore_mem>>
      %dma_start3A_895 = tpu.memref_squeeze %dma_start3A_894 : memref<1x!tpu.dma_semaphore, #tpu.memory_space<semaphore_mem>> -> memref<!tpu.dma_semaphore, #tpu.memory_space<semaphore_mem>>
      tpu.enqueue_indirect_dma source(%dma_start3A_893 : memref<10000x16xf32, #tpu.memory_space<hbm>>) target(%dma_start3A_887 : memref<128x16xf32, #tpu.memory_space<vmem>>) offsets(%dma_start3A_890 : memref<128xi32, #tpu.memory_space<vmem>>) semaphore(%dma_start3A_895 : memref<!tpu.dma_semaphore, #tpu.memory_space<semaphore_mem>>)
      %add3A_896 = arith.constant 4 : i32
      %add3A_897 = arith.addi %mul3A_503, %add3A_896 : i32
      %dma_wait3A_898 = arith.constant 4 : i32
      %dma_wait3A_899 = arith.constant 4 : i32
      %dma_wait3A_900 = arith.constant 0 : i32
      %dma_wait3A_901 = arith.constant 0 : i32
      %dma_wait3A_902 = tpu.memref_slice %arg9[%dma_wait3A_898, %dma_wait3A_900, %dma_wait3A_901] : memref<8x128x16xf32, #tpu.memory_space<vmem>> -> memref<1x128x16xf32, #tpu.memory_space<vmem>>
      %dma_wait3A_903 = tpu.memref_squeeze %dma_wait3A_902 : memref<1x128x16xf32, #tpu.memory_space<vmem>> -> memref<128x16xf32, #tpu.memory_space<vmem>>
      %dma_wait3A_904 = arith.constant 0 : i32
      %dma_wait3A_905 = tpu.memref_slice %arg8[%add3A_897, %dma_wait3A_904] : memref<80x128xi32, #tpu.memory_space<vmem>> -> memref<1x128xi32, #tpu.memory_space<vmem>>
      %dma_wait3A_906 = tpu.memref_squeeze %dma_wait3A_905 : memref<1x128xi32, #tpu.memory_space<vmem>> -> memref<128xi32, #tpu.memory_space<vmem>>
      %dma_wait3A_907 = arith.constant 0 : i32
      %dma_wait3A_908 = arith.constant 0 : i32
      %dma_wait3A_909 = tpu.memref_slice %arg10[%dma_wait3A_907, %dma_wait3A_908] : memref<10512x16xf32, #tpu.memory_space<vmem_shared>> -> memref<10512x16xf32, #tpu.memory_space<vmem_shared>>
      %dma_wait3A_910 = tpu.memref_slice %arg12[%dma_wait3A_899] : memref<8x!tpu.dma_semaphore, #tpu.memory_space<semaphore_mem>> -> memref<1x!tpu.dma_semaphore, #tpu.memory_space<semaphore_mem>>
      %dma_wait3A_911 = tpu.memref_squeeze %dma_wait3A_910 : memref<1x!tpu.dma_semaphore, #tpu.memory_space<semaphore_mem>> -> memref<!tpu.dma_semaphore, #tpu.memory_space<semaphore_mem>>
      tpu.wait_indirect_dma semaphore(%dma_wait3A_911 : memref<!tpu.dma_semaphore, #tpu.memory_space<semaphore_mem>>) src(%dma_wait3A_903 : memref<128x16xf32, #tpu.memory_space<vmem>>) dst(%dma_wait3A_909 : memref<10512x16xf32, #tpu.memory_space<vmem_shared>>)
      %add3A_912 = arith.constant 8 : i32
      %add3A_913 = arith.addi %mul3A_503, %add3A_912 : i32
      %add3A_914 = arith.constant 4 : i32
      %add3A_915 = arith.addi %add3A_913, %add3A_914 : i32
      %dma_start3A_916 = arith.constant 4 : i32
      %dma_start3A_917 = arith.constant 4 : i32
      %dma_start3A_918 = arith.constant 0 : i32
      %dma_start3A_919 = arith.constant 0 : i32
      %dma_start3A_920 = tpu.memref_slice %arg9[%dma_start3A_916, %dma_start3A_918, %dma_start3A_919] : memref<8x128x16xf32, #tpu.memory_space<vmem>> -> memref<1x128x16xf32, #tpu.memory_space<vmem>>
      %dma_start3A_921 = tpu.memref_squeeze %dma_start3A_920 : memref<1x128x16xf32, #tpu.memory_space<vmem>> -> memref<128x16xf32, #tpu.memory_space<vmem>>
      %dma_start3A_922 = arith.constant 0 : i32
      %dma_start3A_923 = tpu.memref_slice %arg7[%add3A_915, %dma_start3A_922] : memref<80x128xi32, #tpu.memory_space<vmem>> -> memref<1x128xi32, #tpu.memory_space<vmem>>
      %dma_start3A_924 = tpu.memref_squeeze %dma_start3A_923 : memref<1x128xi32, #tpu.memory_space<vmem>> -> memref<128xi32, #tpu.memory_space<vmem>>
      %dma_start3A_925 = arith.constant 0 : i32
      %dma_start3A_926 = arith.constant 0 : i32
      %dma_start3A_927 = tpu.memref_slice %arg2[%dma_start3A_925, %dma_start3A_926] : memref<10000x16xf32, #tpu.memory_space<hbm>> -> memref<10000x16xf32, #tpu.memory_space<hbm>>
      %dma_start3A_928 = tpu.memref_slice %arg11[%dma_start3A_917] : memref<8x!tpu.dma_semaphore, #tpu.memory_space<semaphore_mem>> -> memref<1x!tpu.dma_semaphore, #tpu.memory_space<semaphore_mem>>
      %dma_start3A_929 = tpu.memref_squeeze %dma_start3A_928 : memref<1x!tpu.dma_semaphore, #tpu.memory_space<semaphore_mem>> -> memref<!tpu.dma_semaphore, #tpu.memory_space<semaphore_mem>>
      tpu.enqueue_indirect_dma source(%dma_start3A_927 : memref<10000x16xf32, #tpu.memory_space<hbm>>) target(%dma_start3A_921 : memref<128x16xf32, #tpu.memory_space<vmem>>) offsets(%dma_start3A_924 : memref<128xi32, #tpu.memory_space<vmem>>) semaphore(%dma_start3A_929 : memref<!tpu.dma_semaphore, #tpu.memory_space<semaphore_mem>>)
      %add3A_930 = arith.constant 5 : i32
      %add3A_931 = arith.addi %mul3A_503, %add3A_930 : i32
      %dma_wait3A_932 = arith.constant 5 : i32
      %dma_wait3A_933 = arith.constant 5 : i32
      %dma_wait3A_934 = arith.constant 0 : i32
      %dma_wait3A_935 = arith.constant 0 : i32
      %dma_wait3A_936 = tpu.memref_slice %arg9[%dma_wait3A_932, %dma_wait3A_934, %dma_wait3A_935] : memref<8x128x16xf32, #tpu.memory_space<vmem>> -> memref<1x128x16xf32, #tpu.memory_space<vmem>>
      %dma_wait3A_937 = tpu.memref_squeeze %dma_wait3A_936 : memref<1x128x16xf32, #tpu.memory_space<vmem>> -> memref<128x16xf32, #tpu.memory_space<vmem>>
      %dma_wait3A_938 = arith.constant 0 : i32
      %dma_wait3A_939 = tpu.memref_slice %arg8[%add3A_931, %dma_wait3A_938] : memref<80x128xi32, #tpu.memory_space<vmem>> -> memref<1x128xi32, #tpu.memory_space<vmem>>
      %dma_wait3A_940 = tpu.memref_squeeze %dma_wait3A_939 : memref<1x128xi32, #tpu.memory_space<vmem>> -> memref<128xi32, #tpu.memory_space<vmem>>
      %dma_wait3A_941 = arith.constant 0 : i32
      %dma_wait3A_942 = arith.constant 0 : i32
      %dma_wait3A_943 = tpu.memref_slice %arg10[%dma_wait3A_941, %dma_wait3A_942] : memref<10512x16xf32, #tpu.memory_space<vmem_shared>> -> memref<10512x16xf32, #tpu.memory_space<vmem_shared>>
      %dma_wait3A_944 = tpu.memref_slice %arg12[%dma_wait3A_933] : memref<8x!tpu.dma_semaphore, #tpu.memory_space<semaphore_mem>> -> memref<1x!tpu.dma_semaphore, #tpu.memory_space<semaphore_mem>>
      %dma_wait3A_945 = tpu.memref_squeeze %dma_wait3A_944 : memref<1x!tpu.dma_semaphore, #tpu.memory_space<semaphore_mem>> -> memref<!tpu.dma_semaphore, #tpu.memory_space<semaphore_mem>>
      tpu.wait_indirect_dma semaphore(%dma_wait3A_945 : memref<!tpu.dma_semaphore, #tpu.memory_space<semaphore_mem>>) src(%dma_wait3A_937 : memref<128x16xf32, #tpu.memory_space<vmem>>) dst(%dma_wait3A_943 : memref<10512x16xf32, #tpu.memory_space<vmem_shared>>)
      %add3A_946 = arith.constant 8 : i32
      %add3A_947 = arith.addi %mul3A_503, %add3A_946 : i32
      %add3A_948 = arith.constant 5 : i32
      %add3A_949 = arith.addi %add3A_947, %add3A_948 : i32
      %dma_start3A_950 = arith.constant 5 : i32
      %dma_start3A_951 = arith.constant 5 : i32
      %dma_start3A_952 = arith.constant 0 : i32
      %dma_start3A_953 = arith.constant 0 : i32
      %dma_start3A_954 = tpu.memref_slice %arg9[%dma_start3A_950, %dma_start3A_952, %dma_start3A_953] : memref<8x128x16xf32, #tpu.memory_space<vmem>> -> memref<1x128x16xf32, #tpu.memory_space<vmem>>
      %dma_start3A_955 = tpu.memref_squeeze %dma_start3A_954 : memref<1x128x16xf32, #tpu.memory_space<vmem>> -> memref<128x16xf32, #tpu.memory_space<vmem>>
      %dma_start3A_956 = arith.constant 0 : i32
      %dma_start3A_957 = tpu.memref_slice %arg7[%add3A_949, %dma_start3A_956] : memref<80x128xi32, #tpu.memory_space<vmem>> -> memref<1x128xi32, #tpu.memory_space<vmem>>
      %dma_start3A_958 = tpu.memref_squeeze %dma_start3A_957 : memref<1x128xi32, #tpu.memory_space<vmem>> -> memref<128xi32, #tpu.memory_space<vmem>>
      %dma_start3A_959 = arith.constant 0 : i32
      %dma_start3A_960 = arith.constant 0 : i32
      %dma_start3A_961 = tpu.memref_slice %arg2[%dma_start3A_959, %dma_start3A_960] : memref<10000x16xf32, #tpu.memory_space<hbm>> -> memref<10000x16xf32, #tpu.memory_space<hbm>>
      %dma_start3A_962 = tpu.memref_slice %arg11[%dma_start3A_951] : memref<8x!tpu.dma_semaphore, #tpu.memory_space<semaphore_mem>> -> memref<1x!tpu.dma_semaphore, #tpu.memory_space<semaphore_mem>>
      %dma_start3A_963 = tpu.memref_squeeze %dma_start3A_962 : memref<1x!tpu.dma_semaphore, #tpu.memory_space<semaphore_mem>> -> memref<!tpu.dma_semaphore, #tpu.memory_space<semaphore_mem>>
      tpu.enqueue_indirect_dma source(%dma_start3A_961 : memref<10000x16xf32, #tpu.memory_space<hbm>>) target(%dma_start3A_955 : memref<128x16xf32, #tpu.memory_space<vmem>>) offsets(%dma_start3A_958 : memref<128xi32, #tpu.memory_space<vmem>>) semaphore(%dma_start3A_963 : memref<!tpu.dma_semaphore, #tpu.memory_space<semaphore_mem>>)
      %add3A_964 = arith.constant 6 : i32
      %add3A_965 = arith.addi %mul3A_503, %add3A_964 : i32
      %dma_wait3A_966 = arith.constant 6 : i32
      %dma_wait3A_967 = arith.constant 6 : i32
      %dma_wait3A_968 = arith.constant 0 : i32
      %dma_wait3A_969 = arith.constant 0 : i32
      %dma_wait3A_970 = tpu.memref_slice %arg9[%dma_wait3A_966, %dma_wait3A_968, %dma_wait3A_969] : memref<8x128x16xf32, #tpu.memory_space<vmem>> -> memref<1x128x16xf32, #tpu.memory_space<vmem>>
      %dma_wait3A_971 = tpu.memref_squeeze %dma_wait3A_970 : memref<1x128x16xf32, #tpu.memory_space<vmem>> -> memref<128x16xf32, #tpu.memory_space<vmem>>
      %dma_wait3A_972 = arith.constant 0 : i32
      %dma_wait3A_973 = tpu.memref_slice %arg8[%add3A_965, %dma_wait3A_972] : memref<80x128xi32, #tpu.memory_space<vmem>> -> memref<1x128xi32, #tpu.memory_space<vmem>>
      %dma_wait3A_974 = tpu.memref_squeeze %dma_wait3A_973 : memref<1x128xi32, #tpu.memory_space<vmem>> -> memref<128xi32, #tpu.memory_space<vmem>>
      %dma_wait3A_975 = arith.constant 0 : i32
      %dma_wait3A_976 = arith.constant 0 : i32
      %dma_wait3A_977 = tpu.memref_slice %arg10[%dma_wait3A_975, %dma_wait3A_976] : memref<10512x16xf32, #tpu.memory_space<vmem_shared>> -> memref<10512x16xf32, #tpu.memory_space<vmem_shared>>
      %dma_wait3A_978 = tpu.memref_slice %arg12[%dma_wait3A_967] : memref<8x!tpu.dma_semaphore, #tpu.memory_space<semaphore_mem>> -> memref<1x!tpu.dma_semaphore, #tpu.memory_space<semaphore_mem>>
      %dma_wait3A_979 = tpu.memref_squeeze %dma_wait3A_978 : memref<1x!tpu.dma_semaphore, #tpu.memory_space<semaphore_mem>> -> memref<!tpu.dma_semaphore, #tpu.memory_space<semaphore_mem>>
      tpu.wait_indirect_dma semaphore(%dma_wait3A_979 : memref<!tpu.dma_semaphore, #tpu.memory_space<semaphore_mem>>) src(%dma_wait3A_971 : memref<128x16xf32, #tpu.memory_space<vmem>>) dst(%dma_wait3A_977 : memref<10512x16xf32, #tpu.memory_space<vmem_shared>>)
      %add3A_980 = arith.constant 8 : i32
      %add3A_981 = arith.addi %mul3A_503, %add3A_980 : i32
      %add3A_982 = arith.constant 6 : i32
      %add3A_983 = arith.addi %add3A_981, %add3A_982 : i32
      %dma_start3A_984 = arith.constant 6 : i32
      %dma_start3A_985 = arith.constant 6 : i32
      %dma_start3A_986 = arith.constant 0 : i32
      %dma_start3A_987 = arith.constant 0 : i32
      %dma_start3A_988 = tpu.memref_slice %arg9[%dma_start3A_984, %dma_start3A_986, %dma_start3A_987] : memref<8x128x16xf32, #tpu.memory_space<vmem>> -> memref<1x128x16xf32, #tpu.memory_space<vmem>>
      %dma_start3A_989 = tpu.memref_squeeze %dma_start3A_988 : memref<1x128x16xf32, #tpu.memory_space<vmem>> -> memref<128x16xf32, #tpu.memory_space<vmem>>
      %dma_start3A_990 = arith.constant 0 : i32
      %dma_start3A_991 = tpu.memref_slice %arg7[%add3A_983, %dma_start3A_990] : memref<80x128xi32, #tpu.memory_space<vmem>> -> memref<1x128xi32, #tpu.memory_space<vmem>>
      %dma_start3A_992 = tpu.memref_squeeze %dma_start3A_991 : memref<1x128xi32, #tpu.memory_space<vmem>> -> memref<128xi32, #tpu.memory_space<vmem>>
      %dma_start3A_993 = arith.constant 0 : i32
      %dma_start3A_994 = arith.constant 0 : i32
      %dma_start3A_995 = tpu.memref_slice %arg2[%dma_start3A_993, %dma_start3A_994] : memref<10000x16xf32, #tpu.memory_space<hbm>> -> memref<10000x16xf32, #tpu.memory_space<hbm>>
      %dma_start3A_996 = tpu.memref_slice %arg11[%dma_start3A_985] : memref<8x!tpu.dma_semaphore, #tpu.memory_space<semaphore_mem>> -> memref<1x!tpu.dma_semaphore, #tpu.memory_space<semaphore_mem>>
      %dma_start3A_997 = tpu.memref_squeeze %dma_start3A_996 : memref<1x!tpu.dma_semaphore, #tpu.memory_space<semaphore_mem>> -> memref<!tpu.dma_semaphore, #tpu.memory_space<semaphore_mem>>
      tpu.enqueue_indirect_dma source(%dma_start3A_995 : memref<10000x16xf32, #tpu.memory_space<hbm>>) target(%dma_start3A_989 : memref<128x16xf32, #tpu.memory_space<vmem>>) offsets(%dma_start3A_992 : memref<128xi32, #tpu.memory_space<vmem>>) semaphore(%dma_start3A_997 : memref<!tpu.dma_semaphore, #tpu.memory_space<semaphore_mem>>)
      %add3A_998 = arith.constant 7 : i32
      %add3A_999 = arith.addi %mul3A_503, %add3A_998 : i32
      %dma_wait3A_1000 = arith.constant 7 : i32
      %dma_wait3A_1001 = arith.constant 7 : i32
      %dma_wait3A_1002 = arith.constant 0 : i32
      %dma_wait3A_1003 = arith.constant 0 : i32
      %dma_wait3A_1004 = tpu.memref_slice %arg9[%dma_wait3A_1000, %dma_wait3A_1002, %dma_wait3A_1003] : memref<8x128x16xf32, #tpu.memory_space<vmem>> -> memref<1x128x16xf32, #tpu.memory_space<vmem>>
      %dma_wait3A_1005 = tpu.memref_squeeze %dma_wait3A_1004 : memref<1x128x16xf32, #tpu.memory_space<vmem>> -> memref<128x16xf32, #tpu.memory_space<vmem>>
      %dma_wait3A_1006 = arith.constant 0 : i32
      %dma_wait3A_1007 = tpu.memref_slice %arg8[%add3A_999, %dma_wait3A_1006] : memref<80x128xi32, #tpu.memory_space<vmem>> -> memref<1x128xi32, #tpu.memory_space<vmem>>
      %dma_wait3A_1008 = tpu.memref_squeeze %dma_wait3A_1007 : memref<1x128xi32, #tpu.memory_space<vmem>> -> memref<128xi32, #tpu.memory_space<vmem>>
      %dma_wait3A_1009 = arith.constant 0 : i32
      %dma_wait3A_1010 = arith.constant 0 : i32
      %dma_wait3A_1011 = tpu.memref_slice %arg10[%dma_wait3A_1009, %dma_wait3A_1010] : memref<10512x16xf32, #tpu.memory_space<vmem_shared>> -> memref<10512x16xf32, #tpu.memory_space<vmem_shared>>
      %dma_wait3A_1012 = tpu.memref_slice %arg12[%dma_wait3A_1001] : memref<8x!tpu.dma_semaphore, #tpu.memory_space<semaphore_mem>> -> memref<1x!tpu.dma_semaphore, #tpu.memory_space<semaphore_mem>>
      %dma_wait3A_1013 = tpu.memref_squeeze %dma_wait3A_1012 : memref<1x!tpu.dma_semaphore, #tpu.memory_space<semaphore_mem>> -> memref<!tpu.dma_semaphore, #tpu.memory_space<semaphore_mem>>
      tpu.wait_indirect_dma semaphore(%dma_wait3A_1013 : memref<!tpu.dma_semaphore, #tpu.memory_space<semaphore_mem>>) src(%dma_wait3A_1005 : memref<128x16xf32, #tpu.memory_space<vmem>>) dst(%dma_wait3A_1011 : memref<10512x16xf32, #tpu.memory_space<vmem_shared>>)
      %add3A_1014 = arith.constant 8 : i32
      %add3A_1015 = arith.addi %mul3A_503, %add3A_1014 : i32
      %add3A_1016 = arith.constant 7 : i32
      %add3A_1017 = arith.addi %add3A_1015, %add3A_1016 : i32
      %dma_start3A_1018 = arith.constant 7 : i32
      %dma_start3A_1019 = arith.constant 7 : i32
      %dma_start3A_1020 = arith.constant 0 : i32
      %dma_start3A_1021 = arith.constant 0 : i32
      %dma_start3A_1022 = tpu.memref_slice %arg9[%dma_start3A_1018, %dma_start3A_1020, %dma_start3A_1021] : memref<8x128x16xf32, #tpu.memory_space<vmem>> -> memref<1x128x16xf32, #tpu.memory_space<vmem>>
      %dma_start3A_1023 = tpu.memref_squeeze %dma_start3A_1022 : memref<1x128x16xf32, #tpu.memory_space<vmem>> -> memref<128x16xf32, #tpu.memory_space<vmem>>
      %dma_start3A_1024 = arith.constant 0 : i32
      %dma_start3A_1025 = tpu.memref_slice %arg7[%add3A_1017, %dma_start3A_1024] : memref<80x128xi32, #tpu.memory_space<vmem>> -> memref<1x128xi32, #tpu.memory_space<vmem>>
      %dma_start3A_1026 = tpu.memref_squeeze %dma_start3A_1025 : memref<1x128xi32, #tpu.memory_space<vmem>> -> memref<128xi32, #tpu.memory_space<vmem>>
      %dma_start3A_1027 = arith.constant 0 : i32
      %dma_start3A_1028 = arith.constant 0 : i32
      %dma_start3A_1029 = tpu.memref_slice %arg2[%dma_start3A_1027, %dma_start3A_1028] : memref<10000x16xf32, #tpu.memory_space<hbm>> -> memref<10000x16xf32, #tpu.memory_space<hbm>>
      %dma_start3A_1030 = tpu.memref_slice %arg11[%dma_start3A_1019] : memref<8x!tpu.dma_semaphore, #tpu.memory_space<semaphore_mem>> -> memref<1x!tpu.dma_semaphore, #tpu.memory_space<semaphore_mem>>
      %dma_start3A_1031 = tpu.memref_squeeze %dma_start3A_1030 : memref<1x!tpu.dma_semaphore, #tpu.memory_space<semaphore_mem>> -> memref<!tpu.dma_semaphore, #tpu.memory_space<semaphore_mem>>
      tpu.enqueue_indirect_dma source(%dma_start3A_1029 : memref<10000x16xf32, #tpu.memory_space<hbm>>) target(%dma_start3A_1023 : memref<128x16xf32, #tpu.memory_space<vmem>>) offsets(%dma_start3A_1026 : memref<128xi32, #tpu.memory_space<vmem>>) semaphore(%dma_start3A_1031 : memref<!tpu.dma_semaphore, #tpu.memory_space<semaphore_mem>>)
    }
    %scan3A_133 = arith.constant 9 : i32
    %dma_wait3A = arith.constant 72 : i32
    %dma_wait3A_134 = arith.constant 0 : i32
    %dma_wait3A_135 = arith.constant 0 : i32
    %dma_wait3A_136 = arith.constant 0 : i32
    %dma_wait3A_137 = arith.constant 0 : i32
    %dma_wait3A_138 = tpu.memref_slice %arg9[%dma_wait3A_134, %dma_wait3A_136, %dma_wait3A_137] : memref<8x128x16xf32, #tpu.memory_space<vmem>> -> memref<1x128x16xf32, #tpu.memory_space<vmem>>
    %dma_wait3A_139 = tpu.memref_squeeze %dma_wait3A_138 : memref<1x128x16xf32, #tpu.memory_space<vmem>> -> memref<128x16xf32, #tpu.memory_space<vmem>>
    %dma_wait3A_140 = arith.constant 0 : i32
    %dma_wait3A_141 = tpu.memref_slice %arg7[%dma_wait3A, %dma_wait3A_140] : memref<80x128xi32, #tpu.memory_space<vmem>> -> memref<1x128xi32, #tpu.memory_space<vmem>>
    %dma_wait3A_142 = tpu.memref_squeeze %dma_wait3A_141 : memref<1x128xi32, #tpu.memory_space<vmem>> -> memref<128xi32, #tpu.memory_space<vmem>>
    %dma_wait3A_143 = arith.constant 0 : i32
    %dma_wait3A_144 = arith.constant 0 : i32
    %dma_wait3A_145 = tpu.memref_slice %arg2[%dma_wait3A_143, %dma_wait3A_144] : memref<10000x16xf32, #tpu.memory_space<hbm>> -> memref<10000x16xf32, #tpu.memory_space<hbm>>
    %dma_wait3A_146 = tpu.memref_slice %arg11[%dma_wait3A_135] : memref<8x!tpu.dma_semaphore, #tpu.memory_space<semaphore_mem>> -> memref<1x!tpu.dma_semaphore, #tpu.memory_space<semaphore_mem>>
    %dma_wait3A_147 = tpu.memref_squeeze %dma_wait3A_146 : memref<1x!tpu.dma_semaphore, #tpu.memory_space<semaphore_mem>> -> memref<!tpu.dma_semaphore, #tpu.memory_space<semaphore_mem>>
    tpu.wait_indirect_dma semaphore(%dma_wait3A_147 : memref<!tpu.dma_semaphore, #tpu.memory_space<semaphore_mem>>) src(%dma_wait3A_145 : memref<10000x16xf32, #tpu.memory_space<hbm>>) dst(%dma_wait3A_139 : memref<128x16xf32, #tpu.memory_space<vmem>>)
    %dma_start3A_148 = arith.constant 0 : i32
    %dma_start3A_149 = arith.constant 72 : i32
    %dma_start3A_150 = arith.constant 0 : i32
    %dma_start3A_151 = arith.constant 0 : i32
    %dma_start3A_152 = arith.constant 0 : i32
    %dma_start3A_153 = tpu.memref_slice %arg9[%dma_start3A_148, %dma_start3A_151, %dma_start3A_152] : memref<8x128x16xf32, #tpu.memory_space<vmem>> -> memref<1x128x16xf32, #tpu.memory_space<vmem>>
    %dma_start3A_154 = tpu.memref_squeeze %dma_start3A_153 : memref<1x128x16xf32, #tpu.memory_space<vmem>> -> memref<128x16xf32, #tpu.memory_space<vmem>>
    %dma_start3A_155 = arith.constant 0 : i32
    %dma_start3A_156 = tpu.memref_slice %arg8[%dma_start3A_149, %dma_start3A_155] : memref<80x128xi32, #tpu.memory_space<vmem>> -> memref<1x128xi32, #tpu.memory_space<vmem>>
    %dma_start3A_157 = tpu.memref_squeeze %dma_start3A_156 : memref<1x128xi32, #tpu.memory_space<vmem>> -> memref<128xi32, #tpu.memory_space<vmem>>
    %dma_start3A_158 = arith.constant 0 : i32
    %dma_start3A_159 = arith.constant 0 : i32
    %dma_start3A_160 = tpu.memref_slice %arg10[%dma_start3A_158, %dma_start3A_159] : memref<10512x16xf32, #tpu.memory_space<vmem_shared>> -> memref<10512x16xf32, #tpu.memory_space<vmem_shared>>
    %dma_start3A_161 = tpu.memref_slice %arg12[%dma_start3A_150] : memref<8x!tpu.dma_semaphore, #tpu.memory_space<semaphore_mem>> -> memref<1x!tpu.dma_semaphore, #tpu.memory_space<semaphore_mem>>
    %dma_start3A_162 = tpu.memref_squeeze %dma_start3A_161 : memref<1x!tpu.dma_semaphore, #tpu.memory_space<semaphore_mem>> -> memref<!tpu.dma_semaphore, #tpu.memory_space<semaphore_mem>>
    tpu.enqueue_indirect_dma source(%dma_start3A_154 : memref<128x16xf32, #tpu.memory_space<vmem>>) target(%dma_start3A_160 : memref<10512x16xf32, #tpu.memory_space<vmem_shared>>) offsets(%dma_start3A_157 : memref<128xi32, #tpu.memory_space<vmem>>) semaphore(%dma_start3A_162 : memref<!tpu.dma_semaphore, #tpu.memory_space<semaphore_mem>>) {add = true}
    %dma_wait3A_163 = arith.constant 73 : i32
    %dma_wait3A_164 = arith.constant 1 : i32
    %dma_wait3A_165 = arith.constant 1 : i32
    %dma_wait3A_166 = arith.constant 0 : i32
    %dma_wait3A_167 = arith.constant 0 : i32
    %dma_wait3A_168 = tpu.memref_slice %arg9[%dma_wait3A_164, %dma_wait3A_166, %dma_wait3A_167] : memref<8x128x16xf32, #tpu.memory_space<vmem>> -> memref<1x128x16xf32, #tpu.memory_space<vmem>>
    %dma_wait3A_169 = tpu.memref_squeeze %dma_wait3A_168 : memref<1x128x16xf32, #tpu.memory_space<vmem>> -> memref<128x16xf32, #tpu.memory_space<vmem>>
    %dma_wait3A_170 = arith.constant 0 : i32
    %dma_wait3A_171 = tpu.memref_slice %arg7[%dma_wait3A_163, %dma_wait3A_170] : memref<80x128xi32, #tpu.memory_space<vmem>> -> memref<1x128xi32, #tpu.memory_space<vmem>>
    %dma_wait3A_172 = tpu.memref_squeeze %dma_wait3A_171 : memref<1x128xi32, #tpu.memory_space<vmem>> -> memref<128xi32, #tpu.memory_space<vmem>>
    %dma_wait3A_173 = arith.constant 0 : i32
    %dma_wait3A_174 = arith.constant 0 : i32
    %dma_wait3A_175 = tpu.memref_slice %arg2[%dma_wait3A_173, %dma_wait3A_174] : memref<10000x16xf32, #tpu.memory_space<hbm>> -> memref<10000x16xf32, #tpu.memory_space<hbm>>
    %dma_wait3A_176 = tpu.memref_slice %arg11[%dma_wait3A_165] : memref<8x!tpu.dma_semaphore, #tpu.memory_space<semaphore_mem>> -> memref<1x!tpu.dma_semaphore, #tpu.memory_space<semaphore_mem>>
    %dma_wait3A_177 = tpu.memref_squeeze %dma_wait3A_176 : memref<1x!tpu.dma_semaphore, #tpu.memory_space<semaphore_mem>> -> memref<!tpu.dma_semaphore, #tpu.memory_space<semaphore_mem>>
    tpu.wait_indirect_dma semaphore(%dma_wait3A_177 : memref<!tpu.dma_semaphore, #tpu.memory_space<semaphore_mem>>) src(%dma_wait3A_175 : memref<10000x16xf32, #tpu.memory_space<hbm>>) dst(%dma_wait3A_169 : memref<128x16xf32, #tpu.memory_space<vmem>>)
    %dma_start3A_178 = arith.constant 1 : i32
    %dma_start3A_179 = arith.constant 73 : i32
    %dma_start3A_180 = arith.constant 1 : i32
    %dma_start3A_181 = arith.constant 0 : i32
    %dma_start3A_182 = arith.constant 0 : i32
    %dma_start3A_183 = tpu.memref_slice %arg9[%dma_start3A_178, %dma_start3A_181, %dma_start3A_182] : memref<8x128x16xf32, #tpu.memory_space<vmem>> -> memref<1x128x16xf32, #tpu.memory_space<vmem>>
    %dma_start3A_184 = tpu.memref_squeeze %dma_start3A_183 : memref<1x128x16xf32, #tpu.memory_space<vmem>> -> memref<128x16xf32, #tpu.memory_space<vmem>>
    %dma_start3A_185 = arith.constant 0 : i32
    %dma_start3A_186 = tpu.memref_slice %arg8[%dma_start3A_179, %dma_start3A_185] : memref<80x128xi32, #tpu.memory_space<vmem>> -> memref<1x128xi32, #tpu.memory_space<vmem>>
    %dma_start3A_187 = tpu.memref_squeeze %dma_start3A_186 : memref<1x128xi32, #tpu.memory_space<vmem>> -> memref<128xi32, #tpu.memory_space<vmem>>
    %dma_start3A_188 = arith.constant 0 : i32
    %dma_start3A_189 = arith.constant 0 : i32
    %dma_start3A_190 = tpu.memref_slice %arg10[%dma_start3A_188, %dma_start3A_189] : memref<10512x16xf32, #tpu.memory_space<vmem_shared>> -> memref<10512x16xf32, #tpu.memory_space<vmem_shared>>
    %dma_start3A_191 = tpu.memref_slice %arg12[%dma_start3A_180] : memref<8x!tpu.dma_semaphore, #tpu.memory_space<semaphore_mem>> -> memref<1x!tpu.dma_semaphore, #tpu.memory_space<semaphore_mem>>
    %dma_start3A_192 = tpu.memref_squeeze %dma_start3A_191 : memref<1x!tpu.dma_semaphore, #tpu.memory_space<semaphore_mem>> -> memref<!tpu.dma_semaphore, #tpu.memory_space<semaphore_mem>>
    tpu.enqueue_indirect_dma source(%dma_start3A_184 : memref<128x16xf32, #tpu.memory_space<vmem>>) target(%dma_start3A_190 : memref<10512x16xf32, #tpu.memory_space<vmem_shared>>) offsets(%dma_start3A_187 : memref<128xi32, #tpu.memory_space<vmem>>) semaphore(%dma_start3A_192 : memref<!tpu.dma_semaphore, #tpu.memory_space<semaphore_mem>>) {add = true}
    %dma_wait3A_193 = arith.constant 74 : i32
    %dma_wait3A_194 = arith.constant 2 : i32
    %dma_wait3A_195 = arith.constant 2 : i32
    %dma_wait3A_196 = arith.constant 0 : i32
    %dma_wait3A_197 = arith.constant 0 : i32
    %dma_wait3A_198 = tpu.memref_slice %arg9[%dma_wait3A_194, %dma_wait3A_196, %dma_wait3A_197] : memref<8x128x16xf32, #tpu.memory_space<vmem>> -> memref<1x128x16xf32, #tpu.memory_space<vmem>>
    %dma_wait3A_199 = tpu.memref_squeeze %dma_wait3A_198 : memref<1x128x16xf32, #tpu.memory_space<vmem>> -> memref<128x16xf32, #tpu.memory_space<vmem>>
    %dma_wait3A_200 = arith.constant 0 : i32
    %dma_wait3A_201 = tpu.memref_slice %arg7[%dma_wait3A_193, %dma_wait3A_200] : memref<80x128xi32, #tpu.memory_space<vmem>> -> memref<1x128xi32, #tpu.memory_space<vmem>>
    %dma_wait3A_202 = tpu.memref_squeeze %dma_wait3A_201 : memref<1x128xi32, #tpu.memory_space<vmem>> -> memref<128xi32, #tpu.memory_space<vmem>>
    %dma_wait3A_203 = arith.constant 0 : i32
    %dma_wait3A_204 = arith.constant 0 : i32
    %dma_wait3A_205 = tpu.memref_slice %arg2[%dma_wait3A_203, %dma_wait3A_204] : memref<10000x16xf32, #tpu.memory_space<hbm>> -> memref<10000x16xf32, #tpu.memory_space<hbm>>
    %dma_wait3A_206 = tpu.memref_slice %arg11[%dma_wait3A_195] : memref<8x!tpu.dma_semaphore, #tpu.memory_space<semaphore_mem>> -> memref<1x!tpu.dma_semaphore, #tpu.memory_space<semaphore_mem>>
    %dma_wait3A_207 = tpu.memref_squeeze %dma_wait3A_206 : memref<1x!tpu.dma_semaphore, #tpu.memory_space<semaphore_mem>> -> memref<!tpu.dma_semaphore, #tpu.memory_space<semaphore_mem>>
    tpu.wait_indirect_dma semaphore(%dma_wait3A_207 : memref<!tpu.dma_semaphore, #tpu.memory_space<semaphore_mem>>) src(%dma_wait3A_205 : memref<10000x16xf32, #tpu.memory_space<hbm>>) dst(%dma_wait3A_199 : memref<128x16xf32, #tpu.memory_space<vmem>>)
    %dma_start3A_208 = arith.constant 2 : i32
    %dma_start3A_209 = arith.constant 74 : i32
    %dma_start3A_210 = arith.constant 2 : i32
    %dma_start3A_211 = arith.constant 0 : i32
    %dma_start3A_212 = arith.constant 0 : i32
    %dma_start3A_213 = tpu.memref_slice %arg9[%dma_start3A_208, %dma_start3A_211, %dma_start3A_212] : memref<8x128x16xf32, #tpu.memory_space<vmem>> -> memref<1x128x16xf32, #tpu.memory_space<vmem>>
    %dma_start3A_214 = tpu.memref_squeeze %dma_start3A_213 : memref<1x128x16xf32, #tpu.memory_space<vmem>> -> memref<128x16xf32, #tpu.memory_space<vmem>>
    %dma_start3A_215 = arith.constant 0 : i32
    %dma_start3A_216 = tpu.memref_slice %arg8[%dma_start3A_209, %dma_start3A_215] : memref<80x128xi32, #tpu.memory_space<vmem>> -> memref<1x128xi32, #tpu.memory_space<vmem>>
    %dma_start3A_217 = tpu.memref_squeeze %dma_start3A_216 : memref<1x128xi32, #tpu.memory_space<vmem>> -> memref<128xi32, #tpu.memory_space<vmem>>
    %dma_start3A_218 = arith.constant 0 : i32
    %dma_start3A_219 = arith.constant 0 : i32
    %dma_start3A_220 = tpu.memref_slice %arg10[%dma_start3A_218, %dma_start3A_219] : memref<10512x16xf32, #tpu.memory_space<vmem_shared>> -> memref<10512x16xf32, #tpu.memory_space<vmem_shared>>
    %dma_start3A_221 = tpu.memref_slice %arg12[%dma_start3A_210] : memref<8x!tpu.dma_semaphore, #tpu.memory_space<semaphore_mem>> -> memref<1x!tpu.dma_semaphore, #tpu.memory_space<semaphore_mem>>
    %dma_start3A_222 = tpu.memref_squeeze %dma_start3A_221 : memref<1x!tpu.dma_semaphore, #tpu.memory_space<semaphore_mem>> -> memref<!tpu.dma_semaphore, #tpu.memory_space<semaphore_mem>>
    tpu.enqueue_indirect_dma source(%dma_start3A_214 : memref<128x16xf32, #tpu.memory_space<vmem>>) target(%dma_start3A_220 : memref<10512x16xf32, #tpu.memory_space<vmem_shared>>) offsets(%dma_start3A_217 : memref<128xi32, #tpu.memory_space<vmem>>) semaphore(%dma_start3A_222 : memref<!tpu.dma_semaphore, #tpu.memory_space<semaphore_mem>>) {add = true}
    %dma_wait3A_223 = arith.constant 75 : i32
    %dma_wait3A_224 = arith.constant 3 : i32
    %dma_wait3A_225 = arith.constant 3 : i32
    %dma_wait3A_226 = arith.constant 0 : i32
    %dma_wait3A_227 = arith.constant 0 : i32
    %dma_wait3A_228 = tpu.memref_slice %arg9[%dma_wait3A_224, %dma_wait3A_226, %dma_wait3A_227] : memref<8x128x16xf32, #tpu.memory_space<vmem>> -> memref<1x128x16xf32, #tpu.memory_space<vmem>>
    %dma_wait3A_229 = tpu.memref_squeeze %dma_wait3A_228 : memref<1x128x16xf32, #tpu.memory_space<vmem>> -> memref<128x16xf32, #tpu.memory_space<vmem>>
    %dma_wait3A_230 = arith.constant 0 : i32
    %dma_wait3A_231 = tpu.memref_slice %arg7[%dma_wait3A_223, %dma_wait3A_230] : memref<80x128xi32, #tpu.memory_space<vmem>> -> memref<1x128xi32, #tpu.memory_space<vmem>>
    %dma_wait3A_232 = tpu.memref_squeeze %dma_wait3A_231 : memref<1x128xi32, #tpu.memory_space<vmem>> -> memref<128xi32, #tpu.memory_space<vmem>>
    %dma_wait3A_233 = arith.constant 0 : i32
    %dma_wait3A_234 = arith.constant 0 : i32
    %dma_wait3A_235 = tpu.memref_slice %arg2[%dma_wait3A_233, %dma_wait3A_234] : memref<10000x16xf32, #tpu.memory_space<hbm>> -> memref<10000x16xf32, #tpu.memory_space<hbm>>
    %dma_wait3A_236 = tpu.memref_slice %arg11[%dma_wait3A_225] : memref<8x!tpu.dma_semaphore, #tpu.memory_space<semaphore_mem>> -> memref<1x!tpu.dma_semaphore, #tpu.memory_space<semaphore_mem>>
    %dma_wait3A_237 = tpu.memref_squeeze %dma_wait3A_236 : memref<1x!tpu.dma_semaphore, #tpu.memory_space<semaphore_mem>> -> memref<!tpu.dma_semaphore, #tpu.memory_space<semaphore_mem>>
    tpu.wait_indirect_dma semaphore(%dma_wait3A_237 : memref<!tpu.dma_semaphore, #tpu.memory_space<semaphore_mem>>) src(%dma_wait3A_235 : memref<10000x16xf32, #tpu.memory_space<hbm>>) dst(%dma_wait3A_229 : memref<128x16xf32, #tpu.memory_space<vmem>>)
    %dma_start3A_238 = arith.constant 3 : i32
    %dma_start3A_239 = arith.constant 75 : i32
    %dma_start3A_240 = arith.constant 3 : i32
    %dma_start3A_241 = arith.constant 0 : i32
    %dma_start3A_242 = arith.constant 0 : i32
    %dma_start3A_243 = tpu.memref_slice %arg9[%dma_start3A_238, %dma_start3A_241, %dma_start3A_242] : memref<8x128x16xf32, #tpu.memory_space<vmem>> -> memref<1x128x16xf32, #tpu.memory_space<vmem>>
    %dma_start3A_244 = tpu.memref_squeeze %dma_start3A_243 : memref<1x128x16xf32, #tpu.memory_space<vmem>> -> memref<128x16xf32, #tpu.memory_space<vmem>>
    %dma_start3A_245 = arith.constant 0 : i32
    %dma_start3A_246 = tpu.memref_slice %arg8[%dma_start3A_239, %dma_start3A_245] : memref<80x128xi32, #tpu.memory_space<vmem>> -> memref<1x128xi32, #tpu.memory_space<vmem>>
    %dma_start3A_247 = tpu.memref_squeeze %dma_start3A_246 : memref<1x128xi32, #tpu.memory_space<vmem>> -> memref<128xi32, #tpu.memory_space<vmem>>
    %dma_start3A_248 = arith.constant 0 : i32
    %dma_start3A_249 = arith.constant 0 : i32
    %dma_start3A_250 = tpu.memref_slice %arg10[%dma_start3A_248, %dma_start3A_249] : memref<10512x16xf32, #tpu.memory_space<vmem_shared>> -> memref<10512x16xf32, #tpu.memory_space<vmem_shared>>
    %dma_start3A_251 = tpu.memref_slice %arg12[%dma_start3A_240] : memref<8x!tpu.dma_semaphore, #tpu.memory_space<semaphore_mem>> -> memref<1x!tpu.dma_semaphore, #tpu.memory_space<semaphore_mem>>
    %dma_start3A_252 = tpu.memref_squeeze %dma_start3A_251 : memref<1x!tpu.dma_semaphore, #tpu.memory_space<semaphore_mem>> -> memref<!tpu.dma_semaphore, #tpu.memory_space<semaphore_mem>>
    tpu.enqueue_indirect_dma source(%dma_start3A_244 : memref<128x16xf32, #tpu.memory_space<vmem>>) target(%dma_start3A_250 : memref<10512x16xf32, #tpu.memory_space<vmem_shared>>) offsets(%dma_start3A_247 : memref<128xi32, #tpu.memory_space<vmem>>) semaphore(%dma_start3A_252 : memref<!tpu.dma_semaphore, #tpu.memory_space<semaphore_mem>>) {add = true}
    %dma_wait3A_253 = arith.constant 76 : i32
    %dma_wait3A_254 = arith.constant 4 : i32
    %dma_wait3A_255 = arith.constant 4 : i32
    %dma_wait3A_256 = arith.constant 0 : i32
    %dma_wait3A_257 = arith.constant 0 : i32
    %dma_wait3A_258 = tpu.memref_slice %arg9[%dma_wait3A_254, %dma_wait3A_256, %dma_wait3A_257] : memref<8x128x16xf32, #tpu.memory_space<vmem>> -> memref<1x128x16xf32, #tpu.memory_space<vmem>>
    %dma_wait3A_259 = tpu.memref_squeeze %dma_wait3A_258 : memref<1x128x16xf32, #tpu.memory_space<vmem>> -> memref<128x16xf32, #tpu.memory_space<vmem>>
    %dma_wait3A_260 = arith.constant 0 : i32
    %dma_wait3A_261 = tpu.memref_slice %arg7[%dma_wait3A_253, %dma_wait3A_260] : memref<80x128xi32, #tpu.memory_space<vmem>> -> memref<1x128xi32, #tpu.memory_space<vmem>>
    %dma_wait3A_262 = tpu.memref_squeeze %dma_wait3A_261 : memref<1x128xi32, #tpu.memory_space<vmem>> -> memref<128xi32, #tpu.memory_space<vmem>>
    %dma_wait3A_263 = arith.constant 0 : i32
    %dma_wait3A_264 = arith.constant 0 : i32
    %dma_wait3A_265 = tpu.memref_slice %arg2[%dma_wait3A_263, %dma_wait3A_264] : memref<10000x16xf32, #tpu.memory_space<hbm>> -> memref<10000x16xf32, #tpu.memory_space<hbm>>
    %dma_wait3A_266 = tpu.memref_slice %arg11[%dma_wait3A_255] : memref<8x!tpu.dma_semaphore, #tpu.memory_space<semaphore_mem>> -> memref<1x!tpu.dma_semaphore, #tpu.memory_space<semaphore_mem>>
    %dma_wait3A_267 = tpu.memref_squeeze %dma_wait3A_266 : memref<1x!tpu.dma_semaphore, #tpu.memory_space<semaphore_mem>> -> memref<!tpu.dma_semaphore, #tpu.memory_space<semaphore_mem>>
    tpu.wait_indirect_dma semaphore(%dma_wait3A_267 : memref<!tpu.dma_semaphore, #tpu.memory_space<semaphore_mem>>) src(%dma_wait3A_265 : memref<10000x16xf32, #tpu.memory_space<hbm>>) dst(%dma_wait3A_259 : memref<128x16xf32, #tpu.memory_space<vmem>>)
    %dma_start3A_268 = arith.constant 4 : i32
    %dma_start3A_269 = arith.constant 76 : i32
    %dma_start3A_270 = arith.constant 4 : i32
    %dma_start3A_271 = arith.constant 0 : i32
    %dma_start3A_272 = arith.constant 0 : i32
    %dma_start3A_273 = tpu.memref_slice %arg9[%dma_start3A_268, %dma_start3A_271, %dma_start3A_272] : memref<8x128x16xf32, #tpu.memory_space<vmem>> -> memref<1x128x16xf32, #tpu.memory_space<vmem>>
    %dma_start3A_274 = tpu.memref_squeeze %dma_start3A_273 : memref<1x128x16xf32, #tpu.memory_space<vmem>> -> memref<128x16xf32, #tpu.memory_space<vmem>>
    %dma_start3A_275 = arith.constant 0 : i32
    %dma_start3A_276 = tpu.memref_slice %arg8[%dma_start3A_269, %dma_start3A_275] : memref<80x128xi32, #tpu.memory_space<vmem>> -> memref<1x128xi32, #tpu.memory_space<vmem>>
    %dma_start3A_277 = tpu.memref_squeeze %dma_start3A_276 : memref<1x128xi32, #tpu.memory_space<vmem>> -> memref<128xi32, #tpu.memory_space<vmem>>
    %dma_start3A_278 = arith.constant 0 : i32
    %dma_start3A_279 = arith.constant 0 : i32
    %dma_start3A_280 = tpu.memref_slice %arg10[%dma_start3A_278, %dma_start3A_279] : memref<10512x16xf32, #tpu.memory_space<vmem_shared>> -> memref<10512x16xf32, #tpu.memory_space<vmem_shared>>
    %dma_start3A_281 = tpu.memref_slice %arg12[%dma_start3A_270] : memref<8x!tpu.dma_semaphore, #tpu.memory_space<semaphore_mem>> -> memref<1x!tpu.dma_semaphore, #tpu.memory_space<semaphore_mem>>
    %dma_start3A_282 = tpu.memref_squeeze %dma_start3A_281 : memref<1x!tpu.dma_semaphore, #tpu.memory_space<semaphore_mem>> -> memref<!tpu.dma_semaphore, #tpu.memory_space<semaphore_mem>>
    tpu.enqueue_indirect_dma source(%dma_start3A_274 : memref<128x16xf32, #tpu.memory_space<vmem>>) target(%dma_start3A_280 : memref<10512x16xf32, #tpu.memory_space<vmem_shared>>) offsets(%dma_start3A_277 : memref<128xi32, #tpu.memory_space<vmem>>) semaphore(%dma_start3A_282 : memref<!tpu.dma_semaphore, #tpu.memory_space<semaphore_mem>>) {add = true}
    %dma_wait3A_283 = arith.constant 77 : i32
    %dma_wait3A_284 = arith.constant 5 : i32
    %dma_wait3A_285 = arith.constant 5 : i32
    %dma_wait3A_286 = arith.constant 0 : i32
    %dma_wait3A_287 = arith.constant 0 : i32
    %dma_wait3A_288 = tpu.memref_slice %arg9[%dma_wait3A_284, %dma_wait3A_286, %dma_wait3A_287] : memref<8x128x16xf32, #tpu.memory_space<vmem>> -> memref<1x128x16xf32, #tpu.memory_space<vmem>>
    %dma_wait3A_289 = tpu.memref_squeeze %dma_wait3A_288 : memref<1x128x16xf32, #tpu.memory_space<vmem>> -> memref<128x16xf32, #tpu.memory_space<vmem>>
    %dma_wait3A_290 = arith.constant 0 : i32
    %dma_wait3A_291 = tpu.memref_slice %arg7[%dma_wait3A_283, %dma_wait3A_290] : memref<80x128xi32, #tpu.memory_space<vmem>> -> memref<1x128xi32, #tpu.memory_space<vmem>>
    %dma_wait3A_292 = tpu.memref_squeeze %dma_wait3A_291 : memref<1x128xi32, #tpu.memory_space<vmem>> -> memref<128xi32, #tpu.memory_space<vmem>>
    %dma_wait3A_293 = arith.constant 0 : i32
    %dma_wait3A_294 = arith.constant 0 : i32
    %dma_wait3A_295 = tpu.memref_slice %arg2[%dma_wait3A_293, %dma_wait3A_294] : memref<10000x16xf32, #tpu.memory_space<hbm>> -> memref<10000x16xf32, #tpu.memory_space<hbm>>
    %dma_wait3A_296 = tpu.memref_slice %arg11[%dma_wait3A_285] : memref<8x!tpu.dma_semaphore, #tpu.memory_space<semaphore_mem>> -> memref<1x!tpu.dma_semaphore, #tpu.memory_space<semaphore_mem>>
    %dma_wait3A_297 = tpu.memref_squeeze %dma_wait3A_296 : memref<1x!tpu.dma_semaphore, #tpu.memory_space<semaphore_mem>> -> memref<!tpu.dma_semaphore, #tpu.memory_space<semaphore_mem>>
    tpu.wait_indirect_dma semaphore(%dma_wait3A_297 : memref<!tpu.dma_semaphore, #tpu.memory_space<semaphore_mem>>) src(%dma_wait3A_295 : memref<10000x16xf32, #tpu.memory_space<hbm>>) dst(%dma_wait3A_289 : memref<128x16xf32, #tpu.memory_space<vmem>>)
    %dma_start3A_298 = arith.constant 5 : i32
    %dma_start3A_299 = arith.constant 77 : i32
    %dma_start3A_300 = arith.constant 5 : i32
    %dma_start3A_301 = arith.constant 0 : i32
    %dma_start3A_302 = arith.constant 0 : i32
    %dma_start3A_303 = tpu.memref_slice %arg9[%dma_start3A_298, %dma_start3A_301, %dma_start3A_302] : memref<8x128x16xf32, #tpu.memory_space<vmem>> -> memref<1x128x16xf32, #tpu.memory_space<vmem>>
    %dma_start3A_304 = tpu.memref_squeeze %dma_start3A_303 : memref<1x128x16xf32, #tpu.memory_space<vmem>> -> memref<128x16xf32, #tpu.memory_space<vmem>>
    %dma_start3A_305 = arith.constant 0 : i32
    %dma_start3A_306 = tpu.memref_slice %arg8[%dma_start3A_299, %dma_start3A_305] : memref<80x128xi32, #tpu.memory_space<vmem>> -> memref<1x128xi32, #tpu.memory_space<vmem>>
    %dma_start3A_307 = tpu.memref_squeeze %dma_start3A_306 : memref<1x128xi32, #tpu.memory_space<vmem>> -> memref<128xi32, #tpu.memory_space<vmem>>
    %dma_start3A_308 = arith.constant 0 : i32
    %dma_start3A_309 = arith.constant 0 : i32
    %dma_start3A_310 = tpu.memref_slice %arg10[%dma_start3A_308, %dma_start3A_309] : memref<10512x16xf32, #tpu.memory_space<vmem_shared>> -> memref<10512x16xf32, #tpu.memory_space<vmem_shared>>
    %dma_start3A_311 = tpu.memref_slice %arg12[%dma_start3A_300] : memref<8x!tpu.dma_semaphore, #tpu.memory_space<semaphore_mem>> -> memref<1x!tpu.dma_semaphore, #tpu.memory_space<semaphore_mem>>
    %dma_start3A_312 = tpu.memref_squeeze %dma_start3A_311 : memref<1x!tpu.dma_semaphore, #tpu.memory_space<semaphore_mem>> -> memref<!tpu.dma_semaphore, #tpu.memory_space<semaphore_mem>>
    tpu.enqueue_indirect_dma source(%dma_start3A_304 : memref<128x16xf32, #tpu.memory_space<vmem>>) target(%dma_start3A_310 : memref<10512x16xf32, #tpu.memory_space<vmem_shared>>) offsets(%dma_start3A_307 : memref<128xi32, #tpu.memory_space<vmem>>) semaphore(%dma_start3A_312 : memref<!tpu.dma_semaphore, #tpu.memory_space<semaphore_mem>>) {add = true}
    %dma_wait3A_313 = arith.constant 78 : i32
    %dma_wait3A_314 = arith.constant 6 : i32
    %dma_wait3A_315 = arith.constant 6 : i32
    %dma_wait3A_316 = arith.constant 0 : i32
    %dma_wait3A_317 = arith.constant 0 : i32
    %dma_wait3A_318 = tpu.memref_slice %arg9[%dma_wait3A_314, %dma_wait3A_316, %dma_wait3A_317] : memref<8x128x16xf32, #tpu.memory_space<vmem>> -> memref<1x128x16xf32, #tpu.memory_space<vmem>>
    %dma_wait3A_319 = tpu.memref_squeeze %dma_wait3A_318 : memref<1x128x16xf32, #tpu.memory_space<vmem>> -> memref<128x16xf32, #tpu.memory_space<vmem>>
    %dma_wait3A_320 = arith.constant 0 : i32
    %dma_wait3A_321 = tpu.memref_slice %arg7[%dma_wait3A_313, %dma_wait3A_320] : memref<80x128xi32, #tpu.memory_space<vmem>> -> memref<1x128xi32, #tpu.memory_space<vmem>>
    %dma_wait3A_322 = tpu.memref_squeeze %dma_wait3A_321 : memref<1x128xi32, #tpu.memory_space<vmem>> -> memref<128xi32, #tpu.memory_space<vmem>>
    %dma_wait3A_323 = arith.constant 0 : i32
    %dma_wait3A_324 = arith.constant 0 : i32
    %dma_wait3A_325 = tpu.memref_slice %arg2[%dma_wait3A_323, %dma_wait3A_324] : memref<10000x16xf32, #tpu.memory_space<hbm>> -> memref<10000x16xf32, #tpu.memory_space<hbm>>
    %dma_wait3A_326 = tpu.memref_slice %arg11[%dma_wait3A_315] : memref<8x!tpu.dma_semaphore, #tpu.memory_space<semaphore_mem>> -> memref<1x!tpu.dma_semaphore, #tpu.memory_space<semaphore_mem>>
    %dma_wait3A_327 = tpu.memref_squeeze %dma_wait3A_326 : memref<1x!tpu.dma_semaphore, #tpu.memory_space<semaphore_mem>> -> memref<!tpu.dma_semaphore, #tpu.memory_space<semaphore_mem>>
    tpu.wait_indirect_dma semaphore(%dma_wait3A_327 : memref<!tpu.dma_semaphore, #tpu.memory_space<semaphore_mem>>) src(%dma_wait3A_325 : memref<10000x16xf32, #tpu.memory_space<hbm>>) dst(%dma_wait3A_319 : memref<128x16xf32, #tpu.memory_space<vmem>>)
    %dma_start3A_328 = arith.constant 6 : i32
    %dma_start3A_329 = arith.constant 78 : i32
    %dma_start3A_330 = arith.constant 6 : i32
    %dma_start3A_331 = arith.constant 0 : i32
    %dma_start3A_332 = arith.constant 0 : i32
    %dma_start3A_333 = tpu.memref_slice %arg9[%dma_start3A_328, %dma_start3A_331, %dma_start3A_332] : memref<8x128x16xf32, #tpu.memory_space<vmem>> -> memref<1x128x16xf32, #tpu.memory_space<vmem>>
    %dma_start3A_334 = tpu.memref_squeeze %dma_start3A_333 : memref<1x128x16xf32, #tpu.memory_space<vmem>> -> memref<128x16xf32, #tpu.memory_space<vmem>>
    %dma_start3A_335 = arith.constant 0 : i32
    %dma_start3A_336 = tpu.memref_slice %arg8[%dma_start3A_329, %dma_start3A_335] : memref<80x128xi32, #tpu.memory_space<vmem>> -> memref<1x128xi32, #tpu.memory_space<vmem>>
    %dma_start3A_337 = tpu.memref_squeeze %dma_start3A_336 : memref<1x128xi32, #tpu.memory_space<vmem>> -> memref<128xi32, #tpu.memory_space<vmem>>
    %dma_start3A_338 = arith.constant 0 : i32
    %dma_start3A_339 = arith.constant 0 : i32
    %dma_start3A_340 = tpu.memref_slice %arg10[%dma_start3A_338, %dma_start3A_339] : memref<10512x16xf32, #tpu.memory_space<vmem_shared>> -> memref<10512x16xf32, #tpu.memory_space<vmem_shared>>
    %dma_start3A_341 = tpu.memref_slice %arg12[%dma_start3A_330] : memref<8x!tpu.dma_semaphore, #tpu.memory_space<semaphore_mem>> -> memref<1x!tpu.dma_semaphore, #tpu.memory_space<semaphore_mem>>
    %dma_start3A_342 = tpu.memref_squeeze %dma_start3A_341 : memref<1x!tpu.dma_semaphore, #tpu.memory_space<semaphore_mem>> -> memref<!tpu.dma_semaphore, #tpu.memory_space<semaphore_mem>>
    tpu.enqueue_indirect_dma source(%dma_start3A_334 : memref<128x16xf32, #tpu.memory_space<vmem>>) target(%dma_start3A_340 : memref<10512x16xf32, #tpu.memory_space<vmem_shared>>) offsets(%dma_start3A_337 : memref<128xi32, #tpu.memory_space<vmem>>) semaphore(%dma_start3A_342 : memref<!tpu.dma_semaphore, #tpu.memory_space<semaphore_mem>>) {add = true}
    %dma_wait3A_343 = arith.constant 79 : i32
    %dma_wait3A_344 = arith.constant 7 : i32
    %dma_wait3A_345 = arith.constant 7 : i32
    %dma_wait3A_346 = arith.constant 0 : i32
    %dma_wait3A_347 = arith.constant 0 : i32
    %dma_wait3A_348 = tpu.memref_slice %arg9[%dma_wait3A_344, %dma_wait3A_346, %dma_wait3A_347] : memref<8x128x16xf32, #tpu.memory_space<vmem>> -> memref<1x128x16xf32, #tpu.memory_space<vmem>>
    %dma_wait3A_349 = tpu.memref_squeeze %dma_wait3A_348 : memref<1x128x16xf32, #tpu.memory_space<vmem>> -> memref<128x16xf32, #tpu.memory_space<vmem>>
    %dma_wait3A_350 = arith.constant 0 : i32
    %dma_wait3A_351 = tpu.memref_slice %arg7[%dma_wait3A_343, %dma_wait3A_350] : memref<80x128xi32, #tpu.memory_space<vmem>> -> memref<1x128xi32, #tpu.memory_space<vmem>>
    %dma_wait3A_352 = tpu.memref_squeeze %dma_wait3A_351 : memref<1x128xi32, #tpu.memory_space<vmem>> -> memref<128xi32, #tpu.memory_space<vmem>>
    %dma_wait3A_353 = arith.constant 0 : i32
    %dma_wait3A_354 = arith.constant 0 : i32
    %dma_wait3A_355 = tpu.memref_slice %arg2[%dma_wait3A_353, %dma_wait3A_354] : memref<10000x16xf32, #tpu.memory_space<hbm>> -> memref<10000x16xf32, #tpu.memory_space<hbm>>
    %dma_wait3A_356 = tpu.memref_slice %arg11[%dma_wait3A_345] : memref<8x!tpu.dma_semaphore, #tpu.memory_space<semaphore_mem>> -> memref<1x!tpu.dma_semaphore, #tpu.memory_space<semaphore_mem>>
    %dma_wait3A_357 = tpu.memref_squeeze %dma_wait3A_356 : memref<1x!tpu.dma_semaphore, #tpu.memory_space<semaphore_mem>> -> memref<!tpu.dma_semaphore, #tpu.memory_space<semaphore_mem>>
    tpu.wait_indirect_dma semaphore(%dma_wait3A_357 : memref<!tpu.dma_semaphore, #tpu.memory_space<semaphore_mem>>) src(%dma_wait3A_355 : memref<10000x16xf32, #tpu.memory_space<hbm>>) dst(%dma_wait3A_349 : memref<128x16xf32, #tpu.memory_space<vmem>>)
    %dma_start3A_358 = arith.constant 7 : i32
    %dma_start3A_359 = arith.constant 79 : i32
    %dma_start3A_360 = arith.constant 7 : i32
    %dma_start3A_361 = arith.constant 0 : i32
    %dma_start3A_362 = arith.constant 0 : i32
    %dma_start3A_363 = tpu.memref_slice %arg9[%dma_start3A_358, %dma_start3A_361, %dma_start3A_362] : memref<8x128x16xf32, #tpu.memory_space<vmem>> -> memref<1x128x16xf32, #tpu.memory_space<vmem>>
    %dma_start3A_364 = tpu.memref_squeeze %dma_start3A_363 : memref<1x128x16xf32, #tpu.memory_space<vmem>> -> memref<128x16xf32, #tpu.memory_space<vmem>>
    %dma_start3A_365 = arith.constant 0 : i32
    %dma_start3A_366 = tpu.memref_slice %arg8[%dma_start3A_359, %dma_start3A_365] : memref<80x128xi32, #tpu.memory_space<vmem>> -> memref<1x128xi32, #tpu.memory_space<vmem>>
    %dma_start3A_367 = tpu.memref_squeeze %dma_start3A_366 : memref<1x128xi32, #tpu.memory_space<vmem>> -> memref<128xi32, #tpu.memory_space<vmem>>
    %dma_start3A_368 = arith.constant 0 : i32
    %dma_start3A_369 = arith.constant 0 : i32
    %dma_start3A_370 = tpu.memref_slice %arg10[%dma_start3A_368, %dma_start3A_369] : memref<10512x16xf32, #tpu.memory_space<vmem_shared>> -> memref<10512x16xf32, #tpu.memory_space<vmem_shared>>
    %dma_start3A_371 = tpu.memref_slice %arg12[%dma_start3A_360] : memref<8x!tpu.dma_semaphore, #tpu.memory_space<semaphore_mem>> -> memref<1x!tpu.dma_semaphore, #tpu.memory_space<semaphore_mem>>
    %dma_start3A_372 = tpu.memref_squeeze %dma_start3A_371 : memref<1x!tpu.dma_semaphore, #tpu.memory_space<semaphore_mem>> -> memref<!tpu.dma_semaphore, #tpu.memory_space<semaphore_mem>>
    tpu.enqueue_indirect_dma source(%dma_start3A_364 : memref<128x16xf32, #tpu.memory_space<vmem>>) target(%dma_start3A_370 : memref<10512x16xf32, #tpu.memory_space<vmem_shared>>) offsets(%dma_start3A_367 : memref<128xi32, #tpu.memory_space<vmem>>) semaphore(%dma_start3A_372 : memref<!tpu.dma_semaphore, #tpu.memory_space<semaphore_mem>>) {add = true}
    %dma_wait3A_373 = arith.constant 0 : i32
    %dma_wait3A_374 = arith.constant 72 : i32
    %dma_wait3A_375 = arith.constant 0 : i32
    %dma_wait3A_376 = arith.constant 0 : i32
    %dma_wait3A_377 = arith.constant 0 : i32
    %dma_wait3A_378 = tpu.memref_slice %arg9[%dma_wait3A_373, %dma_wait3A_376, %dma_wait3A_377] : memref<8x128x16xf32, #tpu.memory_space<vmem>> -> memref<1x128x16xf32, #tpu.memory_space<vmem>>
    %dma_wait3A_379 = tpu.memref_squeeze %dma_wait3A_378 : memref<1x128x16xf32, #tpu.memory_space<vmem>> -> memref<128x16xf32, #tpu.memory_space<vmem>>
    %dma_wait3A_380 = arith.constant 0 : i32
    %dma_wait3A_381 = tpu.memref_slice %arg8[%dma_wait3A_374, %dma_wait3A_380] : memref<80x128xi32, #tpu.memory_space<vmem>> -> memref<1x128xi32, #tpu.memory_space<vmem>>
    %dma_wait3A_382 = tpu.memref_squeeze %dma_wait3A_381 : memref<1x128xi32, #tpu.memory_space<vmem>> -> memref<128xi32, #tpu.memory_space<vmem>>
    %dma_wait3A_383 = arith.constant 0 : i32
    %dma_wait3A_384 = arith.constant 0 : i32
    %dma_wait3A_385 = tpu.memref_slice %arg10[%dma_wait3A_383, %dma_wait3A_384] : memref<10512x16xf32, #tpu.memory_space<vmem_shared>> -> memref<10512x16xf32, #tpu.memory_space<vmem_shared>>
    %dma_wait3A_386 = tpu.memref_slice %arg12[%dma_wait3A_375] : memref<8x!tpu.dma_semaphore, #tpu.memory_space<semaphore_mem>> -> memref<1x!tpu.dma_semaphore, #tpu.memory_space<semaphore_mem>>
    %dma_wait3A_387 = tpu.memref_squeeze %dma_wait3A_386 : memref<1x!tpu.dma_semaphore, #tpu.memory_space<semaphore_mem>> -> memref<!tpu.dma_semaphore, #tpu.memory_space<semaphore_mem>>
    tpu.wait_indirect_dma semaphore(%dma_wait3A_387 : memref<!tpu.dma_semaphore, #tpu.memory_space<semaphore_mem>>) src(%dma_wait3A_379 : memref<128x16xf32, #tpu.memory_space<vmem>>) dst(%dma_wait3A_385 : memref<10512x16xf32, #tpu.memory_space<vmem_shared>>)
    %dma_wait3A_388 = arith.constant 1 : i32
    %dma_wait3A_389 = arith.constant 73 : i32
    %dma_wait3A_390 = arith.constant 1 : i32
    %dma_wait3A_391 = arith.constant 0 : i32
    %dma_wait3A_392 = arith.constant 0 : i32
    %dma_wait3A_393 = tpu.memref_slice %arg9[%dma_wait3A_388, %dma_wait3A_391, %dma_wait3A_392] : memref<8x128x16xf32, #tpu.memory_space<vmem>> -> memref<1x128x16xf32, #tpu.memory_space<vmem>>
    %dma_wait3A_394 = tpu.memref_squeeze %dma_wait3A_393 : memref<1x128x16xf32, #tpu.memory_space<vmem>> -> memref<128x16xf32, #tpu.memory_space<vmem>>
    %dma_wait3A_395 = arith.constant 0 : i32
    %dma_wait3A_396 = tpu.memref_slice %arg8[%dma_wait3A_389, %dma_wait3A_395] : memref<80x128xi32, #tpu.memory_space<vmem>> -> memref<1x128xi32, #tpu.memory_space<vmem>>
    %dma_wait3A_397 = tpu.memref_squeeze %dma_wait3A_396 : memref<1x128xi32, #tpu.memory_space<vmem>> -> memref<128xi32, #tpu.memory_space<vmem>>
    %dma_wait3A_398 = arith.constant 0 : i32
    %dma_wait3A_399 = arith.constant 0 : i32
    %dma_wait3A_400 = tpu.memref_slice %arg10[%dma_wait3A_398, %dma_wait3A_399] : memref<10512x16xf32, #tpu.memory_space<vmem_shared>> -> memref<10512x16xf32, #tpu.memory_space<vmem_shared>>
    %dma_wait3A_401 = tpu.memref_slice %arg12[%dma_wait3A_390] : memref<8x!tpu.dma_semaphore, #tpu.memory_space<semaphore_mem>> -> memref<1x!tpu.dma_semaphore, #tpu.memory_space<semaphore_mem>>
    %dma_wait3A_402 = tpu.memref_squeeze %dma_wait3A_401 : memref<1x!tpu.dma_semaphore, #tpu.memory_space<semaphore_mem>> -> memref<!tpu.dma_semaphore, #tpu.memory_space<semaphore_mem>>
    tpu.wait_indirect_dma semaphore(%dma_wait3A_402 : memref<!tpu.dma_semaphore, #tpu.memory_space<semaphore_mem>>) src(%dma_wait3A_394 : memref<128x16xf32, #tpu.memory_space<vmem>>) dst(%dma_wait3A_400 : memref<10512x16xf32, #tpu.memory_space<vmem_shared>>)
    %dma_wait3A_403 = arith.constant 2 : i32
    %dma_wait3A_404 = arith.constant 74 : i32
    %dma_wait3A_405 = arith.constant 2 : i32
    %dma_wait3A_406 = arith.constant 0 : i32
    %dma_wait3A_407 = arith.constant 0 : i32
    %dma_wait3A_408 = tpu.memref_slice %arg9[%dma_wait3A_403, %dma_wait3A_406, %dma_wait3A_407] : memref<8x128x16xf32, #tpu.memory_space<vmem>> -> memref<1x128x16xf32, #tpu.memory_space<vmem>>
    %dma_wait3A_409 = tpu.memref_squeeze %dma_wait3A_408 : memref<1x128x16xf32, #tpu.memory_space<vmem>> -> memref<128x16xf32, #tpu.memory_space<vmem>>
    %dma_wait3A_410 = arith.constant 0 : i32
    %dma_wait3A_411 = tpu.memref_slice %arg8[%dma_wait3A_404, %dma_wait3A_410] : memref<80x128xi32, #tpu.memory_space<vmem>> -> memref<1x128xi32, #tpu.memory_space<vmem>>
    %dma_wait3A_412 = tpu.memref_squeeze %dma_wait3A_411 : memref<1x128xi32, #tpu.memory_space<vmem>> -> memref<128xi32, #tpu.memory_space<vmem>>
    %dma_wait3A_413 = arith.constant 0 : i32
    %dma_wait3A_414 = arith.constant 0 : i32
    %dma_wait3A_415 = tpu.memref_slice %arg10[%dma_wait3A_413, %dma_wait3A_414] : memref<10512x16xf32, #tpu.memory_space<vmem_shared>> -> memref<10512x16xf32, #tpu.memory_space<vmem_shared>>
    %dma_wait3A_416 = tpu.memref_slice %arg12[%dma_wait3A_405] : memref<8x!tpu.dma_semaphore, #tpu.memory_space<semaphore_mem>> -> memref<1x!tpu.dma_semaphore, #tpu.memory_space<semaphore_mem>>
    %dma_wait3A_417 = tpu.memref_squeeze %dma_wait3A_416 : memref<1x!tpu.dma_semaphore, #tpu.memory_space<semaphore_mem>> -> memref<!tpu.dma_semaphore, #tpu.memory_space<semaphore_mem>>
    tpu.wait_indirect_dma semaphore(%dma_wait3A_417 : memref<!tpu.dma_semaphore, #tpu.memory_space<semaphore_mem>>) src(%dma_wait3A_409 : memref<128x16xf32, #tpu.memory_space<vmem>>) dst(%dma_wait3A_415 : memref<10512x16xf32, #tpu.memory_space<vmem_shared>>)
    %dma_wait3A_418 = arith.constant 3 : i32
    %dma_wait3A_419 = arith.constant 75 : i32
    %dma_wait3A_420 = arith.constant 3 : i32
    %dma_wait3A_421 = arith.constant 0 : i32
    %dma_wait3A_422 = arith.constant 0 : i32
    %dma_wait3A_423 = tpu.memref_slice %arg9[%dma_wait3A_418, %dma_wait3A_421, %dma_wait3A_422] : memref<8x128x16xf32, #tpu.memory_space<vmem>> -> memref<1x128x16xf32, #tpu.memory_space<vmem>>
    %dma_wait3A_424 = tpu.memref_squeeze %dma_wait3A_423 : memref<1x128x16xf32, #tpu.memory_space<vmem>> -> memref<128x16xf32, #tpu.memory_space<vmem>>
    %dma_wait3A_425 = arith.constant 0 : i32
    %dma_wait3A_426 = tpu.memref_slice %arg8[%dma_wait3A_419, %dma_wait3A_425] : memref<80x128xi32, #tpu.memory_space<vmem>> -> memref<1x128xi32, #tpu.memory_space<vmem>>
    %dma_wait3A_427 = tpu.memref_squeeze %dma_wait3A_426 : memref<1x128xi32, #tpu.memory_space<vmem>> -> memref<128xi32, #tpu.memory_space<vmem>>
    %dma_wait3A_428 = arith.constant 0 : i32
    %dma_wait3A_429 = arith.constant 0 : i32
    %dma_wait3A_430 = tpu.memref_slice %arg10[%dma_wait3A_428, %dma_wait3A_429] : memref<10512x16xf32, #tpu.memory_space<vmem_shared>> -> memref<10512x16xf32, #tpu.memory_space<vmem_shared>>
    %dma_wait3A_431 = tpu.memref_slice %arg12[%dma_wait3A_420] : memref<8x!tpu.dma_semaphore, #tpu.memory_space<semaphore_mem>> -> memref<1x!tpu.dma_semaphore, #tpu.memory_space<semaphore_mem>>
    %dma_wait3A_432 = tpu.memref_squeeze %dma_wait3A_431 : memref<1x!tpu.dma_semaphore, #tpu.memory_space<semaphore_mem>> -> memref<!tpu.dma_semaphore, #tpu.memory_space<semaphore_mem>>
    tpu.wait_indirect_dma semaphore(%dma_wait3A_432 : memref<!tpu.dma_semaphore, #tpu.memory_space<semaphore_mem>>) src(%dma_wait3A_424 : memref<128x16xf32, #tpu.memory_space<vmem>>) dst(%dma_wait3A_430 : memref<10512x16xf32, #tpu.memory_space<vmem_shared>>)
    %dma_wait3A_433 = arith.constant 4 : i32
    %dma_wait3A_434 = arith.constant 76 : i32
    %dma_wait3A_435 = arith.constant 4 : i32
    %dma_wait3A_436 = arith.constant 0 : i32
    %dma_wait3A_437 = arith.constant 0 : i32
    %dma_wait3A_438 = tpu.memref_slice %arg9[%dma_wait3A_433, %dma_wait3A_436, %dma_wait3A_437] : memref<8x128x16xf32, #tpu.memory_space<vmem>> -> memref<1x128x16xf32, #tpu.memory_space<vmem>>
    %dma_wait3A_439 = tpu.memref_squeeze %dma_wait3A_438 : memref<1x128x16xf32, #tpu.memory_space<vmem>> -> memref<128x16xf32, #tpu.memory_space<vmem>>
    %dma_wait3A_440 = arith.constant 0 : i32
    %dma_wait3A_441 = tpu.memref_slice %arg8[%dma_wait3A_434, %dma_wait3A_440] : memref<80x128xi32, #tpu.memory_space<vmem>> -> memref<1x128xi32, #tpu.memory_space<vmem>>
    %dma_wait3A_442 = tpu.memref_squeeze %dma_wait3A_441 : memref<1x128xi32, #tpu.memory_space<vmem>> -> memref<128xi32, #tpu.memory_space<vmem>>
    %dma_wait3A_443 = arith.constant 0 : i32
    %dma_wait3A_444 = arith.constant 0 : i32
    %dma_wait3A_445 = tpu.memref_slice %arg10[%dma_wait3A_443, %dma_wait3A_444] : memref<10512x16xf32, #tpu.memory_space<vmem_shared>> -> memref<10512x16xf32, #tpu.memory_space<vmem_shared>>
    %dma_wait3A_446 = tpu.memref_slice %arg12[%dma_wait3A_435] : memref<8x!tpu.dma_semaphore, #tpu.memory_space<semaphore_mem>> -> memref<1x!tpu.dma_semaphore, #tpu.memory_space<semaphore_mem>>
    %dma_wait3A_447 = tpu.memref_squeeze %dma_wait3A_446 : memref<1x!tpu.dma_semaphore, #tpu.memory_space<semaphore_mem>> -> memref<!tpu.dma_semaphore, #tpu.memory_space<semaphore_mem>>
    tpu.wait_indirect_dma semaphore(%dma_wait3A_447 : memref<!tpu.dma_semaphore, #tpu.memory_space<semaphore_mem>>) src(%dma_wait3A_439 : memref<128x16xf32, #tpu.memory_space<vmem>>) dst(%dma_wait3A_445 : memref<10512x16xf32, #tpu.memory_space<vmem_shared>>)
    %dma_wait3A_448 = arith.constant 5 : i32
    %dma_wait3A_449 = arith.constant 77 : i32
    %dma_wait3A_450 = arith.constant 5 : i32
    %dma_wait3A_451 = arith.constant 0 : i32
    %dma_wait3A_452 = arith.constant 0 : i32
    %dma_wait3A_453 = tpu.memref_slice %arg9[%dma_wait3A_448, %dma_wait3A_451, %dma_wait3A_452] : memref<8x128x16xf32, #tpu.memory_space<vmem>> -> memref<1x128x16xf32, #tpu.memory_space<vmem>>
    %dma_wait3A_454 = tpu.memref_squeeze %dma_wait3A_453 : memref<1x128x16xf32, #tpu.memory_space<vmem>> -> memref<128x16xf32, #tpu.memory_space<vmem>>
    %dma_wait3A_455 = arith.constant 0 : i32
    %dma_wait3A_456 = tpu.memref_slice %arg8[%dma_wait3A_449, %dma_wait3A_455] : memref<80x128xi32, #tpu.memory_space<vmem>> -> memref<1x128xi32, #tpu.memory_space<vmem>>
    %dma_wait3A_457 = tpu.memref_squeeze %dma_wait3A_456 : memref<1x128xi32, #tpu.memory_space<vmem>> -> memref<128xi32, #tpu.memory_space<vmem>>
    %dma_wait3A_458 = arith.constant 0 : i32
    %dma_wait3A_459 = arith.constant 0 : i32
    %dma_wait3A_460 = tpu.memref_slice %arg10[%dma_wait3A_458, %dma_wait3A_459] : memref<10512x16xf32, #tpu.memory_space<vmem_shared>> -> memref<10512x16xf32, #tpu.memory_space<vmem_shared>>
    %dma_wait3A_461 = tpu.memref_slice %arg12[%dma_wait3A_450] : memref<8x!tpu.dma_semaphore, #tpu.memory_space<semaphore_mem>> -> memref<1x!tpu.dma_semaphore, #tpu.memory_space<semaphore_mem>>
    %dma_wait3A_462 = tpu.memref_squeeze %dma_wait3A_461 : memref<1x!tpu.dma_semaphore, #tpu.memory_space<semaphore_mem>> -> memref<!tpu.dma_semaphore, #tpu.memory_space<semaphore_mem>>
    tpu.wait_indirect_dma semaphore(%dma_wait3A_462 : memref<!tpu.dma_semaphore, #tpu.memory_space<semaphore_mem>>) src(%dma_wait3A_454 : memref<128x16xf32, #tpu.memory_space<vmem>>) dst(%dma_wait3A_460 : memref<10512x16xf32, #tpu.memory_space<vmem_shared>>)
    %dma_wait3A_463 = arith.constant 6 : i32
    %dma_wait3A_464 = arith.constant 78 : i32
    %dma_wait3A_465 = arith.constant 6 : i32
    %dma_wait3A_466 = arith.constant 0 : i32
    %dma_wait3A_467 = arith.constant 0 : i32
    %dma_wait3A_468 = tpu.memref_slice %arg9[%dma_wait3A_463, %dma_wait3A_466, %dma_wait3A_467] : memref<8x128x16xf32, #tpu.memory_space<vmem>> -> memref<1x128x16xf32, #tpu.memory_space<vmem>>
    %dma_wait3A_469 = tpu.memref_squeeze %dma_wait3A_468 : memref<1x128x16xf32, #tpu.memory_space<vmem>> -> memref<128x16xf32, #tpu.memory_space<vmem>>
    %dma_wait3A_470 = arith.constant 0 : i32
    %dma_wait3A_471 = tpu.memref_slice %arg8[%dma_wait3A_464, %dma_wait3A_470] : memref<80x128xi32, #tpu.memory_space<vmem>> -> memref<1x128xi32, #tpu.memory_space<vmem>>
    %dma_wait3A_472 = tpu.memref_squeeze %dma_wait3A_471 : memref<1x128xi32, #tpu.memory_space<vmem>> -> memref<128xi32, #tpu.memory_space<vmem>>
    %dma_wait3A_473 = arith.constant 0 : i32
    %dma_wait3A_474 = arith.constant 0 : i32
    %dma_wait3A_475 = tpu.memref_slice %arg10[%dma_wait3A_473, %dma_wait3A_474] : memref<10512x16xf32, #tpu.memory_space<vmem_shared>> -> memref<10512x16xf32, #tpu.memory_space<vmem_shared>>
    %dma_wait3A_476 = tpu.memref_slice %arg12[%dma_wait3A_465] : memref<8x!tpu.dma_semaphore, #tpu.memory_space<semaphore_mem>> -> memref<1x!tpu.dma_semaphore, #tpu.memory_space<semaphore_mem>>
    %dma_wait3A_477 = tpu.memref_squeeze %dma_wait3A_476 : memref<1x!tpu.dma_semaphore, #tpu.memory_space<semaphore_mem>> -> memref<!tpu.dma_semaphore, #tpu.memory_space<semaphore_mem>>
    tpu.wait_indirect_dma semaphore(%dma_wait3A_477 : memref<!tpu.dma_semaphore, #tpu.memory_space<semaphore_mem>>) src(%dma_wait3A_469 : memref<128x16xf32, #tpu.memory_space<vmem>>) dst(%dma_wait3A_475 : memref<10512x16xf32, #tpu.memory_space<vmem_shared>>)
    %dma_wait3A_478 = arith.constant 7 : i32
    %dma_wait3A_479 = arith.constant 79 : i32
    %dma_wait3A_480 = arith.constant 7 : i32
    %dma_wait3A_481 = arith.constant 0 : i32
    %dma_wait3A_482 = arith.constant 0 : i32
    %dma_wait3A_483 = tpu.memref_slice %arg9[%dma_wait3A_478, %dma_wait3A_481, %dma_wait3A_482] : memref<8x128x16xf32, #tpu.memory_space<vmem>> -> memref<1x128x16xf32, #tpu.memory_space<vmem>>
    %dma_wait3A_484 = tpu.memref_squeeze %dma_wait3A_483 : memref<1x128x16xf32, #tpu.memory_space<vmem>> -> memref<128x16xf32, #tpu.memory_space<vmem>>
    %dma_wait3A_485 = arith.constant 0 : i32
    %dma_wait3A_486 = tpu.memref_slice %arg8[%dma_wait3A_479, %dma_wait3A_485] : memref<80x128xi32, #tpu.memory_space<vmem>> -> memref<1x128xi32, #tpu.memory_space<vmem>>
    %dma_wait3A_487 = tpu.memref_squeeze %dma_wait3A_486 : memref<1x128xi32, #tpu.memory_space<vmem>> -> memref<128xi32, #tpu.memory_space<vmem>>
    %dma_wait3A_488 = arith.constant 0 : i32
    %dma_wait3A_489 = arith.constant 0 : i32
    %dma_wait3A_490 = tpu.memref_slice %arg10[%dma_wait3A_488, %dma_wait3A_489] : memref<10512x16xf32, #tpu.memory_space<vmem_shared>> -> memref<10512x16xf32, #tpu.memory_space<vmem_shared>>
    %dma_wait3A_491 = tpu.memref_slice %arg12[%dma_wait3A_480] : memref<8x!tpu.dma_semaphore, #tpu.memory_space<semaphore_mem>> -> memref<1x!tpu.dma_semaphore, #tpu.memory_space<semaphore_mem>>
    %dma_wait3A_492 = tpu.memref_squeeze %dma_wait3A_491 : memref<1x!tpu.dma_semaphore, #tpu.memory_space<semaphore_mem>> -> memref<!tpu.dma_semaphore, #tpu.memory_space<semaphore_mem>>
    tpu.wait_indirect_dma semaphore(%dma_wait3A_492 : memref<!tpu.dma_semaphore, #tpu.memory_space<semaphore_mem>>) src(%dma_wait3A_484 : memref<128x16xf32, #tpu.memory_space<vmem>>) dst(%dma_wait3A_490 : memref<10512x16xf32, #tpu.memory_space<vmem_shared>>)
    %barrier3A_493 = arith.constant 0 : index
    tpu.barrier barrier_id(%barrier3A_493)
    %eq3A = arith.constant 0 : i32
    %eq3A_494 = arith.cmpi eq, %arg0, %eq3A : i32
    %convert_element_type3A = arith.extui %eq3A_494 : i1 to i32
    %cond3A = arith.constant 0 : i32
    %cond3A_495 = arith.cmpi ne, %convert_element_type3A, %cond3A : i32
    scf.if %cond3A_495 {
      %mul3A_501 = arith.constant 625 : i32
      %mul3A_502 = arith.muli %arg1, %mul3A_501 : i32
      %mul3A_503 = arith.constant 625 : i32
      %mul3A_504 = arith.muli %arg1, %mul3A_503 : i32
      "tpu.region"() ({
        %run_scoped3A_505 = tpu.sem_alloc : memref<!tpu.dma_semaphore, #tpu.memory_space<semaphore_mem>>
        %dma_start3A_506 = arith.constant 0 : i32
        %dma_start3A_507 = tpu.memref_slice %arg5[%mul3A_504, %dma_start3A_506] : memref<10000x16xf32, #tpu.memory_space<hbm>> -> memref<625x16xf32, #tpu.memory_space<hbm>>
        %dma_start3A_508 = arith.constant 0 : i32
        %dma_start3A_509 = tpu.memref_slice %arg10[%mul3A_502, %dma_start3A_508] : memref<10512x16xf32, #tpu.memory_space<vmem_shared>> -> memref<625x16xf32, #tpu.memory_space<vmem_shared>>
        tpu.enqueue_dma source(%dma_start3A_509 : memref<625x16xf32, #tpu.memory_space<vmem_shared>>) target(%dma_start3A_507 : memref<625x16xf32, #tpu.memory_space<hbm>>) target_semaphore(%run_scoped3A_505 : memref<!tpu.dma_semaphore, #tpu.memory_space<semaphore_mem>>)
        %dma_wait3A_510 = arith.constant 0 : i32
        %dma_wait3A_511 = tpu.memref_slice %arg5[%mul3A_504, %dma_wait3A_510] : memref<10000x16xf32, #tpu.memory_space<hbm>> -> memref<625x16xf32, #tpu.memory_space<hbm>>
        %dma_wait3A_512 = arith.constant 0 : i32
        %dma_wait3A_513 = tpu.memref_slice %arg10[%mul3A_502, %dma_wait3A_512] : memref<10512x16xf32, #tpu.memory_space<vmem_shared>> -> memref<625x16xf32, #tpu.memory_space<vmem_shared>>
        tpu.wait_dma2 semaphore(%run_scoped3A_505 : memref<!tpu.dma_semaphore, #tpu.memory_space<semaphore_mem>>) src(%dma_wait3A_513 : memref<625x16xf32, #tpu.memory_space<vmem_shared>>) dst(%dma_wait3A_511 : memref<625x16xf32, #tpu.memory_space<hbm>>)
        tpu.yield
      }) : () -> ()
    } else {
    }
    %eq3A_496 = arith.constant 1 : i32
    %eq3A_497 = arith.cmpi eq, %arg0, %eq3A_496 : i32
    %convert_element_type3A_498 = arith.extui %eq3A_497 : i1 to i32
    %cond3A_499 = arith.constant 0 : i32
    %cond3A_500 = arith.cmpi ne, %convert_element_type3A_498, %cond3A_499 : i32
    scf.if %cond3A_500 {
      %mul3A_501 = arith.constant 625 : i32
      %mul3A_502 = arith.muli %arg1, %mul3A_501 : i32
      %mul3A_503 = arith.constant 625 : i32
      %mul3A_504 = arith.muli %arg1, %mul3A_503 : i32
      "tpu.region"() ({
        %run_scoped3A_505 = tpu.sem_alloc : memref<!tpu.dma_semaphore, #tpu.memory_space<semaphore_mem>>
        %dma_start3A_506 = arith.constant 0 : i32
        %dma_start3A_507 = tpu.memref_slice %arg6[%mul3A_504, %dma_start3A_506] : memref<10000x16xf32, #tpu.memory_space<hbm>> -> memref<625x16xf32, #tpu.memory_space<hbm>>
        %dma_start3A_508 = arith.constant 0 : i32
        %dma_start3A_509 = tpu.memref_slice %arg10[%mul3A_502, %dma_start3A_508] : memref<10512x16xf32, #tpu.memory_space<vmem_shared>> -> memref<625x16xf32, #tpu.memory_space<vmem_shared>>
        tpu.enqueue_dma source(%dma_start3A_509 : memref<625x16xf32, #tpu.memory_space<vmem_shared>>) target(%dma_start3A_507 : memref<625x16xf32, #tpu.memory_space<hbm>>) target_semaphore(%run_scoped3A_505 : memref<!tpu.dma_semaphore, #tpu.memory_space<semaphore_mem>>)
        %dma_wait3A_510 = arith.constant 0 : i32
        %dma_wait3A_511 = tpu.memref_slice %arg6[%mul3A_504, %dma_wait3A_510] : memref<10000x16xf32, #tpu.memory_space<hbm>> -> memref<625x16xf32, #tpu.memory_space<hbm>>
        %dma_wait3A_512 = arith.constant 0 : i32
        %dma_wait3A_513 = tpu.memref_slice %arg10[%mul3A_502, %dma_wait3A_512] : memref<10512x16xf32, #tpu.memory_space<vmem_shared>> -> memref<625x16xf32, #tpu.memory_space<vmem_shared>>
        tpu.wait_dma2 semaphore(%run_scoped3A_505 : memref<!tpu.dma_semaphore, #tpu.memory_space<semaphore_mem>>) src(%dma_wait3A_513 : memref<625x16xf32, #tpu.memory_space<vmem_shared>>) dst(%dma_wait3A_511 : memref<625x16xf32, #tpu.memory_space<hbm>>)
        tpu.yield
      }) : () -> ()
    } else {
    }
    return
  }
}

module attributes {stable_mosaic.version = 14 : i64} {
  func.func @_tc_mm1(%arg0: i32, %arg1: memref<2000x128xf32, #tpu.memory_space<vmem>>, %arg2: memref<128x16xf32, #tpu.memory_space<vmem>>, %arg3: memref<2000x16xf32, #tpu.memory_space<vmem>>) attributes {dimension_semantics = [#tpu.dimension_semantics<arbitrary>], iteration_bounds = array<i64: 5>, scalar_prefetch = 0 : i64, scratch_operands = 0 : i64, tpu.core_type = #tpu.core_type<tc>, window_params = [{transform_indices = @transform_0, window_bounds = array<i64: 2000, 128>}, {pipeline_mode = #tpu.pipeline_mode<synchronous>, transform_indices = @transform_1, window_bounds = array<i64: 128, 16>}, {transform_indices = @transform_2, window_bounds = array<i64: 2000, 16>}]} {
    %get3A = arith.constant 0 : index
    %get3A_0 = arith.constant 0 : index
    %get3A_1 = vector.load %arg1[%get3A, %get3A_0] : memref<2000x128xf32, #tpu.memory_space<vmem>>, vector<2000x128xf32>
    %get3A_2 = arith.constant 0 : index
    %get3A_3 = arith.constant 0 : index
    %get3A_4 = vector.load %arg2[%get3A_2, %get3A_3] : memref<128x16xf32, #tpu.memory_space<vmem>>, vector<128x16xf32>
    %dot_general3A = arith.constant dense<0.000000e+00> : vector<2000x16xf32>
    %dot_general3A_5 = tpu.matmul %get3A_1, %get3A_4, %dot_general3A {dimension_numbers = #tpu.dot_dimension_numbers<[1], [0], [0], [1], [0, 0, 1, 1], [], []>, transpose_lhs_hint = false} : vector<2000x128xf32>, vector<128x16xf32>, vector<2000x16xf32> -> vector<2000x16xf32>
    %swap3A = arith.constant 0 : index
    %swap3A_6 = arith.constant 0 : index
    %swap3A_7 = vector.load %arg3[%swap3A, %swap3A_6] : memref<2000x16xf32, #tpu.memory_space<vmem>>, vector<2000x16xf32>
    tpu.vector_store %arg3[%swap3A, %swap3A_6], %dot_general3A_5 {strides = array<i32>} : memref<2000x16xf32, #tpu.memory_space<vmem>>, vector<2000x16xf32>,
    return
  }
  func.func @transform_0(%arg0: i32) -> (i32, i32) {
    %c0_i32 = arith.constant 0 : i32
    %c0_i32_0 = arith.constant 0 : i32
    return %arg0, %c0_i32 : i32, i32
  }
  func.func @transform_1(%arg0: i32) -> (i32, i32) {
    %c0_i32 = arith.constant 0 : i32
    %c0_i32_0 = arith.constant 0 : i32
    %c0_i32_1 = arith.constant 0 : i32
    return %c0_i32, %c0_i32_0 : i32, i32
  }
  func.func @transform_2(%arg0: i32) -> (i32, i32) {
    %c0_i32 = arith.constant 0 : i32
    %c0_i32_0 = arith.constant 0 : i32
    return %arg0, %c0_i32 : i32, i32
  }
}

module attributes {stable_mosaic.version = 14 : i64} {
  func.func @_tc_mid(%arg0: memref<1250x128xf32, #tpu.memory_space<vmem>>, %arg1: memref<1250x128xf32, #tpu.memory_space<vmem>>, %arg2: memref<1250x128xf32, #tpu.memory_space<vmem>>, %arg3: memref<1250x128xf32, #tpu.memory_space<vmem>>, %arg4: memref<1250x128xf32, #tpu.memory_space<vmem>>, %arg5: memref<128x128xf32, #tpu.memory_space<vmem>>, %arg6: memref<128xf32, #tpu.memory_space<vmem>>, %arg7: memref<1250x128xf32, #tpu.memory_space<vmem>>, %arg8: memref<1250x128xf32, #tpu.memory_space<vmem>>) attributes {dimension_semantics = [], scalar_prefetch = 0 : i64, scratch_operands = 0 : i64, tpu.core_type = #tpu.core_type<tc>} {
    %get3A = arith.constant 0 : index
    %get3A_0 = arith.constant 0 : index
    %get3A_1 = vector.load %arg3[%get3A, %get3A_0] : memref<1250x128xf32, #tpu.memory_space<vmem>>, vector<1250x128xf32>
    %get3A_2 = arith.constant 0 : index
    %get3A_3 = arith.constant 0 : index
    %get3A_4 = vector.load %arg0[%get3A_2, %get3A_3] : memref<1250x128xf32, #tpu.memory_space<vmem>>, vector<1250x128xf32>
    %get3A_5 = arith.constant 0 : index
    %get3A_6 = arith.constant 0 : index
    %get3A_7 = vector.load %arg1[%get3A_5, %get3A_6] : memref<1250x128xf32, #tpu.memory_space<vmem>>, vector<1250x128xf32>
    %add3A = arith.addf %get3A_4, %get3A_7 : vector<1250x128xf32>
    %mul3A = arith.mulf %get3A_1, %add3A : vector<1250x128xf32>
    %get3A_8 = arith.constant 0 : index
    %get3A_9 = arith.constant 0 : index
    %get3A_10 = vector.load %arg2[%get3A_8, %get3A_9] : memref<1250x128xf32, #tpu.memory_space<vmem>>, vector<1250x128xf32>
    %add3A_11 = arith.addf %mul3A, %get3A_10 : vector<1250x128xf32>
    %max3A = arith.constant 0.000000e+00 : f32
    %max3A_12 = vector.broadcast %max3A : f32 to vector<1250x128xf32>
    %max3A_13 = arith.maximumf %add3A_11, %max3A_12 : vector<1250x128xf32>
    %get3A_14 = arith.constant 0 : index
    %get3A_15 = arith.constant 0 : index
    %get3A_16 = vector.load %arg5[%get3A_14, %get3A_15] : memref<128x128xf32, #tpu.memory_space<vmem>>, vector<128x128xf32>
    %dot_general3A = arith.constant dense<0.000000e+00> : vector<1250x128xf32>
    %dot_general3A_17 = tpu.matmul %max3A_13, %get3A_16, %dot_general3A {dimension_numbers = #tpu.dot_dimension_numbers<[1], [0], [0], [1], [0, 0, 1, 1], [], []>, transpose_lhs_hint = false} : vector<1250x128xf32>, vector<128x128xf32>, vector<1250x128xf32> -> vector<1250x128xf32>
    %get3A_18 = arith.constant 0 : index
    %get3A_19 = arith.constant 0 : index
    %get3A_20 = vector.load %arg3[%get3A_18, %get3A_19] : memref<1250x128xf32, #tpu.memory_space<vmem>>, vector<1250x128xf32>
    %mul3A_21 = arith.mulf %dot_general3A_17, %get3A_20 : vector<1250x128xf32>
    %swap3A = arith.constant 0 : index
    %swap3A_22 = arith.constant 0 : index
    %swap3A_23 = vector.load %arg7[%swap3A, %swap3A_22] : memref<1250x128xf32, #tpu.memory_space<vmem>>, vector<1250x128xf32>
    tpu.vector_store %arg7[%swap3A, %swap3A_22], %mul3A_21 {strides = array<i32>} : memref<1250x128xf32, #tpu.memory_space<vmem>>, vector<1250x128xf32>,
    %get3A_24 = arith.constant 0 : index
    %get3A_25 = arith.constant 0 : index
    %get3A_26 = vector.load %arg4[%get3A_24, %get3A_25] : memref<1250x128xf32, #tpu.memory_space<vmem>>, vector<1250x128xf32>
    %mul3A_27 = arith.mulf %dot_general3A_17, %get3A_26 : vector<1250x128xf32>
    %get3A_28 = arith.constant 0 : index
    %get3A_29 = vector.load %arg6[%get3A_28] : memref<128xf32, #tpu.memory_space<vmem>>, vector<128xf32>
    %broadcast_in_dim3A = vector.shape_cast %get3A_29 : vector<128xf32> to vector<1x128xf32>
    %add3A_30 = vector.broadcast %broadcast_in_dim3A : vector<1x128xf32> to vector<1250x128xf32>
    %add3A_31 = arith.addf %mul3A_27, %add3A_30 : vector<1250x128xf32>
    %swap3A_32 = arith.constant 0 : index
    %swap3A_33 = arith.constant 0 : index
    %swap3A_34 = vector.load %arg8[%swap3A_32, %swap3A_33] : memref<1250x128xf32, #tpu.memory_space<vmem>>, vector<1250x128xf32>
    tpu.vector_store %arg8[%swap3A_32, %swap3A_33], %add3A_31 {strides = array<i32>} : memref<1250x128xf32, #tpu.memory_space<vmem>>, vector<1250x128xf32>,
    return
  }
}

module attributes {stable_mosaic.version = 14 : i64} {
  func.func @_tc_post(%arg0: memref<1250x128xf32, #tpu.memory_space<vmem>>, %arg1: memref<1250x128xf32, #tpu.memory_space<vmem>>, %arg2: memref<1250x128xf32, #tpu.memory_space<vmem>>, %arg3: memref<1250x128xf32, #tpu.memory_space<vmem>>, %arg4: memref<128x128xf32, #tpu.memory_space<vmem>>, %arg5: memref<128x128xf32, #tpu.memory_space<vmem>>, %arg6: memref<1250x128xf32, #tpu.memory_space<vmem>>) attributes {dimension_semantics = [], scalar_prefetch = 0 : i64, scratch_operands = 0 : i64, tpu.core_type = #tpu.core_type<tc>} {
    %get3A = arith.constant 0 : index
    %get3A_0 = arith.constant 0 : index
    %get3A_1 = vector.load %arg3[%get3A, %get3A_0] : memref<1250x128xf32, #tpu.memory_space<vmem>>, vector<1250x128xf32>
    %get3A_2 = arith.constant 0 : index
    %get3A_3 = arith.constant 0 : index
    %get3A_4 = vector.load %arg0[%get3A_2, %get3A_3] : memref<1250x128xf32, #tpu.memory_space<vmem>>, vector<1250x128xf32>
    %get3A_5 = arith.constant 0 : index
    %get3A_6 = arith.constant 0 : index
    %get3A_7 = vector.load %arg1[%get3A_5, %get3A_6] : memref<1250x128xf32, #tpu.memory_space<vmem>>, vector<1250x128xf32>
    %add3A = arith.addf %get3A_4, %get3A_7 : vector<1250x128xf32>
    %mul3A = arith.mulf %get3A_1, %add3A : vector<1250x128xf32>
    %get3A_8 = arith.constant 0 : index
    %get3A_9 = arith.constant 0 : index
    %get3A_10 = vector.load %arg2[%get3A_8, %get3A_9] : memref<1250x128xf32, #tpu.memory_space<vmem>>, vector<1250x128xf32>
    %add3A_11 = arith.addf %mul3A, %get3A_10 : vector<1250x128xf32>
    %slice3A = vector.extract_strided_slice %add3A_11 {offsets = [0, 127], sizes = [1250, 1], strides = [1, 1]} : vector<1250x128xf32> to vector<1250x1xf32>
    %slice3A_12 = vector.extract_strided_slice %add3A_11 {offsets = [0, 0], sizes = [1250, 127], strides = [1, 1]} : vector<1250x128xf32> to vector<1250x127xf32>
    %concatenate3A = tpu.concatenate %slice3A, %slice3A_12 in 1 : vector<1250x1xf32>, vector<1250x127xf32> -> vector<1250x128xf32>
    %max3A = arith.maximumf %add3A_11, %concatenate3A : vector<1250x128xf32>
    %slice3A_13 = vector.extract_strided_slice %max3A {offsets = [0, 126], sizes = [1250, 2], strides = [1, 1]} : vector<1250x128xf32> to vector<1250x2xf32>
    %slice3A_14 = vector.extract_strided_slice %max3A {offsets = [0, 0], sizes = [1250, 126], strides = [1, 1]} : vector<1250x128xf32> to vector<1250x126xf32>
    %concatenate3A_15 = tpu.concatenate %slice3A_13, %slice3A_14 in 1 : vector<1250x2xf32>, vector<1250x126xf32> -> vector<1250x128xf32>
    %max3A_16 = arith.maximumf %max3A, %concatenate3A_15 : vector<1250x128xf32>
    %slice3A_17 = vector.extract_strided_slice %max3A_16 {offsets = [0, 124], sizes = [1250, 4], strides = [1, 1]} : vector<1250x128xf32> to vector<1250x4xf32>
    %slice3A_18 = vector.extract_strided_slice %max3A_16 {offsets = [0, 0], sizes = [1250, 124], strides = [1, 1]} : vector<1250x128xf32> to vector<1250x124xf32>
    %concatenate3A_19 = tpu.concatenate %slice3A_17, %slice3A_18 in 1 : vector<1250x4xf32>, vector<1250x124xf32> -> vector<1250x128xf32>
    %max3A_20 = arith.maximumf %max3A_16, %concatenate3A_19 : vector<1250x128xf32>
    %slice3A_21 = vector.extract_strided_slice %max3A_20 {offsets = [0, 120], sizes = [1250, 8], strides = [1, 1]} : vector<1250x128xf32> to vector<1250x8xf32>
    %slice3A_22 = vector.extract_strided_slice %max3A_20 {offsets = [0, 0], sizes = [1250, 120], strides = [1, 1]} : vector<1250x128xf32> to vector<1250x120xf32>
    %concatenate3A_23 = tpu.concatenate %slice3A_21, %slice3A_22 in 1 : vector<1250x8xf32>, vector<1250x120xf32> -> vector<1250x128xf32>
    %max3A_24 = arith.maximumf %max3A_20, %concatenate3A_23 : vector<1250x128xf32>
    %get3A_25 = arith.constant 0 : index
    %get3A_26 = arith.constant 0 : index
    %get3A_27 = vector.load %arg4[%get3A_25, %get3A_26] : memref<128x128xf32, #tpu.memory_space<vmem>>, vector<128x128xf32>
    %dot_general3A = arith.constant dense<0.000000e+00> : vector<1250x128xf32>
    %dot_general3A_28 = tpu.matmul %max3A_24, %get3A_27, %dot_general3A {dimension_numbers = #tpu.dot_dimension_numbers<[1], [0], [0], [1], [0, 0, 1, 1], [], []>, transpose_lhs_hint = false} : vector<1250x128xf32>, vector<128x128xf32>, vector<1250x128xf32> -> vector<1250x128xf32>
    %iota3A = tpu.iota {dimensions = array<i32: 1>} : vector<1250x128xi32>
    %and3A = arith.constant 15 : i32
    %and3A_29 = vector.broadcast %and3A : i32 to vector<1250x128xi32>
    %and3A_30 = arith.andi %iota3A, %and3A_29 : vector<1250x128xi32>
    %lt3A = arith.constant 7 : i32
    %lt3A_31 = vector.broadcast %lt3A : i32 to vector<1250x128xi32>
    %lt3A_32 = arith.cmpi slt, %and3A_30, %lt3A_31 : vector<1250x128xi32>
    %sub3A = arith.subf %add3A_11, %dot_general3A_28 : vector<1250x128xf32>
    %exp3A = math.exp %sub3A : vector<1250x128xf32>
    %jit3A = arith.constant 0.000000e+00 : f32
    %broadcast_in_dim3A = vector.broadcast %jit3A : f32 to vector<1250x128xf32>
    %select_n3A = arith.select %lt3A_32, %exp3A, %broadcast_in_dim3A : vector<1250x128xi1>, vector<1250x128xf32>
    %get3A_33 = arith.constant 0 : index
    %get3A_34 = arith.constant 0 : index
    %get3A_35 = vector.load %arg5[%get3A_33, %get3A_34] : memref<128x128xf32, #tpu.memory_space<vmem>>, vector<128x128xf32>
    %dot_general3A_36 = arith.constant dense<0.000000e+00> : vector<1250x128xf32>
    %dot_general3A_37 = tpu.matmul %select_n3A, %get3A_35, %dot_general3A_36 {dimension_numbers = #tpu.dot_dimension_numbers<[1], [0], [0], [1], [0, 0, 1, 1], [], []>, transpose_lhs_hint = false} : vector<1250x128xf32>, vector<128x128xf32>, vector<1250x128xf32> -> vector<1250x128xf32>
    %sub3A_38 = arith.subf %add3A_11, %dot_general3A_28 : vector<1250x128xf32>
    %log3A = math.log %dot_general3A_37 : vector<1250x128xf32>
    %sub3A_39 = arith.subf %sub3A_38, %log3A : vector<1250x128xf32>
    %swap3A = arith.constant 0 : index
    %swap3A_40 = arith.constant 0 : index
    %swap3A_41 = vector.load %arg6[%swap3A, %swap3A_40] : memref<1250x128xf32, #tpu.memory_space<vmem>>, vector<1250x128xf32>
    tpu.vector_store %arg6[%swap3A, %swap3A_40], %sub3A_39 {strides = array<i32>} : memref<1250x128xf32, #tpu.memory_space<vmem>>, vector<1250x128xf32>,
    return
  }
}

</mosaic_0001>

<sc_bundles>
// kernel: kernel.11.cloned.1.call-start
scs
__scs_entry_jumppad:
0x0: {  	(pc) =	sbr.rel $0x88, $3  }
0x1: {  	(tag) =	ssettag $0x0;
	lr =	simm.s32 $0x1  }
0x2: {  	[smem:$0x3F9B] =	sst lr;
	_ =	strace $0xD0000000  }
0x3: {  	_ = 	snop  }
0x4: {  	_ = 	snop  }
0x5: {  	_ = 	snop  }
0x6: {  	_ = 	snop  }
0x7: {  	_ = 	snop  }
__scs_overlays_trampoline_lowered:
0x8: {  	[smem:$0x3FAA] =	sst s0  }
0x9: {  	[smem:$0x3FAB] =	sst s1  }
0xa: {  	[smem:$0x3FAC] =	sst s2  }
0xb: {  	[smem:$0x3FAD] =	sst s3  }
0xc: {  	[smem:$0x3FAE] =	sst s4  }
0xd: {  	[smem:$0x3FAF] =	sst s5  }
0xe: {  	[smem:$0x3FB0] =	sst s6  }
0xf: {  	[smem:$0x3FB1] =	sst s7  }
0x10: {  	[smem:$0x3FB2] =	sst s8  }
0x11: {  	[smem:$0x3FB3] =	sst s9;
	s0 =	simm.s32 @!p0 $0x0  }
0x12: {  	s1 =	sld [smem:$0x3F99];
	s0 =	simm.s32 @p0 $0x1  }
0x13: {  	[smem:$0x3FB4] =	sst s0;
	s0 =	simm.s32 @!p1 $0x0  }
0x14: {  	s2 =	sld [smem:$0x3F98];
	s0 =	simm.s32 @p1 $0x1  }
0x15: {  	[smem:$0x3FB5] =	sst s0;
	s0 =	simm.s32 @!p2 $0x0  }
0x16: {  	s3 =	sld [smem:$0x3FDB];
	s0 =	simm.s32 @p2 $0x1  }
0x17: {  	s4 =	simm.s32 $0x1BF5;
	[smem:$0x3FB7] =	sst s0  }
0x18: {  	s0 =	sld [smem:$0x3F9A];
	_ =	swait.ge [sflag:s4], $0x0  }
0x19: {  	s7 =	sld [smem:$0x3F9B]  }
0x1a: {  	s8 =	sadd.s32 $0xFFFFE003, lr  }
0x1b: {  	s9 =	sadd.s32 $0xFFFFFEF7, lr;
	s5 =	simm.s32 $0xFFFFFFFF;
	p2 =	slt.u32 s8, $0xFFFFF086  }
0x1c: {  	p1 =	slt.u32 s9, $0xF7A;
	s5 =	simm.s32 @!p2 $0x0  }
0x1d: {  	s5 =	simm.s32 @p1 $0x1;
	p0 =	seq.s32 s7, s2  }
0x1e: {  	s7 =	smul.u32 @!p0 $0xF7A, s2;
	p2 =	seq.s32 @!p0 s5, $0x0  }
0x1f: {  	s9 =	smul.u32 $0xF7A, s1;
	s8 =	simm.s32 @!p0 $0x1BF5;
	p2 =	por !p2, p0  }
0x20: {  	[sflag:s8] =	ssyncset.s32 @!p0 $0xFFFFF086;
	s6 =	sadd.s32 @!p0 s3, s7;
	s7 =	simm.s32 @!p0 $0x108  }
0x21: {  	s3 =	sadd.s32 s3, s9;
	s6 =	sadd.s32 @!p0 $0x88, s6;
	s7 =	simm.s32 @p2 $0x1082  }
0x22: {  	[simem:s7], [sflag:s8] =	dma.local @!p0 [hbm:s6], $0xF7A  }
0x23: {  	s9 =	sor.u32 $0xD0000000, s2;
	s6 =	simm.s32 $0x108;
	_ =	swait.ge @!p0 [sflag:s8], $0x0  }
0x24: {  	s3 =	sadd.s32 $0x88, s3;
	s6 =	simm.s32 @!p1 $0x1082;
	[sflag:s4] =	ssyncset.s32 $0xFFFFF086  }
0x25: {  	[simem:s6], [sflag:s4] =	dma.local [hbm:s3], $0xF7A  }
0x26: {  	[smem:$0x3F9B] =	sst s1;
	(tag) =	ssettag s2;
	_ =	strace s9  }
0x27: {  	s1 =	sld [smem:$0x3FAB]  }
0x28: {  	s2 =	sld [smem:$0x3FAC]  }
0x29: {  	s4 =	sld [smem:$0x3FAE]  }
0x2a: {  	p0 =	seq.s32 s5, $0x0;
	s5 =	sld [smem:$0x3FAF]  }
0x2b: {  	s6 =	sld [smem:$0x3FB0]  }
0x2c: {  	s7 =	sld [smem:$0x3FB1]  }
0x2d: {  	s3 =	simm.s32 $0x108;
	s8 =	sld [smem:$0x3FB2]  }
0x2e: {  	s3 =	simm.s32 @!p0 $0x1082;
	s9 =	sld [smem:$0x3FB3]  }
0x2f: {  	lr =	sadd.s32 s0, s3;
	s0 =	sld [smem:$0x3FAA]  }
0x30: {  	s3 =	sld [smem:$0x3FAD]  }
0x31: {  	[smem:$0x3FB6] =	sst s10  }
0x32: {  	s10 =	sld [smem:$0x3FB4];
	_ =	sdelay $0x3  }
0x33: {  	p0 =	seq.s32 s10, $0x1;
	s10 =	sld [smem:$0x3FB6];
	_ =	sdelay $0x3  }
0x34: {  	[smem:$0x3FB6] =	sst s10  }
0x35: {  	s10 =	sld [smem:$0x3FB5];
	_ =	sdelay $0x3  }
0x36: {  	p1 =	seq.s32 s10, $0x1;
	s10 =	sld [smem:$0x3FB6];
	_ =	sdelay $0x3  }
0x37: {  	[smem:$0x3FB6] =	sst s10  }
0x38: {  	s10 =	sld [smem:$0x3FB7]  }
0x39: {  	_ = 	snop;
	(pc) =	sbr.ind lr, $3  }
0x3a: {  	_ = 	snop  }
0x3b: {  	_ = 	snop  }
0x3c: {  	p2 =	seq.s32 s10, $0x1;
	s10 =	sld [smem:$0x3FB6]  }
0x3d: {  	_ =	shalt  }
0x3e: {  	_ =	shalt  }
0x3f: {  	_ =	shalt  }
0x40: {  	_ =	shalt  }
0x41: {  	_ =	shalt  }
0x42: {  	_ =	shalt  }
0x43: {  	_ =	shalt  }
0x44: {  	_ =	shalt  }
0x45: {  	_ =	shalt  }
0x46: {  	_ =	shalt  }
0x47: {  	_ =	shalt  }
0x48: {  	_ =	shalt  }
0x49: {  	_ =	shalt  }
0x4a: {  	_ =	shalt  }
0x4b: {  	_ =	shalt  }
0x4c: {  	_ =	shalt  }
0x4d: {  	_ =	shalt  }
0x4e: {  	_ =	shalt  }
0x4f: {  	_ =	shalt  }
0x50: {  	_ =	shalt  }
0x51: {  	_ =	shalt  }
0x52: {  	_ =	shalt  }
0x53: {  	_ =	shalt  }
0x54: {  	_ =	shalt  }
0x55: {  	_ =	shalt  }
0x56: {  	_ =	shalt  }
0x57: {  	_ =	shalt  }
0x58: {  	_ =	shalt  }
0x59: {  	_ =	shalt  }
0x5a: {  	_ =	shalt  }
0x5b: {  	_ =	shalt  }
0x5c: {  	_ =	shalt  }
0x5d: {  	_ =	shalt  }
0x5e: {  	_ =	shalt  }
0x5f: {  	_ =	shalt  }
0x60: {  	_ =	shalt  }
0x61: {  	_ =	shalt  }
0x62: {  	_ =	shalt  }
0x63: {  	_ =	shalt  }
0x64: {  	_ =	shalt  }
0x65: {  	_ =	shalt  }
0x66: {  	_ =	shalt  }
0x67: {  	_ =	shalt  }
0x68: {  	_ =	shalt  }
0x69: {  	_ =	shalt  }
0x6a: {  	_ =	shalt  }
0x6b: {  	_ =	shalt  }
0x6c: {  	_ =	shalt  }
0x6d: {  	_ =	shalt  }
0x6e: {  	_ =	shalt  }
0x6f: {  	_ =	shalt  }
0x70: {  	_ =	shalt  }
0x71: {  	_ =	shalt  }
0x72: {  	_ =	shalt  }
0x73: {  	_ =	shalt  }
0x74: {  	_ =	shalt  }
0x75: {  	_ =	shalt  }
0x76: {  	_ =	shalt  }
0x77: {  	_ =	shalt  }
0x78: {  	_ =	shalt  }
0x79: {  	_ =	shalt  }
0x7a: {  	_ =	shalt  }
0x7b: {  	_ =	shalt  }
0x7c: {  	_ =	shalt  }
0x7d: {  	_ =	shalt  }
0x7e: {  	_ =	shalt  }
0x7f: {  	_ =	shalt  }
0x80: {  	_ =	shalt  }
0x81: {  	_ =	shalt  }
0x82: {  	_ =	shalt  }
0x83: {  	_ =	shalt  }
0x84: {  	_ =	shalt  }
0x85: {  	_ =	shalt  }
0x86: {  	_ =	shalt  }
0x87: {  	_ =	shalt  }
.Lfunc_end0:
.L_simem_size_0:
called_computation.1_lowered:
.L_overlay_start_0:
0x88: {  	s2 =	sld [smem:$0x3FD9]  }
0x89: {  	s3 =	sld [smem:$0x3FFE];
	_ =	sdelay $0x1  }
0x8a: {  	s1 =	srdreg.scid  }
0x8b: {  	s0 =	sand.u32 $0x1, s1  }
0x8c: {  	s17 =	sshll.u32 s0, $0xA;
	s2 =	sadd.s32 s3, s2  }
0x8d: {  	s2 =	sadd.s32 s2, s17  }
0x8e: {  	[smem:$0x3FC2] =	sst s2  }
0x8f: {  	_ = 	snop  }
0x90: {  	s2 =	sld [smem:$0x3FC6];
	(tm) =	ssettm $0x1  }
0x91: {  	s18 =	sld [smem:$0x3FFB];
	_ =	sdelay $0x3  }
0x92: {  	_ =	strace s18  }
0x93: {  	s3 =	sld [smem:$0x3FFC];
	_ =	sdelay $0x3  }
0x94: {  	_ =	strace s3  }
0x95: {  	s3 =	sld [smem:$0x3FFD];
	_ =	sdelay $0x3  }
0x96: {  	_ =	strace s3  }
0x97: {  	_ =	strace $0x8FFFFFFF  }
0x98: {  	s19 =	sld [smem:$0x3FDB];
	_ =	sdelay $0x1  }
0x99: {  	s4 =	simm.s32 $_scs_section_size  }
0x9a: {  	s5 =	simm.s32 $_size__tile_overlayer_lowered;
	s6 =	simm.s32 $_tile_overlayer_lowered  }
0x9b: {  	s22 =	simm.s32 $0x1BFF;
	s21 =	sshll.u32 s6, $0x1;
	s3 =	sadd.s32 s4, s19  }
0x9c: {  	s7 =	simm.s32 $0x0;
	s20 =	sshll.u32 s5, $0x1;
	s5 =	sadd.s32 s21, s3  }
0x9d: {  	[timem:s7], [sflag:s22] =	dma.local [hbm:s5], s20  }
0x9e: {  	_ =	swait.ge [sflag:s22], s20  }
0x9f: {  	s4 =	ssub.s32 $0x0, s20;
	[sflag:s22] =	ssyncset.done $0x0  }
0xa0: {  	[sflag:s22] =	ssyncadd.s32 s4;
	_ =	sdelay $0x1  }
0xa1: {  	s23 =	simm.s32 $0x1B8B  }
0xa2: {  	_ =	swait.ge [sflag:s23], $0x1  }
0xa3: {  	[sflag:s23] =	ssyncset.done $0x0  }
0xa4: {  	s25 =	simm.s32 $0x1B8E;
	s24 =	sld [smem:$0x3FFE];
	[sflag:s23] =	ssyncadd.s32 $0xFFFFFFFF  }
0xa5: {  	s26 =	simm.s32 $execute0_lowered;
	[smem:$0x3FD2] =	sst s25  }
0xa6: {  	s5 =	sshll.u32 s26, $0x1;
	_ =	strace $0x80000049;
	[dreg:$0x1] =	wrdreg $0xFFFFFFFF  }
0xa7: {  	s28 =	simm.s32 $_size_execute0_lowered;
	s3 =	sadd.s32 s3, s5;
	[dreg:$0x0] =	wrdreg $0x0  }
0xa8: {  	s5 =	sshll.u32 s28, $0x1;
	[dreg:$0x2] =	wrdreg s3  }
0xa9: {  	[dreg:$0x3] =	wrdreg s5  }
0xaa: {  	[dreg:$0x4] =	wrdreg $0xC0  }
0xab: {  	_ =	task [dreg:s7], $0x5FFFF  }
0xac: {  	[dreg:$0x1] =	wrdreg $0xFFFFFFFF  }
0xad: {  	[dreg:$0x0] =	wrdreg $0x60  }
0xae: {  	[dreg:$0x2] =	wrdreg s24  }
0xaf: {  	[dreg:$0x3] =	wrdreg s2  }
0xb0: {  	[dreg:$0x4] =	wrdreg $0x153600  }
0xb1: {  	[dreg:$0x5] =	wrdreg $0x9  }
0xb2: {  	_ =	task.clear_ibuf [dreg:s7], $0x6FFFF;
	_ =	strace $0x90000049  }
0xb3: {  	s29 =	simm.s32 $0x9;
	_ =	strace $0x8000004B  }
0xb4: {  	_ =	swait.ge [sflag:s29], $0x1  }
0xb5: {  	[sflag:s29] =	ssyncadd.s32 $0xFFFFFFFF  }
0xb6: {  	_ =	strace $0x9000004B  }
0xb7: {  	_ =	sfence  }
0xb8: {  	s30 =	sld [smem:$0x0];
	_ =	sdelay $0x2  }
0xb9: {  	s31 =	sshll.u32 s1, $0xD;
	s1 =	sshrl.u32 s1, $0x2  }
0xba: {  	s3 =	sand.u32 $0x4000, s31;
	s1 =	sadd.s32 s1, s30  }
0xbb: {  	s0 =	sor.u32 s3, s0;
	s1 =	sshll.u32 s1, $0x11  }
0xbc: {  	s0 =	sor.u32 s1, s0  }
0xbd: {  	s0 =	sadd.s32 $0x8F2B, s0  }
0xbe: {  	[sflag:s0] =	ssyncadd.remote.s32 $0x1  }
0xbf: {  	_ =	sfence.sel $0xFFFF  }
0xc0: {  	[dreg:$0x0] =	wrdreg $0xFFFFFFFF;
	(pc) =	sbr.abs _section_cstart, $3  }
0xc1: {  	[dreg:$0x1] =	wrdreg $0xFFFFFFFF  }
0xc2: {  	_ =	task.clear_ibuf [dreg:s7], $0x2FFFF;
	_ =	strace $0x9FFFFFFF  }
0xc3: {  	(tm) =	ssettm $0x7FFFFFFF  }
tec
execute0_lowered:
.L_overlay_start_1:
0x0: {  	(tag) =	ssettag $0x1  }
0x1: {  	s0 =	rddreg [dreg:$0x0]  }
0x2: {  	s1 =	srdreg.scid;
	s8 =	stileid.u32  }
0x3: {  	s3 =	rddreg [dreg:$0x2];
	s4 =	simm.s32 $0x0;
	s28 =	simm.s32 $0x5000  }
0x4: {  	s29 =	simm.s32 $0x5800;
	s31 =	simm.s32 $0x6000;
	s30 =	simm.s32 $0x8000  }
0x5: {  	s11 =	simm.s32 $0x9;
	s12 =	simm.s32 $0xA;
	s1 =	sand.u32 $0x1, s1  }
0x6: {  	s2 =	sshll.u32 s8, $0x1;
	[smem:$0x7FF] =	sst s4;
	s13 =	smul.u32 $0x2710, s8  }
0x7: {  	s7 =	sadd.s32 $0x2B200, s0;
	s15 =	sshll.u32 s8, $0x6;
	s2 =	sor.u32 s1, s2  }
0x8: {  	s8 =	simm.s32 $0x6;
	s4 =	simm.s32 $0x0;
	s2 =	smul.u32 $0x2800, s2  }
0x9: {  	_ =	strace $0x8000004A;
	s6 =	ssub.s32 $0x2, s1;
	s16 =	smul.u32 $0x27100, s1  }
0xa: {  	p0 =	seq.s32 s1, $0x0;
	[dreg:$0x12] =	wrdreg s4;
	s2 =	sshrl.u32 s2, $0x3  }
0xb: {  	s5 =	sshrl.u32 s13, $0x3;
	s14 =	sshrl.u32 s6, $0x1;
	s2 =	sadd.s32 s2, s0  }
0xc: {  	s0 =	sadd.s32 s5, s0;
	s5 =	ssub.s32 s6, s14;
	s6 =	sor.u32 $0x1C11, s15  }
0xd: {  	s9 =	sadd.s32 s13, s3;
	s10 =	sadd.s32 $0x17400, s0;
	[dreg:$0x5] =	wrdreg s6  }
0xe: {  	s18 =	sadd.s32 s13, s16;
	s17 =	sadd.s32 $0x3400, s2;
	[dreg:$0x4] =	wrdreg s10  }
0xf: {  	s25 =	sshrl.u32 s16, $0x3;
	s2 =	sadd.s32 $0xD400, s2;
	[dreg:$0x6] =	wrdreg s17  }
0x10: {  	s13 =	simm.s32 $0xB;
	s19 =	sadd.s32 $0x1C400, s0;
	[dreg:$0x7] =	wrdreg s2  }
0x11: {  	s16 =	sadd.s32 s7, s25;
	s20 =	sadd.s32 $0x26200, s0;
	[dreg:$0x8] =	wrdreg s19  }
0x12: {  	s25 =	simm.s32 $0xF;
	s21 =	sadd.s32 $0x21220, s0;
	[dreg:$0x9] =	wrdreg s20  }
0x13: {  	s14 =	simm.s32 $0xC;
	s22 =	sadd.s32 $0x3F000, s0;
	[dreg:$0xa] =	wrdreg s21  }
0x14: {  	s15 =	simm.s32 $0xD;
	s23 =	sadd.s32 $0x49000, s0;
	[dreg:$0xc] =	wrdreg s22  }
0x15: {  	s24 =	sadd.s32 $0x44000, s0;
	s26 =	smax.u32 s5, $0x1;
	[dreg:$0xd] =	wrdreg s23  }
0x16: {  	s5 =	simm.s32 $0x4;
	s2 =	sshrl.u32 s18, $0x3;
	[dreg:$0xe] =	wrdreg s24  }
0x17: {  	[dreg:$0xf] =	wrdreg s26;
	s19 =	sshrl.u32 s9, $0x3;
	s20 =	simm.s32 $0x11  }
0x18: {  	s26 =	simm.s32 $0x80;
	s21 =	simm.s32 $0x7000;
	s23 =	simm.s32 $0x7800  }
0x19: {  	s22 =	simm.s32 $0x1;
	s24 =	simm.s32 $0x2;
	s9 =	simm.s32 $0x7  }
0x1a: {  	s10 =	simm.s32 $0x8;
	s17 =	simm.s32 $0xE;
	s2 =	sadd.s32 s7, s2  }
0x1b: {  	s18 =	simm.s32 $0x10;
	[dreg:$0xb] =	wrdreg s2;
	s2 =	simm.s32 $0x35000  }
0x1c: {  	s7 =	simm.s32 $0x5;
	[dreg:$0x11] =	wrdreg s19;
	s2 =	simm.s32 @!p0 $0x3A000  }
0x1d: {  	p0 =	sne.s32 s1, $0x0;
	s1 =	simm.s32 $0x3;
	s0 =	sadd.s32 s2, s0  }
0x1e: {  	s2 =	simm.s32 $0x8800;
	[dreg:$0x10] =	wrdreg s0;
	s0 =	simm.s32 $0x6800  }
.LBB2_1:
0x1f: {  	s4 =	rddreg [dreg:$0x4]  }
0x20: {  	[spmem:s19], [sflag:s6] =	dma.local [hbm:s4], $0x4E2  }
0x21: {  	_ =	swait.ge [sflag:s20], $0x4E2  }
0x22: {  	[sflag:s20] =	ssyncset.done $0x0  }
0x23: {  	s19 =	simm.s32 $0x0;
	s6 =	rddreg [dreg:$0x6];
	[sflag:s20] =	ssyncadd.s32 $0xFFFFFB1E  }
0x24: {  	[tilespmem:s19], [sflag:$0x11] =	stream.linear.gather [hbm4b:s6+s19], $0x2800, $0x38;
	[tilespmem:$0x17C70] =	vst v63  }
0x25: {  	_ =	swait.ge [sflag:s20], $0x2800  }
0x26: {  	[sflag:s20] =	ssyncset.done $0x0  }
0x27: {  	s6 =	simm.s32 $0x2800;
	s4 =	rddreg [dreg:$0x7];
	[sflag:s20] =	ssyncadd.s32 $0xFFFFD800  }
0x28: {  	[tilespmem:s6], [sflag:$0x11] =	stream.linear.gather [hbm4b:s4+s19], $0x2800, $0x38;
	[tilespmem:$0x17C70] =	vst v63  }
0x29: {  	_ =	swait.ge [sflag:s20], $0x2800  }
0x2a: {  	[sflag:s20] =	ssyncset.done $0x0  }
0x2b: {  	s6 =	simm.s32 $0x9000;
	s4 =	rddreg [dreg:$0x8];
	[sflag:s20] =	ssyncadd.s32 $0xFFFFD800  }
0x2c: {  	[tilespmem:s6], [sflag:$0x11] =	stream.linear.gather [hbm4b:s4+s19], $0x2710, $0x38;
	[tilespmem:$0x17C70] =	vst v63  }
0x2d: {  	_ =	swait.ge [sflag:s20], $0x2710  }
0x2e: {  	[sflag:s20] =	ssyncset.done $0x0  }
0x2f: {  	s6 =	simm.s32 $0xB710;
	s4 =	rddreg [dreg:$0x9];
	[sflag:s20] =	ssyncadd.s32 $0xFFFFD8F0  }
0x30: {  	[tilespmem:s6], [sflag:$0x11] =	stream.linear.gather [hbm4b:s4+s19], $0x2710, $0x38;
	[tilespmem:$0x17C70] =	vst v63  }
0x31: {  	_ =	swait.ge [sflag:s20], $0x2710  }
0x32: {  	[sflag:s20] =	ssyncset.done $0x0  }
0x33: {  	[sflag:s20] =	ssyncadd.s32 $0xFFFFD8F0  }
0x34: {  	s6 =	simm.s32 $0x15350;
	s4 =	rddreg [dreg:$0x1]  }
0x35: {  	[tilespmem:s6], [sflag:$0x11] =	stream.linear.gather [hbm4b:s4+s19], $0x10, $0x38;
	[tilespmem:$0x17C70] =	vst v63  }
0x36: {  	_ =	swait.ge [sflag:s20], $0x10  }
0x37: {  	[sflag:s20] =	ssyncset.done $0x0  }
0x38: {  	s6 =	simm.s32 $0xDE20;
	s4 =	rddreg [dreg:$0xa];
	[sflag:s20] =	ssyncadd.s32 $0xFFFFFFF0  }
0x39: {  	[tilespmem:s6], [sflag:$0x11] =	stream.linear.gather [hbm4b:s4+s19], $0x2710, $0x38;
	[tilespmem:$0x17C70] =	vst v63  }
0x3a: {  	_ =	swait.ge [sflag:s20], $0x2710  }
0x3b: {  	[sflag:s20] =	ssyncset.done $0x0  }
0x3c: {  	s4 =	simm.s32 $0x0;
	[sflag:s20] =	ssyncadd.s32 $0xFFFFD8F0  }
0x3d: {  	v0 =	vld [tilespmem:s4+$0x9000]  }
0x3e: {  	v1 =	vld [tilespmem:s4+$0xDE20];
	_ =	sdelay $0x4  }
0x3f: {  	v0 =	vadd.f32 v1, v0;
	_ =	sdelay $0x1  }
0x40: {  	v0 =	vadd.f32 $1.000000000e+00, v0;
	_ =	sdelay $0x1  }
0x41: {  	v1 =	vshra.s32 v0, $0x1;
	v0 =	vmul.f32 $5.000000000e-01, v0  }
0x42: {  	v1 =	vsub.s32 $0x5F3759DF, v1  }
0x43: {  	v2 =	vmul.f32 v1, v0;
	_ =	sdelay $0x1  }
0x44: {  	v2 =	vmul.f32 v1, v2;
	_ =	sdelay $0x1  }
0x45: {  	v2 =	vsub.f32 $1.500000000e+00, v2;
	_ =	sdelay $0x1  }
0x46: {  	v1 =	vmul.f32 v1, v2;
	_ =	sdelay $0x1  }
0x47: {  	v2 =	vmul.f32 v1, v0;
	_ =	sdelay $0x1  }
0x48: {  	v2 =	vmul.f32 v2, v1;
	_ =	sdelay $0x1  }
0x49: {  	v2 =	vsub.f32 $1.500000000e+00, v2;
	_ =	sdelay $0x1  }
0x4a: {  	v2 =	vmul.f32 v2, v1;
	_ =	sdelay $0x1  }
0x4b: {  	v0 =	vmul.f32 v2, v0;
	_ =	sdelay $0x1  }
0x4c: {  	v0 =	vmul.f32 v0, v2  }
0x4d: {  	v1 =	vld [tilespmem:s4+$0xB710]  }
0x4e: {  	v3 =	vsub.f32 $1.500000000e+00, v0;
	_ =	sdelay $0x1  }
0x4f: {  	s19 =	simm.s32 $0x40;
	s6 =	simm.s32 $0x80;
	v0 =	vld [tilespmem:$0x15350];
	v2 =	vmul.f32 v3, v2  }
.LBB2_2:
0x50: {  	p1 =	sne.s32 s6, $0x9C00  }
0x51: {  	v3 =	vmul.f32 v2, v2;
	v4 =	vmul.f32 v2, v1;
	[tilespmem:s4+$0x9000] =	vst v2  }
0x52: {  	s20 =	sshra.s32 s19, $0x2;
	s19 =	smov.u32 s6  }
0x53: {  	v2 =	vld [tilespmem:s20+$0x9000];
	[tilespmem:s4+$0xDE20] =	vst v4;
	v1 =	vmul.f32 v3, v1  }
0x54: {  	v4 =	vld [tilespmem:s20+$0xDE20];
	[tilespmem:s4+$0x12C40] =	vst v3  }
0x55: {  	v1 =	vadd.f32 v1, v0;
	_ =	sdelay $0x1  }
0x56: {  	[tilespmem:s4+$0x10530] =	vst v1;
	s4 =	smov.u32 s20;
	_ =	sdelay $0x1  }
0x57: {  	v1 =	vadd.f32 v4, v2;
	_ =	sdelay $0x1  }
0x58: {  	v1 =	vadd.f32 $1.000000000e+00, v1;
	_ =	sdelay $0x1  }
0x59: {  	v2 =	vshra.s32 v1, $0x1;
	v1 =	vmul.f32 $5.000000000e-01, v1  }
0x5a: {  	v2 =	vsub.s32 $0x5F3759DF, v2  }
0x5b: {  	v3 =	vmul.f32 v2, v1;
	_ =	sdelay $0x1  }
0x5c: {  	v3 =	vmul.f32 v2, v3;
	_ =	sdelay $0x1  }
0x5d: {  	v3 =	vsub.f32 $1.500000000e+00, v3;
	_ =	sdelay $0x1  }
0x5e: {  	v2 =	vmul.f32 v2, v3;
	_ =	sdelay $0x1  }
0x5f: {  	v3 =	vmul.f32 v2, v1;
	_ =	sdelay $0x1  }
0x60: {  	v3 =	vmul.f32 v3, v2;
	_ =	sdelay $0x1  }
0x61: {  	v3 =	vsub.f32 $1.500000000e+00, v3;
	_ =	sdelay $0x1  }
0x62: {  	v2 =	vmul.f32 v3, v2;
	_ =	sdelay $0x1  }
0x63: {  	v1 =	vmul.f32 v2, v1;
	_ =	sdelay $0x1  }
.Ltmp0:
0x64: {  	v3 =	vmul.f32 v1, v2;
	(pc) =	sbr.rel @p1 .LBB2_2-.Ltmp0, $3  }
0x65: {  	v1 =	vld [tilespmem:s4+$0xB710]  }
0x66: {  	v3 =	vsub.f32 $1.500000000e+00, v3;
	_ =	sdelay $0x1  }
0x67: {  	s6 =	sadd.s32 $0x40, s6;
	v2 =	vmul.f32 v3, v2  }
0x68: {  	_ = 	snop  }
0x69: {  	v3 =	vmul.f32 v2, v1  }
0x6a: {  	s6 =	sshra.s32 s19, $0x2;
	[tilespmem:s4+$0x9000] =	vst v2  }
0x6b: {  	v4 =	vld [tilespmem:s6+$0x9000];
	[tilespmem:s4+$0xDE20] =	vst v3  }
0x6c: {  	v3 =	vld [tilespmem:s6+$0xDE20];
	_ =	sdelay $0x4  }
0x6d: {  	v3 =	vadd.f32 v3, v4;
	_ =	sdelay $0x1  }
0x6e: {  	v3 =	vadd.f32 $1.000000000e+00, v3;
	_ =	sdelay $0x1  }
0x6f: {  	v58 =	vshra.s32 v3, $0x1;
	v3 =	vmul.f32 $5.000000000e-01, v3  }
0x70: {  	v4 =	vsub.s32 $0x5F3759DF, v58  }
0x71: {  	v5 =	vmul.f32 v4, v3;
	_ =	sdelay $0x1  }
0x72: {  	v5 =	vmul.f32 v4, v5;
	_ =	sdelay $0x1  }
0x73: {  	v5 =	vsub.f32 $1.500000000e+00, v5;
	_ =	sdelay $0x1  }
0x74: {  	v4 =	vmul.f32 v4, v5;
	_ =	sdelay $0x1  }
0x75: {  	v5 =	vmul.f32 v4, v3;
	_ =	sdelay $0x1  }
0x76: {  	v5 =	vmul.f32 v5, v4;
	_ =	sdelay $0x1  }
0x77: {  	v5 =	vsub.f32 $1.500000000e+00, v5;
	_ =	sdelay $0x1  }
0x78: {  	v59 =	vmul.f32 v2, v2;
	v4 =	vmul.f32 v5, v4;
	_ =	sdelay $0x1  }
0x79: {  	v60 =	vmul.f32 v59, v1;
	v3 =	vmul.f32 v4, v3;
	_ =	sdelay $0x1  }
0x7a: {  	v1 =	vadd.f32 v60, v0;
	v3 =	vmul.f32 v3, v4  }
0x7b: {  	[tilespmem:s4+$0x12C40] =	vst v59  }
0x7c: {  	[tilespmem:s4+$0x10530] =	vst v1;
	v61 =	vsub.f32 $1.500000000e+00, v3  }
0x7d: {  	v2 =	vld [tilespmem:s6+$0xB710]  }
0x7e: {  	v1 =	vmul.f32 v61, v4;
	_ =	sdelay $0x1  }
0x7f: {  	v62 =	vmul.f32 v1, v1;
	_ =	sdelay $0x1  }
0x80: {  	v4 =	vmul.f32 v1, v2;
	v2 =	vmul.f32 v62, v2  }
0x81: {  	[tilespmem:s6+$0x9000] =	vst v1  }
0x82: {  	[tilespmem:s6+$0xDE20] =	vst v4;
	v63 =	vadd.f32 v2, v0  }
0x83: {  	s20 =	simm.s32 $0xDE20;
	[tilespmem:s6+$0x12C40] =	vst v62  }
0x84: {  	s19 =	simm.s32 $0x11;
	s4 =	simm.s32 $0x0;
	[tilespmem:s6+$0x10530] =	vst v63;
	s6 =	rddreg [dreg:$0xb]  }
0x85: {  	[hbm4b:s6+s4] =	stream.linear.scatter [tilespmem:s20], [sflag:$0x11], $0x2710, $0x38;
	[tilespmem:$0x17C70] =	vst v63  }
0x86: {  	_ =	swait.ge [sflag:s19], $0x2710  }
0x87: {  	s4 =	simm.s32 @!p0 $0x0;
	[sflag:s19] =	ssyncset.done $0x0  }
0x88: {  	s6 =	simm.s32 @!p0 $0x10530;
	[sflag:s19] =	ssyncadd.s32 $0xFFFFD8F0;
	s19 =	rddreg [dreg:$0xc]  }
0x89: {  	[hbm4b:s19+s4] =	stream.linear.scatter @!p0 [tilespmem:s6], [sflag:$0x11], $0x2710, $0x38;
	[tilespmem:$0x17C70] =	vst v63  }
0x8a: {  	s6 =	simm.s32 @!p0 $0x11  }
0x8b: {  	_ =	swait.ge @!p0 [sflag:s6], $0x2710  }
0x8c: {  	[sflag:s6] =	ssyncset.done @!p0 $0x0  }
0x8d: {  	s19 =	simm.s32 @!p0 $0x9000;
	s20 =	rddreg [dreg:$0xd];
	[sflag:s6] =	ssyncadd.s32 @!p0 $0xFFFFD8F0  }
0x8e: {  	[hbm4b:s20+s4] =	stream.linear.scatter @!p0 [tilespmem:s19], [sflag:$0x11], $0x2710, $0x38;
	[tilespmem:$0x17C70] =	vst v63  }
0x8f: {  	_ =	swait.ge @!p0 [sflag:s6], $0x2710  }
0x90: {  	[sflag:s6] =	ssyncset.done @!p0 $0x0  }
0x91: {  	s19 =	simm.s32 @!p0 $0x12C40;
	s20 =	rddreg [dreg:$0xe];
	[sflag:s6] =	ssyncadd.s32 @!p0 $0xFFFFD8F0  }
0x92: {  	[hbm4b:s20+s4] =	stream.linear.scatter @!p0 [tilespmem:s19], [sflag:$0x11], $0x2710, $0x38;
	[tilespmem:$0x17C70] =	vst v63  }
0x93: {  	_ =	swait.ge @!p0 [sflag:s6], $0x2710  }
0x94: {  	[sflag:s6] =	ssyncset.done @!p0 $0x0  }
0x95: {  	[sflag:s6] =	ssyncadd.s32 @!p0 $0xFFFFD8F0  }
0x96: {  	s20 =	simm.s32 $0x0;
	[bflag:$0x0] =	sbarrier.arrive $0xFFFF  }
0x97: {  	[tilespmem:s28], [sflag:$0x1] =	stream.indirect.gather [hbm4b:s16+s26], $0x10, s20, s26, $0xb8;
	[tilespmem:$0x17C70] =	vst v63  }
0x98: {  	_ = 	snop  }
0x99: {  	[tilespmem:s29], [sflag:$0x2] =	stream.indirect.gather [hbm4b:s16+s26], $0x10, s26, s26, $0xb8;
	[tilespmem:$0x17C70] =	vst v63  }
0x9a: {  	s6 =	simm.s32 $0x100  }
0x9b: {  	[tilespmem:s31], [sflag:$0x3] =	stream.indirect.gather [hbm4b:s16+s26], $0x10, s6, s26, $0xb8;
	[tilespmem:$0x17C70] =	vst v63  }
0x9c: {  	s19 =	simm.s32 $0x180  }
0x9d: {  	[tilespmem:s0], [sflag:$0x4] =	stream.indirect.gather [hbm4b:s16+s26], $0x10, s19, s26, $0xb8;
	[tilespmem:$0x17C70] =	vst v63  }
0x9e: {  	s20 =	simm.s32 $0x200  }
0x9f: {  	[tilespmem:s21], [sflag:$0x5] =	stream.indirect.gather [hbm4b:s16+s26], $0x10, s20, s26, $0xb8;
	[tilespmem:$0x17C70] =	vst v63  }
0xa0: {  	s6 =	simm.s32 $0x280  }
0xa1: {  	[tilespmem:s23], [sflag:$0x6] =	stream.indirect.gather [hbm4b:s16+s26], $0x10, s6, s26, $0xb8;
	[tilespmem:$0x17C70] =	vst v63  }
0xa2: {  	s19 =	simm.s32 $0x300  }
0xa3: {  	[tilespmem:s30], [sflag:$0x7] =	stream.indirect.gather [hbm4b:s16+s26], $0x10, s19, s26, $0xb8;
	[tilespmem:$0x17C70] =	vst v63  }
0xa4: {  	s20 =	simm.s32 $0x380  }
0xa5: {  	[tilespmem:s2], [sflag:$0x8] =	stream.indirect.gather [hbm4b:s16+s26], $0x10, s20, s26, $0xb8;
	[tilespmem:$0x17C70] =	vst v63  }
0xa6: {  	_ =	swait.ge [sflag:s22], $0x800  }
0xa7: {  	[sflag:s22] =	ssyncset.done $0x0  }
0xa8: {  	s6 =	simm.s32 $0x2800;
	[sflag:s22] =	ssyncadd.s32 $0xFFFFF800  }
0xa9: {  	[spmem:s3] =	stream.indirect.scatter.add.f32 [tilespmem:s28], [sflag:$0x9], $0x10, s6, s26, $0xb8;
	[tilespmem:$0x17C70] =	vst v63  }
0xaa: {  	_ =	swait.ge [sflag:s24], $0x800  }
0xab: {  	[sflag:s24] =	ssyncset.done $0x0  }
0xac: {  	s19 =	simm.s32 $0x2880;
	[sflag:s24] =	ssyncadd.s32 $0xFFFFF800  }
0xad: {  	[spmem:s3] =	stream.indirect.scatter.add.f32 [tilespmem:s29], [sflag:$0xA], $0x10, s19, s26, $0xb8;
	[tilespmem:$0x17C70] =	vst v63  }
0xae: {  	_ =	swait.ge [sflag:s1], $0x800  }
0xaf: {  	[sflag:s1] =	ssyncset.done $0x0  }
0xb0: {  	s20 =	simm.s32 $0x2900;
	[sflag:s1] =	ssyncadd.s32 $0xFFFFF800  }
0xb1: {  	[spmem:s3] =	stream.indirect.scatter.add.f32 [tilespmem:s31], [sflag:$0xB], $0x10, s20, s26, $0xb8;
	[tilespmem:$0x17C70] =	vst v63  }
0xb2: {  	_ =	swait.ge [sflag:s5], $0x800  }
0xb3: {  	[sflag:s5] =	ssyncset.done $0x0  }
0xb4: {  	s6 =	simm.s32 $0x2980;
	[sflag:s5] =	ssyncadd.s32 $0xFFFFF800  }
0xb5: {  	[spmem:s3] =	stream.indirect.scatter.add.f32 [tilespmem:s0], [sflag:$0xC], $0x10, s6, s26, $0xb8;
	[tilespmem:$0x17C70] =	vst v63  }
0xb6: {  	_ =	swait.ge [sflag:s7], $0x800  }
0xb7: {  	[sflag:s7] =	ssyncset.done $0x0  }
0xb8: {  	s19 =	simm.s32 $0x2A00;
	[sflag:s7] =	ssyncadd.s32 $0xFFFFF800  }
0xb9: {  	[spmem:s3] =	stream.indirect.scatter.add.f32 [tilespmem:s21], [sflag:$0xD], $0x10, s19, s26, $0xb8;
	[tilespmem:$0x17C70] =	vst v63  }
0xba: {  	_ =	swait.ge [sflag:s8], $0x800  }
0xbb: {  	[sflag:s8] =	ssyncset.done $0x0  }
0xbc: {  	s20 =	simm.s32 $0x2A80;
	[sflag:s8] =	ssyncadd.s32 $0xFFFFF800  }
0xbd: {  	[spmem:s3] =	stream.indirect.scatter.add.f32 [tilespmem:s23], [sflag:$0xE], $0x10, s20, s26, $0xb8;
	[tilespmem:$0x17C70] =	vst v63  }
0xbe: {  	_ =	swait.ge [sflag:s9], $0x800  }
0xbf: {  	[sflag:s9] =	ssyncset.done $0x0  }
0xc0: {  	s6 =	simm.s32 $0x2B00;
	[sflag:s9] =	ssyncadd.s32 $0xFFFFF800  }
0xc1: {  	[spmem:s3] =	stream.indirect.scatter.add.f32 [tilespmem:s30], [sflag:$0xF], $0x10, s6, s26, $0xb8;
	[tilespmem:$0x17C70] =	vst v63  }
0xc2: {  	_ =	swait.ge [sflag:s10], $0x800  }
0xc3: {  	[sflag:s10] =	ssyncset.done $0x0  }
0xc4: {  	s19 =	simm.s32 $0x2B80;
	[sflag:s10] =	ssyncadd.s32 $0xFFFFF800  }
0xc5: {  	[spmem:s3] =	stream.indirect.scatter.add.f32 [tilespmem:s2], [sflag:$0x10], $0x10, s19, s26, $0xb8;
	[tilespmem:$0x17C70] =	vst v63  }
0xc6: {  	_ =	swait.ge [sflag:s11], $0x800  }
0xc7: {  	[sflag:s11] =	ssyncset.done $0x0  }
0xc8: {  	s20 =	simm.s32 $0x400;
	[sflag:s11] =	ssyncadd.s32 $0xFFFFF800  }
0xc9: {  	[tilespmem:s28], [sflag:$0x1] =	stream.indirect.gather [hbm4b:s16+s26], $0x10, s20, s26, $0xb8;
	[tilespmem:$0x17C70] =	vst v63  }
0xca: {  	_ =	swait.ge [sflag:s12], $0x800  }
0xcb: {  	[sflag:s12] =	ssyncset.done $0x0  }
0xcc: {  	s6 =	simm.s32 $0x480;
	[sflag:s12] =	ssyncadd.s32 $0xFFFFF800  }
0xcd: {  	[tilespmem:s29], [sflag:$0x2] =	stream.indirect.gather [hbm4b:s16+s26], $0x10, s6, s26, $0xb8;
	[tilespmem:$0x17C70] =	vst v63  }
0xce: {  	_ =	swait.ge [sflag:s13], $0x800  }
0xcf: {  	[sflag:s13] =	ssyncset.done $0x0  }
0xd0: {  	s19 =	simm.s32 $0x500;
	[sflag:s13] =	ssyncadd.s32 $0xFFFFF800  }
0xd1: {  	[tilespmem:s31], [sflag:$0x3] =	stream.indirect.gather [hbm4b:s16+s26], $0x10, s19, s26, $0xb8;
	[tilespmem:$0x17C70] =	vst v63  }
0xd2: {  	_ =	swait.ge [sflag:s14], $0x800  }
0xd3: {  	[sflag:s14] =	ssyncset.done $0x0  }
0xd4: {  	s20 =	simm.s32 $0x580;
	[sflag:s14] =	ssyncadd.s32 $0xFFFFF800  }
0xd5: {  	[tilespmem:s0], [sflag:$0x4] =	stream.indirect.gather [hbm4b:s16+s26], $0x10, s20, s26, $0xb8;
	[tilespmem:$0x17C70] =	vst v63  }
0xd6: {  	_ =	swait.ge [sflag:s15], $0x800  }
0xd7: {  	[sflag:s15] =	ssyncset.done $0x0  }
0xd8: {  	s6 =	simm.s32 $0x600;
	[sflag:s15] =	ssyncadd.s32 $0xFFFFF800  }
0xd9: {  	[tilespmem:s21], [sflag:$0x5] =	stream.indirect.gather [hbm4b:s16+s26], $0x10, s6, s26, $0xb8;
	[tilespmem:$0x17C70] =	vst v63  }
0xda: {  	_ =	swait.ge [sflag:s17], $0x800  }
0xdb: {  	[sflag:s17] =	ssyncset.done $0x0  }
0xdc: {  	s19 =	simm.s32 $0x680;
	[sflag:s17] =	ssyncadd.s32 $0xFFFFF800  }
0xdd: {  	[tilespmem:s23], [sflag:$0x6] =	stream.indirect.gather [hbm4b:s16+s26], $0x10, s19, s26, $0xb8;
	[tilespmem:$0x17C70] =	vst v63  }
0xde: {  	_ =	swait.ge [sflag:s25], $0x800  }
0xdf: {  	[sflag:s25] =	ssyncset.done $0x0  }
0xe0: {  	s20 =	simm.s32 $0x700;
	[sflag:s25] =	ssyncadd.s32 $0xFFFFF800  }
0xe1: {  	[tilespmem:s30], [sflag:$0x7] =	stream.indirect.gather [hbm4b:s16+s26], $0x10, s20, s26, $0xb8;
	[tilespmem:$0x17C70] =	vst v63  }
0xe2: {  	_ =	swait.ge [sflag:s18], $0x800  }
0xe3: {  	[sflag:s18] =	ssyncset.done $0x0  }
0xe4: {  	s4 =	simm.s32 $0x780;
	s19 =	simm.s32 $0x1000;
	[sflag:s18] =	ssyncadd.s32 $0xFFFFF800  }
.LBB2_4:
0xe5: {  	[tilespmem:s2], [sflag:$0x8] =	stream.indirect.gather [hbm4b:s16+s26], $0x10, s4, s26, $0xb8;
	[tilespmem:$0x17C70] =	vst v63  }
0xe6: {  	s4 =	smov.u32 s19  }
0xe7: {  	p1 =	sne.s32 s19, $0x8000;
	s19 =	sadd.s32 $0x1000, s19;
	_ =	swait.ge [sflag:s22], $0x800  }
0xe8: {  	s4 =	sshra.s32 s4, $0x2;
	[sflag:s22] =	ssyncset.done $0x0  }
0xe9: {  	s6 =	sadd.s32 $0x2800, s4;
	[sflag:s22] =	ssyncadd.s32 $0xFFFFF800  }
0xea: {  	[spmem:s3] =	stream.indirect.scatter.add.f32 [tilespmem:s28], [sflag:$0x9], $0x10, s6, s26, $0xb8;
	[tilespmem:$0x17C70] =	vst v63  }
0xeb: {  	_ =	swait.ge [sflag:s24], $0x800  }
0xec: {  	[sflag:s24] =	ssyncset.done $0x0  }
0xed: {  	s6 =	sadd.s32 $0x2880, s4;
	[sflag:s24] =	ssyncadd.s32 $0xFFFFF800  }
0xee: {  	[spmem:s3] =	stream.indirect.scatter.add.f32 [tilespmem:s29], [sflag:$0xA], $0x10, s6, s26, $0xb8;
	[tilespmem:$0x17C70] =	vst v63  }
0xef: {  	_ =	swait.ge [sflag:s1], $0x800  }
0xf0: {  	[sflag:s1] =	ssyncset.done $0x0  }
0xf1: {  	s6 =	sadd.s32 $0x2900, s4;
	[sflag:s1] =	ssyncadd.s32 $0xFFFFF800  }
0xf2: {  	[spmem:s3] =	stream.indirect.scatter.add.f32 [tilespmem:s31], [sflag:$0xB], $0x10, s6, s26, $0xb8;
	[tilespmem:$0x17C70] =	vst v63  }
0xf3: {  	_ =	swait.ge [sflag:s5], $0x800  }
0xf4: {  	[sflag:s5] =	ssyncset.done $0x0  }
0xf5: {  	s6 =	sadd.s32 $0x2980, s4;
	[sflag:s5] =	ssyncadd.s32 $0xFFFFF800  }
0xf6: {  	[spmem:s3] =	stream.indirect.scatter.add.f32 [tilespmem:s0], [sflag:$0xC], $0x10, s6, s26, $0xb8;
	[tilespmem:$0x17C70] =	vst v63  }
0xf7: {  	_ =	swait.ge [sflag:s7], $0x800  }
0xf8: {  	[sflag:s7] =	ssyncset.done $0x0  }
0xf9: {  	s6 =	sadd.s32 $0x2A00, s4;
	[sflag:s7] =	ssyncadd.s32 $0xFFFFF800  }
0xfa: {  	[spmem:s3] =	stream.indirect.scatter.add.f32 [tilespmem:s21], [sflag:$0xD], $0x10, s6, s26, $0xb8;
	[tilespmem:$0x17C70] =	vst v63  }
0xfb: {  	_ =	swait.ge [sflag:s8], $0x800  }
0xfc: {  	[sflag:s8] =	ssyncset.done $0x0  }
0xfd: {  	s6 =	sadd.s32 $0x2A80, s4;
	[sflag:s8] =	ssyncadd.s32 $0xFFFFF800  }
0xfe: {  	[spmem:s3] =	stream.indirect.scatter.add.f32 [tilespmem:s23], [sflag:$0xE], $0x10, s6, s26, $0xb8;
	[tilespmem:$0x17C70] =	vst v63  }
0xff: {  	_ =	swait.ge [sflag:s9], $0x800  }
0x100: {  	[sflag:s9] =	ssyncset.done $0x0  }
0x101: {  	s6 =	sadd.s32 $0x2B00, s4;
	[sflag:s9] =	ssyncadd.s32 $0xFFFFF800  }
0x102: {  	[spmem:s3] =	stream.indirect.scatter.add.f32 [tilespmem:s30], [sflag:$0xF], $0x10, s6, s26, $0xb8;
	[tilespmem:$0x17C70] =	vst v63  }
0x103: {  	_ =	swait.ge [sflag:s10], $0x800  }
0x104: {  	[sflag:s10] =	ssyncset.done $0x0  }
0x105: {  	s6 =	sadd.s32 $0x2B80, s4;
	[sflag:s10] =	ssyncadd.s32 $0xFFFFF800  }
0x106: {  	[spmem:s3] =	stream.indirect.scatter.add.f32 [tilespmem:s2], [sflag:$0x10], $0x10, s6, s26, $0xb8;
	[tilespmem:$0x17C70] =	vst v63  }
0x107: {  	_ =	swait.ge [sflag:s11], $0x800  }
0x108: {  	[sflag:s11] =	ssyncset.done $0x0  }
0x109: {  	s6 =	sadd.s32 $0x400, s4;
	[sflag:s11] =	ssyncadd.s32 $0xFFFFF800  }
0x10a: {  	[tilespmem:s28], [sflag:$0x1] =	stream.indirect.gather [hbm4b:s16+s26], $0x10, s6, s26, $0xb8;
	[tilespmem:$0x17C70] =	vst v63  }
0x10b: {  	_ =	swait.ge [sflag:s12], $0x800  }
0x10c: {  	[sflag:s12] =	ssyncset.done $0x0  }
0x10d: {  	s6 =	sadd.s32 $0x480, s4;
	[sflag:s12] =	ssyncadd.s32 $0xFFFFF800  }
0x10e: {  	[tilespmem:s29], [sflag:$0x2] =	stream.indirect.gather [hbm4b:s16+s26], $0x10, s6, s26, $0xb8;
	[tilespmem:$0x17C70] =	vst v63  }
0x10f: {  	_ =	swait.ge [sflag:s13], $0x800  }
0x110: {  	[sflag:s13] =	ssyncset.done $0x0  }
0x111: {  	s6 =	sadd.s32 $0x500, s4;
	[sflag:s13] =	ssyncadd.s32 $0xFFFFF800  }
0x112: {  	[tilespmem:s31], [sflag:$0x3] =	stream.indirect.gather [hbm4b:s16+s26], $0x10, s6, s26, $0xb8;
	[tilespmem:$0x17C70] =	vst v63  }
0x113: {  	_ =	swait.ge [sflag:s14], $0x800  }
0x114: {  	[sflag:s14] =	ssyncset.done $0x0  }
0x115: {  	s6 =	sadd.s32 $0x580, s4;
	[sflag:s14] =	ssyncadd.s32 $0xFFFFF800  }
0x116: {  	[tilespmem:s0], [sflag:$0x4] =	stream.indirect.gather [hbm4b:s16+s26], $0x10, s6, s26, $0xb8;
	[tilespmem:$0x17C70] =	vst v63  }
0x117: {  	_ =	swait.ge [sflag:s15], $0x800  }
0x118: {  	[sflag:s15] =	ssyncset.done $0x0  }
0x119: {  	s6 =	sadd.s32 $0x600, s4;
	[sflag:s15] =	ssyncadd.s32 $0xFFFFF800  }
0x11a: {  	[tilespmem:s21], [sflag:$0x5] =	stream.indirect.gather [hbm4b:s16+s26], $0x10, s6, s26, $0xb8;
	[tilespmem:$0x17C70] =	vst v63  }
0x11b: {  	_ =	swait.ge [sflag:s17], $0x800  }
0x11c: {  	[sflag:s17] =	ssyncset.done $0x0  }
0x11d: {  	s6 =	sadd.s32 $0x680, s4;
	[sflag:s17] =	ssyncadd.s32 $0xFFFFF800  }
0x11e: {  	[tilespmem:s23], [sflag:$0x6] =	stream.indirect.gather [hbm4b:s16+s26], $0x10, s6, s26, $0xb8;
	[tilespmem:$0x17C70] =	vst v63  }
0x11f: {  	_ =	swait.ge [sflag:s25], $0x800  }
0x120: {  	[sflag:s25] =	ssyncset.done $0x0  }
.Ltmp1:
0x121: {  	s6 =	sadd.s32 $0x700, s4;
	[sflag:s25] =	ssyncadd.s32 $0xFFFFF800;
	(pc) =	sbr.rel @p1 .LBB2_4-.Ltmp1, $4  }
0x122: {  	[tilespmem:s30], [sflag:$0x7] =	stream.indirect.gather [hbm4b:s16+s26], $0x10, s6, s26, $0xb8;
	[tilespmem:$0x17C70] =	vst v63  }
0x123: {  	_ =	swait.ge [sflag:s18], $0x800  }
0x124: {  	[sflag:s18] =	ssyncset.done $0x0  }
0x125: {  	s4 =	sadd.s32 $0x780, s4;
	[sflag:s18] =	ssyncadd.s32 $0xFFFFF800  }
0x126: {  	[tilespmem:s2], [sflag:$0x8] =	stream.indirect.gather [hbm4b:s16+s26], $0x10, s4, s26, $0xb8;
	[tilespmem:$0x17C70] =	vst v63  }
0x127: {  	_ =	swait.ge [sflag:s22], $0x800  }
0x128: {  	[sflag:s22] =	ssyncset.done $0x0  }
0x129: {  	s6 =	simm.s32 $0x4C00;
	[sflag:s22] =	ssyncadd.s32 $0xFFFFF800  }
0x12a: {  	[spmem:s3] =	stream.indirect.scatter.add.f32 [tilespmem:s28], [sflag:$0x9], $0x10, s6, s26, $0xb8;
	[tilespmem:$0x17C70] =	vst v63  }
0x12b: {  	_ =	swait.ge [sflag:s24], $0x800  }
0x12c: {  	[sflag:s24] =	ssyncset.done $0x0  }
0x12d: {  	s19 =	simm.s32 $0x4C80;
	[sflag:s24] =	ssyncadd.s32 $0xFFFFF800  }
0x12e: {  	[spmem:s3] =	stream.indirect.scatter.add.f32 [tilespmem:s29], [sflag:$0xA], $0x10, s19, s26, $0xb8;
	[tilespmem:$0x17C70] =	vst v63  }
0x12f: {  	_ =	swait.ge [sflag:s1], $0x800  }
0x130: {  	[sflag:s1] =	ssyncset.done $0x0  }
0x131: {  	s20 =	simm.s32 $0x4D00;
	[sflag:s1] =	ssyncadd.s32 $0xFFFFF800  }
0x132: {  	[spmem:s3] =	stream.indirect.scatter.add.f32 [tilespmem:s31], [sflag:$0xB], $0x10, s20, s26, $0xb8;
	[tilespmem:$0x17C70] =	vst v63  }
0x133: {  	_ =	swait.ge [sflag:s5], $0x800  }
0x134: {  	[sflag:s5] =	ssyncset.done $0x0  }
0x135: {  	s6 =	simm.s32 $0x4D80;
	[sflag:s5] =	ssyncadd.s32 $0xFFFFF800  }
0x136: {  	[spmem:s3] =	stream.indirect.scatter.add.f32 [tilespmem:s0], [sflag:$0xC], $0x10, s6, s26, $0xb8;
	[tilespmem:$0x17C70] =	vst v63  }
0x137: {  	_ =	swait.ge [sflag:s7], $0x800  }
0x138: {  	[sflag:s7] =	ssyncset.done $0x0  }
0x139: {  	s19 =	simm.s32 $0x4E00;
	[sflag:s7] =	ssyncadd.s32 $0xFFFFF800  }
0x13a: {  	[spmem:s3] =	stream.indirect.scatter.add.f32 [tilespmem:s21], [sflag:$0xD], $0x10, s19, s26, $0xb8;
	[tilespmem:$0x17C70] =	vst v63  }
0x13b: {  	_ =	swait.ge [sflag:s8], $0x800  }
0x13c: {  	[sflag:s8] =	ssyncset.done $0x0  }
0x13d: {  	s20 =	simm.s32 $0x4E80;
	[sflag:s8] =	ssyncadd.s32 $0xFFFFF800  }
0x13e: {  	[spmem:s3] =	stream.indirect.scatter.add.f32 [tilespmem:s23], [sflag:$0xE], $0x10, s20, s26, $0xb8;
	[tilespmem:$0x17C70] =	vst v63  }
0x13f: {  	_ =	swait.ge [sflag:s9], $0x800  }
0x140: {  	[sflag:s9] =	ssyncset.done $0x0  }
0x141: {  	s6 =	simm.s32 $0x4F00;
	[sflag:s9] =	ssyncadd.s32 $0xFFFFF800  }
0x142: {  	[spmem:s3] =	stream.indirect.scatter.add.f32 [tilespmem:s30], [sflag:$0xF], $0x10, s6, s26, $0xb8;
	[tilespmem:$0x17C70] =	vst v63  }
0x143: {  	_ =	swait.ge [sflag:s10], $0x800  }
0x144: {  	[sflag:s10] =	ssyncset.done $0x0  }
0x145: {  	s19 =	simm.s32 $0x4F80;
	[sflag:s10] =	ssyncadd.s32 $0xFFFFF800  }
0x146: {  	[spmem:s3] =	stream.indirect.scatter.add.f32 [tilespmem:s2], [sflag:$0x10], $0x10, s19, s26, $0xb8;
	[tilespmem:$0x17C70] =	vst v63  }
0x147: {  	_ =	swait.ge [sflag:s11], $0x800  }
0x148: {  	[sflag:s11] =	ssyncset.done $0x0  }
0x149: {  	[sflag:s11] =	ssyncadd.s32 $0xFFFFF800  }
0x14a: {  	_ =	swait.ge [sflag:s12], $0x800  }
0x14b: {  	[sflag:s12] =	ssyncset.done $0x0  }
0x14c: {  	[sflag:s12] =	ssyncadd.s32 $0xFFFFF800  }
0x14d: {  	_ =	swait.ge [sflag:s13], $0x800  }
0x14e: {  	[sflag:s13] =	ssyncset.done $0x0  }
0x14f: {  	[sflag:s13] =	ssyncadd.s32 $0xFFFFF800  }
0x150: {  	_ =	swait.ge [sflag:s14], $0x800  }
0x151: {  	[sflag:s14] =	ssyncset.done $0x0  }
0x152: {  	[sflag:s14] =	ssyncadd.s32 $0xFFFFF800  }
0x153: {  	_ =	swait.ge [sflag:s15], $0x800  }
0x154: {  	[sflag:s15] =	ssyncset.done $0x0  }
0x155: {  	[sflag:s15] =	ssyncadd.s32 $0xFFFFF800  }
0x156: {  	_ =	swait.ge [sflag:s17], $0x800  }
0x157: {  	[sflag:s17] =	ssyncset.done $0x0  }
0x158: {  	[sflag:s17] =	ssyncadd.s32 $0xFFFFF800  }
0x159: {  	_ =	swait.ge [sflag:s25], $0x800  }
0x15a: {  	[sflag:s25] =	ssyncset.done $0x0  }
0x15b: {  	[sflag:s25] =	ssyncadd.s32 $0xFFFFF800  }
0x15c: {  	_ =	swait.ge [sflag:s18], $0x800  }
0x15d: {  	[sflag:s18] =	ssyncset.done $0x0  }
0x15e: {  	[sflag:s18] =	ssyncadd.s32 $0xFFFFF800  }
0x15f: {  	[bflag:$0x0] =	sbarrier.arrive $0xFFFF  }
0x160: {  	s6 =	rddreg [dreg:$0x5]  }
0x161: {  	s20 =	rddreg [dreg:$0x10]  }
0x162: {  	s19 =	rddreg [dreg:$0x11]  }
0x163: {  	[hbm:s20], [sflag:s6] =	dma.local [spmem:s19], $0x4E2  }
0x164: {  	s20 =	simm.s32 $0x11  }
0x165: {  	_ =	swait.ge [sflag:s20], $0x4E2  }
0x166: {  	s4 =	rddreg [dreg:$0x12]  }
0x167: {  	s6 =	sadd.s32 $0x1, s4;
	s4 =	rddreg [dreg:$0xf]  }
0x168: {  	p1 =	sne.s32 s6, s4  }
.Ltmp2:
0x169: {  	_ = 	snop;
	(pc) =	sbr.rel @p1 .LBB2_1-.Ltmp2, $3  }
0x16a: {  	_ =	sdelay $0x1  }
0x16b: {  	[sflag:s20] =	ssyncset.done $0x0;
	[dreg:$0x12] =	wrdreg s6  }
0x16c: {  	[sflag:s20] =	ssyncadd.s32 $0xFFFFFB1E;
	s6 =	rddreg [dreg:$0x5]  }
0x16d: {  	_ =	sfence.sel $0x180000  }
0x16e: {  	[bflag:$0x0] =	sbarrier.arrive $0xFFFF  }
0x16f: {  	_ =	strace $0x9000004A  }
0x170: {  	s0 =	stileid.u32;
	[bflag:$0x2] =	sbarrier.arrive $0xFFFF  }
0x171: {  	p0 =	sne.s32 s0, $0x0;
	s0 =	rddreg [dreg:$0x3]  }
0x172: {  	s0 =	sadd.s32 @!p0 $0x100000, s0  }
0x173: {  	[sflag:s0] =	ssyncadd.tile.s32 @!p0 $0x1;
	_ =	shalt  }
.Lfunc_end2:
_tile_overlayer_lowered:
.L_overlay_start_2:
0x174: {  	(tag) =	ssettag $0x2  }
0x175: {  	s0 =	rddreg [dreg:$0x0];
	s2 =	stileid.u32  }
0x176: {  	s1 =	rddreg [dreg:$0x1];
	p0 =	sne.s32 s2, $0x0  }
0x177: {  	s3 =	rddreg [dreg:$0x2];
	[bflag:$0x3] =	sbarrier.arrive $0xFFFF;
	s2 =	simm.s32 @!p0 $0x1C11  }
0x178: {  	[timem:s3], [sflag:s2] =	dma.local @!p0 [hbm:s0], s1  }
0x179: {  	s0 =	simm.s32 @!p0 $0x11  }
0x17a: {  	_ =	swait.ge @!p0 [sflag:s0], s1  }
0x17b: {  	s1 =	ssub.s32 @!p0 $0x0, s1;
	[sflag:s0] =	ssyncset.done @!p0 $0x0  }
0x17c: {  	[sflag:s0] =	ssyncadd.s32 @!p0 s1  }
0x17d: {  	[bflag:$0x3] =	sbarrier.arrive $0xFFFF  }
0x17e: {  	_ =	shalt  }

// kernel: kernel.14.cloned.1.call-start
scs
__scs_entry_jumppad:
0x0: {  	(pc) =	sbr.rel $0x88, $3  }
0x1: {  	(tag) =	ssettag $0x0;
	lr =	simm.s32 $0x1  }
0x2: {  	[smem:$0x3F9B] =	sst lr;
	_ =	strace $0xD0000000  }
0x3: {  	_ = 	snop  }
0x4: {  	_ = 	snop  }
0x5: {  	_ = 	snop  }
0x6: {  	_ = 	snop  }
0x7: {  	_ = 	snop  }
__scs_overlays_trampoline_lowered:
0x8: {  	[smem:$0x3FAA] =	sst s0  }
0x9: {  	[smem:$0x3FAB] =	sst s1  }
0xa: {  	[smem:$0x3FAC] =	sst s2  }
0xb: {  	[smem:$0x3FAD] =	sst s3  }
0xc: {  	[smem:$0x3FAE] =	sst s4  }
0xd: {  	[smem:$0x3FAF] =	sst s5  }
0xe: {  	[smem:$0x3FB0] =	sst s6  }
0xf: {  	[smem:$0x3FB1] =	sst s7  }
0x10: {  	[smem:$0x3FB2] =	sst s8  }
0x11: {  	[smem:$0x3FB3] =	sst s9;
	s0 =	simm.s32 @!p0 $0x0  }
0x12: {  	s1 =	sld [smem:$0x3F99];
	s0 =	simm.s32 @p0 $0x1  }
0x13: {  	[smem:$0x3FB4] =	sst s0;
	s0 =	simm.s32 @!p1 $0x0  }
0x14: {  	s2 =	sld [smem:$0x3F98];
	s0 =	simm.s32 @p1 $0x1  }
0x15: {  	[smem:$0x3FB5] =	sst s0;
	s0 =	simm.s32 @!p2 $0x0  }
0x16: {  	s3 =	sld [smem:$0x3FDB];
	s0 =	simm.s32 @p2 $0x1  }
0x17: {  	s4 =	simm.s32 $0x1BF5;
	[smem:$0x3FB7] =	sst s0  }
0x18: {  	s0 =	sld [smem:$0x3F9A];
	_ =	swait.ge [sflag:s4], $0x0  }
0x19: {  	s7 =	sld [smem:$0x3F9B]  }
0x1a: {  	s8 =	sadd.s32 $0xFFFFE003, lr  }
0x1b: {  	s9 =	sadd.s32 $0xFFFFFEF7, lr;
	s5 =	simm.s32 $0xFFFFFFFF;
	p2 =	slt.u32 s8, $0xFFFFF086  }
0x1c: {  	p1 =	slt.u32 s9, $0xF7A;
	s5 =	simm.s32 @!p2 $0x0  }
0x1d: {  	s5 =	simm.s32 @p1 $0x1;
	p0 =	seq.s32 s7, s2  }
0x1e: {  	s7 =	smul.u32 @!p0 $0xF7A, s2;
	p2 =	seq.s32 @!p0 s5, $0x0  }
0x1f: {  	s9 =	smul.u32 $0xF7A, s1;
	s8 =	simm.s32 @!p0 $0x1BF5;
	p2 =	por !p2, p0  }
0x20: {  	[sflag:s8] =	ssyncset.s32 @!p0 $0xFFFFF086;
	s6 =	sadd.s32 @!p0 s3, s7;
	s7 =	simm.s32 @!p0 $0x108  }
0x21: {  	s3 =	sadd.s32 s3, s9;
	s6 =	sadd.s32 @!p0 $0x88, s6;
	s7 =	simm.s32 @p2 $0x1082  }
0x22: {  	[simem:s7], [sflag:s8] =	dma.local @!p0 [hbm:s6], $0xF7A  }
0x23: {  	s9 =	sor.u32 $0xD0000000, s2;
	s6 =	simm.s32 $0x108;
	_ =	swait.ge @!p0 [sflag:s8], $0x0  }
0x24: {  	s3 =	sadd.s32 $0x88, s3;
	s6 =	simm.s32 @!p1 $0x1082;
	[sflag:s4] =	ssyncset.s32 $0xFFFFF086  }
0x25: {  	[simem:s6], [sflag:s4] =	dma.local [hbm:s3], $0xF7A  }
0x26: {  	[smem:$0x3F9B] =	sst s1;
	(tag) =	ssettag s2;
	_ =	strace s9  }
0x27: {  	s1 =	sld [smem:$0x3FAB]  }
0x28: {  	s2 =	sld [smem:$0x3FAC]  }
0x29: {  	s4 =	sld [smem:$0x3FAE]  }
0x2a: {  	p0 =	seq.s32 s5, $0x0;
	s5 =	sld [smem:$0x3FAF]  }
0x2b: {  	s6 =	sld [smem:$0x3FB0]  }
0x2c: {  	s7 =	sld [smem:$0x3FB1]  }
0x2d: {  	s3 =	simm.s32 $0x108;
	s8 =	sld [smem:$0x3FB2]  }
0x2e: {  	s3 =	simm.s32 @!p0 $0x1082;
	s9 =	sld [smem:$0x3FB3]  }
0x2f: {  	lr =	sadd.s32 s0, s3;
	s0 =	sld [smem:$0x3FAA]  }
0x30: {  	s3 =	sld [smem:$0x3FAD]  }
0x31: {  	[smem:$0x3FB6] =	sst s10  }
0x32: {  	s10 =	sld [smem:$0x3FB4];
	_ =	sdelay $0x3  }
0x33: {  	p0 =	seq.s32 s10, $0x1;
	s10 =	sld [smem:$0x3FB6];
	_ =	sdelay $0x3  }
0x34: {  	[smem:$0x3FB6] =	sst s10  }
0x35: {  	s10 =	sld [smem:$0x3FB5];
	_ =	sdelay $0x3  }
0x36: {  	p1 =	seq.s32 s10, $0x1;
	s10 =	sld [smem:$0x3FB6];
	_ =	sdelay $0x3  }
0x37: {  	[smem:$0x3FB6] =	sst s10  }
0x38: {  	s10 =	sld [smem:$0x3FB7]  }
0x39: {  	_ = 	snop;
	(pc) =	sbr.ind lr, $3  }
0x3a: {  	_ = 	snop  }
0x3b: {  	_ = 	snop  }
0x3c: {  	p2 =	seq.s32 s10, $0x1;
	s10 =	sld [smem:$0x3FB6]  }
0x3d: {  	_ =	shalt  }
0x3e: {  	_ =	shalt  }
0x3f: {  	_ =	shalt  }
0x40: {  	_ =	shalt  }
0x41: {  	_ =	shalt  }
0x42: {  	_ =	shalt  }
0x43: {  	_ =	shalt  }
0x44: {  	_ =	shalt  }
0x45: {  	_ =	shalt  }
0x46: {  	_ =	shalt  }
0x47: {  	_ =	shalt  }
0x48: {  	_ =	shalt  }
0x49: {  	_ =	shalt  }
0x4a: {  	_ =	shalt  }
0x4b: {  	_ =	shalt  }
0x4c: {  	_ =	shalt  }
0x4d: {  	_ =	shalt  }
0x4e: {  	_ =	shalt  }
0x4f: {  	_ =	shalt  }
0x50: {  	_ =	shalt  }
0x51: {  	_ =	shalt  }
0x52: {  	_ =	shalt  }
0x53: {  	_ =	shalt  }
0x54: {  	_ =	shalt  }
0x55: {  	_ =	shalt  }
0x56: {  	_ =	shalt  }
0x57: {  	_ =	shalt  }
0x58: {  	_ =	shalt  }
0x59: {  	_ =	shalt  }
0x5a: {  	_ =	shalt  }
0x5b: {  	_ =	shalt  }
0x5c: {  	_ =	shalt  }
0x5d: {  	_ =	shalt  }
0x5e: {  	_ =	shalt  }
0x5f: {  	_ =	shalt  }
0x60: {  	_ =	shalt  }
0x61: {  	_ =	shalt  }
0x62: {  	_ =	shalt  }
0x63: {  	_ =	shalt  }
0x64: {  	_ =	shalt  }
0x65: {  	_ =	shalt  }
0x66: {  	_ =	shalt  }
0x67: {  	_ =	shalt  }
0x68: {  	_ =	shalt  }
0x69: {  	_ =	shalt  }
0x6a: {  	_ =	shalt  }
0x6b: {  	_ =	shalt  }
0x6c: {  	_ =	shalt  }
0x6d: {  	_ =	shalt  }
0x6e: {  	_ =	shalt  }
0x6f: {  	_ =	shalt  }
0x70: {  	_ =	shalt  }
0x71: {  	_ =	shalt  }
0x72: {  	_ =	shalt  }
0x73: {  	_ =	shalt  }
0x74: {  	_ =	shalt  }
0x75: {  	_ =	shalt  }
0x76: {  	_ =	shalt  }
0x77: {  	_ =	shalt  }
0x78: {  	_ =	shalt  }
0x79: {  	_ =	shalt  }
0x7a: {  	_ =	shalt  }
0x7b: {  	_ =	shalt  }
0x7c: {  	_ =	shalt  }
0x7d: {  	_ =	shalt  }
0x7e: {  	_ =	shalt  }
0x7f: {  	_ =	shalt  }
0x80: {  	_ =	shalt  }
0x81: {  	_ =	shalt  }
0x82: {  	_ =	shalt  }
0x83: {  	_ =	shalt  }
0x84: {  	_ =	shalt  }
0x85: {  	_ =	shalt  }
0x86: {  	_ =	shalt  }
0x87: {  	_ =	shalt  }
.Lfunc_end0:
.L_simem_size_0:
called_computation.2_lowered:
.L_overlay_start_0:
0x88: {  	s2 =	sld [smem:$0x3FD9]  }
0x89: {  	s3 =	sld [smem:$0x3FFE];
	_ =	sdelay $0x1  }
0x8a: {  	s1 =	srdreg.scid  }
0x8b: {  	s0 =	sand.u32 $0x1, s1  }
0x8c: {  	s16 =	sshll.u32 s0, $0xA;
	s2 =	sadd.s32 s3, s2  }
0x8d: {  	s2 =	sadd.s32 s2, s16  }
0x8e: {  	[smem:$0x3FC2] =	sst s2  }
0x8f: {  	_ = 	snop  }
0x90: {  	(tm) =	ssettm $0x1  }
0x91: {  	s17 =	sld [smem:$0x3FFB];
	_ =	sdelay $0x3  }
0x92: {  	_ =	strace s17  }
0x93: {  	s2 =	sld [smem:$0x3FFC];
	_ =	sdelay $0x3  }
0x94: {  	_ =	strace s2  }
0x95: {  	s2 =	sld [smem:$0x3FFD];
	_ =	sdelay $0x3  }
0x96: {  	_ =	strace s2  }
0x97: {  	_ =	strace $0x8FFFFFFF  }
0x98: {  	s18 =	sld [smem:$0x3FDB];
	_ =	sdelay $0x1  }
0x99: {  	s19 =	simm.s32 $_scs_section_size  }
0x9a: {  	s4 =	simm.s32 $_size__tile_overlayer_lowered;
	s5 =	simm.s32 $_tile_overlayer_lowered  }
0x9b: {  	s22 =	simm.s32 $0x1BFF;
	s21 =	sshll.u32 s5, $0x1;
	s2 =	sadd.s32 s19, s18  }
0x9c: {  	s6 =	simm.s32 $0x0;
	s20 =	sshll.u32 s4, $0x1;
	s4 =	sadd.s32 s21, s2  }
0x9d: {  	[timem:s6], [sflag:s22] =	dma.local [hbm:s4], s20  }
0x9e: {  	_ =	swait.ge [sflag:s22], s20  }
0x9f: {  	s3 =	ssub.s32 $0x0, s20;
	[sflag:s22] =	ssyncset.done $0x0  }
0xa0: {  	[sflag:s22] =	ssyncadd.s32 s3;
	_ =	sdelay $0x1  }
0xa1: {  	s23 =	simm.s32 $0x1B8B  }
0xa2: {  	_ =	swait.ge [sflag:s23], $0x1  }
0xa3: {  	[sflag:s23] =	ssyncset.done $0x0  }
0xa4: {  	s25 =	simm.s32 $0x1B8E;
	s24 =	sld [smem:$0x3FFE];
	[sflag:s23] =	ssyncadd.s32 $0xFFFFFFFF  }
0xa5: {  	s26 =	simm.s32 $execute0_lowered;
	[smem:$0x3FD2] =	sst s25  }
0xa6: {  	s4 =	sshll.u32 s26, $0x1;
	_ =	strace $0x8000004C;
	[dreg:$0x1] =	wrdreg $0xFFFFFFFF  }
0xa7: {  	s28 =	simm.s32 $_size_execute0_lowered;
	s2 =	sadd.s32 s2, s4;
	[dreg:$0x0] =	wrdreg $0x0  }
0xa8: {  	s4 =	sshll.u32 s28, $0x1;
	[dreg:$0x2] =	wrdreg s2  }
0xa9: {  	[dreg:$0x3] =	wrdreg s4  }
0xaa: {  	[dreg:$0x4] =	wrdreg $0xC0  }
0xab: {  	_ =	task [dreg:s6], $0x5FFFF  }
0xac: {  	[dreg:$0x1] =	wrdreg $0xFFFFFFFF  }
0xad: {  	[dreg:$0x0] =	wrdreg $0x60  }
0xae: {  	[dreg:$0x2] =	wrdreg s24  }
0xaf: {  	[dreg:$0x3] =	wrdreg $0x90000  }
0xb0: {  	[dreg:$0x4] =	wrdreg $0x9  }
0xb1: {  	_ =	task.clear_ibuf [dreg:s6], $0x5FFFF;
	_ =	strace $0x9000004C  }
0xb2: {  	s29 =	simm.s32 $0x9;
	_ =	strace $0x8000004E  }
0xb3: {  	_ =	swait.ge [sflag:s29], $0x1  }
0xb4: {  	[sflag:s29] =	ssyncadd.s32 $0xFFFFFFFF  }
0xb5: {  	_ =	strace $0x9000004E  }
0xb6: {  	_ =	sfence  }
0xb7: {  	s30 =	sld [smem:$0x0];
	_ =	sdelay $0x2  }
0xb8: {  	s31 =	sshll.u32 s1, $0xD;
	s1 =	sshrl.u32 s1, $0x2  }
0xb9: {  	s3 =	sand.u32 $0x4000, s31;
	s1 =	sadd.s32 s1, s30  }
0xba: {  	s0 =	sor.u32 s3, s0;
	s1 =	sshll.u32 s1, $0x11  }
0xbb: {  	s0 =	sor.u32 s1, s0  }
0xbc: {  	s0 =	sadd.s32 $0x8F2B, s0  }
0xbd: {  	[sflag:s0] =	ssyncadd.remote.s32 $0x1  }
0xbe: {  	_ =	sfence.sel $0xFFFF  }
0xbf: {  	[dreg:$0x0] =	wrdreg $0xFFFFFFFF;
	(pc) =	sbr.abs _section_cstart, $3  }
0xc0: {  	[dreg:$0x1] =	wrdreg $0xFFFFFFFF  }
0xc1: {  	_ =	task.clear_ibuf [dreg:s6], $0x2FFFF;
	_ =	strace $0x9FFFFFFF  }
0xc2: {  	(tm) =	ssettm $0x7FFFFFFF  }
0xc3: {  	_ =	shalt  }
tec
execute0_lowered:
.L_overlay_start_1:
0x0: {  	(tag) =	ssettag $0x1  }
0x1: {  	s0 =	srdreg.scid  }
0x2: {  	s9 =	stileid.u32;
	s1 =	rddreg [dreg:$0x0]  }
0x3: {  	s2 =	rddreg [dreg:$0x1];
	s4 =	simm.s32 $0x0;
	s14 =	simm.s32 $0x80  }
0x4: {  	s15 =	simm.s32 $0x5000;
	s16 =	simm.s32 $0x5800;
	s18 =	simm.s32 $0x6000  }
0x5: {  	s20 =	simm.s32 $0x6800;
	s22 =	simm.s32 $0x7000;
	s29 =	simm.s32 $0x8800  }
0x6: {  	s30 =	simm.s32 $0x1;
	s31 =	simm.s32 $0x2;
	s13 =	simm.s32 $0x5  }
0x7: {  	s17 =	simm.s32 $0x6;
	s19 =	simm.s32 $0x7;
	s21 =	simm.s32 $0x8  }
0x8: {  	s23 =	simm.s32 $0x9;
	s28 =	simm.s32 $0xB;
	s10 =	simm.s32 $0x10  }
0x9: {  	s0 =	sand.u32 $0x1, s0;
	s3 =	sshll.u32 s9, $0x1;
	[smem:$0x7FF] =	sst s4  }
0xa: {  	s5 =	smul.u32 $0x2710, s9;
	s4 =	sadd.s32 $0x1C400, s1;
	s24 =	sshll.u32 s9, $0x6  }
0xb: {  	s9 =	simm.s32 $0xF;
	s3 =	sor.u32 s0, s3;
	_ =	strace $0x8000004D  }
0xc: {  	s6 =	ssub.s32 $0x2, s0;
	s11 =	sor.u32 $0x1C11, s24;
	p0 =	seq.s32 s0, $0x1  }
0xd: {  	s0 =	simm.s32 $0x26400;
	s3 =	smul.u32 $0x2800, s3;
	s7 =	sshrl.u32 s5, $0x3  }
0xe: {  	s8 =	sshrl.u32 s6, $0x1;
	s5 =	sadd.s32 s5, s2;
	[dreg:$0x4] =	wrdreg s11  }
0xf: {  	s6 =	ssub.s32 s6, s8;
	s12 =	sshrl.u32 s5, $0x3;
	s3 =	sshrl.u32 s3, $0x3  }
0x10: {  	s26 =	smax.u32 s6, $0x1;
	s6 =	simm.s32 $0x0;
	[dreg:$0x9] =	wrdreg s12  }
0x11: {  	s3 =	sadd.s32 s3, s1;
	s1 =	sadd.s32 s7, s1;
	[dreg:$0x7] =	wrdreg s26  }
0x12: {  	s24 =	simm.s32 $0x7800;
	[dreg:$0xa] =	wrdreg s6;
	s7 =	sadd.s32 $0x17400, s1  }
0x13: {  	s0 =	simm.s32 @!p0 $0x21400;
	s25 =	sadd.s32 $0x3400, s3;
	[dreg:$0x3] =	wrdreg s7  }
0x14: {  	s5 =	simm.s32 $0xC;
	s3 =	sadd.s32 $0xD400, s3;
	[dreg:$0x5] =	wrdreg s25  }
0x15: {  	s8 =	simm.s32 $0xE;
	s0 =	sadd.s32 s0, s1;
	[dreg:$0x6] =	wrdreg s3  }
0x16: {  	s26 =	simm.s32 $0x8000;
	s1 =	simm.s32 $0x3;
	[dreg:$0x8] =	wrdreg s0  }
0x17: {  	s0 =	simm.s32 $0x4;
	s25 =	simm.s32 $0xA;
	s7 =	simm.s32 $0xD  }
.LBB2_1:
0x18: {  	s3 =	simm.s32 $0x11;
	s6 =	rddreg [dreg:$0x3]  }
0x19: {  	[spmem:s12], [sflag:s11] =	dma.local [hbm:s6], $0x4E2  }
0x1a: {  	_ =	swait.ge [sflag:s3], $0x4E2  }
0x1b: {  	[sflag:s3] =	ssyncset.done $0x0  }
0x1c: {  	s6 =	simm.s32 $0x0;
	s12 =	rddreg [dreg:$0x5];
	[sflag:s3] =	ssyncadd.s32 $0xFFFFFB1E  }
0x1d: {  	[tilespmem:s6], [sflag:$0x11] =	stream.linear.gather [hbm4b:s12+s6], $0x2800, $0x38;
	[tilespmem:$0xB910] =	vst v63  }
0x1e: {  	_ =	swait.ge [sflag:s3], $0x2800  }
0x1f: {  	[sflag:s3] =	ssyncset.done $0x0  }
0x20: {  	s12 =	simm.s32 $0x2800;
	s11 =	rddreg [dreg:$0x6];
	[sflag:s3] =	ssyncadd.s32 $0xFFFFD800  }
0x21: {  	[tilespmem:s12], [sflag:$0x11] =	stream.linear.gather [hbm4b:s11+s6], $0x2800, $0x38;
	[tilespmem:$0xB910] =	vst v63  }
0x22: {  	_ =	swait.ge [sflag:s3], $0x2800  }
0x23: {  	[sflag:s3] =	ssyncset.done $0x0  }
0x24: {  	[sflag:s3] =	ssyncadd.s32 $0xFFFFD800  }
0x25: {  	[bflag:$0x0] =	sbarrier.arrive $0xFFFF  }
0x26: {  	[tilespmem:s15], [sflag:$0x1] =	stream.indirect.gather [hbm4b:s4+s14], $0x10, s6, s14, $0xb8;
	[tilespmem:$0xB910] =	vst v63  }
0x27: {  	_ = 	snop  }
0x28: {  	[tilespmem:s16], [sflag:$0x2] =	stream.indirect.gather [hbm4b:s4+s14], $0x10, s14, s14, $0xb8;
	[tilespmem:$0xB910] =	vst v63  }
0x29: {  	s6 =	simm.s32 $0x100  }
0x2a: {  	[tilespmem:s18], [sflag:$0x3] =	stream.indirect.gather [hbm4b:s4+s14], $0x10, s6, s14, $0xb8;
	[tilespmem:$0xB910] =	vst v63  }
0x2b: {  	s11 =	simm.s32 $0x180  }
0x2c: {  	[tilespmem:s20], [sflag:$0x4] =	stream.indirect.gather [hbm4b:s4+s14], $0x10, s11, s14, $0xb8;
	[tilespmem:$0xB910] =	vst v63  }
0x2d: {  	s12 =	simm.s32 $0x200  }
0x2e: {  	[tilespmem:s22], [sflag:$0x5] =	stream.indirect.gather [hbm4b:s4+s14], $0x10, s12, s14, $0xb8;
	[tilespmem:$0xB910] =	vst v63  }
0x2f: {  	s6 =	simm.s32 $0x280  }
0x30: {  	[tilespmem:s24], [sflag:$0x6] =	stream.indirect.gather [hbm4b:s4+s14], $0x10, s6, s14, $0xb8;
	[tilespmem:$0xB910] =	vst v63  }
0x31: {  	s11 =	simm.s32 $0x300  }
0x32: {  	[tilespmem:s26], [sflag:$0x7] =	stream.indirect.gather [hbm4b:s4+s14], $0x10, s11, s14, $0xb8;
	[tilespmem:$0xB910] =	vst v63  }
0x33: {  	s12 =	simm.s32 $0x380  }
0x34: {  	[tilespmem:s29], [sflag:$0x8] =	stream.indirect.gather [hbm4b:s4+s14], $0x10, s12, s14, $0xb8;
	[tilespmem:$0xB910] =	vst v63  }
0x35: {  	_ =	swait.ge [sflag:s30], $0x800  }
0x36: {  	[sflag:s30] =	ssyncset.done $0x0  }
0x37: {  	s3 =	simm.s32 $0x2800;
	[sflag:s30] =	ssyncadd.s32 $0xFFFFF800  }
0x38: {  	[spmem:s2] =	stream.indirect.scatter.add.f32 [tilespmem:s15], [sflag:$0x9], $0x10, s3, s14, $0xb8;
	[tilespmem:$0xB910] =	vst v63  }
0x39: {  	_ =	swait.ge [sflag:s31], $0x800  }
0x3a: {  	[sflag:s31] =	ssyncset.done $0x0  }
0x3b: {  	s11 =	simm.s32 $0x2880;
	[sflag:s31] =	ssyncadd.s32 $0xFFFFF800  }
0x3c: {  	[spmem:s2] =	stream.indirect.scatter.add.f32 [tilespmem:s16], [sflag:$0xA], $0x10, s11, s14, $0xb8;
	[tilespmem:$0xB910] =	vst v63  }
0x3d: {  	_ =	swait.ge [sflag:s1], $0x800  }
0x3e: {  	[sflag:s1] =	ssyncset.done $0x0  }
0x3f: {  	s12 =	simm.s32 $0x2900;
	[sflag:s1] =	ssyncadd.s32 $0xFFFFF800  }
0x40: {  	[spmem:s2] =	stream.indirect.scatter.add.f32 [tilespmem:s18], [sflag:$0xB], $0x10, s12, s14, $0xb8;
	[tilespmem:$0xB910] =	vst v63  }
0x41: {  	_ =	swait.ge [sflag:s0], $0x800  }
0x42: {  	[sflag:s0] =	ssyncset.done $0x0  }
0x43: {  	s3 =	simm.s32 $0x2980;
	[sflag:s0] =	ssyncadd.s32 $0xFFFFF800  }
0x44: {  	[spmem:s2] =	stream.indirect.scatter.add.f32 [tilespmem:s20], [sflag:$0xC], $0x10, s3, s14, $0xb8;
	[tilespmem:$0xB910] =	vst v63  }
0x45: {  	_ =	swait.ge [sflag:s13], $0x800  }
0x46: {  	[sflag:s13] =	ssyncset.done $0x0  }
0x47: {  	s11 =	simm.s32 $0x2A00;
	[sflag:s13] =	ssyncadd.s32 $0xFFFFF800  }
0x48: {  	[spmem:s2] =	stream.indirect.scatter.add.f32 [tilespmem:s22], [sflag:$0xD], $0x10, s11, s14, $0xb8;
	[tilespmem:$0xB910] =	vst v63  }
0x49: {  	_ =	swait.ge [sflag:s17], $0x800  }
0x4a: {  	[sflag:s17] =	ssyncset.done $0x0  }
0x4b: {  	s12 =	simm.s32 $0x2A80;
	[sflag:s17] =	ssyncadd.s32 $0xFFFFF800  }
0x4c: {  	[spmem:s2] =	stream.indirect.scatter.add.f32 [tilespmem:s24], [sflag:$0xE], $0x10, s12, s14, $0xb8;
	[tilespmem:$0xB910] =	vst v63  }
0x4d: {  	_ =	swait.ge [sflag:s19], $0x800  }
0x4e: {  	[sflag:s19] =	ssyncset.done $0x0  }
0x4f: {  	s3 =	simm.s32 $0x2B00;
	[sflag:s19] =	ssyncadd.s32 $0xFFFFF800  }
0x50: {  	[spmem:s2] =	stream.indirect.scatter.add.f32 [tilespmem:s26], [sflag:$0xF], $0x10, s3, s14, $0xb8;
	[tilespmem:$0xB910] =	vst v63  }
0x51: {  	_ =	swait.ge [sflag:s21], $0x800  }
0x52: {  	[sflag:s21] =	ssyncset.done $0x0  }
0x53: {  	s11 =	simm.s32 $0x2B80;
	[sflag:s21] =	ssyncadd.s32 $0xFFFFF800  }
0x54: {  	[spmem:s2] =	stream.indirect.scatter.add.f32 [tilespmem:s29], [sflag:$0x10], $0x10, s11, s14, $0xb8;
	[tilespmem:$0xB910] =	vst v63  }
0x55: {  	_ =	swait.ge [sflag:s23], $0x800  }
0x56: {  	[sflag:s23] =	ssyncset.done $0x0  }
0x57: {  	s12 =	simm.s32 $0x400;
	[sflag:s23] =	ssyncadd.s32 $0xFFFFF800  }
0x58: {  	[tilespmem:s15], [sflag:$0x1] =	stream.indirect.gather [hbm4b:s4+s14], $0x10, s12, s14, $0xb8;
	[tilespmem:$0xB910] =	vst v63  }
0x59: {  	_ =	swait.ge [sflag:s25], $0x800  }
0x5a: {  	[sflag:s25] =	ssyncset.done $0x0  }
0x5b: {  	s3 =	simm.s32 $0x480;
	[sflag:s25] =	ssyncadd.s32 $0xFFFFF800  }
0x5c: {  	[tilespmem:s16], [sflag:$0x2] =	stream.indirect.gather [hbm4b:s4+s14], $0x10, s3, s14, $0xb8;
	[tilespmem:$0xB910] =	vst v63  }
0x5d: {  	_ =	swait.ge [sflag:s28], $0x800  }
0x5e: {  	[sflag:s28] =	ssyncset.done $0x0  }
0x5f: {  	s11 =	simm.s32 $0x500;
	[sflag:s28] =	ssyncadd.s32 $0xFFFFF800  }
0x60: {  	[tilespmem:s18], [sflag:$0x3] =	stream.indirect.gather [hbm4b:s4+s14], $0x10, s11, s14, $0xb8;
	[tilespmem:$0xB910] =	vst v63  }
0x61: {  	_ =	swait.ge [sflag:s5], $0x800  }
0x62: {  	[sflag:s5] =	ssyncset.done $0x0  }
0x63: {  	s12 =	simm.s32 $0x580;
	[sflag:s5] =	ssyncadd.s32 $0xFFFFF800  }
0x64: {  	[tilespmem:s20], [sflag:$0x4] =	stream.indirect.gather [hbm4b:s4+s14], $0x10, s12, s14, $0xb8;
	[tilespmem:$0xB910] =	vst v63  }
0x65: {  	_ =	swait.ge [sflag:s7], $0x800  }
0x66: {  	[sflag:s7] =	ssyncset.done $0x0  }
0x67: {  	s3 =	simm.s32 $0x600;
	[sflag:s7] =	ssyncadd.s32 $0xFFFFF800  }
0x68: {  	[tilespmem:s22], [sflag:$0x5] =	stream.indirect.gather [hbm4b:s4+s14], $0x10, s3, s14, $0xb8;
	[tilespmem:$0xB910] =	vst v63  }
0x69: {  	_ =	swait.ge [sflag:s8], $0x800  }
0x6a: {  	[sflag:s8] =	ssyncset.done $0x0  }
0x6b: {  	s11 =	simm.s32 $0x680;
	[sflag:s8] =	ssyncadd.s32 $0xFFFFF800  }
0x6c: {  	[tilespmem:s24], [sflag:$0x6] =	stream.indirect.gather [hbm4b:s4+s14], $0x10, s11, s14, $0xb8;
	[tilespmem:$0xB910] =	vst v63  }
0x6d: {  	_ =	swait.ge [sflag:s9], $0x800  }
0x6e: {  	[sflag:s9] =	ssyncset.done $0x0  }
0x6f: {  	s12 =	simm.s32 $0x700;
	[sflag:s9] =	ssyncadd.s32 $0xFFFFF800  }
0x70: {  	[tilespmem:s26], [sflag:$0x7] =	stream.indirect.gather [hbm4b:s4+s14], $0x10, s12, s14, $0xb8;
	[tilespmem:$0xB910] =	vst v63  }
0x71: {  	_ =	swait.ge [sflag:s10], $0x800  }
0x72: {  	[sflag:s10] =	ssyncset.done $0x0  }
0x73: {  	s6 =	simm.s32 $0x1000;
	s11 =	simm.s32 $0x780;
	[sflag:s10] =	ssyncadd.s32 $0xFFFFF800  }
.LBB2_2:
0x74: {  	[tilespmem:s29], [sflag:$0x8] =	stream.indirect.gather [hbm4b:s4+s14], $0x10, s11, s14, $0xb8;
	[tilespmem:$0xB910] =	vst v63  }
0x75: {  	s11 =	smov.u32 s6  }
0x76: {  	p0 =	sne.s32 s6, $0x8000;
	s6 =	sadd.s32 $0x1000, s6;
	_ =	swait.ge [sflag:s30], $0x800  }
0x77: {  	s11 =	sshra.s32 s11, $0x2;
	[sflag:s30] =	ssyncset.done $0x0  }
0x78: {  	s12 =	sadd.s32 $0x2800, s11;
	[sflag:s30] =	ssyncadd.s32 $0xFFFFF800  }
0x79: {  	[spmem:s2] =	stream.indirect.scatter.add.f32 [tilespmem:s15], [sflag:$0x9], $0x10, s12, s14, $0xb8;
	[tilespmem:$0xB910] =	vst v63  }
0x7a: {  	_ =	swait.ge [sflag:s31], $0x800  }
0x7b: {  	[sflag:s31] =	ssyncset.done $0x0  }
0x7c: {  	s12 =	sadd.s32 $0x2880, s11;
	[sflag:s31] =	ssyncadd.s32 $0xFFFFF800  }
0x7d: {  	[spmem:s2] =	stream.indirect.scatter.add.f32 [tilespmem:s16], [sflag:$0xA], $0x10, s12, s14, $0xb8;
	[tilespmem:$0xB910] =	vst v63  }
0x7e: {  	_ =	swait.ge [sflag:s1], $0x800  }
0x7f: {  	[sflag:s1] =	ssyncset.done $0x0  }
0x80: {  	s12 =	sadd.s32 $0x2900, s11;
	[sflag:s1] =	ssyncadd.s32 $0xFFFFF800  }
0x81: {  	[spmem:s2] =	stream.indirect.scatter.add.f32 [tilespmem:s18], [sflag:$0xB], $0x10, s12, s14, $0xb8;
	[tilespmem:$0xB910] =	vst v63  }
0x82: {  	_ =	swait.ge [sflag:s0], $0x800  }
0x83: {  	[sflag:s0] =	ssyncset.done $0x0  }
0x84: {  	s12 =	sadd.s32 $0x2980, s11;
	[sflag:s0] =	ssyncadd.s32 $0xFFFFF800  }
0x85: {  	[spmem:s2] =	stream.indirect.scatter.add.f32 [tilespmem:s20], [sflag:$0xC], $0x10, s12, s14, $0xb8;
	[tilespmem:$0xB910] =	vst v63  }
0x86: {  	_ =	swait.ge [sflag:s13], $0x800  }
0x87: {  	[sflag:s13] =	ssyncset.done $0x0  }
0x88: {  	s12 =	sadd.s32 $0x2A00, s11;
	[sflag:s13] =	ssyncadd.s32 $0xFFFFF800  }
0x89: {  	[spmem:s2] =	stream.indirect.scatter.add.f32 [tilespmem:s22], [sflag:$0xD], $0x10, s12, s14, $0xb8;
	[tilespmem:$0xB910] =	vst v63  }
0x8a: {  	_ =	swait.ge [sflag:s17], $0x800  }
0x8b: {  	[sflag:s17] =	ssyncset.done $0x0  }
0x8c: {  	s12 =	sadd.s32 $0x2A80, s11;
	[sflag:s17] =	ssyncadd.s32 $0xFFFFF800  }
0x8d: {  	[spmem:s2] =	stream.indirect.scatter.add.f32 [tilespmem:s24], [sflag:$0xE], $0x10, s12, s14, $0xb8;
	[tilespmem:$0xB910] =	vst v63  }
0x8e: {  	_ =	swait.ge [sflag:s19], $0x800  }
0x8f: {  	[sflag:s19] =	ssyncset.done $0x0  }
0x90: {  	s12 =	sadd.s32 $0x2B00, s11;
	[sflag:s19] =	ssyncadd.s32 $0xFFFFF800  }
0x91: {  	[spmem:s2] =	stream.indirect.scatter.add.f32 [tilespmem:s26], [sflag:$0xF], $0x10, s12, s14, $0xb8;
	[tilespmem:$0xB910] =	vst v63  }
0x92: {  	_ =	swait.ge [sflag:s21], $0x800  }
0x93: {  	[sflag:s21] =	ssyncset.done $0x0  }
0x94: {  	s12 =	sadd.s32 $0x2B80, s11;
	[sflag:s21] =	ssyncadd.s32 $0xFFFFF800  }
0x95: {  	[spmem:s2] =	stream.indirect.scatter.add.f32 [tilespmem:s29], [sflag:$0x10], $0x10, s12, s14, $0xb8;
	[tilespmem:$0xB910] =	vst v63  }
0x96: {  	_ =	swait.ge [sflag:s23], $0x800  }
0x97: {  	[sflag:s23] =	ssyncset.done $0x0  }
0x98: {  	s12 =	sadd.s32 $0x400, s11;
	[sflag:s23] =	ssyncadd.s32 $0xFFFFF800  }
0x99: {  	[tilespmem:s15], [sflag:$0x1] =	stream.indirect.gather [hbm4b:s4+s14], $0x10, s12, s14, $0xb8;
	[tilespmem:$0xB910] =	vst v63  }
0x9a: {  	_ =	swait.ge [sflag:s25], $0x800  }
0x9b: {  	[sflag:s25] =	ssyncset.done $0x0  }
0x9c: {  	s12 =	sadd.s32 $0x480, s11;
	[sflag:s25] =	ssyncadd.s32 $0xFFFFF800  }
0x9d: {  	[tilespmem:s16], [sflag:$0x2] =	stream.indirect.gather [hbm4b:s4+s14], $0x10, s12, s14, $0xb8;
	[tilespmem:$0xB910] =	vst v63  }
0x9e: {  	_ =	swait.ge [sflag:s28], $0x800  }
0x9f: {  	[sflag:s28] =	ssyncset.done $0x0  }
0xa0: {  	s12 =	sadd.s32 $0x500, s11;
	[sflag:s28] =	ssyncadd.s32 $0xFFFFF800  }
0xa1: {  	[tilespmem:s18], [sflag:$0x3] =	stream.indirect.gather [hbm4b:s4+s14], $0x10, s12, s14, $0xb8;
	[tilespmem:$0xB910] =	vst v63  }
0xa2: {  	_ =	swait.ge [sflag:s5], $0x800  }
0xa3: {  	[sflag:s5] =	ssyncset.done $0x0  }
0xa4: {  	s12 =	sadd.s32 $0x580, s11;
	[sflag:s5] =	ssyncadd.s32 $0xFFFFF800  }
0xa5: {  	[tilespmem:s20], [sflag:$0x4] =	stream.indirect.gather [hbm4b:s4+s14], $0x10, s12, s14, $0xb8;
	[tilespmem:$0xB910] =	vst v63  }
0xa6: {  	_ =	swait.ge [sflag:s7], $0x800  }
0xa7: {  	[sflag:s7] =	ssyncset.done $0x0  }
0xa8: {  	s12 =	sadd.s32 $0x600, s11;
	[sflag:s7] =	ssyncadd.s32 $0xFFFFF800  }
0xa9: {  	[tilespmem:s22], [sflag:$0x5] =	stream.indirect.gather [hbm4b:s4+s14], $0x10, s12, s14, $0xb8;
	[tilespmem:$0xB910] =	vst v63  }
0xaa: {  	_ =	swait.ge [sflag:s8], $0x800  }
0xab: {  	[sflag:s8] =	ssyncset.done $0x0  }
0xac: {  	s12 =	sadd.s32 $0x680, s11;
	[sflag:s8] =	ssyncadd.s32 $0xFFFFF800  }
0xad: {  	[tilespmem:s24], [sflag:$0x6] =	stream.indirect.gather [hbm4b:s4+s14], $0x10, s12, s14, $0xb8;
	[tilespmem:$0xB910] =	vst v63  }
0xae: {  	_ =	swait.ge [sflag:s9], $0x800  }
0xaf: {  	[sflag:s9] =	ssyncset.done $0x0  }
.Ltmp0:
0xb0: {  	s12 =	sadd.s32 $0x700, s11;
	[sflag:s9] =	ssyncadd.s32 $0xFFFFF800;
	(pc) =	sbr.rel @p0 .LBB2_2-.Ltmp0, $4  }
0xb1: {  	[tilespmem:s26], [sflag:$0x7] =	stream.indirect.gather [hbm4b:s4+s14], $0x10, s12, s14, $0xb8;
	[tilespmem:$0xB910] =	vst v63  }
0xb2: {  	_ =	swait.ge [sflag:s10], $0x800  }
0xb3: {  	[sflag:s10] =	ssyncset.done $0x0  }
0xb4: {  	s11 =	sadd.s32 $0x780, s11;
	[sflag:s10] =	ssyncadd.s32 $0xFFFFF800  }
0xb5: {  	[tilespmem:s29], [sflag:$0x8] =	stream.indirect.gather [hbm4b:s4+s14], $0x10, s11, s14, $0xb8;
	[tilespmem:$0xB910] =	vst v63  }
0xb6: {  	_ =	swait.ge [sflag:s30], $0x800  }
0xb7: {  	[sflag:s30] =	ssyncset.done $0x0  }
0xb8: {  	s3 =	simm.s32 $0x4C00;
	[sflag:s30] =	ssyncadd.s32 $0xFFFFF800  }
0xb9: {  	[spmem:s2] =	stream.indirect.scatter.add.f32 [tilespmem:s15], [sflag:$0x9], $0x10, s3, s14, $0xb8;
	[tilespmem:$0xB910] =	vst v63  }
0xba: {  	_ =	swait.ge [sflag:s31], $0x800  }
0xbb: {  	[sflag:s31] =	ssyncset.done $0x0  }
0xbc: {  	s12 =	simm.s32 $0x4C80;
	[sflag:s31] =	ssyncadd.s32 $0xFFFFF800  }
0xbd: {  	[spmem:s2] =	stream.indirect.scatter.add.f32 [tilespmem:s16], [sflag:$0xA], $0x10, s12, s14, $0xb8;
	[tilespmem:$0xB910] =	vst v63  }
0xbe: {  	_ =	swait.ge [sflag:s1], $0x800  }
0xbf: {  	[sflag:s1] =	ssyncset.done $0x0  }
0xc0: {  	s6 =	simm.s32 $0x4D00;
	[sflag:s1] =	ssyncadd.s32 $0xFFFFF800  }
0xc1: {  	[spmem:s2] =	stream.indirect.scatter.add.f32 [tilespmem:s18], [sflag:$0xB], $0x10, s6, s14, $0xb8;
	[tilespmem:$0xB910] =	vst v63  }
0xc2: {  	_ =	swait.ge [sflag:s0], $0x800  }
0xc3: {  	[sflag:s0] =	ssyncset.done $0x0  }
0xc4: {  	s11 =	simm.s32 $0x4D80;
	[sflag:s0] =	ssyncadd.s32 $0xFFFFF800  }
0xc5: {  	[spmem:s2] =	stream.indirect.scatter.add.f32 [tilespmem:s20], [sflag:$0xC], $0x10, s11, s14, $0xb8;
	[tilespmem:$0xB910] =	vst v63  }
0xc6: {  	_ =	swait.ge [sflag:s13], $0x800  }
0xc7: {  	[sflag:s13] =	ssyncset.done $0x0  }
0xc8: {  	s12 =	simm.s32 $0x4E00;
	[sflag:s13] =	ssyncadd.s32 $0xFFFFF800  }
0xc9: {  	[spmem:s2] =	stream.indirect.scatter.add.f32 [tilespmem:s22], [sflag:$0xD], $0x10, s12, s14, $0xb8;
	[tilespmem:$0xB910] =	vst v63  }
0xca: {  	_ =	swait.ge [sflag:s17], $0x800  }
0xcb: {  	[sflag:s17] =	ssyncset.done $0x0  }
0xcc: {  	s6 =	simm.s32 $0x4E80;
	[sflag:s17] =	ssyncadd.s32 $0xFFFFF800  }
0xcd: {  	[spmem:s2] =	stream.indirect.scatter.add.f32 [tilespmem:s24], [sflag:$0xE], $0x10, s6, s14, $0xb8;
	[tilespmem:$0xB910] =	vst v63  }
0xce: {  	_ =	swait.ge [sflag:s19], $0x800  }
0xcf: {  	[sflag:s19] =	ssyncset.done $0x0  }
0xd0: {  	s11 =	simm.s32 $0x4F00;
	[sflag:s19] =	ssyncadd.s32 $0xFFFFF800  }
0xd1: {  	[spmem:s2] =	stream.indirect.scatter.add.f32 [tilespmem:s26], [sflag:$0xF], $0x10, s11, s14, $0xb8;
	[tilespmem:$0xB910] =	vst v63  }
0xd2: {  	_ =	swait.ge [sflag:s21], $0x800  }
0xd3: {  	[sflag:s21] =	ssyncset.done $0x0  }
0xd4: {  	s12 =	simm.s32 $0x4F80;
	[sflag:s21] =	ssyncadd.s32 $0xFFFFF800  }
0xd5: {  	[spmem:s2] =	stream.indirect.scatter.add.f32 [tilespmem:s29], [sflag:$0x10], $0x10, s12, s14, $0xb8;
	[tilespmem:$0xB910] =	vst v63  }
0xd6: {  	_ =	swait.ge [sflag:s23], $0x800  }
0xd7: {  	[sflag:s23] =	ssyncset.done $0x0  }
0xd8: {  	[sflag:s23] =	ssyncadd.s32 $0xFFFFF800  }
0xd9: {  	_ =	swait.ge [sflag:s25], $0x800  }
0xda: {  	[sflag:s25] =	ssyncset.done $0x0  }
0xdb: {  	[sflag:s25] =	ssyncadd.s32 $0xFFFFF800  }
0xdc: {  	_ =	swait.ge [sflag:s28], $0x800  }
0xdd: {  	[sflag:s28] =	ssyncset.done $0x0  }
0xde: {  	[sflag:s28] =	ssyncadd.s32 $0xFFFFF800  }
0xdf: {  	_ =	swait.ge [sflag:s5], $0x800  }
0xe0: {  	[sflag:s5] =	ssyncset.done $0x0  }
0xe1: {  	[sflag:s5] =	ssyncadd.s32 $0xFFFFF800  }
0xe2: {  	_ =	swait.ge [sflag:s7], $0x800  }
0xe3: {  	[sflag:s7] =	ssyncset.done $0x0  }
0xe4: {  	[sflag:s7] =	ssyncadd.s32 $0xFFFFF800  }
0xe5: {  	_ =	swait.ge [sflag:s8], $0x800  }
0xe6: {  	[sflag:s8] =	ssyncset.done $0x0  }
0xe7: {  	[sflag:s8] =	ssyncadd.s32 $0xFFFFF800  }
0xe8: {  	_ =	swait.ge [sflag:s9], $0x800  }
0xe9: {  	[sflag:s9] =	ssyncset.done $0x0  }
0xea: {  	[sflag:s9] =	ssyncadd.s32 $0xFFFFF800  }
0xeb: {  	_ =	swait.ge [sflag:s10], $0x800  }
0xec: {  	[sflag:s10] =	ssyncset.done $0x0  }
0xed: {  	[sflag:s10] =	ssyncadd.s32 $0xFFFFF800  }
0xee: {  	[bflag:$0x0] =	sbarrier.arrive $0xFFFF  }
0xef: {  	s11 =	rddreg [dreg:$0x4]  }
0xf0: {  	s6 =	rddreg [dreg:$0x8]  }
0xf1: {  	s12 =	rddreg [dreg:$0x9]  }
0xf2: {  	[hbm:s6], [sflag:s11] =	dma.local [spmem:s12], $0x4E2  }
0xf3: {  	s6 =	simm.s32 $0x11  }
0xf4: {  	_ =	swait.ge [sflag:s6], $0x4E2  }
0xf5: {  	s3 =	rddreg [dreg:$0xa]  }
0xf6: {  	[sflag:s6] =	ssyncset.done $0x0;
	s6 =	rddreg [dreg:$0x7];
	s3 =	sadd.s32 $0x1, s3  }
0xf7: {  	p0 =	sne.s32 s3, s6  }
.Ltmp1:
0xf8: {  	_ = 	snop;
	(pc) =	sbr.rel @p0 .LBB2_1-.Ltmp1, $3  }
0xf9: {  	_ =	sdelay $0x1  }
0xfa: {  	s6 =	simm.s32 $0x11  }
0xfb: {  	[dreg:$0xa] =	wrdreg s3;
	[sflag:s6] =	ssyncadd.s32 $0xFFFFFB1E  }
0xfc: {  	_ =	sfence.sel $0x180000  }
0xfd: {  	[bflag:$0x0] =	sbarrier.arrive $0xFFFF  }
0xfe: {  	_ =	strace $0x9000004D  }
0xff: {  	s0 =	stileid.u32;
	[bflag:$0x2] =	sbarrier.arrive $0xFFFF  }
0x100: {  	p0 =	sne.s32 s0, $0x0;
	s0 =	rddreg [dreg:$0x2]  }
0x101: {  	s0 =	sadd.s32 @!p0 $0x100000, s0  }
0x102: {  	[sflag:s0] =	ssyncadd.tile.s32 @!p0 $0x1;
	_ =	shalt  }
.Lfunc_end2:
_tile_overlayer_lowered:
.L_overlay_start_2:
0x103: {  	(tag) =	ssettag $0x2  }
0x104: {  	s0 =	rddreg [dreg:$0x0];
	s2 =	stileid.u32  }
0x105: {  	s1 =	rddreg [dreg:$0x1];
	p0 =	sne.s32 s2, $0x0  }
0x106: {  	s3 =	rddreg [dreg:$0x2];
	[bflag:$0x3] =	sbarrier.arrive $0xFFFF;
	s2 =	simm.s32 @!p0 $0x1C11  }
0x107: {  	[timem:s3], [sflag:s2] =	dma.local @!p0 [hbm:s0], s1  }
0x108: {  	s0 =	simm.s32 @!p0 $0x11  }
0x109: {  	_ =	swait.ge @!p0 [sflag:s0], s1  }
0x10a: {  	s1 =	ssub.s32 @!p0 $0x0, s1;
	[sflag:s0] =	ssyncset.done @!p0 $0x0  }
0x10b: {  	[sflag:s0] =	ssyncadd.s32 @!p0 s1  }
0x10c: {  	[bflag:$0x3] =	sbarrier.arrive $0xFFFF  }
0x10d: {  	_ =	shalt  }

// kernel: kernel.8.cloned.1.call-start
scs
__scs_entry_jumppad:
0x0: {  	(pc) =	sbr.rel $0x88, $3  }
0x1: {  	(tag) =	ssettag $0x0;
	lr =	simm.s32 $0x1  }
0x2: {  	[smem:$0x3F9B] =	sst lr;
	_ =	strace $0xD0000000  }
0x3: {  	_ = 	snop  }
0x4: {  	_ = 	snop  }
0x5: {  	_ = 	snop  }
0x6: {  	_ = 	snop  }
0x7: {  	_ = 	snop  }
__scs_overlays_trampoline_lowered:
0x8: {  	[smem:$0x3FAA] =	sst s0  }
0x9: {  	[smem:$0x3FAB] =	sst s1  }
0xa: {  	[smem:$0x3FAC] =	sst s2  }
0xb: {  	[smem:$0x3FAD] =	sst s3  }
0xc: {  	[smem:$0x3FAE] =	sst s4  }
0xd: {  	[smem:$0x3FAF] =	sst s5  }
0xe: {  	[smem:$0x3FB0] =	sst s6  }
0xf: {  	[smem:$0x3FB1] =	sst s7  }
0x10: {  	[smem:$0x3FB2] =	sst s8  }
0x11: {  	[smem:$0x3FB3] =	sst s9;
	s0 =	simm.s32 @!p0 $0x0  }
0x12: {  	s1 =	sld [smem:$0x3F99];
	s0 =	simm.s32 @p0 $0x1  }
0x13: {  	[smem:$0x3FB4] =	sst s0;
	s0 =	simm.s32 @!p1 $0x0  }
0x14: {  	s2 =	sld [smem:$0x3F98];
	s0 =	simm.s32 @p1 $0x1  }
0x15: {  	[smem:$0x3FB5] =	sst s0;
	s0 =	simm.s32 @!p2 $0x0  }
0x16: {  	s3 =	sld [smem:$0x3FDB];
	s0 =	simm.s32 @p2 $0x1  }
0x17: {  	s4 =	simm.s32 $0x1BF5;
	[smem:$0x3FB7] =	sst s0  }
0x18: {  	s0 =	sld [smem:$0x3F9A];
	_ =	swait.ge [sflag:s4], $0x0  }
0x19: {  	s7 =	sld [smem:$0x3F9B]  }
0x1a: {  	s8 =	sadd.s32 $0xFFFFE003, lr  }
0x1b: {  	s9 =	sadd.s32 $0xFFFFFEF7, lr;
	s5 =	simm.s32 $0xFFFFFFFF;
	p2 =	slt.u32 s8, $0xFFFFF086  }
0x1c: {  	p1 =	slt.u32 s9, $0xF7A;
	s5 =	simm.s32 @!p2 $0x0  }
0x1d: {  	s5 =	simm.s32 @p1 $0x1;
	p0 =	seq.s32 s7, s2  }
0x1e: {  	s7 =	smul.u32 @!p0 $0xF7A, s2;
	p2 =	seq.s32 @!p0 s5, $0x0  }
0x1f: {  	s9 =	smul.u32 $0xF7A, s1;
	s8 =	simm.s32 @!p0 $0x1BF5;
	p2 =	por !p2, p0  }
0x20: {  	[sflag:s8] =	ssyncset.s32 @!p0 $0xFFFFF086;
	s6 =	sadd.s32 @!p0 s3, s7;
	s7 =	simm.s32 @!p0 $0x108  }
0x21: {  	s3 =	sadd.s32 s3, s9;
	s6 =	sadd.s32 @!p0 $0x88, s6;
	s7 =	simm.s32 @p2 $0x1082  }
0x22: {  	[simem:s7], [sflag:s8] =	dma.local @!p0 [hbm:s6], $0xF7A  }
0x23: {  	s9 =	sor.u32 $0xD0000000, s2;
	s6 =	simm.s32 $0x108;
	_ =	swait.ge @!p0 [sflag:s8], $0x0  }
0x24: {  	s3 =	sadd.s32 $0x88, s3;
	s6 =	simm.s32 @!p1 $0x1082;
	[sflag:s4] =	ssyncset.s32 $0xFFFFF086  }
0x25: {  	[simem:s6], [sflag:s4] =	dma.local [hbm:s3], $0xF7A  }
0x26: {  	[smem:$0x3F9B] =	sst s1;
	(tag) =	ssettag s2;
	_ =	strace s9  }
0x27: {  	s1 =	sld [smem:$0x3FAB]  }
0x28: {  	s2 =	sld [smem:$0x3FAC]  }
0x29: {  	s4 =	sld [smem:$0x3FAE]  }
0x2a: {  	p0 =	seq.s32 s5, $0x0;
	s5 =	sld [smem:$0x3FAF]  }
0x2b: {  	s6 =	sld [smem:$0x3FB0]  }
0x2c: {  	s7 =	sld [smem:$0x3FB1]  }
0x2d: {  	s3 =	simm.s32 $0x108;
	s8 =	sld [smem:$0x3FB2]  }
0x2e: {  	s3 =	simm.s32 @!p0 $0x1082;
	s9 =	sld [smem:$0x3FB3]  }
0x2f: {  	lr =	sadd.s32 s0, s3;
	s0 =	sld [smem:$0x3FAA]  }
0x30: {  	s3 =	sld [smem:$0x3FAD]  }
0x31: {  	[smem:$0x3FB6] =	sst s10  }
0x32: {  	s10 =	sld [smem:$0x3FB4];
	_ =	sdelay $0x3  }
0x33: {  	p0 =	seq.s32 s10, $0x1;
	s10 =	sld [smem:$0x3FB6];
	_ =	sdelay $0x3  }
0x34: {  	[smem:$0x3FB6] =	sst s10  }
0x35: {  	s10 =	sld [smem:$0x3FB5];
	_ =	sdelay $0x3  }
0x36: {  	p1 =	seq.s32 s10, $0x1;
	s10 =	sld [smem:$0x3FB6];
	_ =	sdelay $0x3  }
0x37: {  	[smem:$0x3FB6] =	sst s10  }
0x38: {  	s10 =	sld [smem:$0x3FB7]  }
0x39: {  	_ = 	snop;
	(pc) =	sbr.ind lr, $3  }
0x3a: {  	_ = 	snop  }
0x3b: {  	_ = 	snop  }
0x3c: {  	p2 =	seq.s32 s10, $0x1;
	s10 =	sld [smem:$0x3FB6]  }
0x3d: {  	_ =	shalt  }
0x3e: {  	_ =	shalt  }
0x3f: {  	_ =	shalt  }
0x40: {  	_ =	shalt  }
0x41: {  	_ =	shalt  }
0x42: {  	_ =	shalt  }
0x43: {  	_ =	shalt  }
0x44: {  	_ =	shalt  }
0x45: {  	_ =	shalt  }
0x46: {  	_ =	shalt  }
0x47: {  	_ =	shalt  }
0x48: {  	_ =	shalt  }
0x49: {  	_ =	shalt  }
0x4a: {  	_ =	shalt  }
0x4b: {  	_ =	shalt  }
0x4c: {  	_ =	shalt  }
0x4d: {  	_ =	shalt  }
0x4e: {  	_ =	shalt  }
0x4f: {  	_ =	shalt  }
0x50: {  	_ =	shalt  }
0x51: {  	_ =	shalt  }
0x52: {  	_ =	shalt  }
0x53: {  	_ =	shalt  }
0x54: {  	_ =	shalt  }
0x55: {  	_ =	shalt  }
0x56: {  	_ =	shalt  }
0x57: {  	_ =	shalt  }
0x58: {  	_ =	shalt  }
0x59: {  	_ =	shalt  }
0x5a: {  	_ =	shalt  }
0x5b: {  	_ =	shalt  }
0x5c: {  	_ =	shalt  }
0x5d: {  	_ =	shalt  }
0x5e: {  	_ =	shalt  }
0x5f: {  	_ =	shalt  }
0x60: {  	_ =	shalt  }
0x61: {  	_ =	shalt  }
0x62: {  	_ =	shalt  }
0x63: {  	_ =	shalt  }
0x64: {  	_ =	shalt  }
0x65: {  	_ =	shalt  }
0x66: {  	_ =	shalt  }
0x67: {  	_ =	shalt  }
0x68: {  	_ =	shalt  }
0x69: {  	_ =	shalt  }
0x6a: {  	_ =	shalt  }
0x6b: {  	_ =	shalt  }
0x6c: {  	_ =	shalt  }
0x6d: {  	_ =	shalt  }
0x6e: {  	_ =	shalt  }
0x6f: {  	_ =	shalt  }
0x70: {  	_ =	shalt  }
0x71: {  	_ =	shalt  }
0x72: {  	_ =	shalt  }
0x73: {  	_ =	shalt  }
0x74: {  	_ =	shalt  }
0x75: {  	_ =	shalt  }
0x76: {  	_ =	shalt  }
0x77: {  	_ =	shalt  }
0x78: {  	_ =	shalt  }
0x79: {  	_ =	shalt  }
0x7a: {  	_ =	shalt  }
0x7b: {  	_ =	shalt  }
0x7c: {  	_ =	shalt  }
0x7d: {  	_ =	shalt  }
0x7e: {  	_ =	shalt  }
0x7f: {  	_ =	shalt  }
0x80: {  	_ =	shalt  }
0x81: {  	_ =	shalt  }
0x82: {  	_ =	shalt  }
0x83: {  	_ =	shalt  }
0x84: {  	_ =	shalt  }
0x85: {  	_ =	shalt  }
0x86: {  	_ =	shalt  }
0x87: {  	_ =	shalt  }
.Lfunc_end0:
.L_simem_size_0:
called_computation_lowered:
.L_overlay_start_0:
0x88: {  	s2 =	sld [smem:$0x3FD9]  }
0x89: {  	s3 =	sld [smem:$0x3FFE];
	_ =	sdelay $0x1  }
0x8a: {  	s1 =	srdreg.scid  }
0x8b: {  	s0 =	sand.u32 $0x1, s1  }
0x8c: {  	s17 =	sshll.u32 s0, $0xA;
	s2 =	sadd.s32 s3, s2  }
0x8d: {  	s2 =	sadd.s32 s2, s17  }
0x8e: {  	[smem:$0x3FC2] =	sst s2  }
0x8f: {  	_ = 	snop  }
0x90: {  	s2 =	sld [smem:$0x3FD0];
	(tm) =	ssettm $0x1  }
0x91: {  	s18 =	sld [smem:$0x3FFB];
	_ =	sdelay $0x3  }
0x92: {  	_ =	strace s18  }
0x93: {  	s3 =	sld [smem:$0x3FFC];
	_ =	sdelay $0x3  }
0x94: {  	_ =	strace s3  }
0x95: {  	s3 =	sld [smem:$0x3FFD];
	_ =	sdelay $0x3  }
0x96: {  	_ =	strace s3  }
0x97: {  	_ =	strace $0x8FFFFFFF  }
0x98: {  	s19 =	sld [smem:$0x3FDB];
	_ =	sdelay $0x1  }
0x99: {  	s4 =	simm.s32 $_scs_section_size  }
0x9a: {  	s5 =	simm.s32 $_size__tile_overlayer_lowered;
	s6 =	simm.s32 $_tile_overlayer_lowered  }
0x9b: {  	s22 =	simm.s32 $0x1BFF;
	s21 =	sshll.u32 s6, $0x1;
	s3 =	sadd.s32 s4, s19  }
0x9c: {  	s7 =	simm.s32 $0x0;
	s20 =	sshll.u32 s5, $0x1;
	s5 =	sadd.s32 s21, s3  }
0x9d: {  	[timem:s7], [sflag:s22] =	dma.local [hbm:s5], s20  }
0x9e: {  	_ =	swait.ge [sflag:s22], s20  }
0x9f: {  	s4 =	ssub.s32 $0x0, s20;
	[sflag:s22] =	ssyncset.done $0x0  }
0xa0: {  	[sflag:s22] =	ssyncadd.s32 s4;
	_ =	sdelay $0x1  }
0xa1: {  	s23 =	simm.s32 $0x1B8B  }
0xa2: {  	_ =	swait.ge [sflag:s23], $0x1  }
0xa3: {  	[sflag:s23] =	ssyncset.done $0x0  }
0xa4: {  	s25 =	simm.s32 $0x1B8E;
	s24 =	sld [smem:$0x3FFE];
	[sflag:s23] =	ssyncadd.s32 $0xFFFFFFFF  }
0xa5: {  	s26 =	simm.s32 $execute0_lowered;
	[smem:$0x3FD2] =	sst s25  }
0xa6: {  	s5 =	sshll.u32 s26, $0x1;
	_ =	strace $0x80000046;
	[dreg:$0x1] =	wrdreg $0xFFFFFFFF  }
0xa7: {  	s28 =	simm.s32 $_size_execute0_lowered;
	s3 =	sadd.s32 s3, s5;
	[dreg:$0x0] =	wrdreg $0x0  }
0xa8: {  	s5 =	sshll.u32 s28, $0x1;
	[dreg:$0x2] =	wrdreg s3  }
0xa9: {  	[dreg:$0x3] =	wrdreg s5  }
0xaa: {  	[dreg:$0x4] =	wrdreg $0xC0  }
0xab: {  	_ =	task [dreg:s7], $0x5FFFF  }
0xac: {  	[dreg:$0x1] =	wrdreg $0xFFFFFFFF  }
0xad: {  	[dreg:$0x0] =	wrdreg $0x60  }
0xae: {  	[dreg:$0x2] =	wrdreg s24  }
0xaf: {  	[dreg:$0x3] =	wrdreg s2  }
0xb0: {  	[dreg:$0x4] =	wrdreg $0x30000  }
0xb1: {  	[dreg:$0x5] =	wrdreg $0x9  }
0xb2: {  	_ =	task.clear_ibuf [dreg:s7], $0x6FFFF;
	_ =	strace $0x90000046  }
0xb3: {  	s29 =	simm.s32 $0x9;
	_ =	strace $0x80000048  }
0xb4: {  	_ =	swait.ge [sflag:s29], $0x1  }
0xb5: {  	[sflag:s29] =	ssyncadd.s32 $0xFFFFFFFF  }
0xb6: {  	_ =	strace $0x90000048  }
0xb7: {  	_ =	sfence  }
0xb8: {  	s30 =	sld [smem:$0x0];
	_ =	sdelay $0x2  }
0xb9: {  	s31 =	sshll.u32 s1, $0xD;
	s1 =	sshrl.u32 s1, $0x2  }
0xba: {  	s3 =	sand.u32 $0x4000, s31;
	s1 =	sadd.s32 s1, s30  }
0xbb: {  	s0 =	sor.u32 s3, s0;
	s1 =	sshll.u32 s1, $0x11  }
0xbc: {  	s0 =	sor.u32 s1, s0  }
0xbd: {  	s0 =	sadd.s32 $0x8F2B, s0  }
0xbe: {  	[sflag:s0] =	ssyncadd.remote.s32 $0x1  }
0xbf: {  	_ =	sfence.sel $0xFFFF  }
0xc0: {  	[dreg:$0x0] =	wrdreg $0xFFFFFFFF;
	(pc) =	sbr.abs _section_cstart, $3  }
0xc1: {  	[dreg:$0x1] =	wrdreg $0xFFFFFFFF  }
0xc2: {  	_ =	task.clear_ibuf [dreg:s7], $0x2FFFF;
	_ =	strace $0x9FFFFFFF  }
0xc3: {  	(tm) =	ssettm $0x7FFFFFFF  }
tec
execute0_lowered:
.L_overlay_start_1:
0x0: {  	(tag) =	ssettag $0x1  }
0x1: {  	s5 =	rddreg [dreg:$0x0]  }
0x2: {  	s2 =	rddreg [dreg:$0x1]  }
0x3: {  	s3 =	rddreg [dreg:$0x2]  }
0x4: {  	s1 =	stileid.u32;
	s6 =	srdreg.scid  }
0x5: {  	s4 =	simm.s32 $0x0;
	s13 =	simm.s32 $0x80;
	s14 =	simm.s32 $0x100  }
0x6: {  	s15 =	simm.s32 $0x180;
	s16 =	simm.s32 $0x200;
	s17 =	simm.s32 $0x280  }
0x7: {  	s18 =	simm.s32 $0x300;
	s19 =	simm.s32 $0x380;
	s20 =	simm.s32 $0x1  }
0x8: {  	s21 =	simm.s32 $0x2;
	s22 =	simm.s32 $0x3;
	s23 =	simm.s32 $0x4  }
0x9: {  	s24 =	simm.s32 $0x5;
	s25 =	simm.s32 $0x6;
	s26 =	simm.s32 $0x7  }
0xa: {  	s28 =	simm.s32 $0x8;
	s29 =	simm.s32 $0x0;
	s7 =	smul.u32 $0x2710, s1  }
0xb: {  	s6 =	sand.u32 $0x1, s6;
	[smem:$0x7FF] =	sst s4;
	s9 =	sshll.u32 s1, $0x1  }
0xc: {  	s31 =	sshll.u32 s1, $0x6;
	s8 =	smul.u32 $0x27100, s6;
	_ =	strace $0x80000047  }
0xd: {  	s9 =	sor.u32 s6, s9;
	s6 =	ssub.s32 $0x2, s6;
	s10 =	sshrl.u32 s7, $0x3  }
0xe: {  	s9 =	smul.u32 $0x2800, s9;
	s11 =	sshrl.u32 s6, $0x1;
	s12 =	sadd.s32 s7, s3  }
0xf: {  	s8 =	sadd.s32 s7, s8;
	s10 =	sadd.s32 s10, s5;
	s11 =	ssub.s32 s6, s11  }
0x10: {  	s6 =	sor.u32 $0x1C09, s31;
	s8 =	sshrl.u32 s8, $0x3;
	s30 =	sshrl.u32 s9, $0x3  }
0x11: {  	s8 =	sadd.s32 s8, s5;
	s9 =	sadd.s32 s5, s30;
	s5 =	sadd.s32 $0x17400, s10  }
0x12: {  	s10 =	sshrl.u32 s12, $0x3;
	s12 =	simm.s32 $0x2800;
	s7 =	sadd.s32 $0xD400, s9  }
0x13: {  	s8 =	sadd.s32 $0x1C400, s8;
	s9 =	smax.u32 s11, $0x1;
	s11 =	simm.s32 $0x9  }
.LBB2_1:
0x14: {  	[spmem:s10], [sflag:s6] =	dma.local [hbm:s5], $0x4E2  }
0x15: {  	_ =	swait.ge [sflag:s11], $0x4E2  }
0x16: {  	[sflag:s11] =	ssyncset.done $0x0  }
0x17: {  	[sflag:s11] =	ssyncadd.s32 $0xFFFFFB1E  }
0x18: {  	[tilespmem:s12], [sflag:$0x9] =	stream.linear.gather [hbm4b:s2+s4], $0x800, $0x38;
	[tilespmem:$0x5910] =	vst v63  }
0x19: {  	_ =	swait.ge [sflag:s11], $0x800  }
0x1a: {  	[sflag:s11] =	ssyncset.done $0x0  }
0x1b: {  	[sflag:s11] =	ssyncadd.s32 $0xFFFFF800  }
0x1c: {  	[tilespmem:s4], [sflag:$0x9] =	stream.linear.gather [hbm4b:s7+s4], $0x2800, $0x38;
	[tilespmem:$0x5910] =	vst v63  }
0x1d: {  	_ =	swait.ge [sflag:s11], $0x2800  }
0x1e: {  	[sflag:s11] =	ssyncset.done $0x0  }
0x1f: {  	[sflag:s11] =	ssyncadd.s32 $0xFFFFD800  }
0x20: {  	[bflag:$0x0] =	sbarrier.arrive $0xFFFF  }
0x21: {  	[spmem:s3] =	stream.indirect.scatter.add.f32 [tilespmem:s12], [sflag:$0x1], $0x10, s4, s13, $0xb8;
	[tilespmem:$0x5910] =	vst v63  }
0x22: {  	_ = 	snop  }
0x23: {  	[spmem:s3] =	stream.indirect.scatter.add.f32 [tilespmem:s12], [sflag:$0x2], $0x10, s13, s13, $0xb8;
	[tilespmem:$0x5910] =	vst v63  }
0x24: {  	_ = 	snop  }
0x25: {  	[spmem:s3] =	stream.indirect.scatter.add.f32 [tilespmem:s12], [sflag:$0x3], $0x10, s14, s13, $0xb8;
	[tilespmem:$0x5910] =	vst v63  }
0x26: {  	_ = 	snop  }
0x27: {  	[spmem:s3] =	stream.indirect.scatter.add.f32 [tilespmem:s12], [sflag:$0x4], $0x10, s15, s13, $0xb8;
	[tilespmem:$0x5910] =	vst v63  }
0x28: {  	_ = 	snop  }
0x29: {  	[spmem:s3] =	stream.indirect.scatter.add.f32 [tilespmem:s12], [sflag:$0x5], $0x10, s16, s13, $0xb8;
	[tilespmem:$0x5910] =	vst v63  }
0x2a: {  	_ = 	snop  }
0x2b: {  	[spmem:s3] =	stream.indirect.scatter.add.f32 [tilespmem:s12], [sflag:$0x6], $0x10, s17, s13, $0xb8;
	[tilespmem:$0x5910] =	vst v63  }
0x2c: {  	_ = 	snop  }
0x2d: {  	[spmem:s3] =	stream.indirect.scatter.add.f32 [tilespmem:s12], [sflag:$0x7], $0x10, s18, s13, $0xb8;
	[tilespmem:$0x5910] =	vst v63  }
0x2e: {  	_ = 	snop  }
0x2f: {  	[spmem:s3] =	stream.indirect.scatter.add.f32 [tilespmem:s12], [sflag:$0x8], $0x10, s19, s13, $0xb8;
	[tilespmem:$0x5910] =	vst v63  }
0x30: {  	_ =	swait.ge [sflag:s20], $0x800  }
0x31: {  	[sflag:s20] =	ssyncset.done $0x0  }
0x32: {  	s30 =	simm.s32 $0x400;
	[sflag:s20] =	ssyncadd.s32 $0xFFFFF800  }
0x33: {  	[spmem:s3] =	stream.indirect.scatter.add.f32 [tilespmem:s12], [sflag:$0x1], $0x10, s30, s13, $0xb8;
	[tilespmem:$0x5910] =	vst v63  }
0x34: {  	_ =	swait.ge [sflag:s21], $0x800  }
0x35: {  	[sflag:s21] =	ssyncset.done $0x0  }
0x36: {  	s30 =	simm.s32 $0x480;
	[sflag:s21] =	ssyncadd.s32 $0xFFFFF800  }
0x37: {  	[spmem:s3] =	stream.indirect.scatter.add.f32 [tilespmem:s12], [sflag:$0x2], $0x10, s30, s13, $0xb8;
	[tilespmem:$0x5910] =	vst v63  }
0x38: {  	_ =	swait.ge [sflag:s22], $0x800  }
0x39: {  	[sflag:s22] =	ssyncset.done $0x0  }
0x3a: {  	s30 =	simm.s32 $0x500;
	[sflag:s22] =	ssyncadd.s32 $0xFFFFF800  }
0x3b: {  	[spmem:s3] =	stream.indirect.scatter.add.f32 [tilespmem:s12], [sflag:$0x3], $0x10, s30, s13, $0xb8;
	[tilespmem:$0x5910] =	vst v63  }
0x3c: {  	_ =	swait.ge [sflag:s23], $0x800  }
0x3d: {  	[sflag:s23] =	ssyncset.done $0x0  }
0x3e: {  	s30 =	simm.s32 $0x580;
	[sflag:s23] =	ssyncadd.s32 $0xFFFFF800  }
0x3f: {  	[spmem:s3] =	stream.indirect.scatter.add.f32 [tilespmem:s12], [sflag:$0x4], $0x10, s30, s13, $0xb8;
	[tilespmem:$0x5910] =	vst v63  }
0x40: {  	_ =	swait.ge [sflag:s24], $0x800  }
0x41: {  	[sflag:s24] =	ssyncset.done $0x0  }
0x42: {  	s30 =	simm.s32 $0x600;
	[sflag:s24] =	ssyncadd.s32 $0xFFFFF800  }
0x43: {  	[spmem:s3] =	stream.indirect.scatter.add.f32 [tilespmem:s12], [sflag:$0x5], $0x10, s30, s13, $0xb8;
	[tilespmem:$0x5910] =	vst v63  }
0x44: {  	_ =	swait.ge [sflag:s25], $0x800  }
0x45: {  	[sflag:s25] =	ssyncset.done $0x0  }
0x46: {  	s30 =	simm.s32 $0x680;
	[sflag:s25] =	ssyncadd.s32 $0xFFFFF800  }
0x47: {  	[spmem:s3] =	stream.indirect.scatter.add.f32 [tilespmem:s12], [sflag:$0x6], $0x10, s30, s13, $0xb8;
	[tilespmem:$0x5910] =	vst v63  }
0x48: {  	_ =	swait.ge [sflag:s26], $0x800  }
0x49: {  	[sflag:s26] =	ssyncset.done $0x0  }
0x4a: {  	s30 =	simm.s32 $0x700;
	[sflag:s26] =	ssyncadd.s32 $0xFFFFF800  }
0x4b: {  	[spmem:s3] =	stream.indirect.scatter.add.f32 [tilespmem:s12], [sflag:$0x7], $0x10, s30, s13, $0xb8;
	[tilespmem:$0x5910] =	vst v63  }
0x4c: {  	_ =	swait.ge [sflag:s28], $0x800  }
0x4d: {  	[sflag:s28] =	ssyncset.done $0x0  }
0x4e: {  	s31 =	simm.s32 $0x780;
	s30 =	simm.s32 $0x1000;
	[sflag:s28] =	ssyncadd.s32 $0xFFFFF800  }
.LBB2_2:
0x4f: {  	[spmem:s3] =	stream.indirect.scatter.add.f32 [tilespmem:s12], [sflag:$0x8], $0x10, s31, s13, $0xb8;
	[tilespmem:$0x5910] =	vst v63  }
0x50: {  	s31 =	smov.u32 s30  }
0x51: {  	p0 =	sne.s32 s30, $0x8000;
	s30 =	sadd.s32 $0x1000, s30;
	_ =	swait.ge [sflag:s20], $0x800  }
0x52: {  	s31 =	sshra.s32 s31, $0x2;
	[sflag:s20] =	ssyncset.done $0x0  }
0x53: {  	s0 =	sadd.s32 $0x400, s31;
	[sflag:s20] =	ssyncadd.s32 $0xFFFFF800  }
0x54: {  	[spmem:s3] =	stream.indirect.scatter.add.f32 [tilespmem:s12], [sflag:$0x1], $0x10, s0, s13, $0xb8;
	[tilespmem:$0x5910] =	vst v63  }
0x55: {  	_ =	swait.ge [sflag:s21], $0x800  }
0x56: {  	[sflag:s21] =	ssyncset.done $0x0  }
0x57: {  	s0 =	sadd.s32 $0x480, s31;
	[sflag:s21] =	ssyncadd.s32 $0xFFFFF800  }
0x58: {  	[spmem:s3] =	stream.indirect.scatter.add.f32 [tilespmem:s12], [sflag:$0x2], $0x10, s0, s13, $0xb8;
	[tilespmem:$0x5910] =	vst v63  }
0x59: {  	_ =	swait.ge [sflag:s22], $0x800  }
0x5a: {  	[sflag:s22] =	ssyncset.done $0x0  }
0x5b: {  	s0 =	sadd.s32 $0x500, s31;
	[sflag:s22] =	ssyncadd.s32 $0xFFFFF800  }
0x5c: {  	[spmem:s3] =	stream.indirect.scatter.add.f32 [tilespmem:s12], [sflag:$0x3], $0x10, s0, s13, $0xb8;
	[tilespmem:$0x5910] =	vst v63  }
0x5d: {  	_ =	swait.ge [sflag:s23], $0x800  }
0x5e: {  	[sflag:s23] =	ssyncset.done $0x0  }
0x5f: {  	s0 =	sadd.s32 $0x580, s31;
	[sflag:s23] =	ssyncadd.s32 $0xFFFFF800  }
0x60: {  	[spmem:s3] =	stream.indirect.scatter.add.f32 [tilespmem:s12], [sflag:$0x4], $0x10, s0, s13, $0xb8;
	[tilespmem:$0x5910] =	vst v63  }
0x61: {  	_ =	swait.ge [sflag:s24], $0x800  }
0x62: {  	[sflag:s24] =	ssyncset.done $0x0  }
0x63: {  	s0 =	sadd.s32 $0x600, s31;
	[sflag:s24] =	ssyncadd.s32 $0xFFFFF800  }
0x64: {  	[spmem:s3] =	stream.indirect.scatter.add.f32 [tilespmem:s12], [sflag:$0x5], $0x10, s0, s13, $0xb8;
	[tilespmem:$0x5910] =	vst v63  }
0x65: {  	_ =	swait.ge [sflag:s25], $0x800  }
0x66: {  	[sflag:s25] =	ssyncset.done $0x0  }
0x67: {  	s0 =	sadd.s32 $0x680, s31;
	[sflag:s25] =	ssyncadd.s32 $0xFFFFF800  }
0x68: {  	[spmem:s3] =	stream.indirect.scatter.add.f32 [tilespmem:s12], [sflag:$0x6], $0x10, s0, s13, $0xb8;
	[tilespmem:$0x5910] =	vst v63  }
0x69: {  	_ =	swait.ge [sflag:s26], $0x800  }
0x6a: {  	[sflag:s26] =	ssyncset.done $0x0  }
.Ltmp0:
0x6b: {  	s0 =	sadd.s32 $0x700, s31;
	[sflag:s26] =	ssyncadd.s32 $0xFFFFF800;
	(pc) =	sbr.rel @p0 .LBB2_2-.Ltmp0, $4  }
0x6c: {  	[spmem:s3] =	stream.indirect.scatter.add.f32 [tilespmem:s12], [sflag:$0x7], $0x10, s0, s13, $0xb8;
	[tilespmem:$0x5910] =	vst v63  }
0x6d: {  	_ =	swait.ge [sflag:s28], $0x800  }
0x6e: {  	[sflag:s28] =	ssyncset.done $0x0  }
0x6f: {  	s31 =	sadd.s32 $0x780, s31;
	[sflag:s28] =	ssyncadd.s32 $0xFFFFF800  }
0x70: {  	[spmem:s3] =	stream.indirect.scatter.add.f32 [tilespmem:s12], [sflag:$0x8], $0x10, s31, s13, $0xb8;
	[tilespmem:$0x5910] =	vst v63  }
0x71: {  	_ =	swait.ge [sflag:s20], $0x800  }
0x72: {  	[sflag:s20] =	ssyncset.done $0x0  }
0x73: {  	[sflag:s20] =	ssyncadd.s32 $0xFFFFF800  }
0x74: {  	_ =	swait.ge [sflag:s21], $0x800  }
0x75: {  	[sflag:s21] =	ssyncset.done $0x0  }
0x76: {  	[sflag:s21] =	ssyncadd.s32 $0xFFFFF800  }
0x77: {  	_ =	swait.ge [sflag:s22], $0x800  }
0x78: {  	[sflag:s22] =	ssyncset.done $0x0  }
0x79: {  	[sflag:s22] =	ssyncadd.s32 $0xFFFFF800  }
0x7a: {  	_ =	swait.ge [sflag:s23], $0x800  }
0x7b: {  	[sflag:s23] =	ssyncset.done $0x0  }
0x7c: {  	[sflag:s23] =	ssyncadd.s32 $0xFFFFF800  }
0x7d: {  	_ =	swait.ge [sflag:s24], $0x800  }
0x7e: {  	[sflag:s24] =	ssyncset.done $0x0  }
0x7f: {  	[sflag:s24] =	ssyncadd.s32 $0xFFFFF800  }
0x80: {  	_ =	swait.ge [sflag:s25], $0x800  }
0x81: {  	[sflag:s25] =	ssyncset.done $0x0  }
0x82: {  	[sflag:s25] =	ssyncadd.s32 $0xFFFFF800  }
0x83: {  	_ =	swait.ge [sflag:s26], $0x800  }
0x84: {  	[sflag:s26] =	ssyncset.done $0x0  }
0x85: {  	[sflag:s26] =	ssyncadd.s32 $0xFFFFF800  }
0x86: {  	_ =	swait.ge [sflag:s28], $0x800  }
0x87: {  	s29 =	sadd.s32 $0x1, s29;
	[sflag:s28] =	ssyncset.done $0x0  }
0x88: {  	p0 =	sne.s32 s29, s9;
	[sflag:s28] =	ssyncadd.s32 $0xFFFFF800  }
.Ltmp1:
0x89: {  	[bflag:$0x0] =	sbarrier.arrive $0xFFFF;
	(pc) =	sbr.rel @p0 .LBB2_1-.Ltmp1, $4  }
0x8a: {  	[hbm:s8], [sflag:s6] =	dma.local [spmem:s10], $0x4E2  }
0x8b: {  	_ =	swait.ge [sflag:s11], $0x4E2  }
0x8c: {  	[sflag:s11] =	ssyncset.done $0x0  }
0x8d: {  	[sflag:s11] =	ssyncadd.s32 $0xFFFFFB1E  }
0x8e: {  	_ =	sfence.sel $0x180000  }
0x8f: {  	[bflag:$0x0] =	sbarrier.arrive $0xFFFF  }
0x90: {  	_ =	strace $0x90000047  }
0x91: {  	[bflag:$0x2] =	sbarrier.arrive $0xFFFF  }
0x92: {  	p0 =	sne.s32 s1, $0x0;
	s0 =	rddreg [dreg:$0x3]  }
0x93: {  	s0 =	sadd.s32 @!p0 $0x100000, s0  }
0x94: {  	[sflag:s0] =	ssyncadd.tile.s32 @!p0 $0x1;
	_ =	shalt  }
.Lfunc_end2:
_tile_overlayer_lowered:
.L_overlay_start_2:
0x95: {  	(tag) =	ssettag $0x2  }
0x96: {  	s0 =	rddreg [dreg:$0x0];
	s2 =	stileid.u32  }
0x97: {  	s1 =	rddreg [dreg:$0x1];
	p0 =	sne.s32 s2, $0x0  }
0x98: {  	s3 =	rddreg [dreg:$0x2];
	[bflag:$0x3] =	sbarrier.arrive $0xFFFF;
	s2 =	simm.s32 @!p0 $0x1C09  }
0x99: {  	[timem:s3], [sflag:s2] =	dma.local @!p0 [hbm:s0], s1  }
0x9a: {  	s0 =	simm.s32 @!p0 $0x9  }
0x9b: {  	_ =	swait.ge @!p0 [sflag:s0], s1  }
0x9c: {  	s1 =	ssub.s32 @!p0 $0x0, s1;
	[sflag:s0] =	ssyncset.done @!p0 $0x0  }
0x9d: {  	[sflag:s0] =	ssyncadd.s32 @!p0 s1  }
0x9e: {  	[bflag:$0x3] =	sbarrier.arrive $0xFFFF  }
0x9f: {  	_ =	shalt  }

</sc_bundles>
